<compile_context>
chip_gen: v7x
topology: tpu7x:2x2x1
jax: 0.10.2.dev20260603
libtpu: 0.0.44.dev20260713+nightly
codegen_flags: <defaults>
</compile_context>

<pallas_src>
import functools

import jax
import jax.numpy as jnp
from jax import lax
from jax.experimental import pallas as pl
from jax.experimental.pallas import tpu as pltpu
from jax.experimental.pallas import tpu_sc as plsc

NN = 10000
EE = 320000
DD = 128
HH1 = 64
HH2 = 32

NPAD = 10112
NSUB = 16
CHK = 128
CHUNKS = 157
PER_SUB = CHUNKS * CHK
TOT_E = NSUB * PER_SUB
RPT = NPAD // 16
HALF = NPAD // 2
ACC_R = 5248
ARPT = ACC_R // 16

FROWS = 2560
URPT = FROWS // 32

BR = 2000
TR = 40


FW = 128


def _sc_degree_body(dst_hbm, out_hbm, dst_v, remap_v, ones_v, zero_v,
                    acc_sh):
    sid = lax.axis_index("s")
    cid = lax.axis_index("c")
    r0 = sid * ARPT

    def fillrow(i, carry):
        for k in range(FW // 16):
            ones_v[i, pl.ds(k * 16, 16)] = jnp.ones((16,), jnp.float32)
            zero_v[i, pl.ds(k * 16, 16)] = jnp.zeros((16,), jnp.float32)
        return carry

    lax.fori_loop(0, CHK, fillrow, 0)
    for k in range(2):
        pltpu.sync_copy(zero_v, acc_sh.at[pl.ds(r0 + k * CHK, CHK)])
    pltpu.sync_copy(zero_v.at[pl.ds(0, ARPT - 2 * CHK)],
                    acc_sh.at[pl.ds(r0 + 2 * CHK, ARPT - 2 * CHK)])
    pltpu.sync_copy(dst_hbm.at[sid], dst_v)
    plsc.subcore_barrier()

    base = cid * HALF

    def body(j, carry):
        for k in range(CHK // 16):
            d = dst_v[j, pl.ds(k * 16, 16)] - base
            m = (d >= 0) & (d < HALF)
            remap_v[pl.ds(k * 16, 16)] = jnp.where(m, d, HALF)
        pltpu.sync_copy(ones_v, acc_sh.at[remap_v], add=True)
        return carry

    lax.fori_loop(0, CHUNKS, body, 0)
    plsc.subcore_barrier()
    pltpu.sync_copy(acc_sh.at[pl.ds(r0, ARPT)], out_hbm.at[cid, pl.ds(r0, ARPT)])


def _sc_scatter_body(g_hbm, src_hbm, dst_hbm, out_hbm,
                     src_v, dst_v, remap_v, rows0_v, rows1_v,
                     acc_sh, gsem):
    cid = lax.axis_index("c")
    sid = lax.axis_index("s")
    r0 = sid * ARPT

    def zrow(i, carry):
        for k in range(FW // 16):
            rows0_v[i, pl.ds(k * 16, 16)] = jnp.zeros((16,), jnp.float32)
        return carry

    lax.fori_loop(0, CHK, zrow, 0)
    for k in range(2):
        pltpu.sync_copy(rows0_v, acc_sh.at[pl.ds(r0 + k * CHK, CHK)])
    pltpu.sync_copy(rows0_v.at[pl.ds(0, ARPT - 2 * CHK)],
                    acc_sh.at[pl.ds(r0 + 2 * CHK, ARPT - 2 * CHK)])

    pltpu.sync_copy(src_hbm.at[sid], src_v)
    pltpu.sync_copy(dst_hbm.at[sid], dst_v)
    plsc.subcore_barrier()

    base = cid * HALF

    def gfire(j, rref):
        pltpu.async_copy(g_hbm.at[src_v.at[j]], rref, gsem)

    def gwait(j, rref):
        pltpu.make_async_copy(g_hbm.at[src_v.at[j]], rref, gsem).wait()

    def scat(j, rref):
        for k in range(CHK // 16):
            d = dst_v[j, pl.ds(k * 16, 16)] - base
            m = (d >= 0) & (d < HALF)
            remap_v[pl.ds(k * 16, 16)] = jnp.where(m, d, HALF)
        pltpu.sync_copy(rref, acc_sh.at[remap_v], add=True)

    gfire(0, rows0_v)

    def body(i, carry):
        j0 = 2 * i
        j1 = 2 * i + 1

        @pl.when(j1 < CHUNKS)
        def _():
            gfire(j1, rows1_v)

        gwait(j0, rows0_v)
        scat(j0, rows0_v)

        @pl.when(j1 < CHUNKS)
        def _():
            @pl.when(j1 + 1 < CHUNKS)
            def _():
                gfire(j1 + 1, rows0_v)

            gwait(j1, rows1_v)
            scat(j1, rows1_v)

        return carry

    lax.fori_loop(0, (CHUNKS + 1) // 2, body, 0)
    plsc.subcore_barrier()
    pltpu.sync_copy(acc_sh.at[pl.ds(r0, ARPT)], out_hbm.at[cid, pl.ds(r0, ARPT)])


def _sc_u_body(z0_hbm, out_hbm, buf_v):
    del z0_hbm
    cid = lax.axis_index("c")
    sid = lax.axis_index("s")
    wid = cid * 16 + sid
    row0 = wid * URPT
    lane = lax.broadcasted_iota(jnp.uint32, (16,), 0)
    ks1 = jnp.full((16,), 1, jnp.uint32)
    ks2 = jnp.full((16,), 0x1BD11BDB, jnp.uint32)
    rot = ((13, 15, 26, 6), (17, 29, 16, 24))

    def blk(b, carry):
        base = (row0 + b * 8) * NN

        def vstep(v, carry2):
            t = jnp.full((16,), 1, jnp.uint32) * lax.convert_element_type(
                base + v * 16, jnp.uint32) + lane
            x0 = jnp.zeros((16,), jnp.uint32)
            x1 = t + ks1
            for i in range(5):
                for r in rot[i % 2]:
                    x0 = x0 + x1
                    x1 = (x1 << jnp.uint32(r)) | (x1 >> jnp.uint32(32 - r))
                    x1 = x1 ^ x0
                if (i + 1) % 3 == 1:
                    x0 = x0 + ks1
                elif (i + 1) % 3 == 2:
                    x0 = x0 + ks2
                if (i + 2) % 3 == 1:
                    x1 = x1 + ks1 + jnp.uint32(i + 1)
                elif (i + 2) % 3 == 2:
                    x1 = x1 + ks2 + jnp.uint32(i + 1)
                else:
                    x1 = x1 + jnp.uint32(i + 1)
            bits = x0 ^ x1
            r8 = v // 625
            c8 = v % 625
            buf_v[r8, pl.ds(c8 * 16, 16)] = bits
            return carry2

        lax.fori_loop(0, 8 * 625, vstep, 0)
        pltpu.sync_copy(buf_v, out_hbm.at[pl.ds(row0 + b * 8, 8)])
        return carry

    lax.fori_loop(0, URPT // 8, blk, 0)


@functools.cache
def _sc_kernels():
    mesh = plsc.VectorSubcoreMesh(core_axis_name="c", subcore_axis_name="s")
    degree = functools.partial(
        pl.kernel,
        mesh=mesh,
        out_type=jax.ShapeDtypeStruct((2, ACC_R, FW), jnp.float32),
        scratch_types=[
            pltpu.VMEM((CHUNKS, CHK), jnp.int32),
            pltpu.VMEM((CHK,), jnp.int32),
            pltpu.VMEM((CHK, FW), jnp.float32),
            pltpu.VMEM((CHK, FW), jnp.float32),
            pltpu.VMEM_SHARED((ACC_R, FW), jnp.float32),
        ],
    )(_sc_degree_body)
    scatter = functools.partial(
        pl.kernel,
        mesh=mesh,
        out_type=jax.ShapeDtypeStruct((2, ACC_R, FW), jnp.float32),
        scratch_types=[
            pltpu.VMEM((CHUNKS, CHK), jnp.int32),
            pltpu.VMEM((CHUNKS, CHK), jnp.int32),
            pltpu.VMEM((CHK,), jnp.int32),
            pltpu.VMEM((CHK, FW), jnp.float32),
            pltpu.VMEM((CHK, FW), jnp.float32),
            pltpu.VMEM_SHARED((ACC_R, FW), jnp.float32),
            pltpu.SemaphoreType.DMA,
        ],
    )(_sc_scatter_body)
    ukern = functools.partial(
        pl.kernel,
        mesh=mesh,
        out_type=jax.ShapeDtypeStruct((FROWS, NN), jnp.uint32),
        scratch_types=[
            pltpu.VMEM((8, NN), jnp.uint32),
        ],
    )(_sc_u_body)
    return degree, scatter, ukern



def _mm1_body(x_ref, w_ref, o_ref):
    o_ref[...] = jnp.dot(x_ref[...], w_ref[...],
                         preferred_element_type=jnp.float32)


def _g1_body(d_ref, xw_ref, g1_ref, dv_ref):
    deg = d_ref[:, 0:1] + 1.0
    dinv = 1.0 / jnp.sqrt(deg)
    g1_ref[...] = xw_ref[...] * dinv
    dv_ref[...] = jnp.broadcast_to(dinv, xw_ref.shape)


def _h_body(a_ref, g1_ref, dv_ref, b1_ref, w_ref, g2_ref):
    acc = a_ref[:, :HH1]
    h = jnp.maximum(
        dv_ref[...] * (acc + g1_ref[...]) + b1_ref[...],
        0.0)
    hw = jnp.dot(h, w_ref[...], preferred_element_type=jnp.float32)
    g2_ref[...] = hw * dv_ref[...]


def _z_body(c_ref, g2_ref, dv_ref, bc_ref, eps_ref,
            z_ref, mu_ref, lv_ref):
    acc = c_ref[:, :HH1]
    t = dv_ref[...] * (acc + g2_ref[...]) + bc_ref[...]
    mu = t[:, :HH2]
    logv = t[:, HH2:]
    mu_ref[...] = mu
    lv_ref[...] = logv
    z_ref[...] = mu + eps_ref[...] * jnp.exp(0.5 * logv)


def _dec_b_body(a_ref, zr_ref, zf_ref, u_ref, o_ref):
    del a_ref
    s = lax.dot_general(
        zr_ref[...], zf_ref[...], (((1,), (1,)), ((), ())),
        preferred_element_type=jnp.float32)
    a = jax.nn.sigmoid(s)
    fb = (u_ref[...] >> jnp.uint32(9)) | jnp.uint32(0x3F800000)
    u = lax.bitcast_convert_type(fb, jnp.float32) - 1.0
    o_ref[...] = (u < a).astype(jnp.float32)


def _dec_body(zr_ref, zf_ref, o_ref):
    p = pl.program_id(0) + FROWS // TR
    s = lax.dot_general(
        zr_ref[...], zf_ref[...], (((1,), (1,)), ((), ())),
        preferred_element_type=jnp.float32)
    a = jax.nn.sigmoid(s)
    r0 = lax.convert_element_type(p * TR, jnp.uint32)
    row = lax.broadcasted_iota(jnp.uint32, (TR, NN), 0)
    col = lax.broadcasted_iota(jnp.uint32, (TR, NN), 1)
    t = (row + r0) * jnp.uint32(NN) + col
    ks = (jnp.uint32(0), jnp.uint32(1), jnp.uint32(0x1BD11BDB))
    x0 = jnp.zeros_like(t) + ks[0]
    x1 = t + ks[1]
    rot = ((13, 15, 26, 6), (17, 29, 16, 24))
    for i in range(5):
        for r in rot[i % 2]:
            x0 = x0 + x1
            x1 = (x1 << jnp.uint32(r)) | (x1 >> jnp.uint32(32 - r))
            x1 = x1 ^ x0
        x0 = x0 + ks[(i + 1) % 3]
        x1 = x1 + ks[(i + 2) % 3] + jnp.uint32(i + 1)
    bits = x0 ^ x1
    fb = (bits >> jnp.uint32(9)) | jnp.uint32(0x3F800000)
    u = lax.bitcast_convert_type(fb, jnp.float32) - 1.0
    o_ref[...] = (u < a).astype(jnp.float32)


def _row_specs(widths):
    return [pl.BlockSpec((BR, w), lambda p: (p, 0)) for w in widths]


def kernel(x, edge_index, W1, b1, Wmu, bmu, Wlv, blv, eps):
    src = edge_index[0].astype(jnp.int32)
    dst = edge_index[1].astype(jnp.int32)
    pad = jnp.full((TOT_E - EE,), NN, jnp.int32)
    srcr = jnp.concatenate([src, pad]).reshape(NSUB, CHUNKS, CHK)
    dstr = jnp.concatenate([dst, pad]).reshape(NSUB, CHUNKS, CHK)

    sc_degree, sc_scatter, sc_u = _sc_kernels()

    degpp = sc_degree(dstr)
    degp = jnp.concatenate([degpp[0, :HALF], degpp[1, :HALF]], axis=0)

    xw1 = pl.pallas_call(
        _mm1_body,
        grid=(NN // BR,),
        in_specs=[pl.BlockSpec((BR, DD), lambda p: (p, 0)),
                  pl.BlockSpec((DD, HH1), lambda p: (0, 0))],
        out_specs=pl.BlockSpec((BR, HH1), lambda p: (p, 0)),
        out_shape=jax.ShapeDtypeStruct((NN, HH1), jnp.float32),
    )(x, W1)

    g1, dinv64 = pl.pallas_call(
        _g1_body,
        grid=(NN // BR,),
        in_specs=_row_specs([FW, HH1]),
        out_specs=_row_specs([HH1, HH1]),
        out_shape=[jax.ShapeDtypeStruct((NN, HH1), jnp.float32),
                   jax.ShapeDtypeStruct((NN, HH1), jnp.float32)],
    )(degp, xw1)

    g1p = jnp.pad(g1, ((0, NPAD - NN), (0, FW - HH1)))
    acc1p = sc_scatter(g1p, srcr, dstr)
    acc1 = jnp.concatenate([acc1p[0, :HALF], acc1p[1, :HALF]], axis=0)

    Wcat = jnp.concatenate([Wmu, Wlv], axis=1)
    bcat = jnp.concatenate([bmu, blv]).reshape(1, HH1)
    b1r = b1.reshape(1, HH1)

    g2 = pl.pallas_call(
        _h_body,
        grid=(NN // BR,),
        in_specs=_row_specs([FW, HH1, HH1]) + [
            pl.BlockSpec((1, HH1), lambda p: (0, 0)),
            pl.BlockSpec((HH1, HH1), lambda p: (0, 0))],
        out_specs=pl.BlockSpec((BR, HH1), lambda p: (p, 0)),
        out_shape=jax.ShapeDtypeStruct((NN, HH1), jnp.float32),
    )(acc1, g1, dinv64, b1r, Wcat)

    g2p = jnp.pad(g2, ((0, NPAD - NN), (0, FW - HH1)))
    acc2p = sc_scatter(g2p, srcr, dstr)
    acc2 = jnp.concatenate([acc2p[0, :HALF], acc2p[1, :HALF]], axis=0)

    z, mu, logvar = pl.pallas_call(
        _z_body,
        grid=(NN // BR,),
        in_specs=_row_specs([FW, HH1, HH1]) + [
            pl.BlockSpec((1, HH1), lambda p: (0, 0)),
            pl.BlockSpec((BR, HH2), lambda p: (p, 0))],
        out_specs=_row_specs([HH2, HH2, HH2]),
        out_shape=[jax.ShapeDtypeStruct((NN, HH2), jnp.float32),
                   jax.ShapeDtypeStruct((NN, HH2), jnp.float32),
                   jax.ShapeDtypeStruct((NN, HH2), jnp.float32)],
    )(acc2, g2, dinv64, bcat, eps)

    u_sc = sc_u(z)

    A_part = pl.pallas_call(
        _dec_body,
        grid=((NN - FROWS) // TR,),
        in_specs=[pl.BlockSpec((TR, HH2),
                               lambda p: (p + FROWS // TR, 0)),
                  pl.BlockSpec((NN, HH2), lambda p: (0, 0))],
        out_specs=pl.BlockSpec((TR, NN), lambda p: (p + FROWS // TR, 0)),
        out_shape=jax.ShapeDtypeStruct((NN, NN), jnp.float32),
    )(z, z)

    A_de = pl.pallas_call(
        _dec_b_body,
        grid=(FROWS // TR,),
        in_specs=[pl.BlockSpec((TR, NN), lambda p: (p, 0)),
                  pl.BlockSpec((TR, HH2), lambda p: (p, 0)),
                  pl.BlockSpec((NN, HH2), lambda p: (0, 0)),
                  pl.BlockSpec((TR, NN), lambda p: (p, 0))],
        out_specs=pl.BlockSpec((TR, NN), lambda p: (p, 0)),
        out_shape=jax.ShapeDtypeStruct((NN, NN), jnp.float32),
        input_output_aliases={0: 0},
    )(A_part, z, z, u_sc)

    return (z, A_de, mu, logvar)

# --- scband reference (transcript-rebuilt; emitter-appended) ---
"""Pipeline reference for scband-graph-vae-a-gcnen-de-54924041781292 (READ-ONLY COPY).

The authoritative reference and input builder live on the scoring server;
editing this copy changes nothing except your own understanding.
"""

import jax, jax.numpy as jnp
import numpy as np

N = 10000
E = 320000
D = 128
H1 = 64
H2 = 32


def gcn_conv(x, W, b, src, dst, num_nodes):
    # GCNConv with added self-loops and symmetric normalization
    loop = jnp.arange(num_nodes, dtype=src.dtype)
    s = jnp.concatenate([src, loop])
    d = jnp.concatenate([dst, loop])
    deg = jnp.zeros((num_nodes,), jnp.float32).at[d].add(1.0)
    dinv = 1.0 / jnp.sqrt(jnp.maximum(deg, 1.0))
    h = x @ W
    norm = (dinv[s] * dinv[d])[:, None]
    msg = h[s] * norm
    out = jnp.zeros((num_nodes, W.shape[1]), x.dtype).at[d].add(msg)
    return out + b


def setup_inputs(seed: int = 0) -> dict:
    key = jax.random.key(seed)
    ks = jax.random.split(key, 8)
    x = jax.random.normal(ks[0], (N, D), dtype=jnp.float32)
    edge_index = jax.random.randint(ks[1], (2, E), 0, N, dtype=jnp.int64)
    W1 = jax.random.normal(ks[2], (D, H1), dtype=jnp.float32) * (1.0 / np.sqrt(D))
    b1 = jnp.zeros((H1,), jnp.float32)
    Wmu = jax.random.normal(ks[3], (H1, H2), dtype=jnp.float32) * (1.0 / np.sqrt(H1))
    bmu = jnp.zeros((H2,), jnp.float32)
    Wlv = jax.random.normal(ks[4], (H1, H2), dtype=jnp.float32) * (1.0 / np.sqrt(H1))
    blv = jnp.zeros((H2,), jnp.float32)
    eps = jax.random.normal(ks[5], (N, H2), dtype=jnp.float32)
    return {"x": x, "edge_index": edge_index, "W1": W1, "b1": b1, "Wmu": Wmu, "bmu": bmu, "Wlv": Wlv, "blv": blv, "eps": eps}


def reference(x, edge_index, W1, b1, Wmu, bmu, Wlv, blv, eps):
    src = edge_index[0]
    dst = edge_index[1]
    # Encoder: GCN -> ReLU -> (GCN mu, GCN logvar), reparameterize
    h = jax.nn.relu(gcn_conv(x, W1, b1, src, dst, N))
    mu = gcn_conv(h, Wmu, bmu, src, dst, N)
    logvar = gcn_conv(h, Wlv, blv, src, dst, N)
    z = mu + eps * jnp.exp(0.5 * logvar)
    # Decoder: inner-product adjacency reconstruction
    A = jax.nn.sigmoid(z @ z.T)
    # torch.bernoulli(A) -> sample with a fixed key for determinism
    u = jax.random.uniform(jax.random.key(1), A.shape, dtype=jnp.float32)
    A_de = (u < A).astype(jnp.float32)
    return (z, A_de, mu, logvar)

if __name__ == "__main__":
    import jax
    _d = setup_inputs()
    print(jax.jit(kernel)(*tuple(_d.values())))

</pallas_src>

<mosaic_0001>
#map = affine_map<(d0, d1) -> (0, 0, 0)>
module attributes {stable_mosaic.version = 14 : i64} {
  func.func @_sc_degree_body(%arg0: i32, %arg1: i32, %arg2: memref<16x157x128xi32, #tpu.memory_space<hbm>>, %arg3: memref<2x5248x128xf32, #tpu.memory_space<hbm>>, %arg4: memref<157x128xi32, #tpu.memory_space<vmem>>, %arg5: memref<128xi32, #tpu.memory_space<vmem>>, %arg6: memref<128x128xf32, #tpu.memory_space<vmem>>, %arg7: memref<128x128xf32, #tpu.memory_space<vmem>>, %arg8: memref<5248x128xf32, #tpu.memory_space<vmem_shared>>) attributes {dimension_semantics = [#tpu.dimension_semantics<core_parallel>, #tpu.dimension_semantics<subcore_parallel>], iteration_bounds = array<i64: 2, 16>, scalar_prefetch = 0 : i64, scratch_operands = 5 : i64, tpu.core_type = #tpu.core_type<sc_vector_subcore>, window_params = [{transform_indices = #map}, {transform_indices = #map}]} {
    %mul3A = arith.constant 328 : i32
    %mul3A_0 = arith.muli %arg1, %mul3A : i32
    %scan3A = arith.constant 0 : i32
    %scan3A_1 = arith.constant 0 : i32
    %scan3A_2 = arith.constant 128 : i32
    %scan3A_3 = arith.addi %scan3A_1, %scan3A_2 : i32
    %scan3A_4 = arith.constant 1 : i32
    scf.for %scan3A_20 = %scan3A_1 to %scan3A_3 step %scan3A_4  : i32 {
      %broadcast_in_dim3A = arith.constant 1.000000e+00 : f32
      %broadcast_in_dim3A_21 = vector.broadcast %broadcast_in_dim3A : f32 to vector<16xf32>
      %swap3A = arith.index_cast %scan3A_20 : i32 to index
      %swap3A_22 = arith.constant 0 : index
      %swap3A_23 = tpu.vector_load %arg6[%swap3A, %swap3A_22] {strides = array<i32>} : memref<128x128xf32, #tpu.memory_space<vmem>>, vector<1x16xf32>,
      %swap3A_24 = vector.shape_cast %swap3A_23 : vector<1x16xf32> to vector<16xf32>
      %swap3A_25 = vector.shape_cast %broadcast_in_dim3A_21 : vector<16xf32> to vector<1x16xf32>
      tpu.vector_store %arg6[%swap3A, %swap3A_22], %swap3A_25 {strides = array<i32>} : memref<128x128xf32, #tpu.memory_space<vmem>>, vector<1x16xf32>,
      %broadcast_in_dim3A_26 = arith.constant 0.000000e+00 : f32
      %broadcast_in_dim3A_27 = vector.broadcast %broadcast_in_dim3A_26 : f32 to vector<16xf32>
      %swap3A_28 = arith.index_cast %scan3A_20 : i32 to index
      %swap3A_29 = arith.constant 0 : index
      %swap3A_30 = tpu.vector_load %arg7[%swap3A_28, %swap3A_29] {strides = array<i32>} : memref<128x128xf32, #tpu.memory_space<vmem>>, vector<1x16xf32>,
      %swap3A_31 = vector.shape_cast %swap3A_30 : vector<1x16xf32> to vector<16xf32>
      %swap3A_32 = vector.shape_cast %broadcast_in_dim3A_27 : vector<16xf32> to vector<1x16xf32>
      tpu.vector_store %arg7[%swap3A_28, %swap3A_29], %swap3A_32 {strides = array<i32>} : memref<128x128xf32, #tpu.memory_space<vmem>>, vector<1x16xf32>,
      %broadcast_in_dim3A_33 = arith.constant 1.000000e+00 : f32
      %broadcast_in_dim3A_34 = vector.broadcast %broadcast_in_dim3A_33 : f32 to vector<16xf32>
      %swap3A_35 = arith.index_cast %scan3A_20 : i32 to index
      %swap3A_36 = arith.constant 16 : index
      %swap3A_37 = tpu.vector_load %arg6[%swap3A_35, %swap3A_36] {strides = array<i32>} : memref<128x128xf32, #tpu.memory_space<vmem>>, vector<1x16xf32>,
      %swap3A_38 = vector.shape_cast %swap3A_37 : vector<1x16xf32> to vector<16xf32>
      %swap3A_39 = vector.shape_cast %broadcast_in_dim3A_34 : vector<16xf32> to vector<1x16xf32>
      tpu.vector_store %arg6[%swap3A_35, %swap3A_36], %swap3A_39 {strides = array<i32>} : memref<128x128xf32, #tpu.memory_space<vmem>>, vector<1x16xf32>,
      %broadcast_in_dim3A_40 = arith.constant 0.000000e+00 : f32
      %broadcast_in_dim3A_41 = vector.broadcast %broadcast_in_dim3A_40 : f32 to vector<16xf32>
      %swap3A_42 = arith.index_cast %scan3A_20 : i32 to index
      %swap3A_43 = arith.constant 16 : index
      %swap3A_44 = tpu.vector_load %arg7[%swap3A_42, %swap3A_43] {strides = array<i32>} : memref<128x128xf32, #tpu.memory_space<vmem>>, vector<1x16xf32>,
      %swap3A_45 = vector.shape_cast %swap3A_44 : vector<1x16xf32> to vector<16xf32>
      %swap3A_46 = vector.shape_cast %broadcast_in_dim3A_41 : vector<16xf32> to vector<1x16xf32>
      tpu.vector_store %arg7[%swap3A_42, %swap3A_43], %swap3A_46 {strides = array<i32>} : memref<128x128xf32, #tpu.memory_space<vmem>>, vector<1x16xf32>,
      %broadcast_in_dim3A_47 = arith.constant 1.000000e+00 : f32
      %broadcast_in_dim3A_48 = vector.broadcast %broadcast_in_dim3A_47 : f32 to vector<16xf32>
      %swap3A_49 = arith.index_cast %scan3A_20 : i32 to index
      %swap3A_50 = arith.constant 32 : index
      %swap3A_51 = tpu.vector_load %arg6[%swap3A_49, %swap3A_50] {strides = array<i32>} : memref<128x128xf32, #tpu.memory_space<vmem>>, vector<1x16xf32>,
      %swap3A_52 = vector.shape_cast %swap3A_51 : vector<1x16xf32> to vector<16xf32>
      %swap3A_53 = vector.shape_cast %broadcast_in_dim3A_48 : vector<16xf32> to vector<1x16xf32>
      tpu.vector_store %arg6[%swap3A_49, %swap3A_50], %swap3A_53 {strides = array<i32>} : memref<128x128xf32, #tpu.memory_space<vmem>>, vector<1x16xf32>,
      %broadcast_in_dim3A_54 = arith.constant 0.000000e+00 : f32
      %broadcast_in_dim3A_55 = vector.broadcast %broadcast_in_dim3A_54 : f32 to vector<16xf32>
      %swap3A_56 = arith.index_cast %scan3A_20 : i32 to index
      %swap3A_57 = arith.constant 32 : index
      %swap3A_58 = tpu.vector_load %arg7[%swap3A_56, %swap3A_57] {strides = array<i32>} : memref<128x128xf32, #tpu.memory_space<vmem>>, vector<1x16xf32>,
      %swap3A_59 = vector.shape_cast %swap3A_58 : vector<1x16xf32> to vector<16xf32>
      %swap3A_60 = vector.shape_cast %broadcast_in_dim3A_55 : vector<16xf32> to vector<1x16xf32>
      tpu.vector_store %arg7[%swap3A_56, %swap3A_57], %swap3A_60 {strides = array<i32>} : memref<128x128xf32, #tpu.memory_space<vmem>>, vector<1x16xf32>,
      %broadcast_in_dim3A_61 = arith.constant 1.000000e+00 : f32
      %broadcast_in_dim3A_62 = vector.broadcast %broadcast_in_dim3A_61 : f32 to vector<16xf32>
      %swap3A_63 = arith.index_cast %scan3A_20 : i32 to index
      %swap3A_64 = arith.constant 48 : index
      %swap3A_65 = tpu.vector_load %arg6[%swap3A_63, %swap3A_64] {strides = array<i32>} : memref<128x128xf32, #tpu.memory_space<vmem>>, vector<1x16xf32>,
      %swap3A_66 = vector.shape_cast %swap3A_65 : vector<1x16xf32> to vector<16xf32>
      %swap3A_67 = vector.shape_cast %broadcast_in_dim3A_62 : vector<16xf32> to vector<1x16xf32>
      tpu.vector_store %arg6[%swap3A_63, %swap3A_64], %swap3A_67 {strides = array<i32>} : memref<128x128xf32, #tpu.memory_space<vmem>>, vector<1x16xf32>,
      %broadcast_in_dim3A_68 = arith.constant 0.000000e+00 : f32
      %broadcast_in_dim3A_69 = vector.broadcast %broadcast_in_dim3A_68 : f32 to vector<16xf32>
      %swap3A_70 = arith.index_cast %scan3A_20 : i32 to index
      %swap3A_71 = arith.constant 48 : index
      %swap3A_72 = tpu.vector_load %arg7[%swap3A_70, %swap3A_71] {strides = array<i32>} : memref<128x128xf32, #tpu.memory_space<vmem>>, vector<1x16xf32>,
      %swap3A_73 = vector.shape_cast %swap3A_72 : vector<1x16xf32> to vector<16xf32>
      %swap3A_74 = vector.shape_cast %broadcast_in_dim3A_69 : vector<16xf32> to vector<1x16xf32>
      tpu.vector_store %arg7[%swap3A_70, %swap3A_71], %swap3A_74 {strides = array<i32>} : memref<128x128xf32, #tpu.memory_space<vmem>>, vector<1x16xf32>,
      %broadcast_in_dim3A_75 = arith.constant 1.000000e+00 : f32
      %broadcast_in_dim3A_76 = vector.broadcast %broadcast_in_dim3A_75 : f32 to vector<16xf32>
      %swap3A_77 = arith.index_cast %scan3A_20 : i32 to index
      %swap3A_78 = arith.constant 64 : index
      %swap3A_79 = tpu.vector_load %arg6[%swap3A_77, %swap3A_78] {strides = array<i32>} : memref<128x128xf32, #tpu.memory_space<vmem>>, vector<1x16xf32>,
      %swap3A_80 = vector.shape_cast %swap3A_79 : vector<1x16xf32> to vector<16xf32>
      %swap3A_81 = vector.shape_cast %broadcast_in_dim3A_76 : vector<16xf32> to vector<1x16xf32>
      tpu.vector_store %arg6[%swap3A_77, %swap3A_78], %swap3A_81 {strides = array<i32>} : memref<128x128xf32, #tpu.memory_space<vmem>>, vector<1x16xf32>,
      %broadcast_in_dim3A_82 = arith.constant 0.000000e+00 : f32
      %broadcast_in_dim3A_83 = vector.broadcast %broadcast_in_dim3A_82 : f32 to vector<16xf32>
      %swap3A_84 = arith.index_cast %scan3A_20 : i32 to index
      %swap3A_85 = arith.constant 64 : index
      %swap3A_86 = tpu.vector_load %arg7[%swap3A_84, %swap3A_85] {strides = array<i32>} : memref<128x128xf32, #tpu.memory_space<vmem>>, vector<1x16xf32>,
      %swap3A_87 = vector.shape_cast %swap3A_86 : vector<1x16xf32> to vector<16xf32>
      %swap3A_88 = vector.shape_cast %broadcast_in_dim3A_83 : vector<16xf32> to vector<1x16xf32>
      tpu.vector_store %arg7[%swap3A_84, %swap3A_85], %swap3A_88 {strides = array<i32>} : memref<128x128xf32, #tpu.memory_space<vmem>>, vector<1x16xf32>,
      %broadcast_in_dim3A_89 = arith.constant 1.000000e+00 : f32
      %broadcast_in_dim3A_90 = vector.broadcast %broadcast_in_dim3A_89 : f32 to vector<16xf32>
      %swap3A_91 = arith.index_cast %scan3A_20 : i32 to index
      %swap3A_92 = arith.constant 80 : index
      %swap3A_93 = tpu.vector_load %arg6[%swap3A_91, %swap3A_92] {strides = array<i32>} : memref<128x128xf32, #tpu.memory_space<vmem>>, vector<1x16xf32>,
      %swap3A_94 = vector.shape_cast %swap3A_93 : vector<1x16xf32> to vector<16xf32>
      %swap3A_95 = vector.shape_cast %broadcast_in_dim3A_90 : vector<16xf32> to vector<1x16xf32>
      tpu.vector_store %arg6[%swap3A_91, %swap3A_92], %swap3A_95 {strides = array<i32>} : memref<128x128xf32, #tpu.memory_space<vmem>>, vector<1x16xf32>,
      %broadcast_in_dim3A_96 = arith.constant 0.000000e+00 : f32
      %broadcast_in_dim3A_97 = vector.broadcast %broadcast_in_dim3A_96 : f32 to vector<16xf32>
      %swap3A_98 = arith.index_cast %scan3A_20 : i32 to index
      %swap3A_99 = arith.constant 80 : index
      %swap3A_100 = tpu.vector_load %arg7[%swap3A_98, %swap3A_99] {strides = array<i32>} : memref<128x128xf32, #tpu.memory_space<vmem>>, vector<1x16xf32>,
      %swap3A_101 = vector.shape_cast %swap3A_100 : vector<1x16xf32> to vector<16xf32>
      %swap3A_102 = vector.shape_cast %broadcast_in_dim3A_97 : vector<16xf32> to vector<1x16xf32>
      tpu.vector_store %arg7[%swap3A_98, %swap3A_99], %swap3A_102 {strides = array<i32>} : memref<128x128xf32, #tpu.memory_space<vmem>>, vector<1x16xf32>,
      %broadcast_in_dim3A_103 = arith.constant 1.000000e+00 : f32
      %broadcast_in_dim3A_104 = vector.broadcast %broadcast_in_dim3A_103 : f32 to vector<16xf32>
      %swap3A_105 = arith.index_cast %scan3A_20 : i32 to index
      %swap3A_106 = arith.constant 96 : index
      %swap3A_107 = tpu.vector_load %arg6[%swap3A_105, %swap3A_106] {strides = array<i32>} : memref<128x128xf32, #tpu.memory_space<vmem>>, vector<1x16xf32>,
      %swap3A_108 = vector.shape_cast %swap3A_107 : vector<1x16xf32> to vector<16xf32>
      %swap3A_109 = vector.shape_cast %broadcast_in_dim3A_104 : vector<16xf32> to vector<1x16xf32>
      tpu.vector_store %arg6[%swap3A_105, %swap3A_106], %swap3A_109 {strides = array<i32>} : memref<128x128xf32, #tpu.memory_space<vmem>>, vector<1x16xf32>,
      %broadcast_in_dim3A_110 = arith.constant 0.000000e+00 : f32
      %broadcast_in_dim3A_111 = vector.broadcast %broadcast_in_dim3A_110 : f32 to vector<16xf32>
      %swap3A_112 = arith.index_cast %scan3A_20 : i32 to index
      %swap3A_113 = arith.constant 96 : index
      %swap3A_114 = tpu.vector_load %arg7[%swap3A_112, %swap3A_113] {strides = array<i32>} : memref<128x128xf32, #tpu.memory_space<vmem>>, vector<1x16xf32>,
      %swap3A_115 = vector.shape_cast %swap3A_114 : vector<1x16xf32> to vector<16xf32>
      %swap3A_116 = vector.shape_cast %broadcast_in_dim3A_111 : vector<16xf32> to vector<1x16xf32>
      tpu.vector_store %arg7[%swap3A_112, %swap3A_113], %swap3A_116 {strides = array<i32>} : memref<128x128xf32, #tpu.memory_space<vmem>>, vector<1x16xf32>,
      %broadcast_in_dim3A_117 = arith.constant 1.000000e+00 : f32
      %broadcast_in_dim3A_118 = vector.broadcast %broadcast_in_dim3A_117 : f32 to vector<16xf32>
      %swap3A_119 = arith.index_cast %scan3A_20 : i32 to index
      %swap3A_120 = arith.constant 112 : index
      %swap3A_121 = tpu.vector_load %arg6[%swap3A_119, %swap3A_120] {strides = array<i32>} : memref<128x128xf32, #tpu.memory_space<vmem>>, vector<1x16xf32>,
      %swap3A_122 = vector.shape_cast %swap3A_121 : vector<1x16xf32> to vector<16xf32>
      %swap3A_123 = vector.shape_cast %broadcast_in_dim3A_118 : vector<16xf32> to vector<1x16xf32>
      tpu.vector_store %arg6[%swap3A_119, %swap3A_120], %swap3A_123 {strides = array<i32>} : memref<128x128xf32, #tpu.memory_space<vmem>>, vector<1x16xf32>,
      %broadcast_in_dim3A_124 = arith.constant 0.000000e+00 : f32
      %broadcast_in_dim3A_125 = vector.broadcast %broadcast_in_dim3A_124 : f32 to vector<16xf32>
      %swap3A_126 = arith.index_cast %scan3A_20 : i32 to index
      %swap3A_127 = arith.constant 112 : index
      %swap3A_128 = tpu.vector_load %arg7[%swap3A_126, %swap3A_127] {strides = array<i32>} : memref<128x128xf32, #tpu.memory_space<vmem>>, vector<1x16xf32>,
      %swap3A_129 = vector.shape_cast %swap3A_128 : vector<1x16xf32> to vector<16xf32>
      %swap3A_130 = vector.shape_cast %broadcast_in_dim3A_125 : vector<16xf32> to vector<1x16xf32>
      tpu.vector_store %arg7[%swap3A_126, %swap3A_127], %swap3A_130 {strides = array<i32>} : memref<128x128xf32, #tpu.memory_space<vmem>>, vector<1x16xf32>,
    }
    %scan3A_5 = arith.constant 128 : i32
    %add3A = arith.constant 0 : i32
    %add3A_6 = arith.addi %mul3A_0, %add3A : i32
    "tpu.region"() ({
      %run_scoped3A = tpu.sem_alloc : memref<!tpu.dma_semaphore, #tpu.memory_space<semaphore_mem>>
      %dma_start3A = arith.constant 0 : i32
      %dma_start3A_20 = tpu.memref_slice %arg8[%add3A_6, %dma_start3A] : memref<5248x128xf32, #tpu.memory_space<vmem_shared>> -> memref<128x128xf32, #tpu.memory_space<vmem_shared>>
      %dma_start3A_21 = arith.constant 0 : i32
      %dma_start3A_22 = tpu.memref_slice %arg8[%add3A_6, %dma_start3A_21] : memref<5248x128xf32, #tpu.memory_space<vmem_shared>> -> memref<128x128xf32, #tpu.memory_space<vmem_shared>>
      tpu.enqueue_dma source(%arg7 : memref<128x128xf32, #tpu.memory_space<vmem>>) target(%dma_start3A_22 : memref<128x128xf32, #tpu.memory_space<vmem_shared>>) target_semaphore(%run_scoped3A : memref<!tpu.dma_semaphore, #tpu.memory_space<semaphore_mem>>)
      %dma_wait3A = arith.constant 0 : i32
      %dma_wait3A_23 = tpu.memref_slice %arg8[%add3A_6, %dma_wait3A] : memref<5248x128xf32, #tpu.memory_space<vmem_shared>> -> memref<128x128xf32, #tpu.memory_space<vmem_shared>>
      %dma_wait3A_24 = arith.constant 0 : i32
      %dma_wait3A_25 = tpu.memref_slice %arg8[%add3A_6, %dma_wait3A_24] : memref<5248x128xf32, #tpu.memory_space<vmem_shared>> -> memref<128x128xf32, #tpu.memory_space<vmem_shared>>
      tpu.wait_dma2 semaphore(%run_scoped3A : memref<!tpu.dma_semaphore, #tpu.memory_space<semaphore_mem>>) src(%arg7 : memref<128x128xf32, #tpu.memory_space<vmem>>) dst(%dma_wait3A_25 : memref<128x128xf32, #tpu.memory_space<vmem_shared>>)
      tpu.yield
    }) : () -> ()
    %add3A_7 = arith.constant 128 : i32
    %add3A_8 = arith.addi %mul3A_0, %add3A_7 : i32
    "tpu.region"() ({
      %run_scoped3A = tpu.sem_alloc : memref<!tpu.dma_semaphore, #tpu.memory_space<semaphore_mem>>
      %dma_start3A = arith.constant 0 : i32
      %dma_start3A_20 = tpu.memref_slice %arg8[%add3A_8, %dma_start3A] : memref<5248x128xf32, #tpu.memory_space<vmem_shared>> -> memref<128x128xf32, #tpu.memory_space<vmem_shared>>
      %dma_start3A_21 = arith.constant 0 : i32
      %dma_start3A_22 = tpu.memref_slice %arg8[%add3A_8, %dma_start3A_21] : memref<5248x128xf32, #tpu.memory_space<vmem_shared>> -> memref<128x128xf32, #tpu.memory_space<vmem_shared>>
      tpu.enqueue_dma source(%arg7 : memref<128x128xf32, #tpu.memory_space<vmem>>) target(%dma_start3A_22 : memref<128x128xf32, #tpu.memory_space<vmem_shared>>) target_semaphore(%run_scoped3A : memref<!tpu.dma_semaphore, #tpu.memory_space<semaphore_mem>>)
      %dma_wait3A = arith.constant 0 : i32
      %dma_wait3A_23 = tpu.memref_slice %arg8[%add3A_8, %dma_wait3A] : memref<5248x128xf32, #tpu.memory_space<vmem_shared>> -> memref<128x128xf32, #tpu.memory_space<vmem_shared>>
      %dma_wait3A_24 = arith.constant 0 : i32
      %dma_wait3A_25 = tpu.memref_slice %arg8[%add3A_8, %dma_wait3A_24] : memref<5248x128xf32, #tpu.memory_space<vmem_shared>> -> memref<128x128xf32, #tpu.memory_space<vmem_shared>>
      tpu.wait_dma2 semaphore(%run_scoped3A : memref<!tpu.dma_semaphore, #tpu.memory_space<semaphore_mem>>) src(%arg7 : memref<128x128xf32, #tpu.memory_space<vmem>>) dst(%dma_wait3A_25 : memref<128x128xf32, #tpu.memory_space<vmem_shared>>)
      tpu.yield
    }) : () -> ()
    %add3A_9 = arith.constant 256 : i32
    %add3A_10 = arith.addi %mul3A_0, %add3A_9 : i32
    "tpu.region"() ({
      %run_scoped3A = tpu.sem_alloc : memref<!tpu.dma_semaphore, #tpu.memory_space<semaphore_mem>>
      %dma_start3A = arith.constant 0 : i32
      %dma_start3A_20 = arith.constant 0 : i32
      %dma_start3A_21 = tpu.memref_slice %arg7[%dma_start3A, %dma_start3A_20] : memref<128x128xf32, #tpu.memory_space<vmem>> -> memref<72x128xf32, #tpu.memory_space<vmem>>
      %dma_start3A_22 = arith.constant 0 : i32
      %dma_start3A_23 = tpu.memref_slice %arg8[%add3A_10, %dma_start3A_22] : memref<5248x128xf32, #tpu.memory_space<vmem_shared>> -> memref<72x128xf32, #tpu.memory_space<vmem_shared>>
      %dma_start3A_24 = arith.constant 0 : i32
      %dma_start3A_25 = tpu.memref_slice %arg8[%add3A_10, %dma_start3A_24] : memref<5248x128xf32, #tpu.memory_space<vmem_shared>> -> memref<72x128xf32, #tpu.memory_space<vmem_shared>>
      %dma_start3A_26 = arith.constant 0 : i32
      %dma_start3A_27 = arith.constant 0 : i32
      %dma_start3A_28 = tpu.memref_slice %arg7[%dma_start3A_26, %dma_start3A_27] : memref<128x128xf32, #tpu.memory_space<vmem>> -> memref<72x128xf32, #tpu.memory_space<vmem>>
      tpu.enqueue_dma source(%dma_start3A_28 : memref<72x128xf32, #tpu.memory_space<vmem>>) target(%dma_start3A_25 : memref<72x128xf32, #tpu.memory_space<vmem_shared>>) target_semaphore(%run_scoped3A : memref<!tpu.dma_semaphore, #tpu.memory_space<semaphore_mem>>)
      %dma_wait3A = arith.constant 0 : i32
      %dma_wait3A_29 = arith.constant 0 : i32
      %dma_wait3A_30 = tpu.memref_slice %arg7[%dma_wait3A, %dma_wait3A_29] : memref<128x128xf32, #tpu.memory_space<vmem>> -> memref<72x128xf32, #tpu.memory_space<vmem>>
      %dma_wait3A_31 = arith.constant 0 : i32
      %dma_wait3A_32 = tpu.memref_slice %arg8[%add3A_10, %dma_wait3A_31] : memref<5248x128xf32, #tpu.memory_space<vmem_shared>> -> memref<72x128xf32, #tpu.memory_space<vmem_shared>>
      %dma_wait3A_33 = arith.constant 0 : i32
      %dma_wait3A_34 = tpu.memref_slice %arg8[%add3A_10, %dma_wait3A_33] : memref<5248x128xf32, #tpu.memory_space<vmem_shared>> -> memref<72x128xf32, #tpu.memory_space<vmem_shared>>
      %dma_wait3A_35 = arith.constant 0 : i32
      %dma_wait3A_36 = arith.constant 0 : i32
      %dma_wait3A_37 = tpu.memref_slice %arg7[%dma_wait3A_35, %dma_wait3A_36] : memref<128x128xf32, #tpu.memory_space<vmem>> -> memref<72x128xf32, #tpu.memory_space<vmem>>
      tpu.wait_dma2 semaphore(%run_scoped3A : memref<!tpu.dma_semaphore, #tpu.memory_space<semaphore_mem>>) src(%dma_wait3A_37 : memref<72x128xf32, #tpu.memory_space<vmem>>) dst(%dma_wait3A_34 : memref<72x128xf32, #tpu.memory_space<vmem_shared>>)
      tpu.yield
    }) : () -> ()
    "tpu.region"() ({
      %run_scoped3A = tpu.sem_alloc : memref<!tpu.dma_semaphore, #tpu.memory_space<semaphore_mem>>
      %dma_start3A = arith.constant 0 : i32
      %dma_start3A_20 = arith.constant 0 : i32
      %dma_start3A_21 = tpu.memref_slice %arg2[%arg1, %dma_start3A, %dma_start3A_20] : memref<16x157x128xi32, #tpu.memory_space<hbm>> -> memref<1x157x128xi32, #tpu.memory_space<hbm>>
      %dma_start3A_22 = tpu.memref_squeeze %dma_start3A_21 : memref<1x157x128xi32, #tpu.memory_space<hbm>> -> memref<157x128xi32, #tpu.memory_space<hbm>>
      %dma_start3A_23 = arith.constant 0 : i32
      %dma_start3A_24 = arith.constant 0 : i32
      %dma_start3A_25 = tpu.memref_slice %arg2[%arg1, %dma_start3A_23, %dma_start3A_24] : memref<16x157x128xi32, #tpu.memory_space<hbm>> -> memref<1x157x128xi32, #tpu.memory_space<hbm>>
      %dma_start3A_26 = tpu.memref_squeeze %dma_start3A_25 : memref<1x157x128xi32, #tpu.memory_space<hbm>> -> memref<157x128xi32, #tpu.memory_space<hbm>>
      tpu.enqueue_dma source(%dma_start3A_26 : memref<157x128xi32, #tpu.memory_space<hbm>>) target(%arg4 : memref<157x128xi32, #tpu.memory_space<vmem>>) target_semaphore(%run_scoped3A : memref<!tpu.dma_semaphore, #tpu.memory_space<semaphore_mem>>)
      %dma_wait3A = arith.constant 0 : i32
      %dma_wait3A_27 = arith.constant 0 : i32
      %dma_wait3A_28 = tpu.memref_slice %arg2[%arg1, %dma_wait3A, %dma_wait3A_27] : memref<16x157x128xi32, #tpu.memory_space<hbm>> -> memref<1x157x128xi32, #tpu.memory_space<hbm>>
      %dma_wait3A_29 = tpu.memref_squeeze %dma_wait3A_28 : memref<1x157x128xi32, #tpu.memory_space<hbm>> -> memref<157x128xi32, #tpu.memory_space<hbm>>
      %dma_wait3A_30 = arith.constant 0 : i32
      %dma_wait3A_31 = arith.constant 0 : i32
      %dma_wait3A_32 = tpu.memref_slice %arg2[%arg1, %dma_wait3A_30, %dma_wait3A_31] : memref<16x157x128xi32, #tpu.memory_space<hbm>> -> memref<1x157x128xi32, #tpu.memory_space<hbm>>
      %dma_wait3A_33 = tpu.memref_squeeze %dma_wait3A_32 : memref<1x157x128xi32, #tpu.memory_space<hbm>> -> memref<157x128xi32, #tpu.memory_space<hbm>>
      tpu.wait_dma2 semaphore(%run_scoped3A : memref<!tpu.dma_semaphore, #tpu.memory_space<semaphore_mem>>) src(%dma_wait3A_33 : memref<157x128xi32, #tpu.memory_space<hbm>>) dst(%arg4 : memref<157x128xi32, #tpu.memory_space<vmem>>)
      tpu.yield
    }) : () -> ()
    %barrier3A = arith.constant 0 : index
    tpu.barrier barrier_id(%barrier3A)
    %mul3A_11 = arith.constant 5056 : i32
    %mul3A_12 = arith.muli %arg0, %mul3A_11 : i32
    %scan3A_13 = arith.constant 0 : i32
    %scan3A_14 = arith.constant 0 : i32
    %scan3A_15 = arith.constant 157 : i32
    %scan3A_16 = arith.addi %scan3A_14, %scan3A_15 : i32
    %scan3A_17 = arith.constant 1 : i32
    scf.for %scan3A_20 = %scan3A_14 to %scan3A_16 step %scan3A_17  : i32 {
      %get3A = arith.index_cast %scan3A_20 : i32 to index
      %get3A_21 = arith.constant 0 : index
      %get3A_22 = tpu.vector_load %arg4[%get3A, %get3A_21] {strides = array<i32>} : memref<157x128xi32, #tpu.memory_space<vmem>>, vector<1x16xi32>,
      %get3A_23 = vector.shape_cast %get3A_22 : vector<1x16xi32> to vector<16xi32>
      %sub3A = vector.broadcast %mul3A_12 : i32 to vector<16xi32>
      %sub3A_24 = arith.subi %get3A_23, %sub3A : vector<16xi32>
      %ge3A = arith.constant 0 : i32
      %ge3A_25 = vector.broadcast %ge3A : i32 to vector<16xi32>
      %ge3A_26 = arith.cmpi sge, %sub3A_24, %ge3A_25 : vector<16xi32>
      %lt3A = arith.constant 5056 : i32
      %lt3A_27 = vector.broadcast %lt3A : i32 to vector<16xi32>
      %lt3A_28 = arith.cmpi slt, %sub3A_24, %lt3A_27 : vector<16xi32>
      %and3A = arith.andi %ge3A_26, %lt3A_28 : vector<16xi1>
      %jit3A = arith.constant 5056 : i32
      %broadcast_in_dim3A = vector.broadcast %jit3A : i32 to vector<16xi32>
      %select_n3A = arith.select %and3A, %sub3A_24, %broadcast_in_dim3A : vector<16xi1>, vector<16xi32>
      %swap3A = arith.constant 0 : index
      %swap3A_29 = tpu.vector_load %arg5[%swap3A] {strides = array<i32>} : memref<128xi32, #tpu.memory_space<vmem>>, vector<16xi32>,
      %swap3A_30 = vector.shape_cast %swap3A_29 : vector<16xi32> to vector<16xi32>
      %swap3A_31 = vector.shape_cast %select_n3A : vector<16xi32> to vector<16xi32>
      tpu.vector_store %arg5[%swap3A], %swap3A_31 {strides = array<i32>} : memref<128xi32, #tpu.memory_space<vmem>>, vector<16xi32>,
      %get3A_32 = arith.index_cast %scan3A_20 : i32 to index
      %get3A_33 = arith.constant 16 : index
      %get3A_34 = tpu.vector_load %arg4[%get3A_32, %get3A_33] {strides = array<i32>} : memref<157x128xi32, #tpu.memory_space<vmem>>, vector<1x16xi32>,
      %get3A_35 = vector.shape_cast %get3A_34 : vector<1x16xi32> to vector<16xi32>
      %sub3A_36 = vector.broadcast %mul3A_12 : i32 to vector<16xi32>
      %sub3A_37 = arith.subi %get3A_35, %sub3A_36 : vector<16xi32>
      %ge3A_38 = arith.constant 0 : i32
      %ge3A_39 = vector.broadcast %ge3A_38 : i32 to vector<16xi32>
      %ge3A_40 = arith.cmpi sge, %sub3A_37, %ge3A_39 : vector<16xi32>
      %lt3A_41 = arith.constant 5056 : i32
      %lt3A_42 = vector.broadcast %lt3A_41 : i32 to vector<16xi32>
      %lt3A_43 = arith.cmpi slt, %sub3A_37, %lt3A_42 : vector<16xi32>
      %and3A_44 = arith.andi %ge3A_40, %lt3A_43 : vector<16xi1>
      %jit3A_45 = arith.constant 5056 : i32
      %broadcast_in_dim3A_46 = vector.broadcast %jit3A_45 : i32 to vector<16xi32>
      %select_n3A_47 = arith.select %and3A_44, %sub3A_37, %broadcast_in_dim3A_46 : vector<16xi1>, vector<16xi32>
      %swap3A_48 = arith.constant 16 : index
      %swap3A_49 = tpu.vector_load %arg5[%swap3A_48] {strides = array<i32>} : memref<128xi32, #tpu.memory_space<vmem>>, vector<16xi32>,
      %swap3A_50 = vector.shape_cast %swap3A_49 : vector<16xi32> to vector<16xi32>
      %swap3A_51 = vector.shape_cast %select_n3A_47 : vector<16xi32> to vector<16xi32>
      tpu.vector_store %arg5[%swap3A_48], %swap3A_51 {strides = array<i32>} : memref<128xi32, #tpu.memory_space<vmem>>, vector<16xi32>,
      %get3A_52 = arith.index_cast %scan3A_20 : i32 to index
      %get3A_53 = arith.constant 32 : index
      %get3A_54 = tpu.vector_load %arg4[%get3A_52, %get3A_53] {strides = array<i32>} : memref<157x128xi32, #tpu.memory_space<vmem>>, vector<1x16xi32>,
      %get3A_55 = vector.shape_cast %get3A_54 : vector<1x16xi32> to vector<16xi32>
      %sub3A_56 = vector.broadcast %mul3A_12 : i32 to vector<16xi32>
      %sub3A_57 = arith.subi %get3A_55, %sub3A_56 : vector<16xi32>
      %ge3A_58 = arith.constant 0 : i32
      %ge3A_59 = vector.broadcast %ge3A_58 : i32 to vector<16xi32>
      %ge3A_60 = arith.cmpi sge, %sub3A_57, %ge3A_59 : vector<16xi32>
      %lt3A_61 = arith.constant 5056 : i32
      %lt3A_62 = vector.broadcast %lt3A_61 : i32 to vector<16xi32>
      %lt3A_63 = arith.cmpi slt, %sub3A_57, %lt3A_62 : vector<16xi32>
      %and3A_64 = arith.andi %ge3A_60, %lt3A_63 : vector<16xi1>
      %jit3A_65 = arith.constant 5056 : i32
      %broadcast_in_dim3A_66 = vector.broadcast %jit3A_65 : i32 to vector<16xi32>
      %select_n3A_67 = arith.select %and3A_64, %sub3A_57, %broadcast_in_dim3A_66 : vector<16xi1>, vector<16xi32>
      %swap3A_68 = arith.constant 32 : index
      %swap3A_69 = tpu.vector_load %arg5[%swap3A_68] {strides = array<i32>} : memref<128xi32, #tpu.memory_space<vmem>>, vector<16xi32>,
      %swap3A_70 = vector.shape_cast %swap3A_69 : vector<16xi32> to vector<16xi32>
      %swap3A_71 = vector.shape_cast %select_n3A_67 : vector<16xi32> to vector<16xi32>
      tpu.vector_store %arg5[%swap3A_68], %swap3A_71 {strides = array<i32>} : memref<128xi32, #tpu.memory_space<vmem>>, vector<16xi32>,
      %get3A_72 = arith.index_cast %scan3A_20 : i32 to index
      %get3A_73 = arith.constant 48 : index
      %get3A_74 = tpu.vector_load %arg4[%get3A_72, %get3A_73] {strides = array<i32>} : memref<157x128xi32, #tpu.memory_space<vmem>>, vector<1x16xi32>,
      %get3A_75 = vector.shape_cast %get3A_74 : vector<1x16xi32> to vector<16xi32>
      %sub3A_76 = vector.broadcast %mul3A_12 : i32 to vector<16xi32>
      %sub3A_77 = arith.subi %get3A_75, %sub3A_76 : vector<16xi32>
      %ge3A_78 = arith.constant 0 : i32
      %ge3A_79 = vector.broadcast %ge3A_78 : i32 to vector<16xi32>
      %ge3A_80 = arith.cmpi sge, %sub3A_77, %ge3A_79 : vector<16xi32>
      %lt3A_81 = arith.constant 5056 : i32
      %lt3A_82 = vector.broadcast %lt3A_81 : i32 to vector<16xi32>
      %lt3A_83 = arith.cmpi slt, %sub3A_77, %lt3A_82 : vector<16xi32>
      %and3A_84 = arith.andi %ge3A_80, %lt3A_83 : vector<16xi1>
      %jit3A_85 = arith.constant 5056 : i32
      %broadcast_in_dim3A_86 = vector.broadcast %jit3A_85 : i32 to vector<16xi32>
      %select_n3A_87 = arith.select %and3A_84, %sub3A_77, %broadcast_in_dim3A_86 : vector<16xi1>, vector<16xi32>
      %swap3A_88 = arith.constant 48 : index
      %swap3A_89 = tpu.vector_load %arg5[%swap3A_88] {strides = array<i32>} : memref<128xi32, #tpu.memory_space<vmem>>, vector<16xi32>,
      %swap3A_90 = vector.shape_cast %swap3A_89 : vector<16xi32> to vector<16xi32>
      %swap3A_91 = vector.shape_cast %select_n3A_87 : vector<16xi32> to vector<16xi32>
      tpu.vector_store %arg5[%swap3A_88], %swap3A_91 {strides = array<i32>} : memref<128xi32, #tpu.memory_space<vmem>>, vector<16xi32>,
      %get3A_92 = arith.index_cast %scan3A_20 : i32 to index
      %get3A_93 = arith.constant 64 : index
      %get3A_94 = tpu.vector_load %arg4[%get3A_92, %get3A_93] {strides = array<i32>} : memref<157x128xi32, #tpu.memory_space<vmem>>, vector<1x16xi32>,
      %get3A_95 = vector.shape_cast %get3A_94 : vector<1x16xi32> to vector<16xi32>
      %sub3A_96 = vector.broadcast %mul3A_12 : i32 to vector<16xi32>
      %sub3A_97 = arith.subi %get3A_95, %sub3A_96 : vector<16xi32>
      %ge3A_98 = arith.constant 0 : i32
      %ge3A_99 = vector.broadcast %ge3A_98 : i32 to vector<16xi32>
      %ge3A_100 = arith.cmpi sge, %sub3A_97, %ge3A_99 : vector<16xi32>
      %lt3A_101 = arith.constant 5056 : i32
      %lt3A_102 = vector.broadcast %lt3A_101 : i32 to vector<16xi32>
      %lt3A_103 = arith.cmpi slt, %sub3A_97, %lt3A_102 : vector<16xi32>
      %and3A_104 = arith.andi %ge3A_100, %lt3A_103 : vector<16xi1>
      %jit3A_105 = arith.constant 5056 : i32
      %broadcast_in_dim3A_106 = vector.broadcast %jit3A_105 : i32 to vector<16xi32>
      %select_n3A_107 = arith.select %and3A_104, %sub3A_97, %broadcast_in_dim3A_106 : vector<16xi1>, vector<16xi32>
      %swap3A_108 = arith.constant 64 : index
      %swap3A_109 = tpu.vector_load %arg5[%swap3A_108] {strides = array<i32>} : memref<128xi32, #tpu.memory_space<vmem>>, vector<16xi32>,
      %swap3A_110 = vector.shape_cast %swap3A_109 : vector<16xi32> to vector<16xi32>
      %swap3A_111 = vector.shape_cast %select_n3A_107 : vector<16xi32> to vector<16xi32>
      tpu.vector_store %arg5[%swap3A_108], %swap3A_111 {strides = array<i32>} : memref<128xi32, #tpu.memory_space<vmem>>, vector<16xi32>,
      %get3A_112 = arith.index_cast %scan3A_20 : i32 to index
      %get3A_113 = arith.constant 80 : index
      %get3A_114 = tpu.vector_load %arg4[%get3A_112, %get3A_113] {strides = array<i32>} : memref<157x128xi32, #tpu.memory_space<vmem>>, vector<1x16xi32>,
      %get3A_115 = vector.shape_cast %get3A_114 : vector<1x16xi32> to vector<16xi32>
      %sub3A_116 = vector.broadcast %mul3A_12 : i32 to vector<16xi32>
      %sub3A_117 = arith.subi %get3A_115, %sub3A_116 : vector<16xi32>
      %ge3A_118 = arith.constant 0 : i32
      %ge3A_119 = vector.broadcast %ge3A_118 : i32 to vector<16xi32>
      %ge3A_120 = arith.cmpi sge, %sub3A_117, %ge3A_119 : vector<16xi32>
      %lt3A_121 = arith.constant 5056 : i32
      %lt3A_122 = vector.broadcast %lt3A_121 : i32 to vector<16xi32>
      %lt3A_123 = arith.cmpi slt, %sub3A_117, %lt3A_122 : vector<16xi32>
      %and3A_124 = arith.andi %ge3A_120, %lt3A_123 : vector<16xi1>
      %jit3A_125 = arith.constant 5056 : i32
      %broadcast_in_dim3A_126 = vector.broadcast %jit3A_125 : i32 to vector<16xi32>
      %select_n3A_127 = arith.select %and3A_124, %sub3A_117, %broadcast_in_dim3A_126 : vector<16xi1>, vector<16xi32>
      %swap3A_128 = arith.constant 80 : index
      %swap3A_129 = tpu.vector_load %arg5[%swap3A_128] {strides = array<i32>} : memref<128xi32, #tpu.memory_space<vmem>>, vector<16xi32>,
      %swap3A_130 = vector.shape_cast %swap3A_129 : vector<16xi32> to vector<16xi32>
      %swap3A_131 = vector.shape_cast %select_n3A_127 : vector<16xi32> to vector<16xi32>
      tpu.vector_store %arg5[%swap3A_128], %swap3A_131 {strides = array<i32>} : memref<128xi32, #tpu.memory_space<vmem>>, vector<16xi32>,
      %get3A_132 = arith.index_cast %scan3A_20 : i32 to index
      %get3A_133 = arith.constant 96 : index
      %get3A_134 = tpu.vector_load %arg4[%get3A_132, %get3A_133] {strides = array<i32>} : memref<157x128xi32, #tpu.memory_space<vmem>>, vector<1x16xi32>,
      %get3A_135 = vector.shape_cast %get3A_134 : vector<1x16xi32> to vector<16xi32>
      %sub3A_136 = vector.broadcast %mul3A_12 : i32 to vector<16xi32>
      %sub3A_137 = arith.subi %get3A_135, %sub3A_136 : vector<16xi32>
      %ge3A_138 = arith.constant 0 : i32
      %ge3A_139 = vector.broadcast %ge3A_138 : i32 to vector<16xi32>
      %ge3A_140 = arith.cmpi sge, %sub3A_137, %ge3A_139 : vector<16xi32>
      %lt3A_141 = arith.constant 5056 : i32
      %lt3A_142 = vector.broadcast %lt3A_141 : i32 to vector<16xi32>
      %lt3A_143 = arith.cmpi slt, %sub3A_137, %lt3A_142 : vector<16xi32>
      %and3A_144 = arith.andi %ge3A_140, %lt3A_143 : vector<16xi1>
      %jit3A_145 = arith.constant 5056 : i32
      %broadcast_in_dim3A_146 = vector.broadcast %jit3A_145 : i32 to vector<16xi32>
      %select_n3A_147 = arith.select %and3A_144, %sub3A_137, %broadcast_in_dim3A_146 : vector<16xi1>, vector<16xi32>
      %swap3A_148 = arith.constant 96 : index
      %swap3A_149 = tpu.vector_load %arg5[%swap3A_148] {strides = array<i32>} : memref<128xi32, #tpu.memory_space<vmem>>, vector<16xi32>,
      %swap3A_150 = vector.shape_cast %swap3A_149 : vector<16xi32> to vector<16xi32>
      %swap3A_151 = vector.shape_cast %select_n3A_147 : vector<16xi32> to vector<16xi32>
      tpu.vector_store %arg5[%swap3A_148], %swap3A_151 {strides = array<i32>} : memref<128xi32, #tpu.memory_space<vmem>>, vector<16xi32>,
      %get3A_152 = arith.index_cast %scan3A_20 : i32 to index
      %get3A_153 = arith.constant 112 : index
      %get3A_154 = tpu.vector_load %arg4[%get3A_152, %get3A_153] {strides = array<i32>} : memref<157x128xi32, #tpu.memory_space<vmem>>, vector<1x16xi32>,
      %get3A_155 = vector.shape_cast %get3A_154 : vector<1x16xi32> to vector<16xi32>
      %sub3A_156 = vector.broadcast %mul3A_12 : i32 to vector<16xi32>
      %sub3A_157 = arith.subi %get3A_155, %sub3A_156 : vector<16xi32>
      %ge3A_158 = arith.constant 0 : i32
      %ge3A_159 = vector.broadcast %ge3A_158 : i32 to vector<16xi32>
      %ge3A_160 = arith.cmpi sge, %sub3A_157, %ge3A_159 : vector<16xi32>
      %lt3A_161 = arith.constant 5056 : i32
      %lt3A_162 = vector.broadcast %lt3A_161 : i32 to vector<16xi32>
      %lt3A_163 = arith.cmpi slt, %sub3A_157, %lt3A_162 : vector<16xi32>
      %and3A_164 = arith.andi %ge3A_160, %lt3A_163 : vector<16xi1>
      %jit3A_165 = arith.constant 5056 : i32
      %broadcast_in_dim3A_166 = vector.broadcast %jit3A_165 : i32 to vector<16xi32>
      %select_n3A_167 = arith.select %and3A_164, %sub3A_157, %broadcast_in_dim3A_166 : vector<16xi1>, vector<16xi32>
      %swap3A_168 = arith.constant 112 : index
      %swap3A_169 = tpu.vector_load %arg5[%swap3A_168] {strides = array<i32>} : memref<128xi32, #tpu.memory_space<vmem>>, vector<16xi32>,
      %swap3A_170 = vector.shape_cast %swap3A_169 : vector<16xi32> to vector<16xi32>
      %swap3A_171 = vector.shape_cast %select_n3A_167 : vector<16xi32> to vector<16xi32>
      tpu.vector_store %arg5[%swap3A_168], %swap3A_171 {strides = array<i32>} : memref<128xi32, #tpu.memory_space<vmem>>, vector<16xi32>,
      "tpu.region"() ({
        %run_scoped3A = tpu.sem_alloc : memref<!tpu.dma_semaphore, #tpu.memory_space<semaphore_mem>>
        %dma_start3A = arith.constant 0 : i32
        %dma_start3A_172 = arith.constant 0 : i32
        %dma_start3A_173 = tpu.memref_slice %arg8[%dma_start3A, %dma_start3A_172] : memref<5248x128xf32, #tpu.memory_space<vmem_shared>> -> memref<5248x128xf32, #tpu.memory_space<vmem_shared>>
        tpu.enqueue_indirect_dma source(%arg6 : memref<128x128xf32, #tpu.memory_space<vmem>>) target(%dma_start3A_173 : memref<5248x128xf32, #tpu.memory_space<vmem_shared>>) offsets(%arg5 : memref<128xi32, #tpu.memory_space<vmem>>) semaphore(%run_scoped3A : memref<!tpu.dma_semaphore, #tpu.memory_space<semaphore_mem>>) {add = true}
        %dma_wait3A = arith.constant 0 : i32
        %dma_wait3A_174 = arith.constant 0 : i32
        %dma_wait3A_175 = tpu.memref_slice %arg8[%dma_wait3A, %dma_wait3A_174] : memref<5248x128xf32, #tpu.memory_space<vmem_shared>> -> memref<5248x128xf32, #tpu.memory_space<vmem_shared>>
        tpu.wait_indirect_dma semaphore(%run_scoped3A : memref<!tpu.dma_semaphore, #tpu.memory_space<semaphore_mem>>) src(%arg6 : memref<128x128xf32, #tpu.memory_space<vmem>>) dst(%dma_wait3A_175 : memref<5248x128xf32, #tpu.memory_space<vmem_shared>>)
        tpu.yield
      }) : () -> ()
    }
    %scan3A_18 = arith.constant 157 : i32
    %barrier3A_19 = arith.constant 0 : index
    tpu.barrier barrier_id(%barrier3A_19)
    "tpu.region"() ({
      %run_scoped3A = tpu.sem_alloc : memref<!tpu.dma_semaphore, #tpu.memory_space<semaphore_mem>>
      %dma_start3A = arith.constant 0 : i32
      %dma_start3A_20 = tpu.memref_slice %arg3[%arg0, %mul3A_0, %dma_start3A] : memref<2x5248x128xf32, #tpu.memory_space<hbm>> -> memref<1x328x128xf32, #tpu.memory_space<hbm>>
      %dma_start3A_21 = tpu.memref_squeeze %dma_start3A_20 : memref<1x328x128xf32, #tpu.memory_space<hbm>> -> memref<328x128xf32, #tpu.memory_space<hbm>>
      %dma_start3A_22 = arith.constant 0 : i32
      %dma_start3A_23 = tpu.memref_slice %arg8[%mul3A_0, %dma_start3A_22] : memref<5248x128xf32, #tpu.memory_space<vmem_shared>> -> memref<328x128xf32, #tpu.memory_space<vmem_shared>>
      tpu.enqueue_dma source(%dma_start3A_23 : memref<328x128xf32, #tpu.memory_space<vmem_shared>>) target(%dma_start3A_21 : memref<328x128xf32, #tpu.memory_space<hbm>>) target_semaphore(%run_scoped3A : memref<!tpu.dma_semaphore, #tpu.memory_space<semaphore_mem>>)
      %dma_wait3A = arith.constant 0 : i32
      %dma_wait3A_24 = tpu.memref_slice %arg3[%arg0, %mul3A_0, %dma_wait3A] : memref<2x5248x128xf32, #tpu.memory_space<hbm>> -> memref<1x328x128xf32, #tpu.memory_space<hbm>>
      %dma_wait3A_25 = tpu.memref_squeeze %dma_wait3A_24 : memref<1x328x128xf32, #tpu.memory_space<hbm>> -> memref<328x128xf32, #tpu.memory_space<hbm>>
      %dma_wait3A_26 = arith.constant 0 : i32
      %dma_wait3A_27 = tpu.memref_slice %arg8[%mul3A_0, %dma_wait3A_26] : memref<5248x128xf32, #tpu.memory_space<vmem_shared>> -> memref<328x128xf32, #tpu.memory_space<vmem_shared>>
      tpu.wait_dma2 semaphore(%run_scoped3A : memref<!tpu.dma_semaphore, #tpu.memory_space<semaphore_mem>>) src(%dma_wait3A_27 : memref<328x128xf32, #tpu.memory_space<vmem_shared>>) dst(%dma_wait3A_25 : memref<328x128xf32, #tpu.memory_space<hbm>>)
      tpu.yield
    }) : () -> ()
    return
  }
}

#map = affine_map<(d0, d1) -> (0, 0)>
#map1 = affine_map<(d0, d1) -> (0, 0, 0)>
module attributes {stable_mosaic.version = 14 : i64} {
  func.func @_sc_scatter_body(%arg0: i32, %arg1: i32, %arg2: memref<10112x128xf32, #tpu.memory_space<hbm>>, %arg3: memref<16x157x128xi32, #tpu.memory_space<hbm>>, %arg4: memref<16x157x128xi32, #tpu.memory_space<hbm>>, %arg5: memref<2x5248x128xf32, #tpu.memory_space<hbm>>, %arg6: memref<157x128xi32, #tpu.memory_space<vmem>>, %arg7: memref<157x128xi32, #tpu.memory_space<vmem>>, %arg8: memref<128xi32, #tpu.memory_space<vmem>>, %arg9: memref<128x128xf32, #tpu.memory_space<vmem>>, %arg10: memref<128x128xf32, #tpu.memory_space<vmem>>, %arg11: memref<5248x128xf32, #tpu.memory_space<vmem_shared>>, %arg12: memref<!tpu.dma_semaphore, #tpu.memory_space<semaphore_mem>>) attributes {dimension_semantics = [#tpu.dimension_semantics<core_parallel>, #tpu.dimension_semantics<subcore_parallel>], iteration_bounds = array<i64: 2, 16>, scalar_prefetch = 0 : i64, scratch_operands = 7 : i64, tpu.core_type = #tpu.core_type<sc_vector_subcore>, window_params = [{transform_indices = #map}, {transform_indices = #map1}, {transform_indices = #map1}, {transform_indices = #map1}]} {
    %mul3A = arith.constant 328 : i32
    %mul3A_0 = arith.muli %arg1, %mul3A : i32
    %scan3A = arith.constant 0 : i32
    %scan3A_1 = arith.constant 0 : i32
    %scan3A_2 = arith.constant 128 : i32
    %scan3A_3 = arith.addi %scan3A_1, %scan3A_2 : i32
    %scan3A_4 = arith.constant 1 : i32
    scf.for %scan3A_26 = %scan3A_1 to %scan3A_3 step %scan3A_4  : i32 {
      %broadcast_in_dim3A = arith.constant 0.000000e+00 : f32
      %broadcast_in_dim3A_27 = vector.broadcast %broadcast_in_dim3A : f32 to vector<16xf32>
      %swap3A = arith.index_cast %scan3A_26 : i32 to index
      %swap3A_28 = arith.constant 0 : index
      %swap3A_29 = tpu.vector_load %arg9[%swap3A, %swap3A_28] {strides = array<i32>} : memref<128x128xf32, #tpu.memory_space<vmem>>, vector<1x16xf32>,
      %swap3A_30 = vector.shape_cast %swap3A_29 : vector<1x16xf32> to vector<16xf32>
      %swap3A_31 = vector.shape_cast %broadcast_in_dim3A_27 : vector<16xf32> to vector<1x16xf32>
      tpu.vector_store %arg9[%swap3A, %swap3A_28], %swap3A_31 {strides = array<i32>} : memref<128x128xf32, #tpu.memory_space<vmem>>, vector<1x16xf32>,
      %broadcast_in_dim3A_32 = arith.constant 0.000000e+00 : f32
      %broadcast_in_dim3A_33 = vector.broadcast %broadcast_in_dim3A_32 : f32 to vector<16xf32>
      %swap3A_34 = arith.index_cast %scan3A_26 : i32 to index
      %swap3A_35 = arith.constant 16 : index
      %swap3A_36 = tpu.vector_load %arg9[%swap3A_34, %swap3A_35] {strides = array<i32>} : memref<128x128xf32, #tpu.memory_space<vmem>>, vector<1x16xf32>,
      %swap3A_37 = vector.shape_cast %swap3A_36 : vector<1x16xf32> to vector<16xf32>
      %swap3A_38 = vector.shape_cast %broadcast_in_dim3A_33 : vector<16xf32> to vector<1x16xf32>
      tpu.vector_store %arg9[%swap3A_34, %swap3A_35], %swap3A_38 {strides = array<i32>} : memref<128x128xf32, #tpu.memory_space<vmem>>, vector<1x16xf32>,
      %broadcast_in_dim3A_39 = arith.constant 0.000000e+00 : f32
      %broadcast_in_dim3A_40 = vector.broadcast %broadcast_in_dim3A_39 : f32 to vector<16xf32>
      %swap3A_41 = arith.index_cast %scan3A_26 : i32 to index
      %swap3A_42 = arith.constant 32 : index
      %swap3A_43 = tpu.vector_load %arg9[%swap3A_41, %swap3A_42] {strides = array<i32>} : memref<128x128xf32, #tpu.memory_space<vmem>>, vector<1x16xf32>,
      %swap3A_44 = vector.shape_cast %swap3A_43 : vector<1x16xf32> to vector<16xf32>
      %swap3A_45 = vector.shape_cast %broadcast_in_dim3A_40 : vector<16xf32> to vector<1x16xf32>
      tpu.vector_store %arg9[%swap3A_41, %swap3A_42], %swap3A_45 {strides = array<i32>} : memref<128x128xf32, #tpu.memory_space<vmem>>, vector<1x16xf32>,
      %broadcast_in_dim3A_46 = arith.constant 0.000000e+00 : f32
      %broadcast_in_dim3A_47 = vector.broadcast %broadcast_in_dim3A_46 : f32 to vector<16xf32>
      %swap3A_48 = arith.index_cast %scan3A_26 : i32 to index
      %swap3A_49 = arith.constant 48 : index
      %swap3A_50 = tpu.vector_load %arg9[%swap3A_48, %swap3A_49] {strides = array<i32>} : memref<128x128xf32, #tpu.memory_space<vmem>>, vector<1x16xf32>,
      %swap3A_51 = vector.shape_cast %swap3A_50 : vector<1x16xf32> to vector<16xf32>
      %swap3A_52 = vector.shape_cast %broadcast_in_dim3A_47 : vector<16xf32> to vector<1x16xf32>
      tpu.vector_store %arg9[%swap3A_48, %swap3A_49], %swap3A_52 {strides = array<i32>} : memref<128x128xf32, #tpu.memory_space<vmem>>, vector<1x16xf32>,
      %broadcast_in_dim3A_53 = arith.constant 0.000000e+00 : f32
      %broadcast_in_dim3A_54 = vector.broadcast %broadcast_in_dim3A_53 : f32 to vector<16xf32>
      %swap3A_55 = arith.index_cast %scan3A_26 : i32 to index
      %swap3A_56 = arith.constant 64 : index
      %swap3A_57 = tpu.vector_load %arg9[%swap3A_55, %swap3A_56] {strides = array<i32>} : memref<128x128xf32, #tpu.memory_space<vmem>>, vector<1x16xf32>,
      %swap3A_58 = vector.shape_cast %swap3A_57 : vector<1x16xf32> to vector<16xf32>
      %swap3A_59 = vector.shape_cast %broadcast_in_dim3A_54 : vector<16xf32> to vector<1x16xf32>
      tpu.vector_store %arg9[%swap3A_55, %swap3A_56], %swap3A_59 {strides = array<i32>} : memref<128x128xf32, #tpu.memory_space<vmem>>, vector<1x16xf32>,
      %broadcast_in_dim3A_60 = arith.constant 0.000000e+00 : f32
      %broadcast_in_dim3A_61 = vector.broadcast %broadcast_in_dim3A_60 : f32 to vector<16xf32>
      %swap3A_62 = arith.index_cast %scan3A_26 : i32 to index
      %swap3A_63 = arith.constant 80 : index
      %swap3A_64 = tpu.vector_load %arg9[%swap3A_62, %swap3A_63] {strides = array<i32>} : memref<128x128xf32, #tpu.memory_space<vmem>>, vector<1x16xf32>,
      %swap3A_65 = vector.shape_cast %swap3A_64 : vector<1x16xf32> to vector<16xf32>
      %swap3A_66 = vector.shape_cast %broadcast_in_dim3A_61 : vector<16xf32> to vector<1x16xf32>
      tpu.vector_store %arg9[%swap3A_62, %swap3A_63], %swap3A_66 {strides = array<i32>} : memref<128x128xf32, #tpu.memory_space<vmem>>, vector<1x16xf32>,
      %broadcast_in_dim3A_67 = arith.constant 0.000000e+00 : f32
      %broadcast_in_dim3A_68 = vector.broadcast %broadcast_in_dim3A_67 : f32 to vector<16xf32>
      %swap3A_69 = arith.index_cast %scan3A_26 : i32 to index
      %swap3A_70 = arith.constant 96 : index
      %swap3A_71 = tpu.vector_load %arg9[%swap3A_69, %swap3A_70] {strides = array<i32>} : memref<128x128xf32, #tpu.memory_space<vmem>>, vector<1x16xf32>,
      %swap3A_72 = vector.shape_cast %swap3A_71 : vector<1x16xf32> to vector<16xf32>
      %swap3A_73 = vector.shape_cast %broadcast_in_dim3A_68 : vector<16xf32> to vector<1x16xf32>
      tpu.vector_store %arg9[%swap3A_69, %swap3A_70], %swap3A_73 {strides = array<i32>} : memref<128x128xf32, #tpu.memory_space<vmem>>, vector<1x16xf32>,
      %broadcast_in_dim3A_74 = arith.constant 0.000000e+00 : f32
      %broadcast_in_dim3A_75 = vector.broadcast %broadcast_in_dim3A_74 : f32 to vector<16xf32>
      %swap3A_76 = arith.index_cast %scan3A_26 : i32 to index
      %swap3A_77 = arith.constant 112 : index
      %swap3A_78 = tpu.vector_load %arg9[%swap3A_76, %swap3A_77] {strides = array<i32>} : memref<128x128xf32, #tpu.memory_space<vmem>>, vector<1x16xf32>,
      %swap3A_79 = vector.shape_cast %swap3A_78 : vector<1x16xf32> to vector<16xf32>
      %swap3A_80 = vector.shape_cast %broadcast_in_dim3A_75 : vector<16xf32> to vector<1x16xf32>
      tpu.vector_store %arg9[%swap3A_76, %swap3A_77], %swap3A_80 {strides = array<i32>} : memref<128x128xf32, #tpu.memory_space<vmem>>, vector<1x16xf32>,
    }
    %scan3A_5 = arith.constant 128 : i32
    %add3A = arith.constant 0 : i32
    %add3A_6 = arith.addi %mul3A_0, %add3A : i32
    "tpu.region"() ({
      %run_scoped3A = tpu.sem_alloc : memref<!tpu.dma_semaphore, #tpu.memory_space<semaphore_mem>>
      %dma_start3A_26 = arith.constant 0 : i32
      %dma_start3A_27 = tpu.memref_slice %arg11[%add3A_6, %dma_start3A_26] : memref<5248x128xf32, #tpu.memory_space<vmem_shared>> -> memref<128x128xf32, #tpu.memory_space<vmem_shared>>
      %dma_start3A_28 = arith.constant 0 : i32
      %dma_start3A_29 = tpu.memref_slice %arg11[%add3A_6, %dma_start3A_28] : memref<5248x128xf32, #tpu.memory_space<vmem_shared>> -> memref<128x128xf32, #tpu.memory_space<vmem_shared>>
      tpu.enqueue_dma source(%arg9 : memref<128x128xf32, #tpu.memory_space<vmem>>) target(%dma_start3A_29 : memref<128x128xf32, #tpu.memory_space<vmem_shared>>) target_semaphore(%run_scoped3A : memref<!tpu.dma_semaphore, #tpu.memory_space<semaphore_mem>>)
      %dma_wait3A = arith.constant 0 : i32
      %dma_wait3A_30 = tpu.memref_slice %arg11[%add3A_6, %dma_wait3A] : memref<5248x128xf32, #tpu.memory_space<vmem_shared>> -> memref<128x128xf32, #tpu.memory_space<vmem_shared>>
      %dma_wait3A_31 = arith.constant 0 : i32
      %dma_wait3A_32 = tpu.memref_slice %arg11[%add3A_6, %dma_wait3A_31] : memref<5248x128xf32, #tpu.memory_space<vmem_shared>> -> memref<128x128xf32, #tpu.memory_space<vmem_shared>>
      tpu.wait_dma2 semaphore(%run_scoped3A : memref<!tpu.dma_semaphore, #tpu.memory_space<semaphore_mem>>) src(%arg9 : memref<128x128xf32, #tpu.memory_space<vmem>>) dst(%dma_wait3A_32 : memref<128x128xf32, #tpu.memory_space<vmem_shared>>)
      tpu.yield
    }) : () -> ()
    %add3A_7 = arith.constant 128 : i32
    %add3A_8 = arith.addi %mul3A_0, %add3A_7 : i32
    "tpu.region"() ({
      %run_scoped3A = tpu.sem_alloc : memref<!tpu.dma_semaphore, #tpu.memory_space<semaphore_mem>>
      %dma_start3A_26 = arith.constant 0 : i32
      %dma_start3A_27 = tpu.memref_slice %arg11[%add3A_8, %dma_start3A_26] : memref<5248x128xf32, #tpu.memory_space<vmem_shared>> -> memref<128x128xf32, #tpu.memory_space<vmem_shared>>
      %dma_start3A_28 = arith.constant 0 : i32
      %dma_start3A_29 = tpu.memref_slice %arg11[%add3A_8, %dma_start3A_28] : memref<5248x128xf32, #tpu.memory_space<vmem_shared>> -> memref<128x128xf32, #tpu.memory_space<vmem_shared>>
      tpu.enqueue_dma source(%arg9 : memref<128x128xf32, #tpu.memory_space<vmem>>) target(%dma_start3A_29 : memref<128x128xf32, #tpu.memory_space<vmem_shared>>) target_semaphore(%run_scoped3A : memref<!tpu.dma_semaphore, #tpu.memory_space<semaphore_mem>>)
      %dma_wait3A = arith.constant 0 : i32
      %dma_wait3A_30 = tpu.memref_slice %arg11[%add3A_8, %dma_wait3A] : memref<5248x128xf32, #tpu.memory_space<vmem_shared>> -> memref<128x128xf32, #tpu.memory_space<vmem_shared>>
      %dma_wait3A_31 = arith.constant 0 : i32
      %dma_wait3A_32 = tpu.memref_slice %arg11[%add3A_8, %dma_wait3A_31] : memref<5248x128xf32, #tpu.memory_space<vmem_shared>> -> memref<128x128xf32, #tpu.memory_space<vmem_shared>>
      tpu.wait_dma2 semaphore(%run_scoped3A : memref<!tpu.dma_semaphore, #tpu.memory_space<semaphore_mem>>) src(%arg9 : memref<128x128xf32, #tpu.memory_space<vmem>>) dst(%dma_wait3A_32 : memref<128x128xf32, #tpu.memory_space<vmem_shared>>)
      tpu.yield
    }) : () -> ()
    %add3A_9 = arith.constant 256 : i32
    %add3A_10 = arith.addi %mul3A_0, %add3A_9 : i32
    "tpu.region"() ({
      %run_scoped3A = tpu.sem_alloc : memref<!tpu.dma_semaphore, #tpu.memory_space<semaphore_mem>>
      %dma_start3A_26 = arith.constant 0 : i32
      %dma_start3A_27 = arith.constant 0 : i32
      %dma_start3A_28 = tpu.memref_slice %arg9[%dma_start3A_26, %dma_start3A_27] : memref<128x128xf32, #tpu.memory_space<vmem>> -> memref<72x128xf32, #tpu.memory_space<vmem>>
      %dma_start3A_29 = arith.constant 0 : i32
      %dma_start3A_30 = tpu.memref_slice %arg11[%add3A_10, %dma_start3A_29] : memref<5248x128xf32, #tpu.memory_space<vmem_shared>> -> memref<72x128xf32, #tpu.memory_space<vmem_shared>>
      %dma_start3A_31 = arith.constant 0 : i32
      %dma_start3A_32 = tpu.memref_slice %arg11[%add3A_10, %dma_start3A_31] : memref<5248x128xf32, #tpu.memory_space<vmem_shared>> -> memref<72x128xf32, #tpu.memory_space<vmem_shared>>
      %dma_start3A_33 = arith.constant 0 : i32
      %dma_start3A_34 = arith.constant 0 : i32
      %dma_start3A_35 = tpu.memref_slice %arg9[%dma_start3A_33, %dma_start3A_34] : memref<128x128xf32, #tpu.memory_space<vmem>> -> memref<72x128xf32, #tpu.memory_space<vmem>>
      tpu.enqueue_dma source(%dma_start3A_35 : memref<72x128xf32, #tpu.memory_space<vmem>>) target(%dma_start3A_32 : memref<72x128xf32, #tpu.memory_space<vmem_shared>>) target_semaphore(%run_scoped3A : memref<!tpu.dma_semaphore, #tpu.memory_space<semaphore_mem>>)
      %dma_wait3A = arith.constant 0 : i32
      %dma_wait3A_36 = arith.constant 0 : i32
      %dma_wait3A_37 = tpu.memref_slice %arg9[%dma_wait3A, %dma_wait3A_36] : memref<128x128xf32, #tpu.memory_space<vmem>> -> memref<72x128xf32, #tpu.memory_space<vmem>>
      %dma_wait3A_38 = arith.constant 0 : i32
      %dma_wait3A_39 = tpu.memref_slice %arg11[%add3A_10, %dma_wait3A_38] : memref<5248x128xf32, #tpu.memory_space<vmem_shared>> -> memref<72x128xf32, #tpu.memory_space<vmem_shared>>
      %dma_wait3A_40 = arith.constant 0 : i32
      %dma_wait3A_41 = tpu.memref_slice %arg11[%add3A_10, %dma_wait3A_40] : memref<5248x128xf32, #tpu.memory_space<vmem_shared>> -> memref<72x128xf32, #tpu.memory_space<vmem_shared>>
      %dma_wait3A_42 = arith.constant 0 : i32
      %dma_wait3A_43 = arith.constant 0 : i32
      %dma_wait3A_44 = tpu.memref_slice %arg9[%dma_wait3A_42, %dma_wait3A_43] : memref<128x128xf32, #tpu.memory_space<vmem>> -> memref<72x128xf32, #tpu.memory_space<vmem>>
      tpu.wait_dma2 semaphore(%run_scoped3A : memref<!tpu.dma_semaphore, #tpu.memory_space<semaphore_mem>>) src(%dma_wait3A_44 : memref<72x128xf32, #tpu.memory_space<vmem>>) dst(%dma_wait3A_41 : memref<72x128xf32, #tpu.memory_space<vmem_shared>>)
      tpu.yield
    }) : () -> ()
    "tpu.region"() ({
      %run_scoped3A = tpu.sem_alloc : memref<!tpu.dma_semaphore, #tpu.memory_space<semaphore_mem>>
      %dma_start3A_26 = arith.constant 0 : i32
      %dma_start3A_27 = arith.constant 0 : i32
      %dma_start3A_28 = tpu.memref_slice %arg3[%arg1, %dma_start3A_26, %dma_start3A_27] : memref<16x157x128xi32, #tpu.memory_space<hbm>> -> memref<1x157x128xi32, #tpu.memory_space<hbm>>
      %dma_start3A_29 = tpu.memref_squeeze %dma_start3A_28 : memref<1x157x128xi32, #tpu.memory_space<hbm>> -> memref<157x128xi32, #tpu.memory_space<hbm>>
      %dma_start3A_30 = arith.constant 0 : i32
      %dma_start3A_31 = arith.constant 0 : i32
      %dma_start3A_32 = tpu.memref_slice %arg3[%arg1, %dma_start3A_30, %dma_start3A_31] : memref<16x157x128xi32, #tpu.memory_space<hbm>> -> memref<1x157x128xi32, #tpu.memory_space<hbm>>
      %dma_start3A_33 = tpu.memref_squeeze %dma_start3A_32 : memref<1x157x128xi32, #tpu.memory_space<hbm>> -> memref<157x128xi32, #tpu.memory_space<hbm>>
      tpu.enqueue_dma source(%dma_start3A_33 : memref<157x128xi32, #tpu.memory_space<hbm>>) target(%arg6 : memref<157x128xi32, #tpu.memory_space<vmem>>) target_semaphore(%run_scoped3A : memref<!tpu.dma_semaphore, #tpu.memory_space<semaphore_mem>>)
      %dma_wait3A = arith.constant 0 : i32
      %dma_wait3A_34 = arith.constant 0 : i32
      %dma_wait3A_35 = tpu.memref_slice %arg3[%arg1, %dma_wait3A, %dma_wait3A_34] : memref<16x157x128xi32, #tpu.memory_space<hbm>> -> memref<1x157x128xi32, #tpu.memory_space<hbm>>
      %dma_wait3A_36 = tpu.memref_squeeze %dma_wait3A_35 : memref<1x157x128xi32, #tpu.memory_space<hbm>> -> memref<157x128xi32, #tpu.memory_space<hbm>>
      %dma_wait3A_37 = arith.constant 0 : i32
      %dma_wait3A_38 = arith.constant 0 : i32
      %dma_wait3A_39 = tpu.memref_slice %arg3[%arg1, %dma_wait3A_37, %dma_wait3A_38] : memref<16x157x128xi32, #tpu.memory_space<hbm>> -> memref<1x157x128xi32, #tpu.memory_space<hbm>>
      %dma_wait3A_40 = tpu.memref_squeeze %dma_wait3A_39 : memref<1x157x128xi32, #tpu.memory_space<hbm>> -> memref<157x128xi32, #tpu.memory_space<hbm>>
      tpu.wait_dma2 semaphore(%run_scoped3A : memref<!tpu.dma_semaphore, #tpu.memory_space<semaphore_mem>>) src(%dma_wait3A_40 : memref<157x128xi32, #tpu.memory_space<hbm>>) dst(%arg6 : memref<157x128xi32, #tpu.memory_space<vmem>>)
      tpu.yield
    }) : () -> ()
    "tpu.region"() ({
      %run_scoped3A = tpu.sem_alloc : memref<!tpu.dma_semaphore, #tpu.memory_space<semaphore_mem>>
      %dma_start3A_26 = arith.constant 0 : i32
      %dma_start3A_27 = arith.constant 0 : i32
      %dma_start3A_28 = tpu.memref_slice %arg4[%arg1, %dma_start3A_26, %dma_start3A_27] : memref<16x157x128xi32, #tpu.memory_space<hbm>> -> memref<1x157x128xi32, #tpu.memory_space<hbm>>
      %dma_start3A_29 = tpu.memref_squeeze %dma_start3A_28 : memref<1x157x128xi32, #tpu.memory_space<hbm>> -> memref<157x128xi32, #tpu.memory_space<hbm>>
      %dma_start3A_30 = arith.constant 0 : i32
      %dma_start3A_31 = arith.constant 0 : i32
      %dma_start3A_32 = tpu.memref_slice %arg4[%arg1, %dma_start3A_30, %dma_start3A_31] : memref<16x157x128xi32, #tpu.memory_space<hbm>> -> memref<1x157x128xi32, #tpu.memory_space<hbm>>
      %dma_start3A_33 = tpu.memref_squeeze %dma_start3A_32 : memref<1x157x128xi32, #tpu.memory_space<hbm>> -> memref<157x128xi32, #tpu.memory_space<hbm>>
      tpu.enqueue_dma source(%dma_start3A_33 : memref<157x128xi32, #tpu.memory_space<hbm>>) target(%arg7 : memref<157x128xi32, #tpu.memory_space<vmem>>) target_semaphore(%run_scoped3A : memref<!tpu.dma_semaphore, #tpu.memory_space<semaphore_mem>>)
      %dma_wait3A = arith.constant 0 : i32
      %dma_wait3A_34 = arith.constant 0 : i32
      %dma_wait3A_35 = tpu.memref_slice %arg4[%arg1, %dma_wait3A, %dma_wait3A_34] : memref<16x157x128xi32, #tpu.memory_space<hbm>> -> memref<1x157x128xi32, #tpu.memory_space<hbm>>
      %dma_wait3A_36 = tpu.memref_squeeze %dma_wait3A_35 : memref<1x157x128xi32, #tpu.memory_space<hbm>> -> memref<157x128xi32, #tpu.memory_space<hbm>>
      %dma_wait3A_37 = arith.constant 0 : i32
      %dma_wait3A_38 = arith.constant 0 : i32
      %dma_wait3A_39 = tpu.memref_slice %arg4[%arg1, %dma_wait3A_37, %dma_wait3A_38] : memref<16x157x128xi32, #tpu.memory_space<hbm>> -> memref<1x157x128xi32, #tpu.memory_space<hbm>>
      %dma_wait3A_40 = tpu.memref_squeeze %dma_wait3A_39 : memref<1x157x128xi32, #tpu.memory_space<hbm>> -> memref<157x128xi32, #tpu.memory_space<hbm>>
      tpu.wait_dma2 semaphore(%run_scoped3A : memref<!tpu.dma_semaphore, #tpu.memory_space<semaphore_mem>>) src(%dma_wait3A_40 : memref<157x128xi32, #tpu.memory_space<hbm>>) dst(%arg7 : memref<157x128xi32, #tpu.memory_space<vmem>>)
      tpu.yield
    }) : () -> ()
    %barrier3A = arith.constant 0 : index
    tpu.barrier barrier_id(%barrier3A)
    %mul3A_11 = arith.constant 5056 : i32
    %mul3A_12 = arith.muli %arg0, %mul3A_11 : i32
    %dma_start3A = arith.constant 0 : i32
    %dma_start3A_13 = arith.constant 0 : i32
    %dma_start3A_14 = tpu.memref_slice %arg6[%dma_start3A, %dma_start3A_13] : memref<157x128xi32, #tpu.memory_space<vmem>> -> memref<1x128xi32, #tpu.memory_space<vmem>>
    %dma_start3A_15 = tpu.memref_squeeze %dma_start3A_14 : memref<1x128xi32, #tpu.memory_space<vmem>> -> memref<128xi32, #tpu.memory_space<vmem>>
    %dma_start3A_16 = arith.constant 0 : i32
    %dma_start3A_17 = arith.constant 0 : i32
    %dma_start3A_18 = tpu.memref_slice %arg2[%dma_start3A_16, %dma_start3A_17] : memref<10112x128xf32, #tpu.memory_space<hbm>> -> memref<10112x128xf32, #tpu.memory_space<hbm>>
    tpu.enqueue_indirect_dma source(%dma_start3A_18 : memref<10112x128xf32, #tpu.memory_space<hbm>>) target(%arg9 : memref<128x128xf32, #tpu.memory_space<vmem>>) offsets(%dma_start3A_15 : memref<128xi32, #tpu.memory_space<vmem>>) semaphore(%arg12 : memref<!tpu.dma_semaphore, #tpu.memory_space<semaphore_mem>>)
    %scan3A_19 = arith.constant 0 : i32
    %scan3A_20 = arith.constant 0 : i32
    %scan3A_21 = arith.constant 79 : i32
    %scan3A_22 = arith.addi %scan3A_20, %scan3A_21 : i32
    %scan3A_23 = arith.constant 1 : i32
    scf.for %scan3A_26 = %scan3A_20 to %scan3A_22 step %scan3A_23  : i32 {
      %mul3A_27 = arith.constant 2 : i32
      %mul3A_28 = arith.muli %mul3A_27, %scan3A_26 : i32
      %mul3A_29 = arith.constant 2 : i32
      %mul3A_30 = arith.muli %mul3A_29, %scan3A_26 : i32
      %add3A_31 = arith.constant 1 : i32
      %add3A_32 = arith.addi %mul3A_30, %add3A_31 : i32
      %lt3A = arith.constant 157 : i32
      %lt3A_33 = arith.cmpi slt, %add3A_32, %lt3A : i32
      %convert_element_type3A = arith.extui %lt3A_33 : i1 to i32
      %cond3A = arith.constant 0 : i32
      %cond3A_34 = arith.cmpi ne, %convert_element_type3A, %cond3A : i32
      scf.if %cond3A_34 {
        %dma_start3A_197 = arith.constant 0 : i32
        %dma_start3A_198 = tpu.memref_slice %arg6[%add3A_32, %dma_start3A_197] : memref<157x128xi32, #tpu.memory_space<vmem>> -> memref<1x128xi32, #tpu.memory_space<vmem>>
        %dma_start3A_199 = tpu.memref_squeeze %dma_start3A_198 : memref<1x128xi32, #tpu.memory_space<vmem>> -> memref<128xi32, #tpu.memory_space<vmem>>
        %dma_start3A_200 = arith.constant 0 : i32
        %dma_start3A_201 = arith.constant 0 : i32
        %dma_start3A_202 = tpu.memref_slice %arg2[%dma_start3A_200, %dma_start3A_201] : memref<10112x128xf32, #tpu.memory_space<hbm>> -> memref<10112x128xf32, #tpu.memory_space<hbm>>
        tpu.enqueue_indirect_dma source(%dma_start3A_202 : memref<10112x128xf32, #tpu.memory_space<hbm>>) target(%arg10 : memref<128x128xf32, #tpu.memory_space<vmem>>) offsets(%dma_start3A_199 : memref<128xi32, #tpu.memory_space<vmem>>) semaphore(%arg12 : memref<!tpu.dma_semaphore, #tpu.memory_space<semaphore_mem>>)
      } else {
      }
      %dma_wait3A = arith.constant 0 : i32
      %dma_wait3A_35 = tpu.memref_slice %arg6[%mul3A_28, %dma_wait3A] : memref<157x128xi32, #tpu.memory_space<vmem>> -> memref<1x128xi32, #tpu.memory_space<vmem>>
      %dma_wait3A_36 = tpu.memref_squeeze %dma_wait3A_35 : memref<1x128xi32, #tpu.memory_space<vmem>> -> memref<128xi32, #tpu.memory_space<vmem>>
      %dma_wait3A_37 = arith.constant 0 : i32
      %dma_wait3A_38 = arith.constant 0 : i32
      %dma_wait3A_39 = tpu.memref_slice %arg2[%dma_wait3A_37, %dma_wait3A_38] : memref<10112x128xf32, #tpu.memory_space<hbm>> -> memref<10112x128xf32, #tpu.memory_space<hbm>>
      tpu.wait_indirect_dma semaphore(%arg12 : memref<!tpu.dma_semaphore, #tpu.memory_space<semaphore_mem>>) src(%dma_wait3A_39 : memref<10112x128xf32, #tpu.memory_space<hbm>>) dst(%arg9 : memref<128x128xf32, #tpu.memory_space<vmem>>)
      %get3A = arith.index_cast %mul3A_28 : i32 to index
      %get3A_40 = arith.constant 0 : index
      %get3A_41 = tpu.vector_load %arg7[%get3A, %get3A_40] {strides = array<i32>} : memref<157x128xi32, #tpu.memory_space<vmem>>, vector<1x16xi32>,
      %get3A_42 = vector.shape_cast %get3A_41 : vector<1x16xi32> to vector<16xi32>
      %sub3A = vector.broadcast %mul3A_12 : i32 to vector<16xi32>
      %sub3A_43 = arith.subi %get3A_42, %sub3A : vector<16xi32>
      %ge3A = arith.constant 0 : i32
      %ge3A_44 = vector.broadcast %ge3A : i32 to vector<16xi32>
      %ge3A_45 = arith.cmpi sge, %sub3A_43, %ge3A_44 : vector<16xi32>
      %lt3A_46 = arith.constant 5056 : i32
      %lt3A_47 = vector.broadcast %lt3A_46 : i32 to vector<16xi32>
      %lt3A_48 = arith.cmpi slt, %sub3A_43, %lt3A_47 : vector<16xi32>
      %and3A = arith.andi %ge3A_45, %lt3A_48 : vector<16xi1>
      %jit3A = arith.constant 5056 : i32
      %broadcast_in_dim3A = vector.broadcast %jit3A : i32 to vector<16xi32>
      %select_n3A = arith.select %and3A, %sub3A_43, %broadcast_in_dim3A : vector<16xi1>, vector<16xi32>
      %swap3A = arith.constant 0 : index
      %swap3A_49 = tpu.vector_load %arg8[%swap3A] {strides = array<i32>} : memref<128xi32, #tpu.memory_space<vmem>>, vector<16xi32>,
      %swap3A_50 = vector.shape_cast %swap3A_49 : vector<16xi32> to vector<16xi32>
      %swap3A_51 = vector.shape_cast %select_n3A : vector<16xi32> to vector<16xi32>
      tpu.vector_store %arg8[%swap3A], %swap3A_51 {strides = array<i32>} : memref<128xi32, #tpu.memory_space<vmem>>, vector<16xi32>,
      %get3A_52 = arith.index_cast %mul3A_28 : i32 to index
      %get3A_53 = arith.constant 16 : index
      %get3A_54 = tpu.vector_load %arg7[%get3A_52, %get3A_53] {strides = array<i32>} : memref<157x128xi32, #tpu.memory_space<vmem>>, vector<1x16xi32>,
      %get3A_55 = vector.shape_cast %get3A_54 : vector<1x16xi32> to vector<16xi32>
      %sub3A_56 = vector.broadcast %mul3A_12 : i32 to vector<16xi32>
      %sub3A_57 = arith.subi %get3A_55, %sub3A_56 : vector<16xi32>
      %ge3A_58 = arith.constant 0 : i32
      %ge3A_59 = vector.broadcast %ge3A_58 : i32 to vector<16xi32>
      %ge3A_60 = arith.cmpi sge, %sub3A_57, %ge3A_59 : vector<16xi32>
      %lt3A_61 = arith.constant 5056 : i32
      %lt3A_62 = vector.broadcast %lt3A_61 : i32 to vector<16xi32>
      %lt3A_63 = arith.cmpi slt, %sub3A_57, %lt3A_62 : vector<16xi32>
      %and3A_64 = arith.andi %ge3A_60, %lt3A_63 : vector<16xi1>
      %jit3A_65 = arith.constant 5056 : i32
      %broadcast_in_dim3A_66 = vector.broadcast %jit3A_65 : i32 to vector<16xi32>
      %select_n3A_67 = arith.select %and3A_64, %sub3A_57, %broadcast_in_dim3A_66 : vector<16xi1>, vector<16xi32>
      %swap3A_68 = arith.constant 16 : index
      %swap3A_69 = tpu.vector_load %arg8[%swap3A_68] {strides = array<i32>} : memref<128xi32, #tpu.memory_space<vmem>>, vector<16xi32>,
      %swap3A_70 = vector.shape_cast %swap3A_69 : vector<16xi32> to vector<16xi32>
      %swap3A_71 = vector.shape_cast %select_n3A_67 : vector<16xi32> to vector<16xi32>
      tpu.vector_store %arg8[%swap3A_68], %swap3A_71 {strides = array<i32>} : memref<128xi32, #tpu.memory_space<vmem>>, vector<16xi32>,
      %get3A_72 = arith.index_cast %mul3A_28 : i32 to index
      %get3A_73 = arith.constant 32 : index
      %get3A_74 = tpu.vector_load %arg7[%get3A_72, %get3A_73] {strides = array<i32>} : memref<157x128xi32, #tpu.memory_space<vmem>>, vector<1x16xi32>,
      %get3A_75 = vector.shape_cast %get3A_74 : vector<1x16xi32> to vector<16xi32>
      %sub3A_76 = vector.broadcast %mul3A_12 : i32 to vector<16xi32>
      %sub3A_77 = arith.subi %get3A_75, %sub3A_76 : vector<16xi32>
      %ge3A_78 = arith.constant 0 : i32
      %ge3A_79 = vector.broadcast %ge3A_78 : i32 to vector<16xi32>
      %ge3A_80 = arith.cmpi sge, %sub3A_77, %ge3A_79 : vector<16xi32>
      %lt3A_81 = arith.constant 5056 : i32
      %lt3A_82 = vector.broadcast %lt3A_81 : i32 to vector<16xi32>
      %lt3A_83 = arith.cmpi slt, %sub3A_77, %lt3A_82 : vector<16xi32>
      %and3A_84 = arith.andi %ge3A_80, %lt3A_83 : vector<16xi1>
      %jit3A_85 = arith.constant 5056 : i32
      %broadcast_in_dim3A_86 = vector.broadcast %jit3A_85 : i32 to vector<16xi32>
      %select_n3A_87 = arith.select %and3A_84, %sub3A_77, %broadcast_in_dim3A_86 : vector<16xi1>, vector<16xi32>
      %swap3A_88 = arith.constant 32 : index
      %swap3A_89 = tpu.vector_load %arg8[%swap3A_88] {strides = array<i32>} : memref<128xi32, #tpu.memory_space<vmem>>, vector<16xi32>,
      %swap3A_90 = vector.shape_cast %swap3A_89 : vector<16xi32> to vector<16xi32>
      %swap3A_91 = vector.shape_cast %select_n3A_87 : vector<16xi32> to vector<16xi32>
      tpu.vector_store %arg8[%swap3A_88], %swap3A_91 {strides = array<i32>} : memref<128xi32, #tpu.memory_space<vmem>>, vector<16xi32>,
      %get3A_92 = arith.index_cast %mul3A_28 : i32 to index
      %get3A_93 = arith.constant 48 : index
      %get3A_94 = tpu.vector_load %arg7[%get3A_92, %get3A_93] {strides = array<i32>} : memref<157x128xi32, #tpu.memory_space<vmem>>, vector<1x16xi32>,
      %get3A_95 = vector.shape_cast %get3A_94 : vector<1x16xi32> to vector<16xi32>
      %sub3A_96 = vector.broadcast %mul3A_12 : i32 to vector<16xi32>
      %sub3A_97 = arith.subi %get3A_95, %sub3A_96 : vector<16xi32>
      %ge3A_98 = arith.constant 0 : i32
      %ge3A_99 = vector.broadcast %ge3A_98 : i32 to vector<16xi32>
      %ge3A_100 = arith.cmpi sge, %sub3A_97, %ge3A_99 : vector<16xi32>
      %lt3A_101 = arith.constant 5056 : i32
      %lt3A_102 = vector.broadcast %lt3A_101 : i32 to vector<16xi32>
      %lt3A_103 = arith.cmpi slt, %sub3A_97, %lt3A_102 : vector<16xi32>
      %and3A_104 = arith.andi %ge3A_100, %lt3A_103 : vector<16xi1>
      %jit3A_105 = arith.constant 5056 : i32
      %broadcast_in_dim3A_106 = vector.broadcast %jit3A_105 : i32 to vector<16xi32>
      %select_n3A_107 = arith.select %and3A_104, %sub3A_97, %broadcast_in_dim3A_106 : vector<16xi1>, vector<16xi32>
      %swap3A_108 = arith.constant 48 : index
      %swap3A_109 = tpu.vector_load %arg8[%swap3A_108] {strides = array<i32>} : memref<128xi32, #tpu.memory_space<vmem>>, vector<16xi32>,
      %swap3A_110 = vector.shape_cast %swap3A_109 : vector<16xi32> to vector<16xi32>
      %swap3A_111 = vector.shape_cast %select_n3A_107 : vector<16xi32> to vector<16xi32>
      tpu.vector_store %arg8[%swap3A_108], %swap3A_111 {strides = array<i32>} : memref<128xi32, #tpu.memory_space<vmem>>, vector<16xi32>,
      %get3A_112 = arith.index_cast %mul3A_28 : i32 to index
      %get3A_113 = arith.constant 64 : index
      %get3A_114 = tpu.vector_load %arg7[%get3A_112, %get3A_113] {strides = array<i32>} : memref<157x128xi32, #tpu.memory_space<vmem>>, vector<1x16xi32>,
      %get3A_115 = vector.shape_cast %get3A_114 : vector<1x16xi32> to vector<16xi32>
      %sub3A_116 = vector.broadcast %mul3A_12 : i32 to vector<16xi32>
      %sub3A_117 = arith.subi %get3A_115, %sub3A_116 : vector<16xi32>
      %ge3A_118 = arith.constant 0 : i32
      %ge3A_119 = vector.broadcast %ge3A_118 : i32 to vector<16xi32>
      %ge3A_120 = arith.cmpi sge, %sub3A_117, %ge3A_119 : vector<16xi32>
      %lt3A_121 = arith.constant 5056 : i32
      %lt3A_122 = vector.broadcast %lt3A_121 : i32 to vector<16xi32>
      %lt3A_123 = arith.cmpi slt, %sub3A_117, %lt3A_122 : vector<16xi32>
      %and3A_124 = arith.andi %ge3A_120, %lt3A_123 : vector<16xi1>
      %jit3A_125 = arith.constant 5056 : i32
      %broadcast_in_dim3A_126 = vector.broadcast %jit3A_125 : i32 to vector<16xi32>
      %select_n3A_127 = arith.select %and3A_124, %sub3A_117, %broadcast_in_dim3A_126 : vector<16xi1>, vector<16xi32>
      %swap3A_128 = arith.constant 64 : index
      %swap3A_129 = tpu.vector_load %arg8[%swap3A_128] {strides = array<i32>} : memref<128xi32, #tpu.memory_space<vmem>>, vector<16xi32>,
      %swap3A_130 = vector.shape_cast %swap3A_129 : vector<16xi32> to vector<16xi32>
      %swap3A_131 = vector.shape_cast %select_n3A_127 : vector<16xi32> to vector<16xi32>
      tpu.vector_store %arg8[%swap3A_128], %swap3A_131 {strides = array<i32>} : memref<128xi32, #tpu.memory_space<vmem>>, vector<16xi32>,
      %get3A_132 = arith.index_cast %mul3A_28 : i32 to index
      %get3A_133 = arith.constant 80 : index
      %get3A_134 = tpu.vector_load %arg7[%get3A_132, %get3A_133] {strides = array<i32>} : memref<157x128xi32, #tpu.memory_space<vmem>>, vector<1x16xi32>,
      %get3A_135 = vector.shape_cast %get3A_134 : vector<1x16xi32> to vector<16xi32>
      %sub3A_136 = vector.broadcast %mul3A_12 : i32 to vector<16xi32>
      %sub3A_137 = arith.subi %get3A_135, %sub3A_136 : vector<16xi32>
      %ge3A_138 = arith.constant 0 : i32
      %ge3A_139 = vector.broadcast %ge3A_138 : i32 to vector<16xi32>
      %ge3A_140 = arith.cmpi sge, %sub3A_137, %ge3A_139 : vector<16xi32>
      %lt3A_141 = arith.constant 5056 : i32
      %lt3A_142 = vector.broadcast %lt3A_141 : i32 to vector<16xi32>
      %lt3A_143 = arith.cmpi slt, %sub3A_137, %lt3A_142 : vector<16xi32>
      %and3A_144 = arith.andi %ge3A_140, %lt3A_143 : vector<16xi1>
      %jit3A_145 = arith.constant 5056 : i32
      %broadcast_in_dim3A_146 = vector.broadcast %jit3A_145 : i32 to vector<16xi32>
      %select_n3A_147 = arith.select %and3A_144, %sub3A_137, %broadcast_in_dim3A_146 : vector<16xi1>, vector<16xi32>
      %swap3A_148 = arith.constant 80 : index
      %swap3A_149 = tpu.vector_load %arg8[%swap3A_148] {strides = array<i32>} : memref<128xi32, #tpu.memory_space<vmem>>, vector<16xi32>,
      %swap3A_150 = vector.shape_cast %swap3A_149 : vector<16xi32> to vector<16xi32>
      %swap3A_151 = vector.shape_cast %select_n3A_147 : vector<16xi32> to vector<16xi32>
      tpu.vector_store %arg8[%swap3A_148], %swap3A_151 {strides = array<i32>} : memref<128xi32, #tpu.memory_space<vmem>>, vector<16xi32>,
      %get3A_152 = arith.index_cast %mul3A_28 : i32 to index
      %get3A_153 = arith.constant 96 : index
      %get3A_154 = tpu.vector_load %arg7[%get3A_152, %get3A_153] {strides = array<i32>} : memref<157x128xi32, #tpu.memory_space<vmem>>, vector<1x16xi32>,
      %get3A_155 = vector.shape_cast %get3A_154 : vector<1x16xi32> to vector<16xi32>
      %sub3A_156 = vector.broadcast %mul3A_12 : i32 to vector<16xi32>
      %sub3A_157 = arith.subi %get3A_155, %sub3A_156 : vector<16xi32>
      %ge3A_158 = arith.constant 0 : i32
      %ge3A_159 = vector.broadcast %ge3A_158 : i32 to vector<16xi32>
      %ge3A_160 = arith.cmpi sge, %sub3A_157, %ge3A_159 : vector<16xi32>
      %lt3A_161 = arith.constant 5056 : i32
      %lt3A_162 = vector.broadcast %lt3A_161 : i32 to vector<16xi32>
      %lt3A_163 = arith.cmpi slt, %sub3A_157, %lt3A_162 : vector<16xi32>
      %and3A_164 = arith.andi %ge3A_160, %lt3A_163 : vector<16xi1>
      %jit3A_165 = arith.constant 5056 : i32
      %broadcast_in_dim3A_166 = vector.broadcast %jit3A_165 : i32 to vector<16xi32>
      %select_n3A_167 = arith.select %and3A_164, %sub3A_157, %broadcast_in_dim3A_166 : vector<16xi1>, vector<16xi32>
      %swap3A_168 = arith.constant 96 : index
      %swap3A_169 = tpu.vector_load %arg8[%swap3A_168] {strides = array<i32>} : memref<128xi32, #tpu.memory_space<vmem>>, vector<16xi32>,
      %swap3A_170 = vector.shape_cast %swap3A_169 : vector<16xi32> to vector<16xi32>
      %swap3A_171 = vector.shape_cast %select_n3A_167 : vector<16xi32> to vector<16xi32>
      tpu.vector_store %arg8[%swap3A_168], %swap3A_171 {strides = array<i32>} : memref<128xi32, #tpu.memory_space<vmem>>, vector<16xi32>,
      %get3A_172 = arith.index_cast %mul3A_28 : i32 to index
      %get3A_173 = arith.constant 112 : index
      %get3A_174 = tpu.vector_load %arg7[%get3A_172, %get3A_173] {strides = array<i32>} : memref<157x128xi32, #tpu.memory_space<vmem>>, vector<1x16xi32>,
      %get3A_175 = vector.shape_cast %get3A_174 : vector<1x16xi32> to vector<16xi32>
      %sub3A_176 = vector.broadcast %mul3A_12 : i32 to vector<16xi32>
      %sub3A_177 = arith.subi %get3A_175, %sub3A_176 : vector<16xi32>
      %ge3A_178 = arith.constant 0 : i32
      %ge3A_179 = vector.broadcast %ge3A_178 : i32 to vector<16xi32>
      %ge3A_180 = arith.cmpi sge, %sub3A_177, %ge3A_179 : vector<16xi32>
      %lt3A_181 = arith.constant 5056 : i32
      %lt3A_182 = vector.broadcast %lt3A_181 : i32 to vector<16xi32>
      %lt3A_183 = arith.cmpi slt, %sub3A_177, %lt3A_182 : vector<16xi32>
      %and3A_184 = arith.andi %ge3A_180, %lt3A_183 : vector<16xi1>
      %jit3A_185 = arith.constant 5056 : i32
      %broadcast_in_dim3A_186 = vector.broadcast %jit3A_185 : i32 to vector<16xi32>
      %select_n3A_187 = arith.select %and3A_184, %sub3A_177, %broadcast_in_dim3A_186 : vector<16xi1>, vector<16xi32>
      %swap3A_188 = arith.constant 112 : index
      %swap3A_189 = tpu.vector_load %arg8[%swap3A_188] {strides = array<i32>} : memref<128xi32, #tpu.memory_space<vmem>>, vector<16xi32>,
      %swap3A_190 = vector.shape_cast %swap3A_189 : vector<16xi32> to vector<16xi32>
      %swap3A_191 = vector.shape_cast %select_n3A_187 : vector<16xi32> to vector<16xi32>
      tpu.vector_store %arg8[%swap3A_188], %swap3A_191 {strides = array<i32>} : memref<128xi32, #tpu.memory_space<vmem>>, vector<16xi32>,
      "tpu.region"() ({
        %run_scoped3A = tpu.sem_alloc : memref<!tpu.dma_semaphore, #tpu.memory_space<semaphore_mem>>
        %dma_start3A_197 = arith.constant 0 : i32
        %dma_start3A_198 = arith.constant 0 : i32
        %dma_start3A_199 = tpu.memref_slice %arg11[%dma_start3A_197, %dma_start3A_198] : memref<5248x128xf32, #tpu.memory_space<vmem_shared>> -> memref<5248x128xf32, #tpu.memory_space<vmem_shared>>
        tpu.enqueue_indirect_dma source(%arg9 : memref<128x128xf32, #tpu.memory_space<vmem>>) target(%dma_start3A_199 : memref<5248x128xf32, #tpu.memory_space<vmem_shared>>) offsets(%arg8 : memref<128xi32, #tpu.memory_space<vmem>>) semaphore(%run_scoped3A : memref<!tpu.dma_semaphore, #tpu.memory_space<semaphore_mem>>) {add = true}
        %dma_wait3A_200 = arith.constant 0 : i32
        %dma_wait3A_201 = arith.constant 0 : i32
        %dma_wait3A_202 = tpu.memref_slice %arg11[%dma_wait3A_200, %dma_wait3A_201] : memref<5248x128xf32, #tpu.memory_space<vmem_shared>> -> memref<5248x128xf32, #tpu.memory_space<vmem_shared>>
        tpu.wait_indirect_dma semaphore(%run_scoped3A : memref<!tpu.dma_semaphore, #tpu.memory_space<semaphore_mem>>) src(%arg9 : memref<128x128xf32, #tpu.memory_space<vmem>>) dst(%dma_wait3A_202 : memref<5248x128xf32, #tpu.memory_space<vmem_shared>>)
        tpu.yield
      }) : () -> ()
      %lt3A_192 = arith.constant 157 : i32
      %lt3A_193 = arith.cmpi slt, %add3A_32, %lt3A_192 : i32
      %convert_element_type3A_194 = arith.extui %lt3A_193 : i1 to i32
      %cond3A_195 = arith.constant 0 : i32
      %cond3A_196 = arith.cmpi ne, %convert_element_type3A_194, %cond3A_195 : i32
      scf.if %cond3A_196 {
        %add3A_197 = arith.constant 1 : i32
        %add3A_198 = arith.addi %add3A_32, %add3A_197 : i32
        %lt3A_199 = arith.constant 157 : i32
        %lt3A_200 = arith.cmpi slt, %add3A_198, %lt3A_199 : i32
        %convert_element_type3A_201 = arith.extui %lt3A_200 : i1 to i32
        %cond3A_202 = arith.constant 0 : i32
        %cond3A_203 = arith.cmpi ne, %convert_element_type3A_201, %cond3A_202 : i32
        scf.if %cond3A_203 {
          %add3A_370 = arith.constant 1 : i32
          %add3A_371 = arith.addi %add3A_32, %add3A_370 : i32
          %dma_start3A_372 = arith.constant 0 : i32
          %dma_start3A_373 = tpu.memref_slice %arg6[%add3A_371, %dma_start3A_372] : memref<157x128xi32, #tpu.memory_space<vmem>> -> memref<1x128xi32, #tpu.memory_space<vmem>>
          %dma_start3A_374 = tpu.memref_squeeze %dma_start3A_373 : memref<1x128xi32, #tpu.memory_space<vmem>> -> memref<128xi32, #tpu.memory_space<vmem>>
          %dma_start3A_375 = arith.constant 0 : i32
          %dma_start3A_376 = arith.constant 0 : i32
          %dma_start3A_377 = tpu.memref_slice %arg2[%dma_start3A_375, %dma_start3A_376] : memref<10112x128xf32, #tpu.memory_space<hbm>> -> memref<10112x128xf32, #tpu.memory_space<hbm>>
          tpu.enqueue_indirect_dma source(%dma_start3A_377 : memref<10112x128xf32, #tpu.memory_space<hbm>>) target(%arg9 : memref<128x128xf32, #tpu.memory_space<vmem>>) offsets(%dma_start3A_374 : memref<128xi32, #tpu.memory_space<vmem>>) semaphore(%arg12 : memref<!tpu.dma_semaphore, #tpu.memory_space<semaphore_mem>>)
        } else {
        }
        %dma_wait3A_204 = arith.constant 0 : i32
        %dma_wait3A_205 = tpu.memref_slice %arg6[%add3A_32, %dma_wait3A_204] : memref<157x128xi32, #tpu.memory_space<vmem>> -> memref<1x128xi32, #tpu.memory_space<vmem>>
        %dma_wait3A_206 = tpu.memref_squeeze %dma_wait3A_205 : memref<1x128xi32, #tpu.memory_space<vmem>> -> memref<128xi32, #tpu.memory_space<vmem>>
        %dma_wait3A_207 = arith.constant 0 : i32
        %dma_wait3A_208 = arith.constant 0 : i32
        %dma_wait3A_209 = tpu.memref_slice %arg2[%dma_wait3A_207, %dma_wait3A_208] : memref<10112x128xf32, #tpu.memory_space<hbm>> -> memref<10112x128xf32, #tpu.memory_space<hbm>>
        tpu.wait_indirect_dma semaphore(%arg12 : memref<!tpu.dma_semaphore, #tpu.memory_space<semaphore_mem>>) src(%dma_wait3A_209 : memref<10112x128xf32, #tpu.memory_space<hbm>>) dst(%arg10 : memref<128x128xf32, #tpu.memory_space<vmem>>)
        %get3A_210 = arith.index_cast %add3A_32 : i32 to index
        %get3A_211 = arith.constant 0 : index
        %get3A_212 = tpu.vector_load %arg7[%get3A_210, %get3A_211] {strides = array<i32>} : memref<157x128xi32, #tpu.memory_space<vmem>>, vector<1x16xi32>,
        %get3A_213 = vector.shape_cast %get3A_212 : vector<1x16xi32> to vector<16xi32>
        %sub3A_214 = vector.broadcast %mul3A_12 : i32 to vector<16xi32>
        %sub3A_215 = arith.subi %get3A_213, %sub3A_214 : vector<16xi32>
        %ge3A_216 = arith.constant 0 : i32
        %ge3A_217 = vector.broadcast %ge3A_216 : i32 to vector<16xi32>
        %ge3A_218 = arith.cmpi sge, %sub3A_215, %ge3A_217 : vector<16xi32>
        %lt3A_219 = arith.constant 5056 : i32
        %lt3A_220 = vector.broadcast %lt3A_219 : i32 to vector<16xi32>
        %lt3A_221 = arith.cmpi slt, %sub3A_215, %lt3A_220 : vector<16xi32>
        %and3A_222 = arith.andi %ge3A_218, %lt3A_221 : vector<16xi1>
        %jit3A_223 = arith.constant 5056 : i32
        %broadcast_in_dim3A_224 = vector.broadcast %jit3A_223 : i32 to vector<16xi32>
        %select_n3A_225 = arith.select %and3A_222, %sub3A_215, %broadcast_in_dim3A_224 : vector<16xi1>, vector<16xi32>
        %swap3A_226 = arith.constant 0 : index
        %swap3A_227 = tpu.vector_load %arg8[%swap3A_226] {strides = array<i32>} : memref<128xi32, #tpu.memory_space<vmem>>, vector<16xi32>,
        %swap3A_228 = vector.shape_cast %swap3A_227 : vector<16xi32> to vector<16xi32>
        %swap3A_229 = vector.shape_cast %select_n3A_225 : vector<16xi32> to vector<16xi32>
        tpu.vector_store %arg8[%swap3A_226], %swap3A_229 {strides = array<i32>} : memref<128xi32, #tpu.memory_space<vmem>>, vector<16xi32>,
        %get3A_230 = arith.index_cast %add3A_32 : i32 to index
        %get3A_231 = arith.constant 16 : index
        %get3A_232 = tpu.vector_load %arg7[%get3A_230, %get3A_231] {strides = array<i32>} : memref<157x128xi32, #tpu.memory_space<vmem>>, vector<1x16xi32>,
        %get3A_233 = vector.shape_cast %get3A_232 : vector<1x16xi32> to vector<16xi32>
        %sub3A_234 = vector.broadcast %mul3A_12 : i32 to vector<16xi32>
        %sub3A_235 = arith.subi %get3A_233, %sub3A_234 : vector<16xi32>
        %ge3A_236 = arith.constant 0 : i32
        %ge3A_237 = vector.broadcast %ge3A_236 : i32 to vector<16xi32>
        %ge3A_238 = arith.cmpi sge, %sub3A_235, %ge3A_237 : vector<16xi32>
        %lt3A_239 = arith.constant 5056 : i32
        %lt3A_240 = vector.broadcast %lt3A_239 : i32 to vector<16xi32>
        %lt3A_241 = arith.cmpi slt, %sub3A_235, %lt3A_240 : vector<16xi32>
        %and3A_242 = arith.andi %ge3A_238, %lt3A_241 : vector<16xi1>
        %jit3A_243 = arith.constant 5056 : i32
        %broadcast_in_dim3A_244 = vector.broadcast %jit3A_243 : i32 to vector<16xi32>
        %select_n3A_245 = arith.select %and3A_242, %sub3A_235, %broadcast_in_dim3A_244 : vector<16xi1>, vector<16xi32>
        %swap3A_246 = arith.constant 16 : index
        %swap3A_247 = tpu.vector_load %arg8[%swap3A_246] {strides = array<i32>} : memref<128xi32, #tpu.memory_space<vmem>>, vector<16xi32>,
        %swap3A_248 = vector.shape_cast %swap3A_247 : vector<16xi32> to vector<16xi32>
        %swap3A_249 = vector.shape_cast %select_n3A_245 : vector<16xi32> to vector<16xi32>
        tpu.vector_store %arg8[%swap3A_246], %swap3A_249 {strides = array<i32>} : memref<128xi32, #tpu.memory_space<vmem>>, vector<16xi32>,
        %get3A_250 = arith.index_cast %add3A_32 : i32 to index
        %get3A_251 = arith.constant 32 : index
        %get3A_252 = tpu.vector_load %arg7[%get3A_250, %get3A_251] {strides = array<i32>} : memref<157x128xi32, #tpu.memory_space<vmem>>, vector<1x16xi32>,
        %get3A_253 = vector.shape_cast %get3A_252 : vector<1x16xi32> to vector<16xi32>
        %sub3A_254 = vector.broadcast %mul3A_12 : i32 to vector<16xi32>
        %sub3A_255 = arith.subi %get3A_253, %sub3A_254 : vector<16xi32>
        %ge3A_256 = arith.constant 0 : i32
        %ge3A_257 = vector.broadcast %ge3A_256 : i32 to vector<16xi32>
        %ge3A_258 = arith.cmpi sge, %sub3A_255, %ge3A_257 : vector<16xi32>
        %lt3A_259 = arith.constant 5056 : i32
        %lt3A_260 = vector.broadcast %lt3A_259 : i32 to vector<16xi32>
        %lt3A_261 = arith.cmpi slt, %sub3A_255, %lt3A_260 : vector<16xi32>
        %and3A_262 = arith.andi %ge3A_258, %lt3A_261 : vector<16xi1>
        %jit3A_263 = arith.constant 5056 : i32
        %broadcast_in_dim3A_264 = vector.broadcast %jit3A_263 : i32 to vector<16xi32>
        %select_n3A_265 = arith.select %and3A_262, %sub3A_255, %broadcast_in_dim3A_264 : vector<16xi1>, vector<16xi32>
        %swap3A_266 = arith.constant 32 : index
        %swap3A_267 = tpu.vector_load %arg8[%swap3A_266] {strides = array<i32>} : memref<128xi32, #tpu.memory_space<vmem>>, vector<16xi32>,
        %swap3A_268 = vector.shape_cast %swap3A_267 : vector<16xi32> to vector<16xi32>
        %swap3A_269 = vector.shape_cast %select_n3A_265 : vector<16xi32> to vector<16xi32>
        tpu.vector_store %arg8[%swap3A_266], %swap3A_269 {strides = array<i32>} : memref<128xi32, #tpu.memory_space<vmem>>, vector<16xi32>,
        %get3A_270 = arith.index_cast %add3A_32 : i32 to index
        %get3A_271 = arith.constant 48 : index
        %get3A_272 = tpu.vector_load %arg7[%get3A_270, %get3A_271] {strides = array<i32>} : memref<157x128xi32, #tpu.memory_space<vmem>>, vector<1x16xi32>,
        %get3A_273 = vector.shape_cast %get3A_272 : vector<1x16xi32> to vector<16xi32>
        %sub3A_274 = vector.broadcast %mul3A_12 : i32 to vector<16xi32>
        %sub3A_275 = arith.subi %get3A_273, %sub3A_274 : vector<16xi32>
        %ge3A_276 = arith.constant 0 : i32
        %ge3A_277 = vector.broadcast %ge3A_276 : i32 to vector<16xi32>
        %ge3A_278 = arith.cmpi sge, %sub3A_275, %ge3A_277 : vector<16xi32>
        %lt3A_279 = arith.constant 5056 : i32
        %lt3A_280 = vector.broadcast %lt3A_279 : i32 to vector<16xi32>
        %lt3A_281 = arith.cmpi slt, %sub3A_275, %lt3A_280 : vector<16xi32>
        %and3A_282 = arith.andi %ge3A_278, %lt3A_281 : vector<16xi1>
        %jit3A_283 = arith.constant 5056 : i32
        %broadcast_in_dim3A_284 = vector.broadcast %jit3A_283 : i32 to vector<16xi32>
        %select_n3A_285 = arith.select %and3A_282, %sub3A_275, %broadcast_in_dim3A_284 : vector<16xi1>, vector<16xi32>
        %swap3A_286 = arith.constant 48 : index
        %swap3A_287 = tpu.vector_load %arg8[%swap3A_286] {strides = array<i32>} : memref<128xi32, #tpu.memory_space<vmem>>, vector<16xi32>,
        %swap3A_288 = vector.shape_cast %swap3A_287 : vector<16xi32> to vector<16xi32>
        %swap3A_289 = vector.shape_cast %select_n3A_285 : vector<16xi32> to vector<16xi32>
        tpu.vector_store %arg8[%swap3A_286], %swap3A_289 {strides = array<i32>} : memref<128xi32, #tpu.memory_space<vmem>>, vector<16xi32>,
        %get3A_290 = arith.index_cast %add3A_32 : i32 to index
        %get3A_291 = arith.constant 64 : index
        %get3A_292 = tpu.vector_load %arg7[%get3A_290, %get3A_291] {strides = array<i32>} : memref<157x128xi32, #tpu.memory_space<vmem>>, vector<1x16xi32>,
        %get3A_293 = vector.shape_cast %get3A_292 : vector<1x16xi32> to vector<16xi32>
        %sub3A_294 = vector.broadcast %mul3A_12 : i32 to vector<16xi32>
        %sub3A_295 = arith.subi %get3A_293, %sub3A_294 : vector<16xi32>
        %ge3A_296 = arith.constant 0 : i32
        %ge3A_297 = vector.broadcast %ge3A_296 : i32 to vector<16xi32>
        %ge3A_298 = arith.cmpi sge, %sub3A_295, %ge3A_297 : vector<16xi32>
        %lt3A_299 = arith.constant 5056 : i32
        %lt3A_300 = vector.broadcast %lt3A_299 : i32 to vector<16xi32>
        %lt3A_301 = arith.cmpi slt, %sub3A_295, %lt3A_300 : vector<16xi32>
        %and3A_302 = arith.andi %ge3A_298, %lt3A_301 : vector<16xi1>
        %jit3A_303 = arith.constant 5056 : i32
        %broadcast_in_dim3A_304 = vector.broadcast %jit3A_303 : i32 to vector<16xi32>
        %select_n3A_305 = arith.select %and3A_302, %sub3A_295, %broadcast_in_dim3A_304 : vector<16xi1>, vector<16xi32>
        %swap3A_306 = arith.constant 64 : index
        %swap3A_307 = tpu.vector_load %arg8[%swap3A_306] {strides = array<i32>} : memref<128xi32, #tpu.memory_space<vmem>>, vector<16xi32>,
        %swap3A_308 = vector.shape_cast %swap3A_307 : vector<16xi32> to vector<16xi32>
        %swap3A_309 = vector.shape_cast %select_n3A_305 : vector<16xi32> to vector<16xi32>
        tpu.vector_store %arg8[%swap3A_306], %swap3A_309 {strides = array<i32>} : memref<128xi32, #tpu.memory_space<vmem>>, vector<16xi32>,
        %get3A_310 = arith.index_cast %add3A_32 : i32 to index
        %get3A_311 = arith.constant 80 : index
        %get3A_312 = tpu.vector_load %arg7[%get3A_310, %get3A_311] {strides = array<i32>} : memref<157x128xi32, #tpu.memory_space<vmem>>, vector<1x16xi32>,
        %get3A_313 = vector.shape_cast %get3A_312 : vector<1x16xi32> to vector<16xi32>
        %sub3A_314 = vector.broadcast %mul3A_12 : i32 to vector<16xi32>
        %sub3A_315 = arith.subi %get3A_313, %sub3A_314 : vector<16xi32>
        %ge3A_316 = arith.constant 0 : i32
        %ge3A_317 = vector.broadcast %ge3A_316 : i32 to vector<16xi32>
        %ge3A_318 = arith.cmpi sge, %sub3A_315, %ge3A_317 : vector<16xi32>
        %lt3A_319 = arith.constant 5056 : i32
        %lt3A_320 = vector.broadcast %lt3A_319 : i32 to vector<16xi32>
        %lt3A_321 = arith.cmpi slt, %sub3A_315, %lt3A_320 : vector<16xi32>
        %and3A_322 = arith.andi %ge3A_318, %lt3A_321 : vector<16xi1>
        %jit3A_323 = arith.constant 5056 : i32
        %broadcast_in_dim3A_324 = vector.broadcast %jit3A_323 : i32 to vector<16xi32>
        %select_n3A_325 = arith.select %and3A_322, %sub3A_315, %broadcast_in_dim3A_324 : vector<16xi1>, vector<16xi32>
        %swap3A_326 = arith.constant 80 : index
        %swap3A_327 = tpu.vector_load %arg8[%swap3A_326] {strides = array<i32>} : memref<128xi32, #tpu.memory_space<vmem>>, vector<16xi32>,
        %swap3A_328 = vector.shape_cast %swap3A_327 : vector<16xi32> to vector<16xi32>
        %swap3A_329 = vector.shape_cast %select_n3A_325 : vector<16xi32> to vector<16xi32>
        tpu.vector_store %arg8[%swap3A_326], %swap3A_329 {strides = array<i32>} : memref<128xi32, #tpu.memory_space<vmem>>, vector<16xi32>,
        %get3A_330 = arith.index_cast %add3A_32 : i32 to index
        %get3A_331 = arith.constant 96 : index
        %get3A_332 = tpu.vector_load %arg7[%get3A_330, %get3A_331] {strides = array<i32>} : memref<157x128xi32, #tpu.memory_space<vmem>>, vector<1x16xi32>,
        %get3A_333 = vector.shape_cast %get3A_332 : vector<1x16xi32> to vector<16xi32>
        %sub3A_334 = vector.broadcast %mul3A_12 : i32 to vector<16xi32>
        %sub3A_335 = arith.subi %get3A_333, %sub3A_334 : vector<16xi32>
        %ge3A_336 = arith.constant 0 : i32
        %ge3A_337 = vector.broadcast %ge3A_336 : i32 to vector<16xi32>
        %ge3A_338 = arith.cmpi sge, %sub3A_335, %ge3A_337 : vector<16xi32>
        %lt3A_339 = arith.constant 5056 : i32
        %lt3A_340 = vector.broadcast %lt3A_339 : i32 to vector<16xi32>
        %lt3A_341 = arith.cmpi slt, %sub3A_335, %lt3A_340 : vector<16xi32>
        %and3A_342 = arith.andi %ge3A_338, %lt3A_341 : vector<16xi1>
        %jit3A_343 = arith.constant 5056 : i32
        %broadcast_in_dim3A_344 = vector.broadcast %jit3A_343 : i32 to vector<16xi32>
        %select_n3A_345 = arith.select %and3A_342, %sub3A_335, %broadcast_in_dim3A_344 : vector<16xi1>, vector<16xi32>
        %swap3A_346 = arith.constant 96 : index
        %swap3A_347 = tpu.vector_load %arg8[%swap3A_346] {strides = array<i32>} : memref<128xi32, #tpu.memory_space<vmem>>, vector<16xi32>,
        %swap3A_348 = vector.shape_cast %swap3A_347 : vector<16xi32> to vector<16xi32>
        %swap3A_349 = vector.shape_cast %select_n3A_345 : vector<16xi32> to vector<16xi32>
        tpu.vector_store %arg8[%swap3A_346], %swap3A_349 {strides = array<i32>} : memref<128xi32, #tpu.memory_space<vmem>>, vector<16xi32>,
        %get3A_350 = arith.index_cast %add3A_32 : i32 to index
        %get3A_351 = arith.constant 112 : index
        %get3A_352 = tpu.vector_load %arg7[%get3A_350, %get3A_351] {strides = array<i32>} : memref<157x128xi32, #tpu.memory_space<vmem>>, vector<1x16xi32>,
        %get3A_353 = vector.shape_cast %get3A_352 : vector<1x16xi32> to vector<16xi32>
        %sub3A_354 = vector.broadcast %mul3A_12 : i32 to vector<16xi32>
        %sub3A_355 = arith.subi %get3A_353, %sub3A_354 : vector<16xi32>
        %ge3A_356 = arith.constant 0 : i32
        %ge3A_357 = vector.broadcast %ge3A_356 : i32 to vector<16xi32>
        %ge3A_358 = arith.cmpi sge, %sub3A_355, %ge3A_357 : vector<16xi32>
        %lt3A_359 = arith.constant 5056 : i32
        %lt3A_360 = vector.broadcast %lt3A_359 : i32 to vector<16xi32>
        %lt3A_361 = arith.cmpi slt, %sub3A_355, %lt3A_360 : vector<16xi32>
        %and3A_362 = arith.andi %ge3A_358, %lt3A_361 : vector<16xi1>
        %jit3A_363 = arith.constant 5056 : i32
        %broadcast_in_dim3A_364 = vector.broadcast %jit3A_363 : i32 to vector<16xi32>
        %select_n3A_365 = arith.select %and3A_362, %sub3A_355, %broadcast_in_dim3A_364 : vector<16xi1>, vector<16xi32>
        %swap3A_366 = arith.constant 112 : index
        %swap3A_367 = tpu.vector_load %arg8[%swap3A_366] {strides = array<i32>} : memref<128xi32, #tpu.memory_space<vmem>>, vector<16xi32>,
        %swap3A_368 = vector.shape_cast %swap3A_367 : vector<16xi32> to vector<16xi32>
        %swap3A_369 = vector.shape_cast %select_n3A_365 : vector<16xi32> to vector<16xi32>
        tpu.vector_store %arg8[%swap3A_366], %swap3A_369 {strides = array<i32>} : memref<128xi32, #tpu.memory_space<vmem>>, vector<16xi32>,
        "tpu.region"() ({
          %run_scoped3A = tpu.sem_alloc : memref<!tpu.dma_semaphore, #tpu.memory_space<semaphore_mem>>
          %dma_start3A_370 = arith.constant 0 : i32
          %dma_start3A_371 = arith.constant 0 : i32
          %dma_start3A_372 = tpu.memref_slice %arg11[%dma_start3A_370, %dma_start3A_371] : memref<5248x128xf32, #tpu.memory_space<vmem_shared>> -> memref<5248x128xf32, #tpu.memory_space<vmem_shared>>
          tpu.enqueue_indirect_dma source(%arg10 : memref<128x128xf32, #tpu.memory_space<vmem>>) target(%dma_start3A_372 : memref<5248x128xf32, #tpu.memory_space<vmem_shared>>) offsets(%arg8 : memref<128xi32, #tpu.memory_space<vmem>>) semaphore(%run_scoped3A : memref<!tpu.dma_semaphore, #tpu.memory_space<semaphore_mem>>) {add = true}
          %dma_wait3A_373 = arith.constant 0 : i32
          %dma_wait3A_374 = arith.constant 0 : i32
          %dma_wait3A_375 = tpu.memref_slice %arg11[%dma_wait3A_373, %dma_wait3A_374] : memref<5248x128xf32, #tpu.memory_space<vmem_shared>> -> memref<5248x128xf32, #tpu.memory_space<vmem_shared>>
          tpu.wait_indirect_dma semaphore(%run_scoped3A : memref<!tpu.dma_semaphore, #tpu.memory_space<semaphore_mem>>) src(%arg10 : memref<128x128xf32, #tpu.memory_space<vmem>>) dst(%dma_wait3A_375 : memref<5248x128xf32, #tpu.memory_space<vmem_shared>>)
          tpu.yield
        }) : () -> ()
      } else {
      }
    }
    %scan3A_24 = arith.constant 79 : i32
    %barrier3A_25 = arith.constant 0 : index
    tpu.barrier barrier_id(%barrier3A_25)
    "tpu.region"() ({
      %run_scoped3A = tpu.sem_alloc : memref<!tpu.dma_semaphore, #tpu.memory_space<semaphore_mem>>
      %dma_start3A_26 = arith.constant 0 : i32
      %dma_start3A_27 = tpu.memref_slice %arg5[%arg0, %mul3A_0, %dma_start3A_26] : memref<2x5248x128xf32, #tpu.memory_space<hbm>> -> memref<1x328x128xf32, #tpu.memory_space<hbm>>
      %dma_start3A_28 = tpu.memref_squeeze %dma_start3A_27 : memref<1x328x128xf32, #tpu.memory_space<hbm>> -> memref<328x128xf32, #tpu.memory_space<hbm>>
      %dma_start3A_29 = arith.constant 0 : i32
      %dma_start3A_30 = tpu.memref_slice %arg11[%mul3A_0, %dma_start3A_29] : memref<5248x128xf32, #tpu.memory_space<vmem_shared>> -> memref<328x128xf32, #tpu.memory_space<vmem_shared>>
      tpu.enqueue_dma source(%dma_start3A_30 : memref<328x128xf32, #tpu.memory_space<vmem_shared>>) target(%dma_start3A_28 : memref<328x128xf32, #tpu.memory_space<hbm>>) target_semaphore(%run_scoped3A : memref<!tpu.dma_semaphore, #tpu.memory_space<semaphore_mem>>)
      %dma_wait3A = arith.constant 0 : i32
      %dma_wait3A_31 = tpu.memref_slice %arg5[%arg0, %mul3A_0, %dma_wait3A] : memref<2x5248x128xf32, #tpu.memory_space<hbm>> -> memref<1x328x128xf32, #tpu.memory_space<hbm>>
      %dma_wait3A_32 = tpu.memref_squeeze %dma_wait3A_31 : memref<1x328x128xf32, #tpu.memory_space<hbm>> -> memref<328x128xf32, #tpu.memory_space<hbm>>
      %dma_wait3A_33 = arith.constant 0 : i32
      %dma_wait3A_34 = tpu.memref_slice %arg11[%mul3A_0, %dma_wait3A_33] : memref<5248x128xf32, #tpu.memory_space<vmem_shared>> -> memref<328x128xf32, #tpu.memory_space<vmem_shared>>
      tpu.wait_dma2 semaphore(%run_scoped3A : memref<!tpu.dma_semaphore, #tpu.memory_space<semaphore_mem>>) src(%dma_wait3A_34 : memref<328x128xf32, #tpu.memory_space<vmem_shared>>) dst(%dma_wait3A_32 : memref<328x128xf32, #tpu.memory_space<hbm>>)
      tpu.yield
    }) : () -> ()
    return
  }
}

#map = affine_map<(d0, d1) -> (0, 0)>
module attributes {stable_mosaic.version = 14 : i64} {
  func.func @_sc_u_body(%arg0: i32, %arg1: i32, %arg2: memref<10000x32xf32, #tpu.memory_space<hbm>>, %arg3: memref<2560x10000xi32, #tpu.memory_space<hbm>>, %arg4: memref<8x10000xi32, #tpu.memory_space<vmem>>) attributes {dimension_semantics = [#tpu.dimension_semantics<core_parallel>, #tpu.dimension_semantics<subcore_parallel>], iteration_bounds = array<i64: 2, 16>, scalar_prefetch = 0 : i64, scratch_operands = 1 : i64, tpu.core_type = #tpu.core_type<sc_vector_subcore>, window_params = [{transform_indices = #map}, {transform_indices = #map}]} {
    %mul3A = arith.constant 16 : i32
    %mul3A_0 = arith.muli %arg0, %mul3A : i32
    %add3A = arith.addi %mul3A_0, %arg1 : i32
    %mul3A_1 = arith.constant 80 : i32
    %mul3A_2 = arith.muli %add3A, %mul3A_1 : i32
    %iota3A = tpu.iota {dimensions = array<i32: 0>} : vector<16xi32>
    %broadcast_in_dim3A = arith.constant 1 : i32
    %broadcast_in_dim3A_3 = vector.broadcast %broadcast_in_dim3A : i32 to vector<16xi32>
    %broadcast_in_dim3A_4 = arith.constant 466688987 : i32
    %broadcast_in_dim3A_5 = vector.broadcast %broadcast_in_dim3A_4 : i32 to vector<16xi32>
    %scan3A = arith.constant 0 : i32
    %scan3A_6 = arith.constant 0 : i32
    %scan3A_7 = arith.constant 10 : i32
    %scan3A_8 = arith.addi %scan3A_6, %scan3A_7 : i32
    %scan3A_9 = arith.constant 1 : i32
    scf.for %scan3A_11 = %scan3A_6 to %scan3A_8 step %scan3A_9  : i32 {
      %mul3A_12 = arith.constant 8 : i32
      %mul3A_13 = arith.muli %scan3A_11, %mul3A_12 : i32
      %add3A_14 = arith.addi %mul3A_2, %mul3A_13 : i32
      %mul3A_15 = arith.constant 10000 : i32
      %mul3A_16 = arith.muli %add3A_14, %mul3A_15 : i32
      %scan3A_17 = arith.constant 0 : i32
      %scan3A_18 = arith.constant 0 : i32
      %scan3A_19 = arith.constant 5000 : i32
      %scan3A_20 = arith.addi %scan3A_18, %scan3A_19 : i32
      %scan3A_21 = arith.constant 1 : i32
      scf.for %scan3A_26 = %scan3A_18 to %scan3A_20 step %scan3A_21  : i32 {
        %broadcast_in_dim3A_27 = arith.constant 1 : i32
        %broadcast_in_dim3A_28 = vector.broadcast %broadcast_in_dim3A_27 : i32 to vector<16xi32>
        %mul3A_29 = arith.constant 16 : i32
        %mul3A_30 = arith.muli %scan3A_26, %mul3A_29 : i32
        %add3A_31 = arith.addi %mul3A_16, %mul3A_30 : i32
        %mul3A_32 = vector.broadcast %add3A_31 : i32 to vector<16xi32>
        %mul3A_33 = arith.muli %broadcast_in_dim3A_28, %mul3A_32 : vector<16xi32>
        %add3A_34 = arith.addi %mul3A_33, %iota3A : vector<16xi32>
        %broadcast_in_dim3A_35 = arith.constant 0 : i32
        %broadcast_in_dim3A_36 = vector.broadcast %broadcast_in_dim3A_35 : i32 to vector<16xi32>
        %add3A_37 = arith.addi %add3A_34, %broadcast_in_dim3A_3 : vector<16xi32>
        %add3A_38 = arith.addi %broadcast_in_dim3A_36, %add3A_37 : vector<16xi32>
        %shift_left3A = arith.constant 13 : i32
        %shift_left3A_39 = vector.broadcast %shift_left3A : i32 to vector<16xi32>
        %shift_left3A_40 = arith.shli %add3A_37, %shift_left3A_39 : vector<16xi32>
        %shift_right_logical3A = arith.constant 19 : i32
        %shift_right_logical3A_41 = vector.broadcast %shift_right_logical3A : i32 to vector<16xi32>
        %shift_right_logical3A_42 = arith.shrui %add3A_37, %shift_right_logical3A_41 : vector<16xi32>
        %or3A = arith.ori %shift_left3A_40, %shift_right_logical3A_42 : vector<16xi32>
        %xor3A = arith.xori %or3A, %add3A_38 : vector<16xi32>
        %add3A_43 = arith.addi %add3A_38, %xor3A : vector<16xi32>
        %shift_left3A_44 = arith.constant 15 : i32
        %shift_left3A_45 = vector.broadcast %shift_left3A_44 : i32 to vector<16xi32>
        %shift_left3A_46 = arith.shli %xor3A, %shift_left3A_45 : vector<16xi32>
        %shift_right_logical3A_47 = arith.constant 17 : i32
        %shift_right_logical3A_48 = vector.broadcast %shift_right_logical3A_47 : i32 to vector<16xi32>
        %shift_right_logical3A_49 = arith.shrui %xor3A, %shift_right_logical3A_48 : vector<16xi32>
        %or3A_50 = arith.ori %shift_left3A_46, %shift_right_logical3A_49 : vector<16xi32>
        %xor3A_51 = arith.xori %or3A_50, %add3A_43 : vector<16xi32>
        %add3A_52 = arith.addi %add3A_43, %xor3A_51 : vector<16xi32>
        %shift_left3A_53 = arith.constant 26 : i32
        %shift_left3A_54 = vector.broadcast %shift_left3A_53 : i32 to vector<16xi32>
        %shift_left3A_55 = arith.shli %xor3A_51, %shift_left3A_54 : vector<16xi32>
        %shift_right_logical3A_56 = arith.constant 6 : i32
        %shift_right_logical3A_57 = vector.broadcast %shift_right_logical3A_56 : i32 to vector<16xi32>
        %shift_right_logical3A_58 = arith.shrui %xor3A_51, %shift_right_logical3A_57 : vector<16xi32>
        %or3A_59 = arith.ori %shift_left3A_55, %shift_right_logical3A_58 : vector<16xi32>
        %xor3A_60 = arith.xori %or3A_59, %add3A_52 : vector<16xi32>
        %add3A_61 = arith.addi %add3A_52, %xor3A_60 : vector<16xi32>
        %shift_left3A_62 = arith.constant 6 : i32
        %shift_left3A_63 = vector.broadcast %shift_left3A_62 : i32 to vector<16xi32>
        %shift_left3A_64 = arith.shli %xor3A_60, %shift_left3A_63 : vector<16xi32>
        %shift_right_logical3A_65 = arith.constant 26 : i32
        %shift_right_logical3A_66 = vector.broadcast %shift_right_logical3A_65 : i32 to vector<16xi32>
        %shift_right_logical3A_67 = arith.shrui %xor3A_60, %shift_right_logical3A_66 : vector<16xi32>
        %or3A_68 = arith.ori %shift_left3A_64, %shift_right_logical3A_67 : vector<16xi32>
        %xor3A_69 = arith.xori %or3A_68, %add3A_61 : vector<16xi32>
        %add3A_70 = arith.addi %add3A_61, %broadcast_in_dim3A_3 : vector<16xi32>
        %add3A_71 = arith.addi %xor3A_69, %broadcast_in_dim3A_5 : vector<16xi32>
        %add3A_72 = arith.constant 1 : i32
        %add3A_73 = vector.broadcast %add3A_72 : i32 to vector<16xi32>
        %add3A_74 = arith.addi %add3A_71, %add3A_73 : vector<16xi32>
        %add3A_75 = arith.addi %add3A_70, %add3A_74 : vector<16xi32>
        %shift_left3A_76 = arith.constant 17 : i32
        %shift_left3A_77 = vector.broadcast %shift_left3A_76 : i32 to vector<16xi32>
        %shift_left3A_78 = arith.shli %add3A_74, %shift_left3A_77 : vector<16xi32>
        %shift_right_logical3A_79 = arith.constant 15 : i32
        %shift_right_logical3A_80 = vector.broadcast %shift_right_logical3A_79 : i32 to vector<16xi32>
        %shift_right_logical3A_81 = arith.shrui %add3A_74, %shift_right_logical3A_80 : vector<16xi32>
        %or3A_82 = arith.ori %shift_left3A_78, %shift_right_logical3A_81 : vector<16xi32>
        %xor3A_83 = arith.xori %or3A_82, %add3A_75 : vector<16xi32>
        %add3A_84 = arith.addi %add3A_75, %xor3A_83 : vector<16xi32>
        %shift_left3A_85 = arith.constant 29 : i32
        %shift_left3A_86 = vector.broadcast %shift_left3A_85 : i32 to vector<16xi32>
        %shift_left3A_87 = arith.shli %xor3A_83, %shift_left3A_86 : vector<16xi32>
        %shift_right_logical3A_88 = arith.constant 3 : i32
        %shift_right_logical3A_89 = vector.broadcast %shift_right_logical3A_88 : i32 to vector<16xi32>
        %shift_right_logical3A_90 = arith.shrui %xor3A_83, %shift_right_logical3A_89 : vector<16xi32>
        %or3A_91 = arith.ori %shift_left3A_87, %shift_right_logical3A_90 : vector<16xi32>
        %xor3A_92 = arith.xori %or3A_91, %add3A_84 : vector<16xi32>
        %add3A_93 = arith.addi %add3A_84, %xor3A_92 : vector<16xi32>
        %shift_left3A_94 = arith.constant 16 : i32
        %shift_left3A_95 = vector.broadcast %shift_left3A_94 : i32 to vector<16xi32>
        %shift_left3A_96 = arith.shli %xor3A_92, %shift_left3A_95 : vector<16xi32>
        %shift_right_logical3A_97 = arith.constant 16 : i32
        %shift_right_logical3A_98 = vector.broadcast %shift_right_logical3A_97 : i32 to vector<16xi32>
        %shift_right_logical3A_99 = arith.shrui %xor3A_92, %shift_right_logical3A_98 : vector<16xi32>
        %or3A_100 = arith.ori %shift_left3A_96, %shift_right_logical3A_99 : vector<16xi32>
        %xor3A_101 = arith.xori %or3A_100, %add3A_93 : vector<16xi32>
        %add3A_102 = arith.addi %add3A_93, %xor3A_101 : vector<16xi32>
        %shift_left3A_103 = arith.constant 24 : i32
        %shift_left3A_104 = vector.broadcast %shift_left3A_103 : i32 to vector<16xi32>
        %shift_left3A_105 = arith.shli %xor3A_101, %shift_left3A_104 : vector<16xi32>
        %shift_right_logical3A_106 = arith.constant 8 : i32
        %shift_right_logical3A_107 = vector.broadcast %shift_right_logical3A_106 : i32 to vector<16xi32>
        %shift_right_logical3A_108 = arith.shrui %xor3A_101, %shift_right_logical3A_107 : vector<16xi32>
        %or3A_109 = arith.ori %shift_left3A_105, %shift_right_logical3A_108 : vector<16xi32>
        %xor3A_110 = arith.xori %or3A_109, %add3A_102 : vector<16xi32>
        %add3A_111 = arith.addi %add3A_102, %broadcast_in_dim3A_5 : vector<16xi32>
        %add3A_112 = arith.constant 2 : i32
        %add3A_113 = vector.broadcast %add3A_112 : i32 to vector<16xi32>
        %add3A_114 = arith.addi %xor3A_110, %add3A_113 : vector<16xi32>
        %add3A_115 = arith.addi %add3A_111, %add3A_114 : vector<16xi32>
        %shift_left3A_116 = arith.constant 13 : i32
        %shift_left3A_117 = vector.broadcast %shift_left3A_116 : i32 to vector<16xi32>
        %shift_left3A_118 = arith.shli %add3A_114, %shift_left3A_117 : vector<16xi32>
        %shift_right_logical3A_119 = arith.constant 19 : i32
        %shift_right_logical3A_120 = vector.broadcast %shift_right_logical3A_119 : i32 to vector<16xi32>
        %shift_right_logical3A_121 = arith.shrui %add3A_114, %shift_right_logical3A_120 : vector<16xi32>
        %or3A_122 = arith.ori %shift_left3A_118, %shift_right_logical3A_121 : vector<16xi32>
        %xor3A_123 = arith.xori %or3A_122, %add3A_115 : vector<16xi32>
        %add3A_124 = arith.addi %add3A_115, %xor3A_123 : vector<16xi32>
        %shift_left3A_125 = arith.constant 15 : i32
        %shift_left3A_126 = vector.broadcast %shift_left3A_125 : i32 to vector<16xi32>
        %shift_left3A_127 = arith.shli %xor3A_123, %shift_left3A_126 : vector<16xi32>
        %shift_right_logical3A_128 = arith.constant 17 : i32
        %shift_right_logical3A_129 = vector.broadcast %shift_right_logical3A_128 : i32 to vector<16xi32>
        %shift_right_logical3A_130 = arith.shrui %xor3A_123, %shift_right_logical3A_129 : vector<16xi32>
        %or3A_131 = arith.ori %shift_left3A_127, %shift_right_logical3A_130 : vector<16xi32>
        %xor3A_132 = arith.xori %or3A_131, %add3A_124 : vector<16xi32>
        %add3A_133 = arith.addi %add3A_124, %xor3A_132 : vector<16xi32>
        %shift_left3A_134 = arith.constant 26 : i32
        %shift_left3A_135 = vector.broadcast %shift_left3A_134 : i32 to vector<16xi32>
        %shift_left3A_136 = arith.shli %xor3A_132, %shift_left3A_135 : vector<16xi32>
        %shift_right_logical3A_137 = arith.constant 6 : i32
        %shift_right_logical3A_138 = vector.broadcast %shift_right_logical3A_137 : i32 to vector<16xi32>
        %shift_right_logical3A_139 = arith.shrui %xor3A_132, %shift_right_logical3A_138 : vector<16xi32>
        %or3A_140 = arith.ori %shift_left3A_136, %shift_right_logical3A_139 : vector<16xi32>
        %xor3A_141 = arith.xori %or3A_140, %add3A_133 : vector<16xi32>
        %add3A_142 = arith.addi %add3A_133, %xor3A_141 : vector<16xi32>
        %shift_left3A_143 = arith.constant 6 : i32
        %shift_left3A_144 = vector.broadcast %shift_left3A_143 : i32 to vector<16xi32>
        %shift_left3A_145 = arith.shli %xor3A_141, %shift_left3A_144 : vector<16xi32>
        %shift_right_logical3A_146 = arith.constant 26 : i32
        %shift_right_logical3A_147 = vector.broadcast %shift_right_logical3A_146 : i32 to vector<16xi32>
        %shift_right_logical3A_148 = arith.shrui %xor3A_141, %shift_right_logical3A_147 : vector<16xi32>
        %or3A_149 = arith.ori %shift_left3A_145, %shift_right_logical3A_148 : vector<16xi32>
        %xor3A_150 = arith.xori %or3A_149, %add3A_142 : vector<16xi32>
        %add3A_151 = arith.addi %xor3A_150, %broadcast_in_dim3A_3 : vector<16xi32>
        %add3A_152 = arith.constant 3 : i32
        %add3A_153 = vector.broadcast %add3A_152 : i32 to vector<16xi32>
        %add3A_154 = arith.addi %add3A_151, %add3A_153 : vector<16xi32>
        %add3A_155 = arith.addi %add3A_142, %add3A_154 : vector<16xi32>
        %shift_left3A_156 = arith.constant 17 : i32
        %shift_left3A_157 = vector.broadcast %shift_left3A_156 : i32 to vector<16xi32>
        %shift_left3A_158 = arith.shli %add3A_154, %shift_left3A_157 : vector<16xi32>
        %shift_right_logical3A_159 = arith.constant 15 : i32
        %shift_right_logical3A_160 = vector.broadcast %shift_right_logical3A_159 : i32 to vector<16xi32>
        %shift_right_logical3A_161 = arith.shrui %add3A_154, %shift_right_logical3A_160 : vector<16xi32>
        %or3A_162 = arith.ori %shift_left3A_158, %shift_right_logical3A_161 : vector<16xi32>
        %xor3A_163 = arith.xori %or3A_162, %add3A_155 : vector<16xi32>
        %add3A_164 = arith.addi %add3A_155, %xor3A_163 : vector<16xi32>
        %shift_left3A_165 = arith.constant 29 : i32
        %shift_left3A_166 = vector.broadcast %shift_left3A_165 : i32 to vector<16xi32>
        %shift_left3A_167 = arith.shli %xor3A_163, %shift_left3A_166 : vector<16xi32>
        %shift_right_logical3A_168 = arith.constant 3 : i32
        %shift_right_logical3A_169 = vector.broadcast %shift_right_logical3A_168 : i32 to vector<16xi32>
        %shift_right_logical3A_170 = arith.shrui %xor3A_163, %shift_right_logical3A_169 : vector<16xi32>
        %or3A_171 = arith.ori %shift_left3A_167, %shift_right_logical3A_170 : vector<16xi32>
        %xor3A_172 = arith.xori %or3A_171, %add3A_164 : vector<16xi32>
        %add3A_173 = arith.addi %add3A_164, %xor3A_172 : vector<16xi32>
        %shift_left3A_174 = arith.constant 16 : i32
        %shift_left3A_175 = vector.broadcast %shift_left3A_174 : i32 to vector<16xi32>
        %shift_left3A_176 = arith.shli %xor3A_172, %shift_left3A_175 : vector<16xi32>
        %shift_right_logical3A_177 = arith.constant 16 : i32
        %shift_right_logical3A_178 = vector.broadcast %shift_right_logical3A_177 : i32 to vector<16xi32>
        %shift_right_logical3A_179 = arith.shrui %xor3A_172, %shift_right_logical3A_178 : vector<16xi32>
        %or3A_180 = arith.ori %shift_left3A_176, %shift_right_logical3A_179 : vector<16xi32>
        %xor3A_181 = arith.xori %or3A_180, %add3A_173 : vector<16xi32>
        %add3A_182 = arith.addi %add3A_173, %xor3A_181 : vector<16xi32>
        %shift_left3A_183 = arith.constant 24 : i32
        %shift_left3A_184 = vector.broadcast %shift_left3A_183 : i32 to vector<16xi32>
        %shift_left3A_185 = arith.shli %xor3A_181, %shift_left3A_184 : vector<16xi32>
        %shift_right_logical3A_186 = arith.constant 8 : i32
        %shift_right_logical3A_187 = vector.broadcast %shift_right_logical3A_186 : i32 to vector<16xi32>
        %shift_right_logical3A_188 = arith.shrui %xor3A_181, %shift_right_logical3A_187 : vector<16xi32>
        %or3A_189 = arith.ori %shift_left3A_185, %shift_right_logical3A_188 : vector<16xi32>
        %xor3A_190 = arith.xori %or3A_189, %add3A_182 : vector<16xi32>
        %add3A_191 = arith.addi %add3A_182, %broadcast_in_dim3A_3 : vector<16xi32>
        %add3A_192 = arith.addi %xor3A_190, %broadcast_in_dim3A_5 : vector<16xi32>
        %add3A_193 = arith.constant 4 : i32
        %add3A_194 = vector.broadcast %add3A_193 : i32 to vector<16xi32>
        %add3A_195 = arith.addi %add3A_192, %add3A_194 : vector<16xi32>
        %add3A_196 = arith.addi %add3A_191, %add3A_195 : vector<16xi32>
        %shift_left3A_197 = arith.constant 13 : i32
        %shift_left3A_198 = vector.broadcast %shift_left3A_197 : i32 to vector<16xi32>
        %shift_left3A_199 = arith.shli %add3A_195, %shift_left3A_198 : vector<16xi32>
        %shift_right_logical3A_200 = arith.constant 19 : i32
        %shift_right_logical3A_201 = vector.broadcast %shift_right_logical3A_200 : i32 to vector<16xi32>
        %shift_right_logical3A_202 = arith.shrui %add3A_195, %shift_right_logical3A_201 : vector<16xi32>
        %or3A_203 = arith.ori %shift_left3A_199, %shift_right_logical3A_202 : vector<16xi32>
        %xor3A_204 = arith.xori %or3A_203, %add3A_196 : vector<16xi32>
        %add3A_205 = arith.addi %add3A_196, %xor3A_204 : vector<16xi32>
        %shift_left3A_206 = arith.constant 15 : i32
        %shift_left3A_207 = vector.broadcast %shift_left3A_206 : i32 to vector<16xi32>
        %shift_left3A_208 = arith.shli %xor3A_204, %shift_left3A_207 : vector<16xi32>
        %shift_right_logical3A_209 = arith.constant 17 : i32
        %shift_right_logical3A_210 = vector.broadcast %shift_right_logical3A_209 : i32 to vector<16xi32>
        %shift_right_logical3A_211 = arith.shrui %xor3A_204, %shift_right_logical3A_210 : vector<16xi32>
        %or3A_212 = arith.ori %shift_left3A_208, %shift_right_logical3A_211 : vector<16xi32>
        %xor3A_213 = arith.xori %or3A_212, %add3A_205 : vector<16xi32>
        %add3A_214 = arith.addi %add3A_205, %xor3A_213 : vector<16xi32>
        %shift_left3A_215 = arith.constant 26 : i32
        %shift_left3A_216 = vector.broadcast %shift_left3A_215 : i32 to vector<16xi32>
        %shift_left3A_217 = arith.shli %xor3A_213, %shift_left3A_216 : vector<16xi32>
        %shift_right_logical3A_218 = arith.constant 6 : i32
        %shift_right_logical3A_219 = vector.broadcast %shift_right_logical3A_218 : i32 to vector<16xi32>
        %shift_right_logical3A_220 = arith.shrui %xor3A_213, %shift_right_logical3A_219 : vector<16xi32>
        %or3A_221 = arith.ori %shift_left3A_217, %shift_right_logical3A_220 : vector<16xi32>
        %xor3A_222 = arith.xori %or3A_221, %add3A_214 : vector<16xi32>
        %add3A_223 = arith.addi %add3A_214, %xor3A_222 : vector<16xi32>
        %shift_left3A_224 = arith.constant 6 : i32
        %shift_left3A_225 = vector.broadcast %shift_left3A_224 : i32 to vector<16xi32>
        %shift_left3A_226 = arith.shli %xor3A_222, %shift_left3A_225 : vector<16xi32>
        %shift_right_logical3A_227 = arith.constant 26 : i32
        %shift_right_logical3A_228 = vector.broadcast %shift_right_logical3A_227 : i32 to vector<16xi32>
        %shift_right_logical3A_229 = arith.shrui %xor3A_222, %shift_right_logical3A_228 : vector<16xi32>
        %or3A_230 = arith.ori %shift_left3A_226, %shift_right_logical3A_229 : vector<16xi32>
        %xor3A_231 = arith.xori %or3A_230, %add3A_223 : vector<16xi32>
        %add3A_232 = arith.addi %add3A_223, %broadcast_in_dim3A_5 : vector<16xi32>
        %add3A_233 = arith.constant 5 : i32
        %add3A_234 = vector.broadcast %add3A_233 : i32 to vector<16xi32>
        %add3A_235 = arith.addi %xor3A_231, %add3A_234 : vector<16xi32>
        %xor3A_236 = arith.xori %add3A_232, %add3A_235 : vector<16xi32>
        %jit3A = arith.constant 625 : i32
        %div3A = arith.divsi %scan3A_26, %jit3A : i32
        %sign3A = arith.constant 0 : i32
        %sign3A_237 = arith.cmpi sgt, %scan3A_26, %sign3A : i32
        %sign3A_238 = arith.extui %sign3A_237 : i1 to i32
        %sign3A_239 = arith.constant 0 : i32
        %sign3A_240 = arith.cmpi slt, %scan3A_26, %sign3A_239 : i32
        %sign3A_241 = arith.extui %sign3A_240 : i1 to i32
        %sign3A_242 = arith.subi %sign3A_238, %sign3A_241 : i32
        %sign3A_243 = arith.constant 0 : i32
        %sign3A_244 = arith.cmpi sgt, %jit3A, %sign3A_243 : i32
        %sign3A_245 = arith.extui %sign3A_244 : i1 to i32
        %sign3A_246 = arith.constant 0 : i32
        %sign3A_247 = arith.cmpi slt, %jit3A, %sign3A_246 : i32
        %sign3A_248 = arith.extui %sign3A_247 : i1 to i32
        %sign3A_249 = arith.subi %sign3A_245, %sign3A_248 : i32
        %ne3A = arith.cmpi ne, %sign3A_242, %sign3A_249 : i32
        %rem3A = arith.remsi %scan3A_26, %jit3A : i32
        %ne3A_250 = arith.constant 0 : i32
        %ne3A_251 = arith.cmpi ne, %rem3A, %ne3A_250 : i32
        %and3A = arith.andi %ne3A, %ne3A_251 : i1
        %sub3A = arith.constant 1 : i32
        %sub3A_252 = arith.subi %div3A, %sub3A : i32
        %select_n3A = arith.select %and3A, %sub3A_252, %div3A : i32
        %jit3A_253 = arith.constant 625 : i32
        %eq3A = arith.constant 0 : i32
        %eq3A_254 = arith.cmpi eq, %jit3A_253, %eq3A : i32
        %jit3A_255 = arith.constant 1 : i32
        %select_n3A_256 = arith.select %eq3A_254, %jit3A_255, %jit3A_253 : i32
        %rem3A_257 = arith.remsi %scan3A_26, %select_n3A_256 : i32
        %ne3A_258 = arith.constant 0 : i32
        %ne3A_259 = arith.cmpi ne, %rem3A_257, %ne3A_258 : i32
        %lt3A = arith.constant 0 : i32
        %lt3A_260 = arith.cmpi slt, %rem3A_257, %lt3A : i32
        %lt3A_261 = arith.constant 0 : i32
        %lt3A_262 = arith.cmpi slt, %select_n3A_256, %lt3A_261 : i32
        %ne3A_263 = arith.xori %lt3A_260, %lt3A_262 : i1
        %and3A_264 = arith.andi %ne3A_263, %ne3A_259 : i1
        %add3A_265 = arith.addi %rem3A_257, %select_n3A_256 : i32
        %select_n3A_266 = arith.select %and3A_264, %add3A_265, %rem3A_257 : i32
        %mul3A_267 = arith.constant 16 : i32
        %mul3A_268 = arith.muli %select_n3A_266, %mul3A_267 : i32
        %swap3A = arith.index_cast %select_n3A : i32 to index
        %swap3A_269 = arith.index_cast %mul3A_268 : i32 to index
        %swap3A_270 = tpu.vector_load %arg4[%swap3A, %swap3A_269] {strides = array<i32>} : memref<8x10000xi32, #tpu.memory_space<vmem>>, vector<1x16xi32>,
        %swap3A_271 = vector.shape_cast %swap3A_270 : vector<1x16xi32> to vector<16xi32>
        %swap3A_272 = vector.shape_cast %xor3A_236 : vector<16xi32> to vector<1x16xi32>
        tpu.vector_store %arg4[%swap3A, %swap3A_269], %swap3A_272 {strides = array<i32>} : memref<8x10000xi32, #tpu.memory_space<vmem>>, vector<1x16xi32>,
      }
      %scan3A_22 = arith.constant 5000 : i32
      %mul3A_23 = arith.constant 8 : i32
      %mul3A_24 = arith.muli %scan3A_11, %mul3A_23 : i32
      %add3A_25 = arith.addi %mul3A_2, %mul3A_24 : i32
      "tpu.region"() ({
        %run_scoped3A = tpu.sem_alloc : memref<!tpu.dma_semaphore, #tpu.memory_space<semaphore_mem>>
        %dma_start3A = arith.constant 0 : i32
        %dma_start3A_26 = tpu.memref_slice %arg3[%add3A_25, %dma_start3A] : memref<2560x10000xi32, #tpu.memory_space<hbm>> -> memref<8x10000xi32, #tpu.memory_space<hbm>>
        %dma_start3A_27 = arith.constant 0 : i32
        %dma_start3A_28 = tpu.memref_slice %arg3[%add3A_25, %dma_start3A_27] : memref<2560x10000xi32, #tpu.memory_space<hbm>> -> memref<8x10000xi32, #tpu.memory_space<hbm>>
        tpu.enqueue_dma source(%arg4 : memref<8x10000xi32, #tpu.memory_space<vmem>>) target(%dma_start3A_28 : memref<8x10000xi32, #tpu.memory_space<hbm>>) target_semaphore(%run_scoped3A : memref<!tpu.dma_semaphore, #tpu.memory_space<semaphore_mem>>)
        %dma_wait3A = arith.constant 0 : i32
        %dma_wait3A_29 = tpu.memref_slice %arg3[%add3A_25, %dma_wait3A] : memref<2560x10000xi32, #tpu.memory_space<hbm>> -> memref<8x10000xi32, #tpu.memory_space<hbm>>
        %dma_wait3A_30 = arith.constant 0 : i32
        %dma_wait3A_31 = tpu.memref_slice %arg3[%add3A_25, %dma_wait3A_30] : memref<2560x10000xi32, #tpu.memory_space<hbm>> -> memref<8x10000xi32, #tpu.memory_space<hbm>>
        tpu.wait_dma2 semaphore(%run_scoped3A : memref<!tpu.dma_semaphore, #tpu.memory_space<semaphore_mem>>) src(%arg4 : memref<8x10000xi32, #tpu.memory_space<vmem>>) dst(%dma_wait3A_31 : memref<8x10000xi32, #tpu.memory_space<hbm>>)
        tpu.yield
      }) : () -> ()
    }
    %scan3A_10 = arith.constant 10 : i32
    return
  }
}

#map = affine_map<(d0, d1) -> (0, 0)>
#map1 = affine_map<(d0, d1) -> (0, 0, 0)>
module attributes {stable_mosaic.version = 14 : i64} {
  func.func @_sc_scatter_body(%arg0: i32, %arg1: i32, %arg2: memref<10112x128xf32, #tpu.memory_space<hbm>>, %arg3: memref<16x157x128xi32, #tpu.memory_space<hbm>>, %arg4: memref<16x157x128xi32, #tpu.memory_space<hbm>>, %arg5: memref<2x5248x128xf32, #tpu.memory_space<hbm>>, %arg6: memref<157x128xi32, #tpu.memory_space<vmem>>, %arg7: memref<157x128xi32, #tpu.memory_space<vmem>>, %arg8: memref<128xi32, #tpu.memory_space<vmem>>, %arg9: memref<128x128xf32, #tpu.memory_space<vmem>>, %arg10: memref<128x128xf32, #tpu.memory_space<vmem>>, %arg11: memref<5248x128xf32, #tpu.memory_space<vmem_shared>>, %arg12: memref<!tpu.dma_semaphore, #tpu.memory_space<semaphore_mem>>) attributes {dimension_semantics = [#tpu.dimension_semantics<core_parallel>, #tpu.dimension_semantics<subcore_parallel>], iteration_bounds = array<i64: 2, 16>, scalar_prefetch = 0 : i64, scratch_operands = 7 : i64, tpu.core_type = #tpu.core_type<sc_vector_subcore>, window_params = [{transform_indices = #map}, {transform_indices = #map1}, {transform_indices = #map1}, {transform_indices = #map1}]} {
    %mul3A = arith.constant 328 : i32
    %mul3A_0 = arith.muli %arg1, %mul3A : i32
    %scan3A = arith.constant 0 : i32
    %scan3A_1 = arith.constant 0 : i32
    %scan3A_2 = arith.constant 128 : i32
    %scan3A_3 = arith.addi %scan3A_1, %scan3A_2 : i32
    %scan3A_4 = arith.constant 1 : i32
    scf.for %scan3A_26 = %scan3A_1 to %scan3A_3 step %scan3A_4  : i32 {
      %broadcast_in_dim3A = arith.constant 0.000000e+00 : f32
      %broadcast_in_dim3A_27 = vector.broadcast %broadcast_in_dim3A : f32 to vector<16xf32>
      %swap3A = arith.index_cast %scan3A_26 : i32 to index
      %swap3A_28 = arith.constant 0 : index
      %swap3A_29 = tpu.vector_load %arg9[%swap3A, %swap3A_28] {strides = array<i32>} : memref<128x128xf32, #tpu.memory_space<vmem>>, vector<1x16xf32>,
      %swap3A_30 = vector.shape_cast %swap3A_29 : vector<1x16xf32> to vector<16xf32>
      %swap3A_31 = vector.shape_cast %broadcast_in_dim3A_27 : vector<16xf32> to vector<1x16xf32>
      tpu.vector_store %arg9[%swap3A, %swap3A_28], %swap3A_31 {strides = array<i32>} : memref<128x128xf32, #tpu.memory_space<vmem>>, vector<1x16xf32>,
      %broadcast_in_dim3A_32 = arith.constant 0.000000e+00 : f32
      %broadcast_in_dim3A_33 = vector.broadcast %broadcast_in_dim3A_32 : f32 to vector<16xf32>
      %swap3A_34 = arith.index_cast %scan3A_26 : i32 to index
      %swap3A_35 = arith.constant 16 : index
      %swap3A_36 = tpu.vector_load %arg9[%swap3A_34, %swap3A_35] {strides = array<i32>} : memref<128x128xf32, #tpu.memory_space<vmem>>, vector<1x16xf32>,
      %swap3A_37 = vector.shape_cast %swap3A_36 : vector<1x16xf32> to vector<16xf32>
      %swap3A_38 = vector.shape_cast %broadcast_in_dim3A_33 : vector<16xf32> to vector<1x16xf32>
      tpu.vector_store %arg9[%swap3A_34, %swap3A_35], %swap3A_38 {strides = array<i32>} : memref<128x128xf32, #tpu.memory_space<vmem>>, vector<1x16xf32>,
      %broadcast_in_dim3A_39 = arith.constant 0.000000e+00 : f32
      %broadcast_in_dim3A_40 = vector.broadcast %broadcast_in_dim3A_39 : f32 to vector<16xf32>
      %swap3A_41 = arith.index_cast %scan3A_26 : i32 to index
      %swap3A_42 = arith.constant 32 : index
      %swap3A_43 = tpu.vector_load %arg9[%swap3A_41, %swap3A_42] {strides = array<i32>} : memref<128x128xf32, #tpu.memory_space<vmem>>, vector<1x16xf32>,
      %swap3A_44 = vector.shape_cast %swap3A_43 : vector<1x16xf32> to vector<16xf32>
      %swap3A_45 = vector.shape_cast %broadcast_in_dim3A_40 : vector<16xf32> to vector<1x16xf32>
      tpu.vector_store %arg9[%swap3A_41, %swap3A_42], %swap3A_45 {strides = array<i32>} : memref<128x128xf32, #tpu.memory_space<vmem>>, vector<1x16xf32>,
      %broadcast_in_dim3A_46 = arith.constant 0.000000e+00 : f32
      %broadcast_in_dim3A_47 = vector.broadcast %broadcast_in_dim3A_46 : f32 to vector<16xf32>
      %swap3A_48 = arith.index_cast %scan3A_26 : i32 to index
      %swap3A_49 = arith.constant 48 : index
      %swap3A_50 = tpu.vector_load %arg9[%swap3A_48, %swap3A_49] {strides = array<i32>} : memref<128x128xf32, #tpu.memory_space<vmem>>, vector<1x16xf32>,
      %swap3A_51 = vector.shape_cast %swap3A_50 : vector<1x16xf32> to vector<16xf32>
      %swap3A_52 = vector.shape_cast %broadcast_in_dim3A_47 : vector<16xf32> to vector<1x16xf32>
      tpu.vector_store %arg9[%swap3A_48, %swap3A_49], %swap3A_52 {strides = array<i32>} : memref<128x128xf32, #tpu.memory_space<vmem>>, vector<1x16xf32>,
      %broadcast_in_dim3A_53 = arith.constant 0.000000e+00 : f32
      %broadcast_in_dim3A_54 = vector.broadcast %broadcast_in_dim3A_53 : f32 to vector<16xf32>
      %swap3A_55 = arith.index_cast %scan3A_26 : i32 to index
      %swap3A_56 = arith.constant 64 : index
      %swap3A_57 = tpu.vector_load %arg9[%swap3A_55, %swap3A_56] {strides = array<i32>} : memref<128x128xf32, #tpu.memory_space<vmem>>, vector<1x16xf32>,
      %swap3A_58 = vector.shape_cast %swap3A_57 : vector<1x16xf32> to vector<16xf32>
      %swap3A_59 = vector.shape_cast %broadcast_in_dim3A_54 : vector<16xf32> to vector<1x16xf32>
      tpu.vector_store %arg9[%swap3A_55, %swap3A_56], %swap3A_59 {strides = array<i32>} : memref<128x128xf32, #tpu.memory_space<vmem>>, vector<1x16xf32>,
      %broadcast_in_dim3A_60 = arith.constant 0.000000e+00 : f32
      %broadcast_in_dim3A_61 = vector.broadcast %broadcast_in_dim3A_60 : f32 to vector<16xf32>
      %swap3A_62 = arith.index_cast %scan3A_26 : i32 to index
      %swap3A_63 = arith.constant 80 : index
      %swap3A_64 = tpu.vector_load %arg9[%swap3A_62, %swap3A_63] {strides = array<i32>} : memref<128x128xf32, #tpu.memory_space<vmem>>, vector<1x16xf32>,
      %swap3A_65 = vector.shape_cast %swap3A_64 : vector<1x16xf32> to vector<16xf32>
      %swap3A_66 = vector.shape_cast %broadcast_in_dim3A_61 : vector<16xf32> to vector<1x16xf32>
      tpu.vector_store %arg9[%swap3A_62, %swap3A_63], %swap3A_66 {strides = array<i32>} : memref<128x128xf32, #tpu.memory_space<vmem>>, vector<1x16xf32>,
      %broadcast_in_dim3A_67 = arith.constant 0.000000e+00 : f32
      %broadcast_in_dim3A_68 = vector.broadcast %broadcast_in_dim3A_67 : f32 to vector<16xf32>
      %swap3A_69 = arith.index_cast %scan3A_26 : i32 to index
      %swap3A_70 = arith.constant 96 : index
      %swap3A_71 = tpu.vector_load %arg9[%swap3A_69, %swap3A_70] {strides = array<i32>} : memref<128x128xf32, #tpu.memory_space<vmem>>, vector<1x16xf32>,
      %swap3A_72 = vector.shape_cast %swap3A_71 : vector<1x16xf32> to vector<16xf32>
      %swap3A_73 = vector.shape_cast %broadcast_in_dim3A_68 : vector<16xf32> to vector<1x16xf32>
      tpu.vector_store %arg9[%swap3A_69, %swap3A_70], %swap3A_73 {strides = array<i32>} : memref<128x128xf32, #tpu.memory_space<vmem>>, vector<1x16xf32>,
      %broadcast_in_dim3A_74 = arith.constant 0.000000e+00 : f32
      %broadcast_in_dim3A_75 = vector.broadcast %broadcast_in_dim3A_74 : f32 to vector<16xf32>
      %swap3A_76 = arith.index_cast %scan3A_26 : i32 to index
      %swap3A_77 = arith.constant 112 : index
      %swap3A_78 = tpu.vector_load %arg9[%swap3A_76, %swap3A_77] {strides = array<i32>} : memref<128x128xf32, #tpu.memory_space<vmem>>, vector<1x16xf32>,
      %swap3A_79 = vector.shape_cast %swap3A_78 : vector<1x16xf32> to vector<16xf32>
      %swap3A_80 = vector.shape_cast %broadcast_in_dim3A_75 : vector<16xf32> to vector<1x16xf32>
      tpu.vector_store %arg9[%swap3A_76, %swap3A_77], %swap3A_80 {strides = array<i32>} : memref<128x128xf32, #tpu.memory_space<vmem>>, vector<1x16xf32>,
    }
    %scan3A_5 = arith.constant 128 : i32
    %add3A = arith.constant 0 : i32
    %add3A_6 = arith.addi %mul3A_0, %add3A : i32
    "tpu.region"() ({
      %run_scoped3A = tpu.sem_alloc : memref<!tpu.dma_semaphore, #tpu.memory_space<semaphore_mem>>
      %dma_start3A_26 = arith.constant 0 : i32
      %dma_start3A_27 = tpu.memref_slice %arg11[%add3A_6, %dma_start3A_26] : memref<5248x128xf32, #tpu.memory_space<vmem_shared>> -> memref<128x128xf32, #tpu.memory_space<vmem_shared>>
      %dma_start3A_28 = arith.constant 0 : i32
      %dma_start3A_29 = tpu.memref_slice %arg11[%add3A_6, %dma_start3A_28] : memref<5248x128xf32, #tpu.memory_space<vmem_shared>> -> memref<128x128xf32, #tpu.memory_space<vmem_shared>>
      tpu.enqueue_dma source(%arg9 : memref<128x128xf32, #tpu.memory_space<vmem>>) target(%dma_start3A_29 : memref<128x128xf32, #tpu.memory_space<vmem_shared>>) target_semaphore(%run_scoped3A : memref<!tpu.dma_semaphore, #tpu.memory_space<semaphore_mem>>)
      %dma_wait3A = arith.constant 0 : i32
      %dma_wait3A_30 = tpu.memref_slice %arg11[%add3A_6, %dma_wait3A] : memref<5248x128xf32, #tpu.memory_space<vmem_shared>> -> memref<128x128xf32, #tpu.memory_space<vmem_shared>>
      %dma_wait3A_31 = arith.constant 0 : i32
      %dma_wait3A_32 = tpu.memref_slice %arg11[%add3A_6, %dma_wait3A_31] : memref<5248x128xf32, #tpu.memory_space<vmem_shared>> -> memref<128x128xf32, #tpu.memory_space<vmem_shared>>
      tpu.wait_dma2 semaphore(%run_scoped3A : memref<!tpu.dma_semaphore, #tpu.memory_space<semaphore_mem>>) src(%arg9 : memref<128x128xf32, #tpu.memory_space<vmem>>) dst(%dma_wait3A_32 : memref<128x128xf32, #tpu.memory_space<vmem_shared>>)
      tpu.yield
    }) : () -> ()
    %add3A_7 = arith.constant 128 : i32
    %add3A_8 = arith.addi %mul3A_0, %add3A_7 : i32
    "tpu.region"() ({
      %run_scoped3A = tpu.sem_alloc : memref<!tpu.dma_semaphore, #tpu.memory_space<semaphore_mem>>
      %dma_start3A_26 = arith.constant 0 : i32
      %dma_start3A_27 = tpu.memref_slice %arg11[%add3A_8, %dma_start3A_26] : memref<5248x128xf32, #tpu.memory_space<vmem_shared>> -> memref<128x128xf32, #tpu.memory_space<vmem_shared>>
      %dma_start3A_28 = arith.constant 0 : i32
      %dma_start3A_29 = tpu.memref_slice %arg11[%add3A_8, %dma_start3A_28] : memref<5248x128xf32, #tpu.memory_space<vmem_shared>> -> memref<128x128xf32, #tpu.memory_space<vmem_shared>>
      tpu.enqueue_dma source(%arg9 : memref<128x128xf32, #tpu.memory_space<vmem>>) target(%dma_start3A_29 : memref<128x128xf32, #tpu.memory_space<vmem_shared>>) target_semaphore(%run_scoped3A : memref<!tpu.dma_semaphore, #tpu.memory_space<semaphore_mem>>)
      %dma_wait3A = arith.constant 0 : i32
      %dma_wait3A_30 = tpu.memref_slice %arg11[%add3A_8, %dma_wait3A] : memref<5248x128xf32, #tpu.memory_space<vmem_shared>> -> memref<128x128xf32, #tpu.memory_space<vmem_shared>>
      %dma_wait3A_31 = arith.constant 0 : i32
      %dma_wait3A_32 = tpu.memref_slice %arg11[%add3A_8, %dma_wait3A_31] : memref<5248x128xf32, #tpu.memory_space<vmem_shared>> -> memref<128x128xf32, #tpu.memory_space<vmem_shared>>
      tpu.wait_dma2 semaphore(%run_scoped3A : memref<!tpu.dma_semaphore, #tpu.memory_space<semaphore_mem>>) src(%arg9 : memref<128x128xf32, #tpu.memory_space<vmem>>) dst(%dma_wait3A_32 : memref<128x128xf32, #tpu.memory_space<vmem_shared>>)
      tpu.yield
    }) : () -> ()
    %add3A_9 = arith.constant 256 : i32
    %add3A_10 = arith.addi %mul3A_0, %add3A_9 : i32
    "tpu.region"() ({
      %run_scoped3A = tpu.sem_alloc : memref<!tpu.dma_semaphore, #tpu.memory_space<semaphore_mem>>
      %dma_start3A_26 = arith.constant 0 : i32
      %dma_start3A_27 = arith.constant 0 : i32
      %dma_start3A_28 = tpu.memref_slice %arg9[%dma_start3A_26, %dma_start3A_27] : memref<128x128xf32, #tpu.memory_space<vmem>> -> memref<72x128xf32, #tpu.memory_space<vmem>>
      %dma_start3A_29 = arith.constant 0 : i32
      %dma_start3A_30 = tpu.memref_slice %arg11[%add3A_10, %dma_start3A_29] : memref<5248x128xf32, #tpu.memory_space<vmem_shared>> -> memref<72x128xf32, #tpu.memory_space<vmem_shared>>
      %dma_start3A_31 = arith.constant 0 : i32
      %dma_start3A_32 = tpu.memref_slice %arg11[%add3A_10, %dma_start3A_31] : memref<5248x128xf32, #tpu.memory_space<vmem_shared>> -> memref<72x128xf32, #tpu.memory_space<vmem_shared>>
      %dma_start3A_33 = arith.constant 0 : i32
      %dma_start3A_34 = arith.constant 0 : i32
      %dma_start3A_35 = tpu.memref_slice %arg9[%dma_start3A_33, %dma_start3A_34] : memref<128x128xf32, #tpu.memory_space<vmem>> -> memref<72x128xf32, #tpu.memory_space<vmem>>
      tpu.enqueue_dma source(%dma_start3A_35 : memref<72x128xf32, #tpu.memory_space<vmem>>) target(%dma_start3A_32 : memref<72x128xf32, #tpu.memory_space<vmem_shared>>) target_semaphore(%run_scoped3A : memref<!tpu.dma_semaphore, #tpu.memory_space<semaphore_mem>>)
      %dma_wait3A = arith.constant 0 : i32
      %dma_wait3A_36 = arith.constant 0 : i32
      %dma_wait3A_37 = tpu.memref_slice %arg9[%dma_wait3A, %dma_wait3A_36] : memref<128x128xf32, #tpu.memory_space<vmem>> -> memref<72x128xf32, #tpu.memory_space<vmem>>
      %dma_wait3A_38 = arith.constant 0 : i32
      %dma_wait3A_39 = tpu.memref_slice %arg11[%add3A_10, %dma_wait3A_38] : memref<5248x128xf32, #tpu.memory_space<vmem_shared>> -> memref<72x128xf32, #tpu.memory_space<vmem_shared>>
      %dma_wait3A_40 = arith.constant 0 : i32
      %dma_wait3A_41 = tpu.memref_slice %arg11[%add3A_10, %dma_wait3A_40] : memref<5248x128xf32, #tpu.memory_space<vmem_shared>> -> memref<72x128xf32, #tpu.memory_space<vmem_shared>>
      %dma_wait3A_42 = arith.constant 0 : i32
      %dma_wait3A_43 = arith.constant 0 : i32
      %dma_wait3A_44 = tpu.memref_slice %arg9[%dma_wait3A_42, %dma_wait3A_43] : memref<128x128xf32, #tpu.memory_space<vmem>> -> memref<72x128xf32, #tpu.memory_space<vmem>>
      tpu.wait_dma2 semaphore(%run_scoped3A : memref<!tpu.dma_semaphore, #tpu.memory_space<semaphore_mem>>) src(%dma_wait3A_44 : memref<72x128xf32, #tpu.memory_space<vmem>>) dst(%dma_wait3A_41 : memref<72x128xf32, #tpu.memory_space<vmem_shared>>)
      tpu.yield
    }) : () -> ()
    "tpu.region"() ({
      %run_scoped3A = tpu.sem_alloc : memref<!tpu.dma_semaphore, #tpu.memory_space<semaphore_mem>>
      %dma_start3A_26 = arith.constant 0 : i32
      %dma_start3A_27 = arith.constant 0 : i32
      %dma_start3A_28 = tpu.memref_slice %arg3[%arg1, %dma_start3A_26, %dma_start3A_27] : memref<16x157x128xi32, #tpu.memory_space<hbm>> -> memref<1x157x128xi32, #tpu.memory_space<hbm>>
      %dma_start3A_29 = tpu.memref_squeeze %dma_start3A_28 : memref<1x157x128xi32, #tpu.memory_space<hbm>> -> memref<157x128xi32, #tpu.memory_space<hbm>>
      %dma_start3A_30 = arith.constant 0 : i32
      %dma_start3A_31 = arith.constant 0 : i32
      %dma_start3A_32 = tpu.memref_slice %arg3[%arg1, %dma_start3A_30, %dma_start3A_31] : memref<16x157x128xi32, #tpu.memory_space<hbm>> -> memref<1x157x128xi32, #tpu.memory_space<hbm>>
      %dma_start3A_33 = tpu.memref_squeeze %dma_start3A_32 : memref<1x157x128xi32, #tpu.memory_space<hbm>> -> memref<157x128xi32, #tpu.memory_space<hbm>>
      tpu.enqueue_dma source(%dma_start3A_33 : memref<157x128xi32, #tpu.memory_space<hbm>>) target(%arg6 : memref<157x128xi32, #tpu.memory_space<vmem>>) target_semaphore(%run_scoped3A : memref<!tpu.dma_semaphore, #tpu.memory_space<semaphore_mem>>)
      %dma_wait3A = arith.constant 0 : i32
      %dma_wait3A_34 = arith.constant 0 : i32
      %dma_wait3A_35 = tpu.memref_slice %arg3[%arg1, %dma_wait3A, %dma_wait3A_34] : memref<16x157x128xi32, #tpu.memory_space<hbm>> -> memref<1x157x128xi32, #tpu.memory_space<hbm>>
      %dma_wait3A_36 = tpu.memref_squeeze %dma_wait3A_35 : memref<1x157x128xi32, #tpu.memory_space<hbm>> -> memref<157x128xi32, #tpu.memory_space<hbm>>
      %dma_wait3A_37 = arith.constant 0 : i32
      %dma_wait3A_38 = arith.constant 0 : i32
      %dma_wait3A_39 = tpu.memref_slice %arg3[%arg1, %dma_wait3A_37, %dma_wait3A_38] : memref<16x157x128xi32, #tpu.memory_space<hbm>> -> memref<1x157x128xi32, #tpu.memory_space<hbm>>
      %dma_wait3A_40 = tpu.memref_squeeze %dma_wait3A_39 : memref<1x157x128xi32, #tpu.memory_space<hbm>> -> memref<157x128xi32, #tpu.memory_space<hbm>>
      tpu.wait_dma2 semaphore(%run_scoped3A : memref<!tpu.dma_semaphore, #tpu.memory_space<semaphore_mem>>) src(%dma_wait3A_40 : memref<157x128xi32, #tpu.memory_space<hbm>>) dst(%arg6 : memref<157x128xi32, #tpu.memory_space<vmem>>)
      tpu.yield
    }) : () -> ()
    "tpu.region"() ({
      %run_scoped3A = tpu.sem_alloc : memref<!tpu.dma_semaphore, #tpu.memory_space<semaphore_mem>>
      %dma_start3A_26 = arith.constant 0 : i32
      %dma_start3A_27 = arith.constant 0 : i32
      %dma_start3A_28 = tpu.memref_slice %arg4[%arg1, %dma_start3A_26, %dma_start3A_27] : memref<16x157x128xi32, #tpu.memory_space<hbm>> -> memref<1x157x128xi32, #tpu.memory_space<hbm>>
      %dma_start3A_29 = tpu.memref_squeeze %dma_start3A_28 : memref<1x157x128xi32, #tpu.memory_space<hbm>> -> memref<157x128xi32, #tpu.memory_space<hbm>>
      %dma_start3A_30 = arith.constant 0 : i32
      %dma_start3A_31 = arith.constant 0 : i32
      %dma_start3A_32 = tpu.memref_slice %arg4[%arg1, %dma_start3A_30, %dma_start3A_31] : memref<16x157x128xi32, #tpu.memory_space<hbm>> -> memref<1x157x128xi32, #tpu.memory_space<hbm>>
      %dma_start3A_33 = tpu.memref_squeeze %dma_start3A_32 : memref<1x157x128xi32, #tpu.memory_space<hbm>> -> memref<157x128xi32, #tpu.memory_space<hbm>>
      tpu.enqueue_dma source(%dma_start3A_33 : memref<157x128xi32, #tpu.memory_space<hbm>>) target(%arg7 : memref<157x128xi32, #tpu.memory_space<vmem>>) target_semaphore(%run_scoped3A : memref<!tpu.dma_semaphore, #tpu.memory_space<semaphore_mem>>)
      %dma_wait3A = arith.constant 0 : i32
      %dma_wait3A_34 = arith.constant 0 : i32
      %dma_wait3A_35 = tpu.memref_slice %arg4[%arg1, %dma_wait3A, %dma_wait3A_34] : memref<16x157x128xi32, #tpu.memory_space<hbm>> -> memref<1x157x128xi32, #tpu.memory_space<hbm>>
      %dma_wait3A_36 = tpu.memref_squeeze %dma_wait3A_35 : memref<1x157x128xi32, #tpu.memory_space<hbm>> -> memref<157x128xi32, #tpu.memory_space<hbm>>
      %dma_wait3A_37 = arith.constant 0 : i32
      %dma_wait3A_38 = arith.constant 0 : i32
      %dma_wait3A_39 = tpu.memref_slice %arg4[%arg1, %dma_wait3A_37, %dma_wait3A_38] : memref<16x157x128xi32, #tpu.memory_space<hbm>> -> memref<1x157x128xi32, #tpu.memory_space<hbm>>
      %dma_wait3A_40 = tpu.memref_squeeze %dma_wait3A_39 : memref<1x157x128xi32, #tpu.memory_space<hbm>> -> memref<157x128xi32, #tpu.memory_space<hbm>>
      tpu.wait_dma2 semaphore(%run_scoped3A : memref<!tpu.dma_semaphore, #tpu.memory_space<semaphore_mem>>) src(%dma_wait3A_40 : memref<157x128xi32, #tpu.memory_space<hbm>>) dst(%arg7 : memref<157x128xi32, #tpu.memory_space<vmem>>)
      tpu.yield
    }) : () -> ()
    %barrier3A = arith.constant 0 : index
    tpu.barrier barrier_id(%barrier3A)
    %mul3A_11 = arith.constant 5056 : i32
    %mul3A_12 = arith.muli %arg0, %mul3A_11 : i32
    %dma_start3A = arith.constant 0 : i32
    %dma_start3A_13 = arith.constant 0 : i32
    %dma_start3A_14 = tpu.memref_slice %arg6[%dma_start3A, %dma_start3A_13] : memref<157x128xi32, #tpu.memory_space<vmem>> -> memref<1x128xi32, #tpu.memory_space<vmem>>
    %dma_start3A_15 = tpu.memref_squeeze %dma_start3A_14 : memref<1x128xi32, #tpu.memory_space<vmem>> -> memref<128xi32, #tpu.memory_space<vmem>>
    %dma_start3A_16 = arith.constant 0 : i32
    %dma_start3A_17 = arith.constant 0 : i32
    %dma_start3A_18 = tpu.memref_slice %arg2[%dma_start3A_16, %dma_start3A_17] : memref<10112x128xf32, #tpu.memory_space<hbm>> -> memref<10112x128xf32, #tpu.memory_space<hbm>>
    tpu.enqueue_indirect_dma source(%dma_start3A_18 : memref<10112x128xf32, #tpu.memory_space<hbm>>) target(%arg9 : memref<128x128xf32, #tpu.memory_space<vmem>>) offsets(%dma_start3A_15 : memref<128xi32, #tpu.memory_space<vmem>>) semaphore(%arg12 : memref<!tpu.dma_semaphore, #tpu.memory_space<semaphore_mem>>)
    %scan3A_19 = arith.constant 0 : i32
    %scan3A_20 = arith.constant 0 : i32
    %scan3A_21 = arith.constant 79 : i32
    %scan3A_22 = arith.addi %scan3A_20, %scan3A_21 : i32
    %scan3A_23 = arith.constant 1 : i32
    scf.for %scan3A_26 = %scan3A_20 to %scan3A_22 step %scan3A_23  : i32 {
      %mul3A_27 = arith.constant 2 : i32
      %mul3A_28 = arith.muli %mul3A_27, %scan3A_26 : i32
      %mul3A_29 = arith.constant 2 : i32
      %mul3A_30 = arith.muli %mul3A_29, %scan3A_26 : i32
      %add3A_31 = arith.constant 1 : i32
      %add3A_32 = arith.addi %mul3A_30, %add3A_31 : i32
      %lt3A = arith.constant 157 : i32
      %lt3A_33 = arith.cmpi slt, %add3A_32, %lt3A : i32
      %convert_element_type3A = arith.extui %lt3A_33 : i1 to i32
      %cond3A = arith.constant 0 : i32
      %cond3A_34 = arith.cmpi ne, %convert_element_type3A, %cond3A : i32
      scf.if %cond3A_34 {
        %dma_start3A_197 = arith.constant 0 : i32
        %dma_start3A_198 = tpu.memref_slice %arg6[%add3A_32, %dma_start3A_197] : memref<157x128xi32, #tpu.memory_space<vmem>> -> memref<1x128xi32, #tpu.memory_space<vmem>>
        %dma_start3A_199 = tpu.memref_squeeze %dma_start3A_198 : memref<1x128xi32, #tpu.memory_space<vmem>> -> memref<128xi32, #tpu.memory_space<vmem>>
        %dma_start3A_200 = arith.constant 0 : i32
        %dma_start3A_201 = arith.constant 0 : i32
        %dma_start3A_202 = tpu.memref_slice %arg2[%dma_start3A_200, %dma_start3A_201] : memref<10112x128xf32, #tpu.memory_space<hbm>> -> memref<10112x128xf32, #tpu.memory_space<hbm>>
        tpu.enqueue_indirect_dma source(%dma_start3A_202 : memref<10112x128xf32, #tpu.memory_space<hbm>>) target(%arg10 : memref<128x128xf32, #tpu.memory_space<vmem>>) offsets(%dma_start3A_199 : memref<128xi32, #tpu.memory_space<vmem>>) semaphore(%arg12 : memref<!tpu.dma_semaphore, #tpu.memory_space<semaphore_mem>>)
      } else {
      }
      %dma_wait3A = arith.constant 0 : i32
      %dma_wait3A_35 = tpu.memref_slice %arg6[%mul3A_28, %dma_wait3A] : memref<157x128xi32, #tpu.memory_space<vmem>> -> memref<1x128xi32, #tpu.memory_space<vmem>>
      %dma_wait3A_36 = tpu.memref_squeeze %dma_wait3A_35 : memref<1x128xi32, #tpu.memory_space<vmem>> -> memref<128xi32, #tpu.memory_space<vmem>>
      %dma_wait3A_37 = arith.constant 0 : i32
      %dma_wait3A_38 = arith.constant 0 : i32
      %dma_wait3A_39 = tpu.memref_slice %arg2[%dma_wait3A_37, %dma_wait3A_38] : memref<10112x128xf32, #tpu.memory_space<hbm>> -> memref<10112x128xf32, #tpu.memory_space<hbm>>
      tpu.wait_indirect_dma semaphore(%arg12 : memref<!tpu.dma_semaphore, #tpu.memory_space<semaphore_mem>>) src(%dma_wait3A_39 : memref<10112x128xf32, #tpu.memory_space<hbm>>) dst(%arg9 : memref<128x128xf32, #tpu.memory_space<vmem>>)
      %get3A = arith.index_cast %mul3A_28 : i32 to index
      %get3A_40 = arith.constant 0 : index
      %get3A_41 = tpu.vector_load %arg7[%get3A, %get3A_40] {strides = array<i32>} : memref<157x128xi32, #tpu.memory_space<vmem>>, vector<1x16xi32>,
      %get3A_42 = vector.shape_cast %get3A_41 : vector<1x16xi32> to vector<16xi32>
      %sub3A = vector.broadcast %mul3A_12 : i32 to vector<16xi32>
      %sub3A_43 = arith.subi %get3A_42, %sub3A : vector<16xi32>
      %ge3A = arith.constant 0 : i32
      %ge3A_44 = vector.broadcast %ge3A : i32 to vector<16xi32>
      %ge3A_45 = arith.cmpi sge, %sub3A_43, %ge3A_44 : vector<16xi32>
      %lt3A_46 = arith.constant 5056 : i32
      %lt3A_47 = vector.broadcast %lt3A_46 : i32 to vector<16xi32>
      %lt3A_48 = arith.cmpi slt, %sub3A_43, %lt3A_47 : vector<16xi32>
      %and3A = arith.andi %ge3A_45, %lt3A_48 : vector<16xi1>
      %jit3A = arith.constant 5056 : i32
      %broadcast_in_dim3A = vector.broadcast %jit3A : i32 to vector<16xi32>
      %select_n3A = arith.select %and3A, %sub3A_43, %broadcast_in_dim3A : vector<16xi1>, vector<16xi32>
      %swap3A = arith.constant 0 : index
      %swap3A_49 = tpu.vector_load %arg8[%swap3A] {strides = array<i32>} : memref<128xi32, #tpu.memory_space<vmem>>, vector<16xi32>,
      %swap3A_50 = vector.shape_cast %swap3A_49 : vector<16xi32> to vector<16xi32>
      %swap3A_51 = vector.shape_cast %select_n3A : vector<16xi32> to vector<16xi32>
      tpu.vector_store %arg8[%swap3A], %swap3A_51 {strides = array<i32>} : memref<128xi32, #tpu.memory_space<vmem>>, vector<16xi32>,
      %get3A_52 = arith.index_cast %mul3A_28 : i32 to index
      %get3A_53 = arith.constant 16 : index
      %get3A_54 = tpu.vector_load %arg7[%get3A_52, %get3A_53] {strides = array<i32>} : memref<157x128xi32, #tpu.memory_space<vmem>>, vector<1x16xi32>,
      %get3A_55 = vector.shape_cast %get3A_54 : vector<1x16xi32> to vector<16xi32>
      %sub3A_56 = vector.broadcast %mul3A_12 : i32 to vector<16xi32>
      %sub3A_57 = arith.subi %get3A_55, %sub3A_56 : vector<16xi32>
      %ge3A_58 = arith.constant 0 : i32
      %ge3A_59 = vector.broadcast %ge3A_58 : i32 to vector<16xi32>
      %ge3A_60 = arith.cmpi sge, %sub3A_57, %ge3A_59 : vector<16xi32>
      %lt3A_61 = arith.constant 5056 : i32
      %lt3A_62 = vector.broadcast %lt3A_61 : i32 to vector<16xi32>
      %lt3A_63 = arith.cmpi slt, %sub3A_57, %lt3A_62 : vector<16xi32>
      %and3A_64 = arith.andi %ge3A_60, %lt3A_63 : vector<16xi1>
      %jit3A_65 = arith.constant 5056 : i32
      %broadcast_in_dim3A_66 = vector.broadcast %jit3A_65 : i32 to vector<16xi32>
      %select_n3A_67 = arith.select %and3A_64, %sub3A_57, %broadcast_in_dim3A_66 : vector<16xi1>, vector<16xi32>
      %swap3A_68 = arith.constant 16 : index
      %swap3A_69 = tpu.vector_load %arg8[%swap3A_68] {strides = array<i32>} : memref<128xi32, #tpu.memory_space<vmem>>, vector<16xi32>,
      %swap3A_70 = vector.shape_cast %swap3A_69 : vector<16xi32> to vector<16xi32>
      %swap3A_71 = vector.shape_cast %select_n3A_67 : vector<16xi32> to vector<16xi32>
      tpu.vector_store %arg8[%swap3A_68], %swap3A_71 {strides = array<i32>} : memref<128xi32, #tpu.memory_space<vmem>>, vector<16xi32>,
      %get3A_72 = arith.index_cast %mul3A_28 : i32 to index
      %get3A_73 = arith.constant 32 : index
      %get3A_74 = tpu.vector_load %arg7[%get3A_72, %get3A_73] {strides = array<i32>} : memref<157x128xi32, #tpu.memory_space<vmem>>, vector<1x16xi32>,
      %get3A_75 = vector.shape_cast %get3A_74 : vector<1x16xi32> to vector<16xi32>
      %sub3A_76 = vector.broadcast %mul3A_12 : i32 to vector<16xi32>
      %sub3A_77 = arith.subi %get3A_75, %sub3A_76 : vector<16xi32>
      %ge3A_78 = arith.constant 0 : i32
      %ge3A_79 = vector.broadcast %ge3A_78 : i32 to vector<16xi32>
      %ge3A_80 = arith.cmpi sge, %sub3A_77, %ge3A_79 : vector<16xi32>
      %lt3A_81 = arith.constant 5056 : i32
      %lt3A_82 = vector.broadcast %lt3A_81 : i32 to vector<16xi32>
      %lt3A_83 = arith.cmpi slt, %sub3A_77, %lt3A_82 : vector<16xi32>
      %and3A_84 = arith.andi %ge3A_80, %lt3A_83 : vector<16xi1>
      %jit3A_85 = arith.constant 5056 : i32
      %broadcast_in_dim3A_86 = vector.broadcast %jit3A_85 : i32 to vector<16xi32>
      %select_n3A_87 = arith.select %and3A_84, %sub3A_77, %broadcast_in_dim3A_86 : vector<16xi1>, vector<16xi32>
      %swap3A_88 = arith.constant 32 : index
      %swap3A_89 = tpu.vector_load %arg8[%swap3A_88] {strides = array<i32>} : memref<128xi32, #tpu.memory_space<vmem>>, vector<16xi32>,
      %swap3A_90 = vector.shape_cast %swap3A_89 : vector<16xi32> to vector<16xi32>
      %swap3A_91 = vector.shape_cast %select_n3A_87 : vector<16xi32> to vector<16xi32>
      tpu.vector_store %arg8[%swap3A_88], %swap3A_91 {strides = array<i32>} : memref<128xi32, #tpu.memory_space<vmem>>, vector<16xi32>,
      %get3A_92 = arith.index_cast %mul3A_28 : i32 to index
      %get3A_93 = arith.constant 48 : index
      %get3A_94 = tpu.vector_load %arg7[%get3A_92, %get3A_93] {strides = array<i32>} : memref<157x128xi32, #tpu.memory_space<vmem>>, vector<1x16xi32>,
      %get3A_95 = vector.shape_cast %get3A_94 : vector<1x16xi32> to vector<16xi32>
      %sub3A_96 = vector.broadcast %mul3A_12 : i32 to vector<16xi32>
      %sub3A_97 = arith.subi %get3A_95, %sub3A_96 : vector<16xi32>
      %ge3A_98 = arith.constant 0 : i32
      %ge3A_99 = vector.broadcast %ge3A_98 : i32 to vector<16xi32>
      %ge3A_100 = arith.cmpi sge, %sub3A_97, %ge3A_99 : vector<16xi32>
      %lt3A_101 = arith.constant 5056 : i32
      %lt3A_102 = vector.broadcast %lt3A_101 : i32 to vector<16xi32>
      %lt3A_103 = arith.cmpi slt, %sub3A_97, %lt3A_102 : vector<16xi32>
      %and3A_104 = arith.andi %ge3A_100, %lt3A_103 : vector<16xi1>
      %jit3A_105 = arith.constant 5056 : i32
      %broadcast_in_dim3A_106 = vector.broadcast %jit3A_105 : i32 to vector<16xi32>
      %select_n3A_107 = arith.select %and3A_104, %sub3A_97, %broadcast_in_dim3A_106 : vector<16xi1>, vector<16xi32>
      %swap3A_108 = arith.constant 48 : index
      %swap3A_109 = tpu.vector_load %arg8[%swap3A_108] {strides = array<i32>} : memref<128xi32, #tpu.memory_space<vmem>>, vector<16xi32>,
      %swap3A_110 = vector.shape_cast %swap3A_109 : vector<16xi32> to vector<16xi32>
      %swap3A_111 = vector.shape_cast %select_n3A_107 : vector<16xi32> to vector<16xi32>
      tpu.vector_store %arg8[%swap3A_108], %swap3A_111 {strides = array<i32>} : memref<128xi32, #tpu.memory_space<vmem>>, vector<16xi32>,
      %get3A_112 = arith.index_cast %mul3A_28 : i32 to index
      %get3A_113 = arith.constant 64 : index
      %get3A_114 = tpu.vector_load %arg7[%get3A_112, %get3A_113] {strides = array<i32>} : memref<157x128xi32, #tpu.memory_space<vmem>>, vector<1x16xi32>,
      %get3A_115 = vector.shape_cast %get3A_114 : vector<1x16xi32> to vector<16xi32>
      %sub3A_116 = vector.broadcast %mul3A_12 : i32 to vector<16xi32>
      %sub3A_117 = arith.subi %get3A_115, %sub3A_116 : vector<16xi32>
      %ge3A_118 = arith.constant 0 : i32
      %ge3A_119 = vector.broadcast %ge3A_118 : i32 to vector<16xi32>
      %ge3A_120 = arith.cmpi sge, %sub3A_117, %ge3A_119 : vector<16xi32>
      %lt3A_121 = arith.constant 5056 : i32
      %lt3A_122 = vector.broadcast %lt3A_121 : i32 to vector<16xi32>
      %lt3A_123 = arith.cmpi slt, %sub3A_117, %lt3A_122 : vector<16xi32>
      %and3A_124 = arith.andi %ge3A_120, %lt3A_123 : vector<16xi1>
      %jit3A_125 = arith.constant 5056 : i32
      %broadcast_in_dim3A_126 = vector.broadcast %jit3A_125 : i32 to vector<16xi32>
      %select_n3A_127 = arith.select %and3A_124, %sub3A_117, %broadcast_in_dim3A_126 : vector<16xi1>, vector<16xi32>
      %swap3A_128 = arith.constant 64 : index
      %swap3A_129 = tpu.vector_load %arg8[%swap3A_128] {strides = array<i32>} : memref<128xi32, #tpu.memory_space<vmem>>, vector<16xi32>,
      %swap3A_130 = vector.shape_cast %swap3A_129 : vector<16xi32> to vector<16xi32>
      %swap3A_131 = vector.shape_cast %select_n3A_127 : vector<16xi32> to vector<16xi32>
      tpu.vector_store %arg8[%swap3A_128], %swap3A_131 {strides = array<i32>} : memref<128xi32, #tpu.memory_space<vmem>>, vector<16xi32>,
      %get3A_132 = arith.index_cast %mul3A_28 : i32 to index
      %get3A_133 = arith.constant 80 : index
      %get3A_134 = tpu.vector_load %arg7[%get3A_132, %get3A_133] {strides = array<i32>} : memref<157x128xi32, #tpu.memory_space<vmem>>, vector<1x16xi32>,
      %get3A_135 = vector.shape_cast %get3A_134 : vector<1x16xi32> to vector<16xi32>
      %sub3A_136 = vector.broadcast %mul3A_12 : i32 to vector<16xi32>
      %sub3A_137 = arith.subi %get3A_135, %sub3A_136 : vector<16xi32>
      %ge3A_138 = arith.constant 0 : i32
      %ge3A_139 = vector.broadcast %ge3A_138 : i32 to vector<16xi32>
      %ge3A_140 = arith.cmpi sge, %sub3A_137, %ge3A_139 : vector<16xi32>
      %lt3A_141 = arith.constant 5056 : i32
      %lt3A_142 = vector.broadcast %lt3A_141 : i32 to vector<16xi32>
      %lt3A_143 = arith.cmpi slt, %sub3A_137, %lt3A_142 : vector<16xi32>
      %and3A_144 = arith.andi %ge3A_140, %lt3A_143 : vector<16xi1>
      %jit3A_145 = arith.constant 5056 : i32
      %broadcast_in_dim3A_146 = vector.broadcast %jit3A_145 : i32 to vector<16xi32>
      %select_n3A_147 = arith.select %and3A_144, %sub3A_137, %broadcast_in_dim3A_146 : vector<16xi1>, vector<16xi32>
      %swap3A_148 = arith.constant 80 : index
      %swap3A_149 = tpu.vector_load %arg8[%swap3A_148] {strides = array<i32>} : memref<128xi32, #tpu.memory_space<vmem>>, vector<16xi32>,
      %swap3A_150 = vector.shape_cast %swap3A_149 : vector<16xi32> to vector<16xi32>
      %swap3A_151 = vector.shape_cast %select_n3A_147 : vector<16xi32> to vector<16xi32>
      tpu.vector_store %arg8[%swap3A_148], %swap3A_151 {strides = array<i32>} : memref<128xi32, #tpu.memory_space<vmem>>, vector<16xi32>,
      %get3A_152 = arith.index_cast %mul3A_28 : i32 to index
      %get3A_153 = arith.constant 96 : index
      %get3A_154 = tpu.vector_load %arg7[%get3A_152, %get3A_153] {strides = array<i32>} : memref<157x128xi32, #tpu.memory_space<vmem>>, vector<1x16xi32>,
      %get3A_155 = vector.shape_cast %get3A_154 : vector<1x16xi32> to vector<16xi32>
      %sub3A_156 = vector.broadcast %mul3A_12 : i32 to vector<16xi32>
      %sub3A_157 = arith.subi %get3A_155, %sub3A_156 : vector<16xi32>
      %ge3A_158 = arith.constant 0 : i32
      %ge3A_159 = vector.broadcast %ge3A_158 : i32 to vector<16xi32>
      %ge3A_160 = arith.cmpi sge, %sub3A_157, %ge3A_159 : vector<16xi32>
      %lt3A_161 = arith.constant 5056 : i32
      %lt3A_162 = vector.broadcast %lt3A_161 : i32 to vector<16xi32>
      %lt3A_163 = arith.cmpi slt, %sub3A_157, %lt3A_162 : vector<16xi32>
      %and3A_164 = arith.andi %ge3A_160, %lt3A_163 : vector<16xi1>
      %jit3A_165 = arith.constant 5056 : i32
      %broadcast_in_dim3A_166 = vector.broadcast %jit3A_165 : i32 to vector<16xi32>
      %select_n3A_167 = arith.select %and3A_164, %sub3A_157, %broadcast_in_dim3A_166 : vector<16xi1>, vector<16xi32>
      %swap3A_168 = arith.constant 96 : index
      %swap3A_169 = tpu.vector_load %arg8[%swap3A_168] {strides = array<i32>} : memref<128xi32, #tpu.memory_space<vmem>>, vector<16xi32>,
      %swap3A_170 = vector.shape_cast %swap3A_169 : vector<16xi32> to vector<16xi32>
      %swap3A_171 = vector.shape_cast %select_n3A_167 : vector<16xi32> to vector<16xi32>
      tpu.vector_store %arg8[%swap3A_168], %swap3A_171 {strides = array<i32>} : memref<128xi32, #tpu.memory_space<vmem>>, vector<16xi32>,
      %get3A_172 = arith.index_cast %mul3A_28 : i32 to index
      %get3A_173 = arith.constant 112 : index
      %get3A_174 = tpu.vector_load %arg7[%get3A_172, %get3A_173] {strides = array<i32>} : memref<157x128xi32, #tpu.memory_space<vmem>>, vector<1x16xi32>,
      %get3A_175 = vector.shape_cast %get3A_174 : vector<1x16xi32> to vector<16xi32>
      %sub3A_176 = vector.broadcast %mul3A_12 : i32 to vector<16xi32>
      %sub3A_177 = arith.subi %get3A_175, %sub3A_176 : vector<16xi32>
      %ge3A_178 = arith.constant 0 : i32
      %ge3A_179 = vector.broadcast %ge3A_178 : i32 to vector<16xi32>
      %ge3A_180 = arith.cmpi sge, %sub3A_177, %ge3A_179 : vector<16xi32>
      %lt3A_181 = arith.constant 5056 : i32
      %lt3A_182 = vector.broadcast %lt3A_181 : i32 to vector<16xi32>
      %lt3A_183 = arith.cmpi slt, %sub3A_177, %lt3A_182 : vector<16xi32>
      %and3A_184 = arith.andi %ge3A_180, %lt3A_183 : vector<16xi1>
      %jit3A_185 = arith.constant 5056 : i32
      %broadcast_in_dim3A_186 = vector.broadcast %jit3A_185 : i32 to vector<16xi32>
      %select_n3A_187 = arith.select %and3A_184, %sub3A_177, %broadcast_in_dim3A_186 : vector<16xi1>, vector<16xi32>
      %swap3A_188 = arith.constant 112 : index
      %swap3A_189 = tpu.vector_load %arg8[%swap3A_188] {strides = array<i32>} : memref<128xi32, #tpu.memory_space<vmem>>, vector<16xi32>,
      %swap3A_190 = vector.shape_cast %swap3A_189 : vector<16xi32> to vector<16xi32>
      %swap3A_191 = vector.shape_cast %select_n3A_187 : vector<16xi32> to vector<16xi32>
      tpu.vector_store %arg8[%swap3A_188], %swap3A_191 {strides = array<i32>} : memref<128xi32, #tpu.memory_space<vmem>>, vector<16xi32>,
      "tpu.region"() ({
        %run_scoped3A = tpu.sem_alloc : memref<!tpu.dma_semaphore, #tpu.memory_space<semaphore_mem>>
        %dma_start3A_197 = arith.constant 0 : i32
        %dma_start3A_198 = arith.constant 0 : i32
        %dma_start3A_199 = tpu.memref_slice %arg11[%dma_start3A_197, %dma_start3A_198] : memref<5248x128xf32, #tpu.memory_space<vmem_shared>> -> memref<5248x128xf32, #tpu.memory_space<vmem_shared>>
        tpu.enqueue_indirect_dma source(%arg9 : memref<128x128xf32, #tpu.memory_space<vmem>>) target(%dma_start3A_199 : memref<5248x128xf32, #tpu.memory_space<vmem_shared>>) offsets(%arg8 : memref<128xi32, #tpu.memory_space<vmem>>) semaphore(%run_scoped3A : memref<!tpu.dma_semaphore, #tpu.memory_space<semaphore_mem>>) {add = true}
        %dma_wait3A_200 = arith.constant 0 : i32
        %dma_wait3A_201 = arith.constant 0 : i32
        %dma_wait3A_202 = tpu.memref_slice %arg11[%dma_wait3A_200, %dma_wait3A_201] : memref<5248x128xf32, #tpu.memory_space<vmem_shared>> -> memref<5248x128xf32, #tpu.memory_space<vmem_shared>>
        tpu.wait_indirect_dma semaphore(%run_scoped3A : memref<!tpu.dma_semaphore, #tpu.memory_space<semaphore_mem>>) src(%arg9 : memref<128x128xf32, #tpu.memory_space<vmem>>) dst(%dma_wait3A_202 : memref<5248x128xf32, #tpu.memory_space<vmem_shared>>)
        tpu.yield
      }) : () -> ()
      %lt3A_192 = arith.constant 157 : i32
      %lt3A_193 = arith.cmpi slt, %add3A_32, %lt3A_192 : i32
      %convert_element_type3A_194 = arith.extui %lt3A_193 : i1 to i32
      %cond3A_195 = arith.constant 0 : i32
      %cond3A_196 = arith.cmpi ne, %convert_element_type3A_194, %cond3A_195 : i32
      scf.if %cond3A_196 {
        %add3A_197 = arith.constant 1 : i32
        %add3A_198 = arith.addi %add3A_32, %add3A_197 : i32
        %lt3A_199 = arith.constant 157 : i32
        %lt3A_200 = arith.cmpi slt, %add3A_198, %lt3A_199 : i32
        %convert_element_type3A_201 = arith.extui %lt3A_200 : i1 to i32
        %cond3A_202 = arith.constant 0 : i32
        %cond3A_203 = arith.cmpi ne, %convert_element_type3A_201, %cond3A_202 : i32
        scf.if %cond3A_203 {
          %add3A_370 = arith.constant 1 : i32
          %add3A_371 = arith.addi %add3A_32, %add3A_370 : i32
          %dma_start3A_372 = arith.constant 0 : i32
          %dma_start3A_373 = tpu.memref_slice %arg6[%add3A_371, %dma_start3A_372] : memref<157x128xi32, #tpu.memory_space<vmem>> -> memref<1x128xi32, #tpu.memory_space<vmem>>
          %dma_start3A_374 = tpu.memref_squeeze %dma_start3A_373 : memref<1x128xi32, #tpu.memory_space<vmem>> -> memref<128xi32, #tpu.memory_space<vmem>>
          %dma_start3A_375 = arith.constant 0 : i32
          %dma_start3A_376 = arith.constant 0 : i32
          %dma_start3A_377 = tpu.memref_slice %arg2[%dma_start3A_375, %dma_start3A_376] : memref<10112x128xf32, #tpu.memory_space<hbm>> -> memref<10112x128xf32, #tpu.memory_space<hbm>>
          tpu.enqueue_indirect_dma source(%dma_start3A_377 : memref<10112x128xf32, #tpu.memory_space<hbm>>) target(%arg9 : memref<128x128xf32, #tpu.memory_space<vmem>>) offsets(%dma_start3A_374 : memref<128xi32, #tpu.memory_space<vmem>>) semaphore(%arg12 : memref<!tpu.dma_semaphore, #tpu.memory_space<semaphore_mem>>)
        } else {
        }
        %dma_wait3A_204 = arith.constant 0 : i32
        %dma_wait3A_205 = tpu.memref_slice %arg6[%add3A_32, %dma_wait3A_204] : memref<157x128xi32, #tpu.memory_space<vmem>> -> memref<1x128xi32, #tpu.memory_space<vmem>>
        %dma_wait3A_206 = tpu.memref_squeeze %dma_wait3A_205 : memref<1x128xi32, #tpu.memory_space<vmem>> -> memref<128xi32, #tpu.memory_space<vmem>>
        %dma_wait3A_207 = arith.constant 0 : i32
        %dma_wait3A_208 = arith.constant 0 : i32
        %dma_wait3A_209 = tpu.memref_slice %arg2[%dma_wait3A_207, %dma_wait3A_208] : memref<10112x128xf32, #tpu.memory_space<hbm>> -> memref<10112x128xf32, #tpu.memory_space<hbm>>
        tpu.wait_indirect_dma semaphore(%arg12 : memref<!tpu.dma_semaphore, #tpu.memory_space<semaphore_mem>>) src(%dma_wait3A_209 : memref<10112x128xf32, #tpu.memory_space<hbm>>) dst(%arg10 : memref<128x128xf32, #tpu.memory_space<vmem>>)
        %get3A_210 = arith.index_cast %add3A_32 : i32 to index
        %get3A_211 = arith.constant 0 : index
        %get3A_212 = tpu.vector_load %arg7[%get3A_210, %get3A_211] {strides = array<i32>} : memref<157x128xi32, #tpu.memory_space<vmem>>, vector<1x16xi32>,
        %get3A_213 = vector.shape_cast %get3A_212 : vector<1x16xi32> to vector<16xi32>
        %sub3A_214 = vector.broadcast %mul3A_12 : i32 to vector<16xi32>
        %sub3A_215 = arith.subi %get3A_213, %sub3A_214 : vector<16xi32>
        %ge3A_216 = arith.constant 0 : i32
        %ge3A_217 = vector.broadcast %ge3A_216 : i32 to vector<16xi32>
        %ge3A_218 = arith.cmpi sge, %sub3A_215, %ge3A_217 : vector<16xi32>
        %lt3A_219 = arith.constant 5056 : i32
        %lt3A_220 = vector.broadcast %lt3A_219 : i32 to vector<16xi32>
        %lt3A_221 = arith.cmpi slt, %sub3A_215, %lt3A_220 : vector<16xi32>
        %and3A_222 = arith.andi %ge3A_218, %lt3A_221 : vector<16xi1>
        %jit3A_223 = arith.constant 5056 : i32
        %broadcast_in_dim3A_224 = vector.broadcast %jit3A_223 : i32 to vector<16xi32>
        %select_n3A_225 = arith.select %and3A_222, %sub3A_215, %broadcast_in_dim3A_224 : vector<16xi1>, vector<16xi32>
        %swap3A_226 = arith.constant 0 : index
        %swap3A_227 = tpu.vector_load %arg8[%swap3A_226] {strides = array<i32>} : memref<128xi32, #tpu.memory_space<vmem>>, vector<16xi32>,
        %swap3A_228 = vector.shape_cast %swap3A_227 : vector<16xi32> to vector<16xi32>
        %swap3A_229 = vector.shape_cast %select_n3A_225 : vector<16xi32> to vector<16xi32>
        tpu.vector_store %arg8[%swap3A_226], %swap3A_229 {strides = array<i32>} : memref<128xi32, #tpu.memory_space<vmem>>, vector<16xi32>,
        %get3A_230 = arith.index_cast %add3A_32 : i32 to index
        %get3A_231 = arith.constant 16 : index
        %get3A_232 = tpu.vector_load %arg7[%get3A_230, %get3A_231] {strides = array<i32>} : memref<157x128xi32, #tpu.memory_space<vmem>>, vector<1x16xi32>,
        %get3A_233 = vector.shape_cast %get3A_232 : vector<1x16xi32> to vector<16xi32>
        %sub3A_234 = vector.broadcast %mul3A_12 : i32 to vector<16xi32>
        %sub3A_235 = arith.subi %get3A_233, %sub3A_234 : vector<16xi32>
        %ge3A_236 = arith.constant 0 : i32
        %ge3A_237 = vector.broadcast %ge3A_236 : i32 to vector<16xi32>
        %ge3A_238 = arith.cmpi sge, %sub3A_235, %ge3A_237 : vector<16xi32>
        %lt3A_239 = arith.constant 5056 : i32
        %lt3A_240 = vector.broadcast %lt3A_239 : i32 to vector<16xi32>
        %lt3A_241 = arith.cmpi slt, %sub3A_235, %lt3A_240 : vector<16xi32>
        %and3A_242 = arith.andi %ge3A_238, %lt3A_241 : vector<16xi1>
        %jit3A_243 = arith.constant 5056 : i32
        %broadcast_in_dim3A_244 = vector.broadcast %jit3A_243 : i32 to vector<16xi32>
        %select_n3A_245 = arith.select %and3A_242, %sub3A_235, %broadcast_in_dim3A_244 : vector<16xi1>, vector<16xi32>
        %swap3A_246 = arith.constant 16 : index
        %swap3A_247 = tpu.vector_load %arg8[%swap3A_246] {strides = array<i32>} : memref<128xi32, #tpu.memory_space<vmem>>, vector<16xi32>,
        %swap3A_248 = vector.shape_cast %swap3A_247 : vector<16xi32> to vector<16xi32>
        %swap3A_249 = vector.shape_cast %select_n3A_245 : vector<16xi32> to vector<16xi32>
        tpu.vector_store %arg8[%swap3A_246], %swap3A_249 {strides = array<i32>} : memref<128xi32, #tpu.memory_space<vmem>>, vector<16xi32>,
        %get3A_250 = arith.index_cast %add3A_32 : i32 to index
        %get3A_251 = arith.constant 32 : index
        %get3A_252 = tpu.vector_load %arg7[%get3A_250, %get3A_251] {strides = array<i32>} : memref<157x128xi32, #tpu.memory_space<vmem>>, vector<1x16xi32>,
        %get3A_253 = vector.shape_cast %get3A_252 : vector<1x16xi32> to vector<16xi32>
        %sub3A_254 = vector.broadcast %mul3A_12 : i32 to vector<16xi32>
        %sub3A_255 = arith.subi %get3A_253, %sub3A_254 : vector<16xi32>
        %ge3A_256 = arith.constant 0 : i32
        %ge3A_257 = vector.broadcast %ge3A_256 : i32 to vector<16xi32>
        %ge3A_258 = arith.cmpi sge, %sub3A_255, %ge3A_257 : vector<16xi32>
        %lt3A_259 = arith.constant 5056 : i32
        %lt3A_260 = vector.broadcast %lt3A_259 : i32 to vector<16xi32>
        %lt3A_261 = arith.cmpi slt, %sub3A_255, %lt3A_260 : vector<16xi32>
        %and3A_262 = arith.andi %ge3A_258, %lt3A_261 : vector<16xi1>
        %jit3A_263 = arith.constant 5056 : i32
        %broadcast_in_dim3A_264 = vector.broadcast %jit3A_263 : i32 to vector<16xi32>
        %select_n3A_265 = arith.select %and3A_262, %sub3A_255, %broadcast_in_dim3A_264 : vector<16xi1>, vector<16xi32>
        %swap3A_266 = arith.constant 32 : index
        %swap3A_267 = tpu.vector_load %arg8[%swap3A_266] {strides = array<i32>} : memref<128xi32, #tpu.memory_space<vmem>>, vector<16xi32>,
        %swap3A_268 = vector.shape_cast %swap3A_267 : vector<16xi32> to vector<16xi32>
        %swap3A_269 = vector.shape_cast %select_n3A_265 : vector<16xi32> to vector<16xi32>
        tpu.vector_store %arg8[%swap3A_266], %swap3A_269 {strides = array<i32>} : memref<128xi32, #tpu.memory_space<vmem>>, vector<16xi32>,
        %get3A_270 = arith.index_cast %add3A_32 : i32 to index
        %get3A_271 = arith.constant 48 : index
        %get3A_272 = tpu.vector_load %arg7[%get3A_270, %get3A_271] {strides = array<i32>} : memref<157x128xi32, #tpu.memory_space<vmem>>, vector<1x16xi32>,
        %get3A_273 = vector.shape_cast %get3A_272 : vector<1x16xi32> to vector<16xi32>
        %sub3A_274 = vector.broadcast %mul3A_12 : i32 to vector<16xi32>
        %sub3A_275 = arith.subi %get3A_273, %sub3A_274 : vector<16xi32>
        %ge3A_276 = arith.constant 0 : i32
        %ge3A_277 = vector.broadcast %ge3A_276 : i32 to vector<16xi32>
        %ge3A_278 = arith.cmpi sge, %sub3A_275, %ge3A_277 : vector<16xi32>
        %lt3A_279 = arith.constant 5056 : i32
        %lt3A_280 = vector.broadcast %lt3A_279 : i32 to vector<16xi32>
        %lt3A_281 = arith.cmpi slt, %sub3A_275, %lt3A_280 : vector<16xi32>
        %and3A_282 = arith.andi %ge3A_278, %lt3A_281 : vector<16xi1>
        %jit3A_283 = arith.constant 5056 : i32
        %broadcast_in_dim3A_284 = vector.broadcast %jit3A_283 : i32 to vector<16xi32>
        %select_n3A_285 = arith.select %and3A_282, %sub3A_275, %broadcast_in_dim3A_284 : vector<16xi1>, vector<16xi32>
        %swap3A_286 = arith.constant 48 : index
        %swap3A_287 = tpu.vector_load %arg8[%swap3A_286] {strides = array<i32>} : memref<128xi32, #tpu.memory_space<vmem>>, vector<16xi32>,
        %swap3A_288 = vector.shape_cast %swap3A_287 : vector<16xi32> to vector<16xi32>
        %swap3A_289 = vector.shape_cast %select_n3A_285 : vector<16xi32> to vector<16xi32>
        tpu.vector_store %arg8[%swap3A_286], %swap3A_289 {strides = array<i32>} : memref<128xi32, #tpu.memory_space<vmem>>, vector<16xi32>,
        %get3A_290 = arith.index_cast %add3A_32 : i32 to index
        %get3A_291 = arith.constant 64 : index
        %get3A_292 = tpu.vector_load %arg7[%get3A_290, %get3A_291] {strides = array<i32>} : memref<157x128xi32, #tpu.memory_space<vmem>>, vector<1x16xi32>,
        %get3A_293 = vector.shape_cast %get3A_292 : vector<1x16xi32> to vector<16xi32>
        %sub3A_294 = vector.broadcast %mul3A_12 : i32 to vector<16xi32>
        %sub3A_295 = arith.subi %get3A_293, %sub3A_294 : vector<16xi32>
        %ge3A_296 = arith.constant 0 : i32
        %ge3A_297 = vector.broadcast %ge3A_296 : i32 to vector<16xi32>
        %ge3A_298 = arith.cmpi sge, %sub3A_295, %ge3A_297 : vector<16xi32>
        %lt3A_299 = arith.constant 5056 : i32
        %lt3A_300 = vector.broadcast %lt3A_299 : i32 to vector<16xi32>
        %lt3A_301 = arith.cmpi slt, %sub3A_295, %lt3A_300 : vector<16xi32>
        %and3A_302 = arith.andi %ge3A_298, %lt3A_301 : vector<16xi1>
        %jit3A_303 = arith.constant 5056 : i32
        %broadcast_in_dim3A_304 = vector.broadcast %jit3A_303 : i32 to vector<16xi32>
        %select_n3A_305 = arith.select %and3A_302, %sub3A_295, %broadcast_in_dim3A_304 : vector<16xi1>, vector<16xi32>
        %swap3A_306 = arith.constant 64 : index
        %swap3A_307 = tpu.vector_load %arg8[%swap3A_306] {strides = array<i32>} : memref<128xi32, #tpu.memory_space<vmem>>, vector<16xi32>,
        %swap3A_308 = vector.shape_cast %swap3A_307 : vector<16xi32> to vector<16xi32>
        %swap3A_309 = vector.shape_cast %select_n3A_305 : vector<16xi32> to vector<16xi32>
        tpu.vector_store %arg8[%swap3A_306], %swap3A_309 {strides = array<i32>} : memref<128xi32, #tpu.memory_space<vmem>>, vector<16xi32>,
        %get3A_310 = arith.index_cast %add3A_32 : i32 to index
        %get3A_311 = arith.constant 80 : index
        %get3A_312 = tpu.vector_load %arg7[%get3A_310, %get3A_311] {strides = array<i32>} : memref<157x128xi32, #tpu.memory_space<vmem>>, vector<1x16xi32>,
        %get3A_313 = vector.shape_cast %get3A_312 : vector<1x16xi32> to vector<16xi32>
        %sub3A_314 = vector.broadcast %mul3A_12 : i32 to vector<16xi32>
        %sub3A_315 = arith.subi %get3A_313, %sub3A_314 : vector<16xi32>
        %ge3A_316 = arith.constant 0 : i32
        %ge3A_317 = vector.broadcast %ge3A_316 : i32 to vector<16xi32>
        %ge3A_318 = arith.cmpi sge, %sub3A_315, %ge3A_317 : vector<16xi32>
        %lt3A_319 = arith.constant 5056 : i32
        %lt3A_320 = vector.broadcast %lt3A_319 : i32 to vector<16xi32>
        %lt3A_321 = arith.cmpi slt, %sub3A_315, %lt3A_320 : vector<16xi32>
        %and3A_322 = arith.andi %ge3A_318, %lt3A_321 : vector<16xi1>
        %jit3A_323 = arith.constant 5056 : i32
        %broadcast_in_dim3A_324 = vector.broadcast %jit3A_323 : i32 to vector<16xi32>
        %select_n3A_325 = arith.select %and3A_322, %sub3A_315, %broadcast_in_dim3A_324 : vector<16xi1>, vector<16xi32>
        %swap3A_326 = arith.constant 80 : index
        %swap3A_327 = tpu.vector_load %arg8[%swap3A_326] {strides = array<i32>} : memref<128xi32, #tpu.memory_space<vmem>>, vector<16xi32>,
        %swap3A_328 = vector.shape_cast %swap3A_327 : vector<16xi32> to vector<16xi32>
        %swap3A_329 = vector.shape_cast %select_n3A_325 : vector<16xi32> to vector<16xi32>
        tpu.vector_store %arg8[%swap3A_326], %swap3A_329 {strides = array<i32>} : memref<128xi32, #tpu.memory_space<vmem>>, vector<16xi32>,
        %get3A_330 = arith.index_cast %add3A_32 : i32 to index
        %get3A_331 = arith.constant 96 : index
        %get3A_332 = tpu.vector_load %arg7[%get3A_330, %get3A_331] {strides = array<i32>} : memref<157x128xi32, #tpu.memory_space<vmem>>, vector<1x16xi32>,
        %get3A_333 = vector.shape_cast %get3A_332 : vector<1x16xi32> to vector<16xi32>
        %sub3A_334 = vector.broadcast %mul3A_12 : i32 to vector<16xi32>
        %sub3A_335 = arith.subi %get3A_333, %sub3A_334 : vector<16xi32>
        %ge3A_336 = arith.constant 0 : i32
        %ge3A_337 = vector.broadcast %ge3A_336 : i32 to vector<16xi32>
        %ge3A_338 = arith.cmpi sge, %sub3A_335, %ge3A_337 : vector<16xi32>
        %lt3A_339 = arith.constant 5056 : i32
        %lt3A_340 = vector.broadcast %lt3A_339 : i32 to vector<16xi32>
        %lt3A_341 = arith.cmpi slt, %sub3A_335, %lt3A_340 : vector<16xi32>
        %and3A_342 = arith.andi %ge3A_338, %lt3A_341 : vector<16xi1>
        %jit3A_343 = arith.constant 5056 : i32
        %broadcast_in_dim3A_344 = vector.broadcast %jit3A_343 : i32 to vector<16xi32>
        %select_n3A_345 = arith.select %and3A_342, %sub3A_335, %broadcast_in_dim3A_344 : vector<16xi1>, vector<16xi32>
        %swap3A_346 = arith.constant 96 : index
        %swap3A_347 = tpu.vector_load %arg8[%swap3A_346] {strides = array<i32>} : memref<128xi32, #tpu.memory_space<vmem>>, vector<16xi32>,
        %swap3A_348 = vector.shape_cast %swap3A_347 : vector<16xi32> to vector<16xi32>
        %swap3A_349 = vector.shape_cast %select_n3A_345 : vector<16xi32> to vector<16xi32>
        tpu.vector_store %arg8[%swap3A_346], %swap3A_349 {strides = array<i32>} : memref<128xi32, #tpu.memory_space<vmem>>, vector<16xi32>,
        %get3A_350 = arith.index_cast %add3A_32 : i32 to index
        %get3A_351 = arith.constant 112 : index
        %get3A_352 = tpu.vector_load %arg7[%get3A_350, %get3A_351] {strides = array<i32>} : memref<157x128xi32, #tpu.memory_space<vmem>>, vector<1x16xi32>,
        %get3A_353 = vector.shape_cast %get3A_352 : vector<1x16xi32> to vector<16xi32>
        %sub3A_354 = vector.broadcast %mul3A_12 : i32 to vector<16xi32>
        %sub3A_355 = arith.subi %get3A_353, %sub3A_354 : vector<16xi32>
        %ge3A_356 = arith.constant 0 : i32
        %ge3A_357 = vector.broadcast %ge3A_356 : i32 to vector<16xi32>
        %ge3A_358 = arith.cmpi sge, %sub3A_355, %ge3A_357 : vector<16xi32>
        %lt3A_359 = arith.constant 5056 : i32
        %lt3A_360 = vector.broadcast %lt3A_359 : i32 to vector<16xi32>
        %lt3A_361 = arith.cmpi slt, %sub3A_355, %lt3A_360 : vector<16xi32>
        %and3A_362 = arith.andi %ge3A_358, %lt3A_361 : vector<16xi1>
        %jit3A_363 = arith.constant 5056 : i32
        %broadcast_in_dim3A_364 = vector.broadcast %jit3A_363 : i32 to vector<16xi32>
        %select_n3A_365 = arith.select %and3A_362, %sub3A_355, %broadcast_in_dim3A_364 : vector<16xi1>, vector<16xi32>
        %swap3A_366 = arith.constant 112 : index
        %swap3A_367 = tpu.vector_load %arg8[%swap3A_366] {strides = array<i32>} : memref<128xi32, #tpu.memory_space<vmem>>, vector<16xi32>,
        %swap3A_368 = vector.shape_cast %swap3A_367 : vector<16xi32> to vector<16xi32>
        %swap3A_369 = vector.shape_cast %select_n3A_365 : vector<16xi32> to vector<16xi32>
        tpu.vector_store %arg8[%swap3A_366], %swap3A_369 {strides = array<i32>} : memref<128xi32, #tpu.memory_space<vmem>>, vector<16xi32>,
        "tpu.region"() ({
          %run_scoped3A = tpu.sem_alloc : memref<!tpu.dma_semaphore, #tpu.memory_space<semaphore_mem>>
          %dma_start3A_370 = arith.constant 0 : i32
          %dma_start3A_371 = arith.constant 0 : i32
          %dma_start3A_372 = tpu.memref_slice %arg11[%dma_start3A_370, %dma_start3A_371] : memref<5248x128xf32, #tpu.memory_space<vmem_shared>> -> memref<5248x128xf32, #tpu.memory_space<vmem_shared>>
          tpu.enqueue_indirect_dma source(%arg10 : memref<128x128xf32, #tpu.memory_space<vmem>>) target(%dma_start3A_372 : memref<5248x128xf32, #tpu.memory_space<vmem_shared>>) offsets(%arg8 : memref<128xi32, #tpu.memory_space<vmem>>) semaphore(%run_scoped3A : memref<!tpu.dma_semaphore, #tpu.memory_space<semaphore_mem>>) {add = true}
          %dma_wait3A_373 = arith.constant 0 : i32
          %dma_wait3A_374 = arith.constant 0 : i32
          %dma_wait3A_375 = tpu.memref_slice %arg11[%dma_wait3A_373, %dma_wait3A_374] : memref<5248x128xf32, #tpu.memory_space<vmem_shared>> -> memref<5248x128xf32, #tpu.memory_space<vmem_shared>>
          tpu.wait_indirect_dma semaphore(%run_scoped3A : memref<!tpu.dma_semaphore, #tpu.memory_space<semaphore_mem>>) src(%arg10 : memref<128x128xf32, #tpu.memory_space<vmem>>) dst(%dma_wait3A_375 : memref<5248x128xf32, #tpu.memory_space<vmem_shared>>)
          tpu.yield
        }) : () -> ()
      } else {
      }
    }
    %scan3A_24 = arith.constant 79 : i32
    %barrier3A_25 = arith.constant 0 : index
    tpu.barrier barrier_id(%barrier3A_25)
    "tpu.region"() ({
      %run_scoped3A = tpu.sem_alloc : memref<!tpu.dma_semaphore, #tpu.memory_space<semaphore_mem>>
      %dma_start3A_26 = arith.constant 0 : i32
      %dma_start3A_27 = tpu.memref_slice %arg5[%arg0, %mul3A_0, %dma_start3A_26] : memref<2x5248x128xf32, #tpu.memory_space<hbm>> -> memref<1x328x128xf32, #tpu.memory_space<hbm>>
      %dma_start3A_28 = tpu.memref_squeeze %dma_start3A_27 : memref<1x328x128xf32, #tpu.memory_space<hbm>> -> memref<328x128xf32, #tpu.memory_space<hbm>>
      %dma_start3A_29 = arith.constant 0 : i32
      %dma_start3A_30 = tpu.memref_slice %arg11[%mul3A_0, %dma_start3A_29] : memref<5248x128xf32, #tpu.memory_space<vmem_shared>> -> memref<328x128xf32, #tpu.memory_space<vmem_shared>>
      tpu.enqueue_dma source(%dma_start3A_30 : memref<328x128xf32, #tpu.memory_space<vmem_shared>>) target(%dma_start3A_28 : memref<328x128xf32, #tpu.memory_space<hbm>>) target_semaphore(%run_scoped3A : memref<!tpu.dma_semaphore, #tpu.memory_space<semaphore_mem>>)
      %dma_wait3A = arith.constant 0 : i32
      %dma_wait3A_31 = tpu.memref_slice %arg5[%arg0, %mul3A_0, %dma_wait3A] : memref<2x5248x128xf32, #tpu.memory_space<hbm>> -> memref<1x328x128xf32, #tpu.memory_space<hbm>>
      %dma_wait3A_32 = tpu.memref_squeeze %dma_wait3A_31 : memref<1x328x128xf32, #tpu.memory_space<hbm>> -> memref<328x128xf32, #tpu.memory_space<hbm>>
      %dma_wait3A_33 = arith.constant 0 : i32
      %dma_wait3A_34 = tpu.memref_slice %arg11[%mul3A_0, %dma_wait3A_33] : memref<5248x128xf32, #tpu.memory_space<vmem_shared>> -> memref<328x128xf32, #tpu.memory_space<vmem_shared>>
      tpu.wait_dma2 semaphore(%run_scoped3A : memref<!tpu.dma_semaphore, #tpu.memory_space<semaphore_mem>>) src(%dma_wait3A_34 : memref<328x128xf32, #tpu.memory_space<vmem_shared>>) dst(%dma_wait3A_32 : memref<328x128xf32, #tpu.memory_space<hbm>>)
      tpu.yield
    }) : () -> ()
    return
  }
}

module attributes {stable_mosaic.version = 14 : i64} {
  func.func @_mm1_body(%arg0: i32, %arg1: memref<2000x128xf32, #tpu.memory_space<vmem>>, %arg2: memref<128x64xf32, #tpu.memory_space<vmem>>, %arg3: memref<2000x64xf32, #tpu.memory_space<vmem>>) attributes {dimension_semantics = [#tpu.dimension_semantics<arbitrary>], iteration_bounds = array<i64: 5>, scalar_prefetch = 0 : i64, scratch_operands = 0 : i64, tpu.core_type = #tpu.core_type<tc>, window_params = [{transform_indices = @transform_0, window_bounds = array<i64: 2000, 128>}, {pipeline_mode = #tpu.pipeline_mode<synchronous>, transform_indices = @transform_1, window_bounds = array<i64: 128, 64>}, {transform_indices = @transform_2, window_bounds = array<i64: 2000, 64>}]} {
    %get3A = arith.constant 0 : index
    %get3A_0 = arith.constant 0 : index
    %get3A_1 = vector.load %arg1[%get3A, %get3A_0] : memref<2000x128xf32, #tpu.memory_space<vmem>>, vector<2000x128xf32>
    %get3A_2 = arith.constant 0 : index
    %get3A_3 = arith.constant 0 : index
    %get3A_4 = vector.load %arg2[%get3A_2, %get3A_3] : memref<128x64xf32, #tpu.memory_space<vmem>>, vector<128x64xf32>
    %dot_general3A = arith.constant dense<0.000000e+00> : vector<2000x64xf32>
    %dot_general3A_5 = tpu.matmul %get3A_1, %get3A_4, %dot_general3A {dimension_numbers = #tpu.dot_dimension_numbers<[1], [0], [0], [1], [0, 0, 1, 1], [], []>, transpose_lhs_hint = false} : vector<2000x128xf32>, vector<128x64xf32>, vector<2000x64xf32> -> vector<2000x64xf32>
    %swap3A = arith.constant 0 : index
    %swap3A_6 = arith.constant 0 : index
    %swap3A_7 = vector.load %arg3[%swap3A, %swap3A_6] : memref<2000x64xf32, #tpu.memory_space<vmem>>, vector<2000x64xf32>
    tpu.vector_store %arg3[%swap3A, %swap3A_6], %dot_general3A_5 {strides = array<i32>} : memref<2000x64xf32, #tpu.memory_space<vmem>>, vector<2000x64xf32>,
    return
  }
  func.func @transform_0(%arg0: i32) -> (i32, i32) {
    %c0_i32 = arith.constant 0 : i32
    %c0_i32_0 = arith.constant 0 : i32
    return %arg0, %c0_i32 : i32, i32
  }
  func.func @transform_1(%arg0: i32) -> (i32, i32) {
    %c0_i32 = arith.constant 0 : i32
    %c0_i32_0 = arith.constant 0 : i32
    %c0_i32_1 = arith.constant 0 : i32
    return %c0_i32, %c0_i32_0 : i32, i32
  }
  func.func @transform_2(%arg0: i32) -> (i32, i32) {
    %c0_i32 = arith.constant 0 : i32
    %c0_i32_0 = arith.constant 0 : i32
    return %arg0, %c0_i32 : i32, i32
  }
}

module attributes {stable_mosaic.version = 14 : i64} {
  func.func @_g1_body(%arg0: i32, %arg1: memref<2000x128xf32, #tpu.memory_space<vmem>>, %arg2: memref<2000x64xf32, #tpu.memory_space<vmem>>, %arg3: memref<2000x64xf32, #tpu.memory_space<vmem>>, %arg4: memref<2000x64xf32, #tpu.memory_space<vmem>>) attributes {dimension_semantics = [#tpu.dimension_semantics<arbitrary>], iteration_bounds = array<i64: 5>, scalar_prefetch = 0 : i64, scratch_operands = 0 : i64, tpu.core_type = #tpu.core_type<tc>, window_params = [{transform_indices = @transform_0, window_bounds = array<i64: 2000, 128>}, {transform_indices = @transform_1, window_bounds = array<i64: 2000, 64>}, {transform_indices = @transform_2, window_bounds = array<i64: 2000, 64>}, {transform_indices = @transform_3, window_bounds = array<i64: 2000, 64>}]} {
    %get3A = arith.constant 0 : index
    %get3A_0 = arith.constant 0 : index
    %get3A_1 = vector.load %arg1[%get3A, %get3A_0] : memref<2000x128xf32, #tpu.memory_space<vmem>>, vector<2000x1xf32>
    %add3A = arith.constant 1.000000e+00 : f32
    %add3A_2 = vector.broadcast %add3A : f32 to vector<2000x1xf32>
    %add3A_3 = arith.addf %get3A_1, %add3A_2 : vector<2000x1xf32>
    %sqrt3A = math.sqrt %add3A_3 : vector<2000x1xf32>
    %div3A = arith.constant 1.000000e+00 : f32
    %div3A_4 = vector.broadcast %div3A : f32 to vector<2000x1xf32>
    %div3A_5 = arith.divf %div3A_4, %sqrt3A : vector<2000x1xf32>
    %get3A_6 = arith.constant 0 : index
    %get3A_7 = arith.constant 0 : index
    %get3A_8 = vector.load %arg2[%get3A_6, %get3A_7] : memref<2000x64xf32, #tpu.memory_space<vmem>>, vector<2000x64xf32>
    %mul3A = vector.broadcast %div3A_5 : vector<2000x1xf32> to vector<2000x64xf32>
    %mul3A_9 = arith.mulf %get3A_8, %mul3A : vector<2000x64xf32>
    %swap3A = arith.constant 0 : index
    %swap3A_10 = arith.constant 0 : index
    %swap3A_11 = vector.load %arg3[%swap3A, %swap3A_10] : memref<2000x64xf32, #tpu.memory_space<vmem>>, vector<2000x64xf32>
    tpu.vector_store %arg3[%swap3A, %swap3A_10], %mul3A_9 {strides = array<i32>} : memref<2000x64xf32, #tpu.memory_space<vmem>>, vector<2000x64xf32>,
    %broadcast_in_dim3A = vector.shape_cast %div3A_5 : vector<2000x1xf32> to vector<2000x1xf32>
    %broadcast_in_dim3A_12 = vector.broadcast %broadcast_in_dim3A : vector<2000x1xf32> to vector<2000x64xf32>
    %swap3A_13 = arith.constant 0 : index
    %swap3A_14 = arith.constant 0 : index
    %swap3A_15 = vector.load %arg4[%swap3A_13, %swap3A_14] : memref<2000x64xf32, #tpu.memory_space<vmem>>, vector<2000x64xf32>
    tpu.vector_store %arg4[%swap3A_13, %swap3A_14], %broadcast_in_dim3A_12 {strides = array<i32>} : memref<2000x64xf32, #tpu.memory_space<vmem>>, vector<2000x64xf32>,
    return
  }
  func.func @transform_0(%arg0: i32) -> (i32, i32) {
    %c0_i32 = arith.constant 0 : i32
    %c0_i32_0 = arith.constant 0 : i32
    return %arg0, %c0_i32 : i32, i32
  }
  func.func @transform_1(%arg0: i32) -> (i32, i32) {
    %c0_i32 = arith.constant 0 : i32
    %c0_i32_0 = arith.constant 0 : i32
    return %arg0, %c0_i32 : i32, i32
  }
  func.func @transform_2(%arg0: i32) -> (i32, i32) {
    %c0_i32 = arith.constant 0 : i32
    %c0_i32_0 = arith.constant 0 : i32
    return %arg0, %c0_i32 : i32, i32
  }
  func.func @transform_3(%arg0: i32) -> (i32, i32) {
    %c0_i32 = arith.constant 0 : i32
    %c0_i32_0 = arith.constant 0 : i32
    return %arg0, %c0_i32 : i32, i32
  }
}

module attributes {stable_mosaic.version = 14 : i64} {
  func.func @_h_body(%arg0: i32, %arg1: memref<2000x128xf32, #tpu.memory_space<vmem>>, %arg2: memref<2000x64xf32, #tpu.memory_space<vmem>>, %arg3: memref<2000x64xf32, #tpu.memory_space<vmem>>, %arg4: memref<1x64xf32, #tpu.memory_space<vmem>>, %arg5: memref<64x64xf32, #tpu.memory_space<vmem>>, %arg6: memref<2000x64xf32, #tpu.memory_space<vmem>>) attributes {dimension_semantics = [#tpu.dimension_semantics<arbitrary>], iteration_bounds = array<i64: 5>, scalar_prefetch = 0 : i64, scratch_operands = 0 : i64, tpu.core_type = #tpu.core_type<tc>, window_params = [{transform_indices = @transform_0, window_bounds = array<i64: 2000, 128>}, {transform_indices = @transform_1, window_bounds = array<i64: 2000, 64>}, {transform_indices = @transform_2, window_bounds = array<i64: 2000, 64>}, {pipeline_mode = #tpu.pipeline_mode<synchronous>, transform_indices = @transform_3, window_bounds = array<i64: 1, 64>}, {pipeline_mode = #tpu.pipeline_mode<synchronous>, transform_indices = @transform_4, window_bounds = array<i64: 64, 64>}, {transform_indices = @transform_5, window_bounds = array<i64: 2000, 64>}]} {
    %get3A = arith.constant 0 : index
    %get3A_0 = arith.constant 0 : index
    %get3A_1 = vector.load %arg1[%get3A, %get3A_0] : memref<2000x128xf32, #tpu.memory_space<vmem>>, vector<2000x64xf32>
    %get3A_2 = arith.constant 0 : index
    %get3A_3 = arith.constant 0 : index
    %get3A_4 = vector.load %arg3[%get3A_2, %get3A_3] : memref<2000x64xf32, #tpu.memory_space<vmem>>, vector<2000x64xf32>
    %get3A_5 = arith.constant 0 : index
    %get3A_6 = arith.constant 0 : index
    %get3A_7 = vector.load %arg2[%get3A_5, %get3A_6] : memref<2000x64xf32, #tpu.memory_space<vmem>>, vector<2000x64xf32>
    %add3A = arith.addf %get3A_1, %get3A_7 : vector<2000x64xf32>
    %mul3A = arith.mulf %get3A_4, %add3A : vector<2000x64xf32>
    %get3A_8 = arith.constant 0 : index
    %get3A_9 = arith.constant 0 : index
    %get3A_10 = vector.load %arg4[%get3A_8, %get3A_9] : memref<1x64xf32, #tpu.memory_space<vmem>>, vector<1x64xf32>
    %add3A_11 = vector.broadcast %get3A_10 : vector<1x64xf32> to vector<2000x64xf32>
    %add3A_12 = arith.addf %mul3A, %add3A_11 : vector<2000x64xf32>
    %max3A = arith.constant 0.000000e+00 : f32
    %max3A_13 = vector.broadcast %max3A : f32 to vector<2000x64xf32>
    %max3A_14 = arith.maximumf %add3A_12, %max3A_13 : vector<2000x64xf32>
    %get3A_15 = arith.constant 0 : index
    %get3A_16 = arith.constant 0 : index
    %get3A_17 = vector.load %arg5[%get3A_15, %get3A_16] : memref<64x64xf32, #tpu.memory_space<vmem>>, vector<64x64xf32>
    %dot_general3A = arith.constant dense<0.000000e+00> : vector<2000x64xf32>
    %dot_general3A_18 = tpu.matmul %max3A_14, %get3A_17, %dot_general3A {dimension_numbers = #tpu.dot_dimension_numbers<[1], [0], [0], [1], [0, 0, 1, 1], [], []>, transpose_lhs_hint = false} : vector<2000x64xf32>, vector<64x64xf32>, vector<2000x64xf32> -> vector<2000x64xf32>
    %get3A_19 = arith.constant 0 : index
    %get3A_20 = arith.constant 0 : index
    %get3A_21 = vector.load %arg3[%get3A_19, %get3A_20] : memref<2000x64xf32, #tpu.memory_space<vmem>>, vector<2000x64xf32>
    %mul3A_22 = arith.mulf %dot_general3A_18, %get3A_21 : vector<2000x64xf32>
    %swap3A = arith.constant 0 : index
    %swap3A_23 = arith.constant 0 : index
    %swap3A_24 = vector.load %arg6[%swap3A, %swap3A_23] : memref<2000x64xf32, #tpu.memory_space<vmem>>, vector<2000x64xf32>
    tpu.vector_store %arg6[%swap3A, %swap3A_23], %mul3A_22 {strides = array<i32>} : memref<2000x64xf32, #tpu.memory_space<vmem>>, vector<2000x64xf32>,
    return
  }
  func.func @transform_0(%arg0: i32) -> (i32, i32) {
    %c0_i32 = arith.constant 0 : i32
    %c0_i32_0 = arith.constant 0 : i32
    return %arg0, %c0_i32 : i32, i32
  }
  func.func @transform_1(%arg0: i32) -> (i32, i32) {
    %c0_i32 = arith.constant 0 : i32
    %c0_i32_0 = arith.constant 0 : i32
    return %arg0, %c0_i32 : i32, i32
  }
  func.func @transform_2(%arg0: i32) -> (i32, i32) {
    %c0_i32 = arith.constant 0 : i32
    %c0_i32_0 = arith.constant 0 : i32
    return %arg0, %c0_i32 : i32, i32
  }
  func.func @transform_3(%arg0: i32) -> (i32, i32) {
    %c0_i32 = arith.constant 0 : i32
    %c0_i32_0 = arith.constant 0 : i32
    %c0_i32_1 = arith.constant 0 : i32
    return %c0_i32, %c0_i32_0 : i32, i32
  }
  func.func @transform_4(%arg0: i32) -> (i32, i32) {
    %c0_i32 = arith.constant 0 : i32
    %c0_i32_0 = arith.constant 0 : i32
    %c0_i32_1 = arith.constant 0 : i32
    return %c0_i32, %c0_i32_0 : i32, i32
  }
  func.func @transform_5(%arg0: i32) -> (i32, i32) {
    %c0_i32 = arith.constant 0 : i32
    %c0_i32_0 = arith.constant 0 : i32
    return %arg0, %c0_i32 : i32, i32
  }
}

module attributes {stable_mosaic.version = 14 : i64} {
  func.func @_z_body(%arg0: i32, %arg1: memref<2000x128xf32, #tpu.memory_space<vmem>>, %arg2: memref<2000x64xf32, #tpu.memory_space<vmem>>, %arg3: memref<2000x64xf32, #tpu.memory_space<vmem>>, %arg4: memref<1x64xf32, #tpu.memory_space<vmem>>, %arg5: memref<2000x32xf32, #tpu.memory_space<vmem>>, %arg6: memref<2000x32xf32, #tpu.memory_space<vmem>>, %arg7: memref<2000x32xf32, #tpu.memory_space<vmem>>, %arg8: memref<2000x32xf32, #tpu.memory_space<vmem>>) attributes {dimension_semantics = [#tpu.dimension_semantics<arbitrary>], iteration_bounds = array<i64: 5>, scalar_prefetch = 0 : i64, scratch_operands = 0 : i64, tpu.core_type = #tpu.core_type<tc>, window_params = [{transform_indices = @transform_0, window_bounds = array<i64: 2000, 128>}, {transform_indices = @transform_1, window_bounds = array<i64: 2000, 64>}, {transform_indices = @transform_2, window_bounds = array<i64: 2000, 64>}, {pipeline_mode = #tpu.pipeline_mode<synchronous>, transform_indices = @transform_3, window_bounds = array<i64: 1, 64>}, {transform_indices = @transform_4, window_bounds = array<i64: 2000, 32>}, {transform_indices = @transform_5, window_bounds = array<i64: 2000, 32>}, {transform_indices = @transform_6, window_bounds = array<i64: 2000, 32>}, {transform_indices = @transform_7, window_bounds = array<i64: 2000, 32>}]} {
    %get3A = arith.constant 0 : index
    %get3A_0 = arith.constant 0 : index
    %get3A_1 = vector.load %arg1[%get3A, %get3A_0] : memref<2000x128xf32, #tpu.memory_space<vmem>>, vector<2000x64xf32>
    %get3A_2 = arith.constant 0 : index
    %get3A_3 = arith.constant 0 : index
    %get3A_4 = vector.load %arg3[%get3A_2, %get3A_3] : memref<2000x64xf32, #tpu.memory_space<vmem>>, vector<2000x64xf32>
    %get3A_5 = arith.constant 0 : index
    %get3A_6 = arith.constant 0 : index
    %get3A_7 = vector.load %arg2[%get3A_5, %get3A_6] : memref<2000x64xf32, #tpu.memory_space<vmem>>, vector<2000x64xf32>
    %add3A = arith.addf %get3A_1, %get3A_7 : vector<2000x64xf32>
    %mul3A = arith.mulf %get3A_4, %add3A : vector<2000x64xf32>
    %get3A_8 = arith.constant 0 : index
    %get3A_9 = arith.constant 0 : index
    %get3A_10 = vector.load %arg4[%get3A_8, %get3A_9] : memref<1x64xf32, #tpu.memory_space<vmem>>, vector<1x64xf32>
    %add3A_11 = vector.broadcast %get3A_10 : vector<1x64xf32> to vector<2000x64xf32>
    %add3A_12 = arith.addf %mul3A, %add3A_11 : vector<2000x64xf32>
    %slice3A = vector.extract_strided_slice %add3A_12 {offsets = [0, 0], sizes = [2000, 32], strides = [1, 1]} : vector<2000x64xf32> to vector<2000x32xf32>
    %slice3A_13 = vector.extract_strided_slice %add3A_12 {offsets = [0, 32], sizes = [2000, 32], strides = [1, 1]} : vector<2000x64xf32> to vector<2000x32xf32>
    %swap3A = arith.constant 0 : index
    %swap3A_14 = arith.constant 0 : index
    %swap3A_15 = vector.load %arg7[%swap3A, %swap3A_14] : memref<2000x32xf32, #tpu.memory_space<vmem>>, vector<2000x32xf32>
    tpu.vector_store %arg7[%swap3A, %swap3A_14], %slice3A {strides = array<i32>} : memref<2000x32xf32, #tpu.memory_space<vmem>>, vector<2000x32xf32>,
    %swap3A_16 = arith.constant 0 : index
    %swap3A_17 = arith.constant 0 : index
    %swap3A_18 = vector.load %arg8[%swap3A_16, %swap3A_17] : memref<2000x32xf32, #tpu.memory_space<vmem>>, vector<2000x32xf32>
    tpu.vector_store %arg8[%swap3A_16, %swap3A_17], %slice3A_13 {strides = array<i32>} : memref<2000x32xf32, #tpu.memory_space<vmem>>, vector<2000x32xf32>,
    %get3A_19 = arith.constant 0 : index
    %get3A_20 = arith.constant 0 : index
    %get3A_21 = vector.load %arg5[%get3A_19, %get3A_20] : memref<2000x32xf32, #tpu.memory_space<vmem>>, vector<2000x32xf32>
    %mul3A_22 = arith.constant 5.000000e-01 : f32
    %mul3A_23 = vector.broadcast %mul3A_22 : f32 to vector<2000x32xf32>
    %mul3A_24 = arith.mulf %mul3A_23, %slice3A_13 : vector<2000x32xf32>
    %exp3A = math.exp %mul3A_24 : vector<2000x32xf32>
    %mul3A_25 = arith.mulf %get3A_21, %exp3A : vector<2000x32xf32>
    %add3A_26 = arith.addf %slice3A, %mul3A_25 : vector<2000x32xf32>
    %swap3A_27 = arith.constant 0 : index
    %swap3A_28 = arith.constant 0 : index
    %swap3A_29 = vector.load %arg6[%swap3A_27, %swap3A_28] : memref<2000x32xf32, #tpu.memory_space<vmem>>, vector<2000x32xf32>
    tpu.vector_store %arg6[%swap3A_27, %swap3A_28], %add3A_26 {strides = array<i32>} : memref<2000x32xf32, #tpu.memory_space<vmem>>, vector<2000x32xf32>,
    return
  }
  func.func @transform_0(%arg0: i32) -> (i32, i32) {
    %c0_i32 = arith.constant 0 : i32
    %c0_i32_0 = arith.constant 0 : i32
    return %arg0, %c0_i32 : i32, i32
  }
  func.func @transform_1(%arg0: i32) -> (i32, i32) {
    %c0_i32 = arith.constant 0 : i32
    %c0_i32_0 = arith.constant 0 : i32
    return %arg0, %c0_i32 : i32, i32
  }
  func.func @transform_2(%arg0: i32) -> (i32, i32) {
    %c0_i32 = arith.constant 0 : i32
    %c0_i32_0 = arith.constant 0 : i32
    return %arg0, %c0_i32 : i32, i32
  }
  func.func @transform_3(%arg0: i32) -> (i32, i32) {
    %c0_i32 = arith.constant 0 : i32
    %c0_i32_0 = arith.constant 0 : i32
    %c0_i32_1 = arith.constant 0 : i32
    return %c0_i32, %c0_i32_0 : i32, i32
  }
  func.func @transform_4(%arg0: i32) -> (i32, i32) {
    %c0_i32 = arith.constant 0 : i32
    %c0_i32_0 = arith.constant 0 : i32
    return %arg0, %c0_i32 : i32, i32
  }
  func.func @transform_5(%arg0: i32) -> (i32, i32) {
    %c0_i32 = arith.constant 0 : i32
    %c0_i32_0 = arith.constant 0 : i32
    return %arg0, %c0_i32 : i32, i32
  }
  func.func @transform_6(%arg0: i32) -> (i32, i32) {
    %c0_i32 = arith.constant 0 : i32
    %c0_i32_0 = arith.constant 0 : i32
    return %arg0, %c0_i32 : i32, i32
  }
  func.func @transform_7(%arg0: i32) -> (i32, i32) {
    %c0_i32 = arith.constant 0 : i32
    %c0_i32_0 = arith.constant 0 : i32
    return %arg0, %c0_i32 : i32, i32
  }
}

module attributes {stable_mosaic.version = 14 : i64} {
  func.func @_dec_body(%arg0: i32, %arg1: memref<40x32xf32, #tpu.memory_space<vmem>>, %arg2: memref<10000x32xf32, #tpu.memory_space<vmem>>, %arg3: memref<40x10000xf32, #tpu.memory_space<vmem>>) attributes {dimension_semantics = [#tpu.dimension_semantics<arbitrary>], iteration_bounds = array<i64: 186>, scalar_prefetch = 0 : i64, scratch_operands = 0 : i64, tpu.core_type = #tpu.core_type<tc>, window_params = [{transform_indices = @transform_0, window_bounds = array<i64: 40, 32>}, {pipeline_mode = #tpu.pipeline_mode<synchronous>, transform_indices = @transform_1, window_bounds = array<i64: 10000, 32>}, {transform_indices = @transform_2, window_bounds = array<i64: 40, 10000>}]} {
    %add3A = arith.constant 64 : i32
    %add3A_0 = arith.addi %arg0, %add3A : i32
    %get3A = arith.constant 0 : index
    %get3A_1 = arith.constant 0 : index
    %get3A_2 = vector.load %arg1[%get3A, %get3A_1] : memref<40x32xf32, #tpu.memory_space<vmem>>, vector<40x32xf32>
    %get3A_3 = arith.constant 0 : index
    %get3A_4 = arith.constant 0 : index
    %get3A_5 = vector.load %arg2[%get3A_3, %get3A_4] : memref<10000x32xf32, #tpu.memory_space<vmem>>, vector<10000x32xf32>
    %dot_general3A = arith.constant dense<0.000000e+00> : vector<40x10000xf32>
    %dot_general3A_6 = tpu.matmul %get3A_2, %get3A_5, %dot_general3A {dimension_numbers = #tpu.dot_dimension_numbers<[1], [1], [0], [0], [0, 0, 1, 0], [], []>, transpose_lhs_hint = false} : vector<40x32xf32>, vector<10000x32xf32>, vector<40x10000xf32> -> vector<40x10000xf32>
    %logistic3A = arith.negf %dot_general3A_6 : vector<40x10000xf32>
    %logistic3A_7 = math.exp %logistic3A : vector<40x10000xf32>
    %logistic3A_8 = arith.constant 1.000000e+00 : f32
    %logistic3A_9 = vector.broadcast %logistic3A_8 : f32 to vector<40x10000xf32>
    %logistic3A_10 = arith.addf %logistic3A_9, %logistic3A_7 : vector<40x10000xf32>
    %logistic3A_11 = arith.divf %logistic3A_9, %logistic3A_10 : vector<40x10000xf32>
    %mul3A = arith.constant 40 : i32
    %mul3A_12 = arith.muli %add3A_0, %mul3A : i32
    %iota3A = tpu.iota {dimensions = array<i32: 0>} : vector<40x10000xi32>
    %iota3A_13 = tpu.iota {dimensions = array<i32: 1>} : vector<40x10000xi32>
    %add3A_14 = vector.broadcast %mul3A_12 : i32 to vector<40x10000xi32>
    %add3A_15 = arith.addi %iota3A, %add3A_14 : vector<40x10000xi32>
    %mul3A_16 = arith.constant 10000 : i32
    %mul3A_17 = vector.broadcast %mul3A_16 : i32 to vector<40x10000xi32>
    %mul3A_18 = arith.muli %add3A_15, %mul3A_17 : vector<40x10000xi32>
    %add3A_19 = arith.addi %mul3A_18, %iota3A_13 : vector<40x10000xi32>
    %broadcast_in_dim3A = arith.constant 0 : i32
    %broadcast_in_dim3A_20 = vector.broadcast %broadcast_in_dim3A : i32 to vector<40x10000xi32>
    %add3A_21 = arith.constant 0 : i32
    %add3A_22 = vector.broadcast %add3A_21 : i32 to vector<40x10000xi32>
    %add3A_23 = arith.addi %broadcast_in_dim3A_20, %add3A_22 : vector<40x10000xi32>
    %add3A_24 = arith.constant 1 : i32
    %add3A_25 = vector.broadcast %add3A_24 : i32 to vector<40x10000xi32>
    %add3A_26 = arith.addi %add3A_19, %add3A_25 : vector<40x10000xi32>
    %add3A_27 = arith.addi %add3A_23, %add3A_26 : vector<40x10000xi32>
    %shift_left3A = arith.constant 13 : i32
    %shift_left3A_28 = vector.broadcast %shift_left3A : i32 to vector<40x10000xi32>
    %shift_left3A_29 = arith.shli %add3A_26, %shift_left3A_28 : vector<40x10000xi32>
    %shift_right_logical3A = arith.constant 19 : i32
    %shift_right_logical3A_30 = vector.broadcast %shift_right_logical3A : i32 to vector<40x10000xi32>
    %shift_right_logical3A_31 = arith.shrui %add3A_26, %shift_right_logical3A_30 : vector<40x10000xi32>
    %or3A = arith.ori %shift_left3A_29, %shift_right_logical3A_31 : vector<40x10000xi32>
    %xor3A = arith.xori %or3A, %add3A_27 : vector<40x10000xi32>
    %add3A_32 = arith.addi %add3A_27, %xor3A : vector<40x10000xi32>
    %shift_left3A_33 = arith.constant 15 : i32
    %shift_left3A_34 = vector.broadcast %shift_left3A_33 : i32 to vector<40x10000xi32>
    %shift_left3A_35 = arith.shli %xor3A, %shift_left3A_34 : vector<40x10000xi32>
    %shift_right_logical3A_36 = arith.constant 17 : i32
    %shift_right_logical3A_37 = vector.broadcast %shift_right_logical3A_36 : i32 to vector<40x10000xi32>
    %shift_right_logical3A_38 = arith.shrui %xor3A, %shift_right_logical3A_37 : vector<40x10000xi32>
    %or3A_39 = arith.ori %shift_left3A_35, %shift_right_logical3A_38 : vector<40x10000xi32>
    %xor3A_40 = arith.xori %or3A_39, %add3A_32 : vector<40x10000xi32>
    %add3A_41 = arith.addi %add3A_32, %xor3A_40 : vector<40x10000xi32>
    %shift_left3A_42 = arith.constant 26 : i32
    %shift_left3A_43 = vector.broadcast %shift_left3A_42 : i32 to vector<40x10000xi32>
    %shift_left3A_44 = arith.shli %xor3A_40, %shift_left3A_43 : vector<40x10000xi32>
    %shift_right_logical3A_45 = arith.constant 6 : i32
    %shift_right_logical3A_46 = vector.broadcast %shift_right_logical3A_45 : i32 to vector<40x10000xi32>
    %shift_right_logical3A_47 = arith.shrui %xor3A_40, %shift_right_logical3A_46 : vector<40x10000xi32>
    %or3A_48 = arith.ori %shift_left3A_44, %shift_right_logical3A_47 : vector<40x10000xi32>
    %xor3A_49 = arith.xori %or3A_48, %add3A_41 : vector<40x10000xi32>
    %add3A_50 = arith.addi %add3A_41, %xor3A_49 : vector<40x10000xi32>
    %shift_left3A_51 = arith.constant 6 : i32
    %shift_left3A_52 = vector.broadcast %shift_left3A_51 : i32 to vector<40x10000xi32>
    %shift_left3A_53 = arith.shli %xor3A_49, %shift_left3A_52 : vector<40x10000xi32>
    %shift_right_logical3A_54 = arith.constant 26 : i32
    %shift_right_logical3A_55 = vector.broadcast %shift_right_logical3A_54 : i32 to vector<40x10000xi32>
    %shift_right_logical3A_56 = arith.shrui %xor3A_49, %shift_right_logical3A_55 : vector<40x10000xi32>
    %or3A_57 = arith.ori %shift_left3A_53, %shift_right_logical3A_56 : vector<40x10000xi32>
    %xor3A_58 = arith.xori %or3A_57, %add3A_50 : vector<40x10000xi32>
    %add3A_59 = arith.constant 1 : i32
    %add3A_60 = vector.broadcast %add3A_59 : i32 to vector<40x10000xi32>
    %add3A_61 = arith.addi %add3A_50, %add3A_60 : vector<40x10000xi32>
    %add3A_62 = arith.constant 466688987 : i32
    %add3A_63 = vector.broadcast %add3A_62 : i32 to vector<40x10000xi32>
    %add3A_64 = arith.addi %xor3A_58, %add3A_63 : vector<40x10000xi32>
    %add3A_65 = arith.constant 1 : i32
    %add3A_66 = vector.broadcast %add3A_65 : i32 to vector<40x10000xi32>
    %add3A_67 = arith.addi %add3A_64, %add3A_66 : vector<40x10000xi32>
    %add3A_68 = arith.addi %add3A_61, %add3A_67 : vector<40x10000xi32>
    %shift_left3A_69 = arith.constant 17 : i32
    %shift_left3A_70 = vector.broadcast %shift_left3A_69 : i32 to vector<40x10000xi32>
    %shift_left3A_71 = arith.shli %add3A_67, %shift_left3A_70 : vector<40x10000xi32>
    %shift_right_logical3A_72 = arith.constant 15 : i32
    %shift_right_logical3A_73 = vector.broadcast %shift_right_logical3A_72 : i32 to vector<40x10000xi32>
    %shift_right_logical3A_74 = arith.shrui %add3A_67, %shift_right_logical3A_73 : vector<40x10000xi32>
    %or3A_75 = arith.ori %shift_left3A_71, %shift_right_logical3A_74 : vector<40x10000xi32>
    %xor3A_76 = arith.xori %or3A_75, %add3A_68 : vector<40x10000xi32>
    %add3A_77 = arith.addi %add3A_68, %xor3A_76 : vector<40x10000xi32>
    %shift_left3A_78 = arith.constant 29 : i32
    %shift_left3A_79 = vector.broadcast %shift_left3A_78 : i32 to vector<40x10000xi32>
    %shift_left3A_80 = arith.shli %xor3A_76, %shift_left3A_79 : vector<40x10000xi32>
    %shift_right_logical3A_81 = arith.constant 3 : i32
    %shift_right_logical3A_82 = vector.broadcast %shift_right_logical3A_81 : i32 to vector<40x10000xi32>
    %shift_right_logical3A_83 = arith.shrui %xor3A_76, %shift_right_logical3A_82 : vector<40x10000xi32>
    %or3A_84 = arith.ori %shift_left3A_80, %shift_right_logical3A_83 : vector<40x10000xi32>
    %xor3A_85 = arith.xori %or3A_84, %add3A_77 : vector<40x10000xi32>
    %add3A_86 = arith.addi %add3A_77, %xor3A_85 : vector<40x10000xi32>
    %shift_left3A_87 = arith.constant 16 : i32
    %shift_left3A_88 = vector.broadcast %shift_left3A_87 : i32 to vector<40x10000xi32>
    %shift_left3A_89 = arith.shli %xor3A_85, %shift_left3A_88 : vector<40x10000xi32>
    %shift_right_logical3A_90 = arith.constant 16 : i32
    %shift_right_logical3A_91 = vector.broadcast %shift_right_logical3A_90 : i32 to vector<40x10000xi32>
    %shift_right_logical3A_92 = arith.shrui %xor3A_85, %shift_right_logical3A_91 : vector<40x10000xi32>
    %or3A_93 = arith.ori %shift_left3A_89, %shift_right_logical3A_92 : vector<40x10000xi32>
    %xor3A_94 = arith.xori %or3A_93, %add3A_86 : vector<40x10000xi32>
    %add3A_95 = arith.addi %add3A_86, %xor3A_94 : vector<40x10000xi32>
    %shift_left3A_96 = arith.constant 24 : i32
    %shift_left3A_97 = vector.broadcast %shift_left3A_96 : i32 to vector<40x10000xi32>
    %shift_left3A_98 = arith.shli %xor3A_94, %shift_left3A_97 : vector<40x10000xi32>
    %shift_right_logical3A_99 = arith.constant 8 : i32
    %shift_right_logical3A_100 = vector.broadcast %shift_right_logical3A_99 : i32 to vector<40x10000xi32>
    %shift_right_logical3A_101 = arith.shrui %xor3A_94, %shift_right_logical3A_100 : vector<40x10000xi32>
    %or3A_102 = arith.ori %shift_left3A_98, %shift_right_logical3A_101 : vector<40x10000xi32>
    %xor3A_103 = arith.xori %or3A_102, %add3A_95 : vector<40x10000xi32>
    %add3A_104 = arith.constant 466688987 : i32
    %add3A_105 = vector.broadcast %add3A_104 : i32 to vector<40x10000xi32>
    %add3A_106 = arith.addi %add3A_95, %add3A_105 : vector<40x10000xi32>
    %add3A_107 = arith.constant 0 : i32
    %add3A_108 = vector.broadcast %add3A_107 : i32 to vector<40x10000xi32>
    %add3A_109 = arith.addi %xor3A_103, %add3A_108 : vector<40x10000xi32>
    %add3A_110 = arith.constant 2 : i32
    %add3A_111 = vector.broadcast %add3A_110 : i32 to vector<40x10000xi32>
    %add3A_112 = arith.addi %add3A_109, %add3A_111 : vector<40x10000xi32>
    %add3A_113 = arith.addi %add3A_106, %add3A_112 : vector<40x10000xi32>
    %shift_left3A_114 = arith.constant 13 : i32
    %shift_left3A_115 = vector.broadcast %shift_left3A_114 : i32 to vector<40x10000xi32>
    %shift_left3A_116 = arith.shli %add3A_112, %shift_left3A_115 : vector<40x10000xi32>
    %shift_right_logical3A_117 = arith.constant 19 : i32
    %shift_right_logical3A_118 = vector.broadcast %shift_right_logical3A_117 : i32 to vector<40x10000xi32>
    %shift_right_logical3A_119 = arith.shrui %add3A_112, %shift_right_logical3A_118 : vector<40x10000xi32>
    %or3A_120 = arith.ori %shift_left3A_116, %shift_right_logical3A_119 : vector<40x10000xi32>
    %xor3A_121 = arith.xori %or3A_120, %add3A_113 : vector<40x10000xi32>
    %add3A_122 = arith.addi %add3A_113, %xor3A_121 : vector<40x10000xi32>
    %shift_left3A_123 = arith.constant 15 : i32
    %shift_left3A_124 = vector.broadcast %shift_left3A_123 : i32 to vector<40x10000xi32>
    %shift_left3A_125 = arith.shli %xor3A_121, %shift_left3A_124 : vector<40x10000xi32>
    %shift_right_logical3A_126 = arith.constant 17 : i32
    %shift_right_logical3A_127 = vector.broadcast %shift_right_logical3A_126 : i32 to vector<40x10000xi32>
    %shift_right_logical3A_128 = arith.shrui %xor3A_121, %shift_right_logical3A_127 : vector<40x10000xi32>
    %or3A_129 = arith.ori %shift_left3A_125, %shift_right_logical3A_128 : vector<40x10000xi32>
    %xor3A_130 = arith.xori %or3A_129, %add3A_122 : vector<40x10000xi32>
    %add3A_131 = arith.addi %add3A_122, %xor3A_130 : vector<40x10000xi32>
    %shift_left3A_132 = arith.constant 26 : i32
    %shift_left3A_133 = vector.broadcast %shift_left3A_132 : i32 to vector<40x10000xi32>
    %shift_left3A_134 = arith.shli %xor3A_130, %shift_left3A_133 : vector<40x10000xi32>
    %shift_right_logical3A_135 = arith.constant 6 : i32
    %shift_right_logical3A_136 = vector.broadcast %shift_right_logical3A_135 : i32 to vector<40x10000xi32>
    %shift_right_logical3A_137 = arith.shrui %xor3A_130, %shift_right_logical3A_136 : vector<40x10000xi32>
    %or3A_138 = arith.ori %shift_left3A_134, %shift_right_logical3A_137 : vector<40x10000xi32>
    %xor3A_139 = arith.xori %or3A_138, %add3A_131 : vector<40x10000xi32>
    %add3A_140 = arith.addi %add3A_131, %xor3A_139 : vector<40x10000xi32>
    %shift_left3A_141 = arith.constant 6 : i32
    %shift_left3A_142 = vector.broadcast %shift_left3A_141 : i32 to vector<40x10000xi32>
    %shift_left3A_143 = arith.shli %xor3A_139, %shift_left3A_142 : vector<40x10000xi32>
    %shift_right_logical3A_144 = arith.constant 26 : i32
    %shift_right_logical3A_145 = vector.broadcast %shift_right_logical3A_144 : i32 to vector<40x10000xi32>
    %shift_right_logical3A_146 = arith.shrui %xor3A_139, %shift_right_logical3A_145 : vector<40x10000xi32>
    %or3A_147 = arith.ori %shift_left3A_143, %shift_right_logical3A_146 : vector<40x10000xi32>
    %xor3A_148 = arith.xori %or3A_147, %add3A_140 : vector<40x10000xi32>
    %add3A_149 = arith.constant 0 : i32
    %add3A_150 = vector.broadcast %add3A_149 : i32 to vector<40x10000xi32>
    %add3A_151 = arith.addi %add3A_140, %add3A_150 : vector<40x10000xi32>
    %add3A_152 = arith.constant 1 : i32
    %add3A_153 = vector.broadcast %add3A_152 : i32 to vector<40x10000xi32>
    %add3A_154 = arith.addi %xor3A_148, %add3A_153 : vector<40x10000xi32>
    %add3A_155 = arith.constant 3 : i32
    %add3A_156 = vector.broadcast %add3A_155 : i32 to vector<40x10000xi32>
    %add3A_157 = arith.addi %add3A_154, %add3A_156 : vector<40x10000xi32>
    %add3A_158 = arith.addi %add3A_151, %add3A_157 : vector<40x10000xi32>
    %shift_left3A_159 = arith.constant 17 : i32
    %shift_left3A_160 = vector.broadcast %shift_left3A_159 : i32 to vector<40x10000xi32>
    %shift_left3A_161 = arith.shli %add3A_157, %shift_left3A_160 : vector<40x10000xi32>
    %shift_right_logical3A_162 = arith.constant 15 : i32
    %shift_right_logical3A_163 = vector.broadcast %shift_right_logical3A_162 : i32 to vector<40x10000xi32>
    %shift_right_logical3A_164 = arith.shrui %add3A_157, %shift_right_logical3A_163 : vector<40x10000xi32>
    %or3A_165 = arith.ori %shift_left3A_161, %shift_right_logical3A_164 : vector<40x10000xi32>
    %xor3A_166 = arith.xori %or3A_165, %add3A_158 : vector<40x10000xi32>
    %add3A_167 = arith.addi %add3A_158, %xor3A_166 : vector<40x10000xi32>
    %shift_left3A_168 = arith.constant 29 : i32
    %shift_left3A_169 = vector.broadcast %shift_left3A_168 : i32 to vector<40x10000xi32>
    %shift_left3A_170 = arith.shli %xor3A_166, %shift_left3A_169 : vector<40x10000xi32>
    %shift_right_logical3A_171 = arith.constant 3 : i32
    %shift_right_logical3A_172 = vector.broadcast %shift_right_logical3A_171 : i32 to vector<40x10000xi32>
    %shift_right_logical3A_173 = arith.shrui %xor3A_166, %shift_right_logical3A_172 : vector<40x10000xi32>
    %or3A_174 = arith.ori %shift_left3A_170, %shift_right_logical3A_173 : vector<40x10000xi32>
    %xor3A_175 = arith.xori %or3A_174, %add3A_167 : vector<40x10000xi32>
    %add3A_176 = arith.addi %add3A_167, %xor3A_175 : vector<40x10000xi32>
    %shift_left3A_177 = arith.constant 16 : i32
    %shift_left3A_178 = vector.broadcast %shift_left3A_177 : i32 to vector<40x10000xi32>
    %shift_left3A_179 = arith.shli %xor3A_175, %shift_left3A_178 : vector<40x10000xi32>
    %shift_right_logical3A_180 = arith.constant 16 : i32
    %shift_right_logical3A_181 = vector.broadcast %shift_right_logical3A_180 : i32 to vector<40x10000xi32>
    %shift_right_logical3A_182 = arith.shrui %xor3A_175, %shift_right_logical3A_181 : vector<40x10000xi32>
    %or3A_183 = arith.ori %shift_left3A_179, %shift_right_logical3A_182 : vector<40x10000xi32>
    %xor3A_184 = arith.xori %or3A_183, %add3A_176 : vector<40x10000xi32>
    %add3A_185 = arith.addi %add3A_176, %xor3A_184 : vector<40x10000xi32>
    %shift_left3A_186 = arith.constant 24 : i32
    %shift_left3A_187 = vector.broadcast %shift_left3A_186 : i32 to vector<40x10000xi32>
    %shift_left3A_188 = arith.shli %xor3A_184, %shift_left3A_187 : vector<40x10000xi32>
    %shift_right_logical3A_189 = arith.constant 8 : i32
    %shift_right_logical3A_190 = vector.broadcast %shift_right_logical3A_189 : i32 to vector<40x10000xi32>
    %shift_right_logical3A_191 = arith.shrui %xor3A_184, %shift_right_logical3A_190 : vector<40x10000xi32>
    %or3A_192 = arith.ori %shift_left3A_188, %shift_right_logical3A_191 : vector<40x10000xi32>
    %xor3A_193 = arith.xori %or3A_192, %add3A_185 : vector<40x10000xi32>
    %add3A_194 = arith.constant 1 : i32
    %add3A_195 = vector.broadcast %add3A_194 : i32 to vector<40x10000xi32>
    %add3A_196 = arith.addi %add3A_185, %add3A_195 : vector<40x10000xi32>
    %add3A_197 = arith.constant 466688987 : i32
    %add3A_198 = vector.broadcast %add3A_197 : i32 to vector<40x10000xi32>
    %add3A_199 = arith.addi %xor3A_193, %add3A_198 : vector<40x10000xi32>
    %add3A_200 = arith.constant 4 : i32
    %add3A_201 = vector.broadcast %add3A_200 : i32 to vector<40x10000xi32>
    %add3A_202 = arith.addi %add3A_199, %add3A_201 : vector<40x10000xi32>
    %add3A_203 = arith.addi %add3A_196, %add3A_202 : vector<40x10000xi32>
    %shift_left3A_204 = arith.constant 13 : i32
    %shift_left3A_205 = vector.broadcast %shift_left3A_204 : i32 to vector<40x10000xi32>
    %shift_left3A_206 = arith.shli %add3A_202, %shift_left3A_205 : vector<40x10000xi32>
    %shift_right_logical3A_207 = arith.constant 19 : i32
    %shift_right_logical3A_208 = vector.broadcast %shift_right_logical3A_207 : i32 to vector<40x10000xi32>
    %shift_right_logical3A_209 = arith.shrui %add3A_202, %shift_right_logical3A_208 : vector<40x10000xi32>
    %or3A_210 = arith.ori %shift_left3A_206, %shift_right_logical3A_209 : vector<40x10000xi32>
    %xor3A_211 = arith.xori %or3A_210, %add3A_203 : vector<40x10000xi32>
    %add3A_212 = arith.addi %add3A_203, %xor3A_211 : vector<40x10000xi32>
    %shift_left3A_213 = arith.constant 15 : i32
    %shift_left3A_214 = vector.broadcast %shift_left3A_213 : i32 to vector<40x10000xi32>
    %shift_left3A_215 = arith.shli %xor3A_211, %shift_left3A_214 : vector<40x10000xi32>
    %shift_right_logical3A_216 = arith.constant 17 : i32
    %shift_right_logical3A_217 = vector.broadcast %shift_right_logical3A_216 : i32 to vector<40x10000xi32>
    %shift_right_logical3A_218 = arith.shrui %xor3A_211, %shift_right_logical3A_217 : vector<40x10000xi32>
    %or3A_219 = arith.ori %shift_left3A_215, %shift_right_logical3A_218 : vector<40x10000xi32>
    %xor3A_220 = arith.xori %or3A_219, %add3A_212 : vector<40x10000xi32>
    %add3A_221 = arith.addi %add3A_212, %xor3A_220 : vector<40x10000xi32>
    %shift_left3A_222 = arith.constant 26 : i32
    %shift_left3A_223 = vector.broadcast %shift_left3A_222 : i32 to vector<40x10000xi32>
    %shift_left3A_224 = arith.shli %xor3A_220, %shift_left3A_223 : vector<40x10000xi32>
    %shift_right_logical3A_225 = arith.constant 6 : i32
    %shift_right_logical3A_226 = vector.broadcast %shift_right_logical3A_225 : i32 to vector<40x10000xi32>
    %shift_right_logical3A_227 = arith.shrui %xor3A_220, %shift_right_logical3A_226 : vector<40x10000xi32>
    %or3A_228 = arith.ori %shift_left3A_224, %shift_right_logical3A_227 : vector<40x10000xi32>
    %xor3A_229 = arith.xori %or3A_228, %add3A_221 : vector<40x10000xi32>
    %add3A_230 = arith.addi %add3A_221, %xor3A_229 : vector<40x10000xi32>
    %shift_left3A_231 = arith.constant 6 : i32
    %shift_left3A_232 = vector.broadcast %shift_left3A_231 : i32 to vector<40x10000xi32>
    %shift_left3A_233 = arith.shli %xor3A_229, %shift_left3A_232 : vector<40x10000xi32>
    %shift_right_logical3A_234 = arith.constant 26 : i32
    %shift_right_logical3A_235 = vector.broadcast %shift_right_logical3A_234 : i32 to vector<40x10000xi32>
    %shift_right_logical3A_236 = arith.shrui %xor3A_229, %shift_right_logical3A_235 : vector<40x10000xi32>
    %or3A_237 = arith.ori %shift_left3A_233, %shift_right_logical3A_236 : vector<40x10000xi32>
    %xor3A_238 = arith.xori %or3A_237, %add3A_230 : vector<40x10000xi32>
    %add3A_239 = arith.constant 466688987 : i32
    %add3A_240 = vector.broadcast %add3A_239 : i32 to vector<40x10000xi32>
    %add3A_241 = arith.addi %add3A_230, %add3A_240 : vector<40x10000xi32>
    %add3A_242 = arith.constant 0 : i32
    %add3A_243 = vector.broadcast %add3A_242 : i32 to vector<40x10000xi32>
    %add3A_244 = arith.addi %xor3A_238, %add3A_243 : vector<40x10000xi32>
    %add3A_245 = arith.constant 5 : i32
    %add3A_246 = vector.broadcast %add3A_245 : i32 to vector<40x10000xi32>
    %add3A_247 = arith.addi %add3A_244, %add3A_246 : vector<40x10000xi32>
    %xor3A_248 = arith.xori %add3A_241, %add3A_247 : vector<40x10000xi32>
    %shift_right_logical3A_249 = arith.constant 9 : i32
    %shift_right_logical3A_250 = vector.broadcast %shift_right_logical3A_249 : i32 to vector<40x10000xi32>
    %shift_right_logical3A_251 = arith.shrui %xor3A_248, %shift_right_logical3A_250 : vector<40x10000xi32>
    %or3A_252 = arith.constant 1065353216 : i32
    %or3A_253 = vector.broadcast %or3A_252 : i32 to vector<40x10000xi32>
    %or3A_254 = arith.ori %shift_right_logical3A_251, %or3A_253 : vector<40x10000xi32>
    %bitcast_convert_type3A = tpu.bitcast %or3A_254 : vector<40x10000xi32> -> vector<40x10000xf32>
    %sub3A = arith.constant 1.000000e+00 : f32
    %sub3A_255 = vector.broadcast %sub3A : f32 to vector<40x10000xf32>
    %sub3A_256 = arith.subf %bitcast_convert_type3A, %sub3A_255 : vector<40x10000xf32>
    %lt3A = arith.cmpf olt, %sub3A_256, %logistic3A_11 : vector<40x10000xf32>
    %convert_element_type3A = arith.extui %lt3A : vector<40x10000xi1> to vector<40x10000xi32>
    %convert_element_type3A_257 = arith.sitofp %convert_element_type3A : vector<40x10000xi32> to vector<40x10000xf32>
    %swap3A = arith.constant 0 : index
    %swap3A_258 = arith.constant 0 : index
    %swap3A_259 = vector.load %arg3[%swap3A, %swap3A_258] : memref<40x10000xf32, #tpu.memory_space<vmem>>, vector<40x10000xf32>
    tpu.vector_store %arg3[%swap3A, %swap3A_258], %convert_element_type3A_257 {strides = array<i32>} : memref<40x10000xf32, #tpu.memory_space<vmem>>, vector<40x10000xf32>,
    return
  }
  func.func @transform_0(%arg0: i32) -> (i32, i32) {
    %add3A = arith.constant 64 : i32
    %add3A_0 = arith.addi %arg0, %add3A : i32
    %c0_i32 = arith.constant 0 : i32
    %c0_i32_1 = arith.constant 0 : i32
    return %add3A_0, %c0_i32 : i32, i32
  }
  func.func @transform_1(%arg0: i32) -> (i32, i32) {
    %c0_i32 = arith.constant 0 : i32
    %c0_i32_0 = arith.constant 0 : i32
    %c0_i32_1 = arith.constant 0 : i32
    return %c0_i32, %c0_i32_0 : i32, i32
  }
  func.func @transform_2(%arg0: i32) -> (i32, i32) {
    %add3A = arith.constant 64 : i32
    %add3A_0 = arith.addi %arg0, %add3A : i32
    %c0_i32 = arith.constant 0 : i32
    %c0_i32_1 = arith.constant 0 : i32
    return %add3A_0, %c0_i32 : i32, i32
  }
}

module attributes {stable_mosaic.version = 14 : i64} {
  func.func @_dec_b_body(%arg0: i32, %arg1: memref<40x10000xf32, #tpu.memory_space<vmem>>, %arg2: memref<40x32xf32, #tpu.memory_space<vmem>>, %arg3: memref<10000x32xf32, #tpu.memory_space<vmem>>, %arg4: memref<40x10000xi32, #tpu.memory_space<vmem>>, %arg5: memref<40x10000xf32, #tpu.memory_space<vmem>>) attributes {dimension_semantics = [#tpu.dimension_semantics<arbitrary>], iteration_bounds = array<i64: 64>, scalar_prefetch = 0 : i64, scratch_operands = 0 : i64, tpu.core_type = #tpu.core_type<tc>, window_params = [{transform_indices = @transform_0, window_bounds = array<i64: 40, 10000>}, {transform_indices = @transform_1, window_bounds = array<i64: 40, 32>}, {pipeline_mode = #tpu.pipeline_mode<synchronous>, transform_indices = @transform_2, window_bounds = array<i64: 10000, 32>}, {transform_indices = @transform_3, window_bounds = array<i64: 40, 10000>}, {transform_indices = @transform_4, window_bounds = array<i64: 40, 10000>}]} {
    %get3A = arith.constant 0 : index
    %get3A_0 = arith.constant 0 : index
    %get3A_1 = vector.load %arg2[%get3A, %get3A_0] : memref<40x32xf32, #tpu.memory_space<vmem>>, vector<40x32xf32>
    %get3A_2 = arith.constant 0 : index
    %get3A_3 = arith.constant 0 : index
    %get3A_4 = vector.load %arg3[%get3A_2, %get3A_3] : memref<10000x32xf32, #tpu.memory_space<vmem>>, vector<10000x32xf32>
    %dot_general3A = arith.constant dense<0.000000e+00> : vector<40x10000xf32>
    %dot_general3A_5 = tpu.matmul %get3A_1, %get3A_4, %dot_general3A {dimension_numbers = #tpu.dot_dimension_numbers<[1], [1], [0], [0], [0, 0, 1, 0], [], []>, transpose_lhs_hint = false} : vector<40x32xf32>, vector<10000x32xf32>, vector<40x10000xf32> -> vector<40x10000xf32>
    %logistic3A = arith.negf %dot_general3A_5 : vector<40x10000xf32>
    %logistic3A_6 = math.exp %logistic3A : vector<40x10000xf32>
    %logistic3A_7 = arith.constant 1.000000e+00 : f32
    %logistic3A_8 = vector.broadcast %logistic3A_7 : f32 to vector<40x10000xf32>
    %logistic3A_9 = arith.addf %logistic3A_8, %logistic3A_6 : vector<40x10000xf32>
    %logistic3A_10 = arith.divf %logistic3A_8, %logistic3A_9 : vector<40x10000xf32>
    %get3A_11 = arith.constant 0 : index
    %get3A_12 = arith.constant 0 : index
    %get3A_13 = vector.load %arg4[%get3A_11, %get3A_12] : memref<40x10000xi32, #tpu.memory_space<vmem>>, vector<40x10000xi32>
    %shift_right_logical3A = arith.constant 9 : i32
    %shift_right_logical3A_14 = vector.broadcast %shift_right_logical3A : i32 to vector<40x10000xi32>
    %shift_right_logical3A_15 = arith.shrui %get3A_13, %shift_right_logical3A_14 : vector<40x10000xi32>
    %or3A = arith.constant 1065353216 : i32
    %or3A_16 = vector.broadcast %or3A : i32 to vector<40x10000xi32>
    %or3A_17 = arith.ori %shift_right_logical3A_15, %or3A_16 : vector<40x10000xi32>
    %bitcast_convert_type3A = tpu.bitcast %or3A_17 : vector<40x10000xi32> -> vector<40x10000xf32>
    %sub3A = arith.constant 1.000000e+00 : f32
    %sub3A_18 = vector.broadcast %sub3A : f32 to vector<40x10000xf32>
    %sub3A_19 = arith.subf %bitcast_convert_type3A, %sub3A_18 : vector<40x10000xf32>
    %lt3A = arith.cmpf olt, %sub3A_19, %logistic3A_10 : vector<40x10000xf32>
    %convert_element_type3A = arith.extui %lt3A : vector<40x10000xi1> to vector<40x10000xi32>
    %convert_element_type3A_20 = arith.sitofp %convert_element_type3A : vector<40x10000xi32> to vector<40x10000xf32>
    %swap3A = arith.constant 0 : index
    %swap3A_21 = arith.constant 0 : index
    %swap3A_22 = vector.load %arg5[%swap3A, %swap3A_21] : memref<40x10000xf32, #tpu.memory_space<vmem>>, vector<40x10000xf32>
    tpu.vector_store %arg5[%swap3A, %swap3A_21], %convert_element_type3A_20 {strides = array<i32>} : memref<40x10000xf32, #tpu.memory_space<vmem>>, vector<40x10000xf32>,
    return
  }
  func.func @transform_0(%arg0: i32) -> (i32, i32) {
    %c0_i32 = arith.constant 0 : i32
    %c0_i32_0 = arith.constant 0 : i32
    return %arg0, %c0_i32 : i32, i32
  }
  func.func @transform_1(%arg0: i32) -> (i32, i32) {
    %c0_i32 = arith.constant 0 : i32
    %c0_i32_0 = arith.constant 0 : i32
    return %arg0, %c0_i32 : i32, i32
  }
  func.func @transform_2(%arg0: i32) -> (i32, i32) {
    %c0_i32 = arith.constant 0 : i32
    %c0_i32_0 = arith.constant 0 : i32
    %c0_i32_1 = arith.constant 0 : i32
    return %c0_i32, %c0_i32_0 : i32, i32
  }
  func.func @transform_3(%arg0: i32) -> (i32, i32) {
    %c0_i32 = arith.constant 0 : i32
    %c0_i32_0 = arith.constant 0 : i32
    return %arg0, %c0_i32 : i32, i32
  }
  func.func @transform_4(%arg0: i32) -> (i32, i32) {
    %c0_i32 = arith.constant 0 : i32
    %c0_i32_0 = arith.constant 0 : i32
    return %arg0, %c0_i32 : i32, i32
  }
}

</mosaic_0001>

<sc_bundles>
// kernel: kernel.12.cloned.1.call-start
scs
__scs_entry_jumppad:
0x0: {  	(pc) =	sbr.rel $0x88, $3  }
0x1: {  	(tag) =	ssettag $0x0;
	lr =	simm.s32 $0x1  }
0x2: {  	[smem:$0x3F98] =	sst lr;
	_ =	strace $0xD0000000  }
0x3: {  	_ = 	snop  }
0x4: {  	_ = 	snop  }
0x5: {  	_ = 	snop  }
0x6: {  	_ = 	snop  }
0x7: {  	_ = 	snop  }
__scs_overlays_trampoline_lowered:
0x8: {  	[smem:$0x3FA7] =	sst s0  }
0x9: {  	[smem:$0x3FA8] =	sst s1  }
0xa: {  	[smem:$0x3FA9] =	sst s2  }
0xb: {  	[smem:$0x3FAA] =	sst s3  }
0xc: {  	[smem:$0x3FAB] =	sst s4  }
0xd: {  	[smem:$0x3FAC] =	sst s5  }
0xe: {  	[smem:$0x3FAD] =	sst s6  }
0xf: {  	[smem:$0x3FAE] =	sst s7  }
0x10: {  	[smem:$0x3FAF] =	sst s8  }
0x11: {  	[smem:$0x3FB0] =	sst s9;
	s0 =	simm.s32 @!p0 $0x0  }
0x12: {  	s1 =	sld [smem:$0x3F96];
	s0 =	simm.s32 @p0 $0x1  }
0x13: {  	[smem:$0x3FB1] =	sst s0;
	s0 =	simm.s32 @!p1 $0x0  }
0x14: {  	s2 =	sld [smem:$0x3F95];
	s0 =	simm.s32 @p1 $0x1  }
0x15: {  	[smem:$0x3FB2] =	sst s0;
	s0 =	simm.s32 @!p2 $0x0  }
0x16: {  	s3 =	sld [smem:$0x3FDB];
	s0 =	simm.s32 @p2 $0x1  }
0x17: {  	s4 =	simm.s32 $0x1BF5;
	[smem:$0x3FB4] =	sst s0  }
0x18: {  	s0 =	sld [smem:$0x3F97];
	_ =	swait.ge [sflag:s4], $0x0  }
0x19: {  	s7 =	sld [smem:$0x3F98]  }
0x1a: {  	s8 =	sadd.s32 $0xFFFFE003, lr  }
0x1b: {  	s9 =	sadd.s32 $0xFFFFFEF7, lr;
	s5 =	simm.s32 $0xFFFFFFFF;
	p2 =	slt.u32 s8, $0xFFFFF086  }
0x1c: {  	p1 =	slt.u32 s9, $0xF7A;
	s5 =	simm.s32 @!p2 $0x0  }
0x1d: {  	s5 =	simm.s32 @p1 $0x1;
	p0 =	seq.s32 s7, s2  }
0x1e: {  	s7 =	smul.u32 @!p0 $0xF7A, s2;
	p2 =	seq.s32 @!p0 s5, $0x0  }
0x1f: {  	s9 =	smul.u32 $0xF7A, s1;
	s8 =	simm.s32 @!p0 $0x1BF5;
	p2 =	por !p2, p0  }
0x20: {  	[sflag:s8] =	ssyncset.s32 @!p0 $0xFFFFF086;
	s6 =	sadd.s32 @!p0 s3, s7;
	s7 =	simm.s32 @!p0 $0x108  }
0x21: {  	s3 =	sadd.s32 s3, s9;
	s6 =	sadd.s32 @!p0 $0x88, s6;
	s7 =	simm.s32 @p2 $0x1082  }
0x22: {  	[simem:s7], [sflag:s8] =	dma.local @!p0 [hbm:s6], $0xF7A  }
0x23: {  	s9 =	sor.u32 $0xD0000000, s2;
	s6 =	simm.s32 $0x108;
	_ =	swait.ge @!p0 [sflag:s8], $0x0  }
0x24: {  	s3 =	sadd.s32 $0x88, s3;
	s6 =	simm.s32 @!p1 $0x1082;
	[sflag:s4] =	ssyncset.s32 $0xFFFFF086  }
0x25: {  	[simem:s6], [sflag:s4] =	dma.local [hbm:s3], $0xF7A  }
0x26: {  	[smem:$0x3F98] =	sst s1;
	(tag) =	ssettag s2;
	_ =	strace s9  }
0x27: {  	s1 =	sld [smem:$0x3FA8]  }
0x28: {  	s2 =	sld [smem:$0x3FA9]  }
0x29: {  	s4 =	sld [smem:$0x3FAB]  }
0x2a: {  	p0 =	seq.s32 s5, $0x0;
	s5 =	sld [smem:$0x3FAC]  }
0x2b: {  	s6 =	sld [smem:$0x3FAD]  }
0x2c: {  	s7 =	sld [smem:$0x3FAE]  }
0x2d: {  	s3 =	simm.s32 $0x108;
	s8 =	sld [smem:$0x3FAF]  }
0x2e: {  	s3 =	simm.s32 @!p0 $0x1082;
	s9 =	sld [smem:$0x3FB0]  }
0x2f: {  	lr =	sadd.s32 s0, s3;
	s0 =	sld [smem:$0x3FA7]  }
0x30: {  	s3 =	sld [smem:$0x3FAA]  }
0x31: {  	[smem:$0x3FB3] =	sst s10  }
0x32: {  	s10 =	sld [smem:$0x3FB1];
	_ =	sdelay $0x3  }
0x33: {  	p0 =	seq.s32 s10, $0x1;
	s10 =	sld [smem:$0x3FB3];
	_ =	sdelay $0x3  }
0x34: {  	[smem:$0x3FB3] =	sst s10  }
0x35: {  	s10 =	sld [smem:$0x3FB2];
	_ =	sdelay $0x3  }
0x36: {  	p1 =	seq.s32 s10, $0x1;
	s10 =	sld [smem:$0x3FB3];
	_ =	sdelay $0x3  }
0x37: {  	[smem:$0x3FB3] =	sst s10  }
0x38: {  	s10 =	sld [smem:$0x3FB4]  }
0x39: {  	_ = 	snop;
	(pc) =	sbr.ind lr, $3  }
0x3a: {  	_ = 	snop  }
0x3b: {  	_ = 	snop  }
0x3c: {  	p2 =	seq.s32 s10, $0x1;
	s10 =	sld [smem:$0x3FB3]  }
0x3d: {  	_ =	shalt  }
0x3e: {  	_ =	shalt  }
0x3f: {  	_ =	shalt  }
0x40: {  	_ =	shalt  }
0x41: {  	_ =	shalt  }
0x42: {  	_ =	shalt  }
0x43: {  	_ =	shalt  }
0x44: {  	_ =	shalt  }
0x45: {  	_ =	shalt  }
0x46: {  	_ =	shalt  }
0x47: {  	_ =	shalt  }
0x48: {  	_ =	shalt  }
0x49: {  	_ =	shalt  }
0x4a: {  	_ =	shalt  }
0x4b: {  	_ =	shalt  }
0x4c: {  	_ =	shalt  }
0x4d: {  	_ =	shalt  }
0x4e: {  	_ =	shalt  }
0x4f: {  	_ =	shalt  }
0x50: {  	_ =	shalt  }
0x51: {  	_ =	shalt  }
0x52: {  	_ =	shalt  }
0x53: {  	_ =	shalt  }
0x54: {  	_ =	shalt  }
0x55: {  	_ =	shalt  }
0x56: {  	_ =	shalt  }
0x57: {  	_ =	shalt  }
0x58: {  	_ =	shalt  }
0x59: {  	_ =	shalt  }
0x5a: {  	_ =	shalt  }
0x5b: {  	_ =	shalt  }
0x5c: {  	_ =	shalt  }
0x5d: {  	_ =	shalt  }
0x5e: {  	_ =	shalt  }
0x5f: {  	_ =	shalt  }
0x60: {  	_ =	shalt  }
0x61: {  	_ =	shalt  }
0x62: {  	_ =	shalt  }
0x63: {  	_ =	shalt  }
0x64: {  	_ =	shalt  }
0x65: {  	_ =	shalt  }
0x66: {  	_ =	shalt  }
0x67: {  	_ =	shalt  }
0x68: {  	_ =	shalt  }
0x69: {  	_ =	shalt  }
0x6a: {  	_ =	shalt  }
0x6b: {  	_ =	shalt  }
0x6c: {  	_ =	shalt  }
0x6d: {  	_ =	shalt  }
0x6e: {  	_ =	shalt  }
0x6f: {  	_ =	shalt  }
0x70: {  	_ =	shalt  }
0x71: {  	_ =	shalt  }
0x72: {  	_ =	shalt  }
0x73: {  	_ =	shalt  }
0x74: {  	_ =	shalt  }
0x75: {  	_ =	shalt  }
0x76: {  	_ =	shalt  }
0x77: {  	_ =	shalt  }
0x78: {  	_ =	shalt  }
0x79: {  	_ =	shalt  }
0x7a: {  	_ =	shalt  }
0x7b: {  	_ =	shalt  }
0x7c: {  	_ =	shalt  }
0x7d: {  	_ =	shalt  }
0x7e: {  	_ =	shalt  }
0x7f: {  	_ =	shalt  }
0x80: {  	_ =	shalt  }
0x81: {  	_ =	shalt  }
0x82: {  	_ =	shalt  }
0x83: {  	_ =	shalt  }
0x84: {  	_ =	shalt  }
0x85: {  	_ =	shalt  }
0x86: {  	_ =	shalt  }
0x87: {  	_ =	shalt  }
.Lfunc_end0:
.L_simem_size_0:
called_computation_lowered:
.L_overlay_start_0:
0x88: {  	s2 =	sld [smem:$0x3FD9]  }
0x89: {  	s3 =	sld [smem:$0x3FFE];
	_ =	sdelay $0x1  }
0x8a: {  	s1 =	srdreg.scid  }
0x8b: {  	s0 =	sand.u32 $0x1, s1  }
0x8c: {  	s14 =	sshll.u32 s0, $0xA;
	s2 =	sadd.s32 s3, s2  }
0x8d: {  	s2 =	sadd.s32 s2, s14  }
0x8e: {  	[smem:$0x3FBF] =	sst s2  }
0x8f: {  	_ = 	snop  }
0x90: {  	s2 =	sld [smem:$0x3FD0];
	_ =	sdelay $0x2  }
0x91: {  	s15 =	simm.s32 $0xA;
	s4 =	simm.s32 $0x10  }
0x92: {  	[smem:s4], [sflag:s15] =	dma.local [hbm:s2], $0x1  }
0x93: {  	_ =	swait.eq [sflag:s15], $0x1  }
0x94: {  	[sflag:s15] =	ssyncset.done $0x0  }
0x95: {  	[sflag:s15] =	ssyncadd.s32 $0xFFFFFFFF  }
0x96: {  	s16 =	sld [smem:$0x11];
	(tm) =	ssettm $0x1  }
0x97: {  	s17 =	sld [smem:$0x3FFB];
	_ =	sdelay $0x3  }
0x98: {  	_ =	strace s17  }
0x99: {  	s3 =	sld [smem:$0x3FFC];
	_ =	sdelay $0x3  }
0x9a: {  	_ =	strace s3  }
0x9b: {  	s3 =	sld [smem:$0x3FFD];
	_ =	sdelay $0x3  }
0x9c: {  	_ =	strace s3  }
0x9d: {  	_ =	strace $0x8FFFFFFF  }
0x9e: {  	s18 =	sld [smem:$0x3FDB];
	_ =	sdelay $0x1  }
0x9f: {  	s19 =	simm.s32 $_scs_section_size  }
0xa0: {  	s5 =	simm.s32 $_size__tile_overlayer_lowered;
	s6 =	simm.s32 $_tile_overlayer_lowered  }
0xa1: {  	s22 =	simm.s32 $0x1BFF;
	s21 =	sshll.u32 s6, $0x1;
	s3 =	sadd.s32 s19, s18  }
0xa2: {  	s7 =	simm.s32 $0x0;
	s20 =	sshll.u32 s5, $0x1;
	s5 =	sadd.s32 s21, s3  }
0xa3: {  	[timem:s7], [sflag:s22] =	dma.local [hbm:s5], s20  }
0xa4: {  	_ =	swait.ge [sflag:s22], s20  }
0xa5: {  	s4 =	ssub.s32 $0x0, s20;
	[sflag:s22] =	ssyncset.done $0x0  }
0xa6: {  	[sflag:s22] =	ssyncadd.s32 s4;
	_ =	sdelay $0x1  }
0xa7: {  	s23 =	simm.s32 $0x1B8B  }
0xa8: {  	_ =	swait.ge [sflag:s23], $0x1  }
0xa9: {  	[sflag:s23] =	ssyncset.done $0x0  }
0xaa: {  	s25 =	simm.s32 $0x1B8E;
	s24 =	sld [smem:$0x3FFE];
	[sflag:s23] =	ssyncadd.s32 $0xFFFFFFFF  }
0xab: {  	s26 =	simm.s32 $execute0_lowered;
	[smem:$0x3FD2] =	sst s25  }
0xac: {  	s5 =	sshll.u32 s26, $0x1;
	_ =	strace $0x80000046;
	[dreg:$0x1] =	wrdreg $0xFFFFFFFF  }
0xad: {  	s28 =	simm.s32 $_size_execute0_lowered;
	s3 =	sadd.s32 s3, s5;
	[dreg:$0x0] =	wrdreg $0x0  }
0xae: {  	s5 =	sshll.u32 s28, $0x1;
	[dreg:$0x2] =	wrdreg s3  }
0xaf: {  	[dreg:$0x3] =	wrdreg s5  }
0xb0: {  	[dreg:$0x4] =	wrdreg $0xC0  }
0xb1: {  	_ =	task [dreg:s7], $0x5FFFF  }
0xb2: {  	[dreg:$0x1] =	wrdreg $0xFFFFFFFF  }
0xb3: {  	[dreg:$0x0] =	wrdreg $0x60  }
0xb4: {  	[dreg:$0x2] =	wrdreg s24  }
0xb5: {  	[dreg:$0x3] =	wrdreg s16  }
0xb6: {  	[dreg:$0x4] =	wrdreg $0xD0800  }
0xb7: {  	[dreg:$0x5] =	wrdreg $0x9  }
0xb8: {  	_ =	task.clear_ibuf [dreg:s7], $0x6FFFF;
	_ =	strace $0x90000046  }
0xb9: {  	s29 =	simm.s32 $0x9;
	_ =	strace $0x80000048  }
0xba: {  	_ =	swait.ge [sflag:s29], $0x1  }
0xbb: {  	[sflag:s29] =	ssyncadd.s32 $0xFFFFFFFF  }
0xbc: {  	_ =	strace $0x90000048  }
0xbd: {  	_ =	sfence  }
0xbe: {  	s30 =	sld [smem:$0x0];
	_ =	sdelay $0x2  }
0xbf: {  	s31 =	sshll.u32 s1, $0xD;
	s1 =	sshrl.u32 s1, $0x2  }
0xc0: {  	s3 =	sand.u32 $0x4000, s31;
	s1 =	sadd.s32 s1, s30  }
0xc1: {  	s0 =	sor.u32 s3, s0;
	s1 =	sshll.u32 s1, $0x11  }
0xc2: {  	s0 =	sor.u32 s1, s0  }
0xc3: {  	s0 =	sadd.s32 $0x8F2B, s0  }
0xc4: {  	[sflag:s0] =	ssyncadd.remote.s32 $0x1  }
0xc5: {  	_ =	sfence.sel $0xFFFF  }
0xc6: {  	[dreg:$0x0] =	wrdreg $0xFFFFFFFF;
	(pc) =	sbr.abs _section_cstart, $3  }
0xc7: {  	[dreg:$0x1] =	wrdreg $0xFFFFFFFF  }
0xc8: {  	_ =	task.clear_ibuf [dreg:s7], $0x2FFFF;
	_ =	strace $0x9FFFFFFF  }
0xc9: {  	(tm) =	ssettm $0x7FFFFFFF  }
tec
execute0_lowered:
.L_overlay_start_1:
0x0: {  	(tag) =	ssettag $0x1  }
0x1: {  	s4 =	rddreg [dreg:$0x0]  }
0x2: {  	s8 =	rddreg [dreg:$0x1]  }
0x3: {  	s2 =	rddreg [dreg:$0x2];
	s1 =	stileid.u32  }
0x4: {  	s0 =	rddreg [dreg:$0x3];
	s5 =	smul.u32 $0xA00, s1  }
0x5: {  	s6 =	srdreg.scid;
	s3 =	simm.s32 $0x0;
	s29 =	smul.u32 $0x29000, s1  }
0x6: {  	s13 =	simm.s32 $0x5000;
	s9 =	sand.u32 $0x1, s6;
	s11 =	smul.u32 $0xA400, s1  }
0x7: {  	[smem:$0x7FF] =	sst s3;
	s15 =	sshll.u32 s1, $0x6;
	s7 =	smul.u32 $0xA4000, s9  }
0x8: {  	_ =	strace $0x80000047;
	s10 =	ssub.s32 $0x2, s9;
	s14 =	smul.u32 $0x13C0, s9  }
0x9: {  	s15 =	sor.u32 $0x1C01, s15;
	s30 =	sshrl.u32 s10, $0x1;
	s31 =	sshrl.u32 s29, $0x2  }
0xa: {  	s12 =	sadd.s32 s5, s4;
	s10 =	ssub.s32 s10, s30;
	s4 =	sadd.s32 s31, s2  }
0xb: {  	s7 =	sadd.s32 s11, s7;
	v0 =	vmov s14;
	s14 =	simm.s32 $0x5080;
	s5 =	sadd.s32 $0x4000, s4  }
0xc: {  	s6 =	sadd.s32 $0x8000, s4;
	s11 =	sshrl.u32 s7, $0x3;
	s7 =	sadd.s32 $0x4C00, s12  }
0xd: {  	s9 =	smax.u32 s10, $0x1;
	s10 =	simm.s32 $0x9080;
	s12 =	simm.s32 $0x80  }
0xe: {  	v1 =	vimm.f32 $1.000000000e+00;
	v2 =	vimm.f32 $0.0e+00;
	s16 =	sshrl.u32 s4, $0x3;
	s8 =	sadd.s32 s8, s11;
	s11 =	simm.s32 $0x1  }
.LBB2_1:
0xf: {  	s17 =	simm.s32 $0x0;
	s18 =	simm.s32 $0x200  }
.LBB2_2:
0x10: {  	p0 =	sne.s32 s18, $0xFE00;
	[tilespmem:s17+$0x90F0] =	vst v2  }
0x11: {  	[tilespmem:s17+$0x5080] =	vst v1  }
0x12: {  	[tilespmem:s17+$0x9080] =	vst v2  }
0x13: {  	[tilespmem:s17+$0x5090] =	vst v1  }
0x14: {  	[tilespmem:s17+$0x9090] =	vst v2  }
0x15: {  	[tilespmem:s17+$0x50A0] =	vst v1  }
0x16: {  	[tilespmem:s17+$0x90A0] =	vst v2  }
0x17: {  	[tilespmem:s17+$0x50B0] =	vst v1  }
0x18: {  	[tilespmem:s17+$0x90B0] =	vst v2  }
0x19: {  	[tilespmem:s17+$0x50C0] =	vst v1  }
0x1a: {  	[tilespmem:s17+$0x90C0] =	vst v2  }
.Ltmp0:
0x1b: {  	[tilespmem:s17+$0x50D0] =	vst v1;
	(pc) =	sbr.rel @p0 .LBB2_2-.Ltmp0, $4  }
0x1c: {  	[tilespmem:s17+$0x90D0] =	vst v2  }
0x1d: {  	[tilespmem:s17+$0x50E0] =	vst v1  }
0x1e: {  	[tilespmem:s17+$0x90E0] =	vst v2  }
0x1f: {  	[tilespmem:s17+$0x50F0] =	vst v1;
	s17 =	sshra.s32 s18, $0x2;
	s18 =	sadd.s32 $0x200, s18  }
0x20: {  	[tilespmem:s17+$0x90F0] =	vst v2  }
0x21: {  	[tilespmem:s17+$0x5080] =	vst v1  }
0x22: {  	[tilespmem:s17+$0x9080] =	vst v2  }
0x23: {  	[tilespmem:s17+$0x5090] =	vst v1  }
0x24: {  	[tilespmem:s17+$0x9090] =	vst v2  }
0x25: {  	[tilespmem:s17+$0x50A0] =	vst v1  }
0x26: {  	[tilespmem:s17+$0x90A0] =	vst v2  }
0x27: {  	[tilespmem:s17+$0x50B0] =	vst v1  }
0x28: {  	[tilespmem:s17+$0x90B0] =	vst v2  }
0x29: {  	[tilespmem:s17+$0x50C0] =	vst v1  }
0x2a: {  	[tilespmem:s17+$0x90C0] =	vst v2  }
0x2b: {  	[tilespmem:s17+$0x50D0] =	vst v1  }
0x2c: {  	[tilespmem:s17+$0x90D0] =	vst v2  }
0x2d: {  	[tilespmem:s17+$0x50E0] =	vst v1  }
0x2e: {  	[tilespmem:s17+$0x90E0] =	vst v2  }
0x2f: {  	[tilespmem:s17+$0x50F0] =	vst v1  }
0x30: {  	[spmem:s4] =	stream.linear.scatter [tilespmem:s10], [sflag:$0x1], $0x4000, $0x38;
	[tilespmem:$0x17480] =	vst v63  }
0x31: {  	_ =	swait.ge [sflag:s11], $0x4000  }
0x32: {  	[sflag:s11] =	ssyncset.done $0x0  }
0x33: {  	[sflag:s11] =	ssyncadd.s32 $0xFFFFC000  }
0x34: {  	[spmem:s5] =	stream.linear.scatter [tilespmem:s10], [sflag:$0x1], $0x4000, $0x38;
	[tilespmem:$0x17480] =	vst v63  }
0x35: {  	_ =	swait.ge [sflag:s11], $0x4000  }
0x36: {  	[sflag:s11] =	ssyncset.done $0x0  }
0x37: {  	[sflag:s11] =	ssyncadd.s32 $0xFFFFC000  }
0x38: {  	[spmem:s6] =	stream.linear.scatter [tilespmem:s10], [sflag:$0x1], $0x2400, $0x38;
	[tilespmem:$0x17480] =	vst v63  }
0x39: {  	_ =	swait.ge [sflag:s11], $0x2400  }
0x3a: {  	[sflag:s11] =	ssyncset.done $0x0  }
0x3b: {  	s30 =	simm.s32 $0x0;
	[sflag:s11] =	ssyncadd.s32 $0xFFFFDC00  }
0x3c: {  	[tilespmem:s30], [sflag:$0x1] =	stream.linear.gather [hbm4b:s7+s30], $0x4E80, $0x38;
	[tilespmem:$0x17480] =	vst v63  }
0x3d: {  	_ =	swait.ge [sflag:s11], $0x4E80  }
0x3e: {  	[sflag:s11] =	ssyncset.done $0x0  }
0x3f: {  	[sflag:s11] =	ssyncadd.s32 $0xFFFFB180  }
0x40: {  	s31 =	simm.s32 $0x0;
	[bflag:$0x0] =	sbarrier.arrive $0xFFFF  }
0x41: {  	v3 =	vld [tilespmem:s31+$0x0];
	_ =	sdelay $0x4  }
0x42: {  	v3 =	vsub.s32 v3, v0  }
0x43: {  	v3 =	vmin.u32 v3, $0x13C0  }
0x44: {  	[tilespmem:$0x5000] =	vst v3  }
0x45: {  	v3 =	vld [tilespmem:s31+$0x10];
	_ =	sdelay $0x4  }
0x46: {  	v3 =	vsub.s32 v3, v0  }
0x47: {  	v3 =	vmin.u32 v3, $0x13C0  }
0x48: {  	[tilespmem:$0x5010] =	vst v3  }
0x49: {  	v3 =	vld [tilespmem:s31+$0x20];
	_ =	sdelay $0x4  }
0x4a: {  	v3 =	vsub.s32 v3, v0  }
0x4b: {  	v3 =	vmin.u32 v3, $0x13C0  }
0x4c: {  	[tilespmem:$0x5020] =	vst v3  }
0x4d: {  	v3 =	vld [tilespmem:s31+$0x30];
	_ =	sdelay $0x4  }
0x4e: {  	v3 =	vsub.s32 v3, v0  }
0x4f: {  	v3 =	vmin.u32 v3, $0x13C0  }
0x50: {  	[tilespmem:$0x5030] =	vst v3  }
0x51: {  	v3 =	vld [tilespmem:s31+$0x40];
	_ =	sdelay $0x4  }
0x52: {  	v3 =	vsub.s32 v3, v0  }
0x53: {  	v3 =	vmin.u32 v3, $0x13C0  }
0x54: {  	[tilespmem:$0x5040] =	vst v3  }
0x55: {  	v3 =	vld [tilespmem:s31+$0x50];
	_ =	sdelay $0x4  }
0x56: {  	v3 =	vsub.s32 v3, v0  }
0x57: {  	v3 =	vmin.u32 v3, $0x13C0  }
0x58: {  	[tilespmem:$0x5050] =	vst v3  }
0x59: {  	v3 =	vld [tilespmem:s31+$0x60];
	_ =	sdelay $0x4  }
0x5a: {  	v3 =	vsub.s32 v3, v0  }
0x5b: {  	v3 =	vmin.u32 v3, $0x13C0  }
0x5c: {  	[tilespmem:$0x5060] =	vst v3  }
0x5d: {  	v3 =	vld [tilespmem:s31+$0x70];
	_ =	sdelay $0x4  }
0x5e: {  	v3 =	vsub.s32 v3, v0  }
0x5f: {  	v3 =	vmin.u32 v3, $0x13C0  }
0x60: {  	[tilespmem:$0x5070] =	vst v3  }
0x61: {  	[spmem:s2] =	stream.indirect.scatter.add.f32 [tilespmem:s14], [sflag:$0x1], $0x80, s13, s12, $0xb8;
	[tilespmem:$0x17480] =	vst v63  }
0x62: {  	_ =	swait.ge [sflag:s11], $0x4000  }
0x63: {  	s17 =	simm.s32 $0x200;
	s20 =	simm.s32 $0x400;
	[sflag:s11] =	ssyncset.done $0x0  }
.LBB2_4:
0x64: {  	s19 =	sshra.s32 s17, $0x2  }
0x65: {  	[sflag:s11] =	ssyncadd.s32 $0xFFFFC000;
	s17 =	smov.u32 s20;
	s18 =	sadd.s32 $0x200, s20  }
0x66: {  	p0 =	sne.s32 s20, $0x13800;
	v3 =	vld [tilespmem:s19+$0x0];
	_ =	sdelay $0x4  }
0x67: {  	v3 =	vsub.s32 v3, v0  }
0x68: {  	v3 =	vmin.u32 v3, $0x13C0  }
0x69: {  	[tilespmem:$0x5000] =	vst v3  }
0x6a: {  	v3 =	vld [tilespmem:s19+$0x10];
	_ =	sdelay $0x4  }
0x6b: {  	v3 =	vsub.s32 v3, v0  }
0x6c: {  	v3 =	vmin.u32 v3, $0x13C0  }
0x6d: {  	[tilespmem:$0x5010] =	vst v3  }
0x6e: {  	v3 =	vld [tilespmem:s19+$0x20];
	_ =	sdelay $0x4  }
0x6f: {  	v3 =	vsub.s32 v3, v0  }
0x70: {  	v3 =	vmin.u32 v3, $0x13C0  }
0x71: {  	[tilespmem:$0x5020] =	vst v3  }
0x72: {  	v3 =	vld [tilespmem:s19+$0x30];
	_ =	sdelay $0x4  }
0x73: {  	v3 =	vsub.s32 v3, v0  }
0x74: {  	v3 =	vmin.u32 v3, $0x13C0  }
0x75: {  	[tilespmem:$0x5030] =	vst v3  }
0x76: {  	v3 =	vld [tilespmem:s19+$0x40];
	_ =	sdelay $0x4  }
0x77: {  	v3 =	vsub.s32 v3, v0  }
0x78: {  	v3 =	vmin.u32 v3, $0x13C0  }
0x79: {  	[tilespmem:$0x5040] =	vst v3  }
0x7a: {  	v3 =	vld [tilespmem:s19+$0x50];
	_ =	sdelay $0x4  }
0x7b: {  	v3 =	vsub.s32 v3, v0  }
0x7c: {  	v3 =	vmin.u32 v3, $0x13C0  }
0x7d: {  	[tilespmem:$0x5050] =	vst v3  }
0x7e: {  	v3 =	vld [tilespmem:s19+$0x60];
	_ =	sdelay $0x4  }
0x7f: {  	v3 =	vsub.s32 v3, v0  }
0x80: {  	v3 =	vmin.u32 v3, $0x13C0  }
0x81: {  	[tilespmem:$0x5060] =	vst v3  }
0x82: {  	v3 =	vld [tilespmem:s19+$0x70];
	_ =	sdelay $0x4  }
0x83: {  	v3 =	vsub.s32 v3, v0  }
.Ltmp1:
0x84: {  	v3 =	vmin.u32 v3, $0x13C0;
	(pc) =	sbr.rel @p0 .LBB2_4-.Ltmp1, $4  }
0x85: {  	[tilespmem:$0x5070] =	vst v3  }
0x86: {  	[spmem:s2] =	stream.indirect.scatter.add.f32 [tilespmem:s14], [sflag:$0x1], $0x80, s13, s12, $0xb8;
	[tilespmem:$0x17480] =	vst v63  }
0x87: {  	_ =	swait.ge [sflag:s11], $0x4000  }
0x88: {  	s20 =	smov.u32 s18;
	[sflag:s11] =	ssyncset.done $0x0  }
0x89: {  	s17 =	sshra.s32 s17, $0x2;
	[sflag:s11] =	ssyncadd.s32 $0xFFFFC000  }
0x8a: {  	v3 =	vld [tilespmem:s17+$0x0];
	_ =	sdelay $0x4  }
0x8b: {  	v3 =	vsub.s32 v3, v0  }
0x8c: {  	v3 =	vmin.u32 v3, $0x13C0  }
0x8d: {  	[tilespmem:$0x5000] =	vst v3  }
0x8e: {  	v3 =	vld [tilespmem:s17+$0x10];
	_ =	sdelay $0x4  }
0x8f: {  	v3 =	vsub.s32 v3, v0  }
0x90: {  	v3 =	vmin.u32 v3, $0x13C0  }
0x91: {  	[tilespmem:$0x5010] =	vst v3  }
0x92: {  	v3 =	vld [tilespmem:s17+$0x20];
	_ =	sdelay $0x4  }
0x93: {  	v3 =	vsub.s32 v3, v0  }
0x94: {  	v3 =	vmin.u32 v3, $0x13C0  }
0x95: {  	[tilespmem:$0x5020] =	vst v3  }
0x96: {  	v3 =	vld [tilespmem:s17+$0x30];
	_ =	sdelay $0x4  }
0x97: {  	v3 =	vsub.s32 v3, v0  }
0x98: {  	v3 =	vmin.u32 v3, $0x13C0  }
0x99: {  	[tilespmem:$0x5030] =	vst v3  }
0x9a: {  	v3 =	vld [tilespmem:s17+$0x40];
	_ =	sdelay $0x4  }
0x9b: {  	v3 =	vsub.s32 v3, v0  }
0x9c: {  	v3 =	vmin.u32 v3, $0x13C0  }
0x9d: {  	[tilespmem:$0x5040] =	vst v3  }
0x9e: {  	v3 =	vld [tilespmem:s17+$0x50];
	_ =	sdelay $0x4  }
0x9f: {  	v3 =	vsub.s32 v3, v0  }
0xa0: {  	v3 =	vmin.u32 v3, $0x13C0  }
0xa1: {  	[tilespmem:$0x5050] =	vst v3  }
0xa2: {  	v3 =	vld [tilespmem:s17+$0x60];
	_ =	sdelay $0x4  }
0xa3: {  	v3 =	vsub.s32 v3, v0  }
0xa4: {  	v3 =	vmin.u32 v3, $0x13C0  }
0xa5: {  	[tilespmem:$0x5060] =	vst v3  }
0xa6: {  	v3 =	vld [tilespmem:s17+$0x70];
	_ =	sdelay $0x4  }
0xa7: {  	v3 =	vsub.s32 v3, v0  }
0xa8: {  	v3 =	vmin.u32 v3, $0x13C0  }
0xa9: {  	[tilespmem:$0x5070] =	vst v3  }
0xaa: {  	[spmem:s2] =	stream.indirect.scatter.add.f32 [tilespmem:s14], [sflag:$0x1], $0x80, s13, s12, $0xb8;
	[tilespmem:$0x17480] =	vst v63  }
0xab: {  	_ =	swait.ge [sflag:s11], $0x4000  }
0xac: {  	s3 =	sadd.s32 $0x1, s3;
	[sflag:s11] =	ssyncset.done $0x0  }
0xad: {  	p0 =	sne.s32 s3, s9;
	[sflag:s11] =	ssyncadd.s32 $0xFFFFC000  }
.Ltmp2:
0xae: {  	[bflag:$0x0] =	sbarrier.arrive $0xFFFF;
	(pc) =	sbr.rel @p0 .LBB2_1-.Ltmp2, $4  }
0xaf: {  	[hbm:s8], [sflag:s15] =	dma.local [spmem:s16], $0x1480  }
0xb0: {  	_ =	swait.ge [sflag:s11], $0x1480  }
0xb1: {  	[sflag:s11] =	ssyncset.done $0x0  }
0xb2: {  	[sflag:s11] =	ssyncadd.s32 $0xFFFFEB80  }
0xb3: {  	_ =	sfence.sel $0x180000  }
0xb4: {  	[bflag:$0x0] =	sbarrier.arrive $0xFFFF  }
0xb5: {  	p0 =	sne.s32 s1, $0x0;
	_ =	strace $0x90000047  }
0xb6: {  	s0 =	sadd.s32 @!p0 $0x100000, s0;
	[bflag:$0x2] =	sbarrier.arrive $0xFFFF  }
0xb7: {  	[sflag:s0] =	ssyncadd.tile.s32 @!p0 $0x1;
	_ =	shalt  }
.Lfunc_end2:
_tile_overlayer_lowered:
.L_overlay_start_2:
0xb8: {  	(tag) =	ssettag $0x2  }
0xb9: {  	s0 =	rddreg [dreg:$0x0];
	s2 =	stileid.u32  }
0xba: {  	s1 =	rddreg [dreg:$0x1];
	p0 =	sne.s32 s2, $0x0  }
0xbb: {  	s3 =	rddreg [dreg:$0x2];
	[bflag:$0x3] =	sbarrier.arrive $0xFFFF;
	s2 =	simm.s32 @!p0 $0x1C01  }
0xbc: {  	[timem:s3], [sflag:s2] =	dma.local @!p0 [hbm:s0], s1  }
0xbd: {  	s0 =	simm.s32 @!p0 $0x1  }
0xbe: {  	_ =	swait.ge @!p0 [sflag:s0], s1  }
0xbf: {  	s1 =	ssub.s32 @!p0 $0x0, s1;
	[sflag:s0] =	ssyncset.done @!p0 $0x0  }
0xc0: {  	[sflag:s0] =	ssyncadd.s32 @!p0 s1  }
0xc1: {  	[bflag:$0x3] =	sbarrier.arrive $0xFFFF  }
0xc2: {  	_ =	shalt  }

// kernel: kernel.15.cloned.1.call-start
scs
__scs_entry_jumppad:
0x0: {  	(pc) =	sbr.rel $0x88, $3  }
0x1: {  	(tag) =	ssettag $0x0;
	lr =	simm.s32 $0x1  }
0x2: {  	[smem:$0x3F98] =	sst lr;
	_ =	strace $0xD0000000  }
0x3: {  	_ = 	snop  }
0x4: {  	_ = 	snop  }
0x5: {  	_ = 	snop  }
0x6: {  	_ = 	snop  }
0x7: {  	_ = 	snop  }
__scs_overlays_trampoline_lowered:
0x8: {  	[smem:$0x3FA7] =	sst s0  }
0x9: {  	[smem:$0x3FA8] =	sst s1  }
0xa: {  	[smem:$0x3FA9] =	sst s2  }
0xb: {  	[smem:$0x3FAA] =	sst s3  }
0xc: {  	[smem:$0x3FAB] =	sst s4  }
0xd: {  	[smem:$0x3FAC] =	sst s5  }
0xe: {  	[smem:$0x3FAD] =	sst s6  }
0xf: {  	[smem:$0x3FAE] =	sst s7  }
0x10: {  	[smem:$0x3FAF] =	sst s8  }
0x11: {  	[smem:$0x3FB0] =	sst s9;
	s0 =	simm.s32 @!p0 $0x0  }
0x12: {  	s1 =	sld [smem:$0x3F96];
	s0 =	simm.s32 @p0 $0x1  }
0x13: {  	[smem:$0x3FB1] =	sst s0;
	s0 =	simm.s32 @!p1 $0x0  }
0x14: {  	s2 =	sld [smem:$0x3F95];
	s0 =	simm.s32 @p1 $0x1  }
0x15: {  	[smem:$0x3FB2] =	sst s0;
	s0 =	simm.s32 @!p2 $0x0  }
0x16: {  	s3 =	sld [smem:$0x3FDB];
	s0 =	simm.s32 @p2 $0x1  }
0x17: {  	s4 =	simm.s32 $0x1BF5;
	[smem:$0x3FB4] =	sst s0  }
0x18: {  	s0 =	sld [smem:$0x3F97];
	_ =	swait.ge [sflag:s4], $0x0  }
0x19: {  	s7 =	sld [smem:$0x3F98]  }
0x1a: {  	s8 =	sadd.s32 $0xFFFFE003, lr  }
0x1b: {  	s9 =	sadd.s32 $0xFFFFFEF7, lr;
	s5 =	simm.s32 $0xFFFFFFFF;
	p2 =	slt.u32 s8, $0xFFFFF086  }
0x1c: {  	p1 =	slt.u32 s9, $0xF7A;
	s5 =	simm.s32 @!p2 $0x0  }
0x1d: {  	s5 =	simm.s32 @p1 $0x1;
	p0 =	seq.s32 s7, s2  }
0x1e: {  	s7 =	smul.u32 @!p0 $0xF7A, s2;
	p2 =	seq.s32 @!p0 s5, $0x0  }
0x1f: {  	s9 =	smul.u32 $0xF7A, s1;
	s8 =	simm.s32 @!p0 $0x1BF5;
	p2 =	por !p2, p0  }
0x20: {  	[sflag:s8] =	ssyncset.s32 @!p0 $0xFFFFF086;
	s6 =	sadd.s32 @!p0 s3, s7;
	s7 =	simm.s32 @!p0 $0x108  }
0x21: {  	s3 =	sadd.s32 s3, s9;
	s6 =	sadd.s32 @!p0 $0x88, s6;
	s7 =	simm.s32 @p2 $0x1082  }
0x22: {  	[simem:s7], [sflag:s8] =	dma.local @!p0 [hbm:s6], $0xF7A  }
0x23: {  	s9 =	sor.u32 $0xD0000000, s2;
	s6 =	simm.s32 $0x108;
	_ =	swait.ge @!p0 [sflag:s8], $0x0  }
0x24: {  	s3 =	sadd.s32 $0x88, s3;
	s6 =	simm.s32 @!p1 $0x1082;
	[sflag:s4] =	ssyncset.s32 $0xFFFFF086  }
0x25: {  	[simem:s6], [sflag:s4] =	dma.local [hbm:s3], $0xF7A  }
0x26: {  	[smem:$0x3F98] =	sst s1;
	(tag) =	ssettag s2;
	_ =	strace s9  }
0x27: {  	s1 =	sld [smem:$0x3FA8]  }
0x28: {  	s2 =	sld [smem:$0x3FA9]  }
0x29: {  	s4 =	sld [smem:$0x3FAB]  }
0x2a: {  	p0 =	seq.s32 s5, $0x0;
	s5 =	sld [smem:$0x3FAC]  }
0x2b: {  	s6 =	sld [smem:$0x3FAD]  }
0x2c: {  	s7 =	sld [smem:$0x3FAE]  }
0x2d: {  	s3 =	simm.s32 $0x108;
	s8 =	sld [smem:$0x3FAF]  }
0x2e: {  	s3 =	simm.s32 @!p0 $0x1082;
	s9 =	sld [smem:$0x3FB0]  }
0x2f: {  	lr =	sadd.s32 s0, s3;
	s0 =	sld [smem:$0x3FA7]  }
0x30: {  	s3 =	sld [smem:$0x3FAA]  }
0x31: {  	[smem:$0x3FB3] =	sst s10  }
0x32: {  	s10 =	sld [smem:$0x3FB1];
	_ =	sdelay $0x3  }
0x33: {  	p0 =	seq.s32 s10, $0x1;
	s10 =	sld [smem:$0x3FB3];
	_ =	sdelay $0x3  }
0x34: {  	[smem:$0x3FB3] =	sst s10  }
0x35: {  	s10 =	sld [smem:$0x3FB2];
	_ =	sdelay $0x3  }
0x36: {  	p1 =	seq.s32 s10, $0x1;
	s10 =	sld [smem:$0x3FB3];
	_ =	sdelay $0x3  }
0x37: {  	[smem:$0x3FB3] =	sst s10  }
0x38: {  	s10 =	sld [smem:$0x3FB4]  }
0x39: {  	_ = 	snop;
	(pc) =	sbr.ind lr, $3  }
0x3a: {  	_ = 	snop  }
0x3b: {  	_ = 	snop  }
0x3c: {  	p2 =	seq.s32 s10, $0x1;
	s10 =	sld [smem:$0x3FB3]  }
0x3d: {  	_ =	shalt  }
0x3e: {  	_ =	shalt  }
0x3f: {  	_ =	shalt  }
0x40: {  	_ =	shalt  }
0x41: {  	_ =	shalt  }
0x42: {  	_ =	shalt  }
0x43: {  	_ =	shalt  }
0x44: {  	_ =	shalt  }
0x45: {  	_ =	shalt  }
0x46: {  	_ =	shalt  }
0x47: {  	_ =	shalt  }
0x48: {  	_ =	shalt  }
0x49: {  	_ =	shalt  }
0x4a: {  	_ =	shalt  }
0x4b: {  	_ =	shalt  }
0x4c: {  	_ =	shalt  }
0x4d: {  	_ =	shalt  }
0x4e: {  	_ =	shalt  }
0x4f: {  	_ =	shalt  }
0x50: {  	_ =	shalt  }
0x51: {  	_ =	shalt  }
0x52: {  	_ =	shalt  }
0x53: {  	_ =	shalt  }
0x54: {  	_ =	shalt  }
0x55: {  	_ =	shalt  }
0x56: {  	_ =	shalt  }
0x57: {  	_ =	shalt  }
0x58: {  	_ =	shalt  }
0x59: {  	_ =	shalt  }
0x5a: {  	_ =	shalt  }
0x5b: {  	_ =	shalt  }
0x5c: {  	_ =	shalt  }
0x5d: {  	_ =	shalt  }
0x5e: {  	_ =	shalt  }
0x5f: {  	_ =	shalt  }
0x60: {  	_ =	shalt  }
0x61: {  	_ =	shalt  }
0x62: {  	_ =	shalt  }
0x63: {  	_ =	shalt  }
0x64: {  	_ =	shalt  }
0x65: {  	_ =	shalt  }
0x66: {  	_ =	shalt  }
0x67: {  	_ =	shalt  }
0x68: {  	_ =	shalt  }
0x69: {  	_ =	shalt  }
0x6a: {  	_ =	shalt  }
0x6b: {  	_ =	shalt  }
0x6c: {  	_ =	shalt  }
0x6d: {  	_ =	shalt  }
0x6e: {  	_ =	shalt  }
0x6f: {  	_ =	shalt  }
0x70: {  	_ =	shalt  }
0x71: {  	_ =	shalt  }
0x72: {  	_ =	shalt  }
0x73: {  	_ =	shalt  }
0x74: {  	_ =	shalt  }
0x75: {  	_ =	shalt  }
0x76: {  	_ =	shalt  }
0x77: {  	_ =	shalt  }
0x78: {  	_ =	shalt  }
0x79: {  	_ =	shalt  }
0x7a: {  	_ =	shalt  }
0x7b: {  	_ =	shalt  }
0x7c: {  	_ =	shalt  }
0x7d: {  	_ =	shalt  }
0x7e: {  	_ =	shalt  }
0x7f: {  	_ =	shalt  }
0x80: {  	_ =	shalt  }
0x81: {  	_ =	shalt  }
0x82: {  	_ =	shalt  }
0x83: {  	_ =	shalt  }
0x84: {  	_ =	shalt  }
0x85: {  	_ =	shalt  }
0x86: {  	_ =	shalt  }
0x87: {  	_ =	shalt  }
.Lfunc_end0:
.L_simem_size_0:
called_computation.1_lowered:
.L_overlay_start_0:
0x88: {  	s2 =	sld [smem:$0x3FD9]  }
0x89: {  	s3 =	sld [smem:$0x3FFE];
	_ =	sdelay $0x1  }
0x8a: {  	s1 =	srdreg.scid  }
0x8b: {  	s0 =	sand.u32 $0x1, s1  }
0x8c: {  	s14 =	sshll.u32 s0, $0xA;
	s2 =	sadd.s32 s3, s2  }
0x8d: {  	s2 =	sadd.s32 s2, s14  }
0x8e: {  	[smem:$0x3FBF] =	sst s2  }
0x8f: {  	_ = 	snop  }
0x90: {  	s2 =	sld [smem:$0x3FD0];
	_ =	sdelay $0x2  }
0x91: {  	s15 =	simm.s32 $0xA;
	s4 =	simm.s32 $0x10  }
0x92: {  	[smem:s4], [sflag:s15] =	dma.local [hbm:s2], $0x1  }
0x93: {  	_ =	swait.eq [sflag:s15], $0x1  }
0x94: {  	[sflag:s15] =	ssyncset.done $0x0  }
0x95: {  	[sflag:s15] =	ssyncadd.s32 $0xFFFFFFFF  }
0x96: {  	s16 =	sld [smem:$0x11];
	(tm) =	ssettm $0x1  }
0x97: {  	s17 =	sld [smem:$0x3FFB];
	_ =	sdelay $0x3  }
0x98: {  	_ =	strace s17  }
0x99: {  	s3 =	sld [smem:$0x3FFC];
	_ =	sdelay $0x3  }
0x9a: {  	_ =	strace s3  }
0x9b: {  	s3 =	sld [smem:$0x3FFD];
	_ =	sdelay $0x3  }
0x9c: {  	_ =	strace s3  }
0x9d: {  	_ =	strace $0x8FFFFFFF  }
0x9e: {  	s18 =	sld [smem:$0x3FDB];
	_ =	sdelay $0x1  }
0x9f: {  	s19 =	simm.s32 $_scs_section_size  }
0xa0: {  	s5 =	simm.s32 $_size__tile_overlayer_lowered;
	s6 =	simm.s32 $_tile_overlayer_lowered  }
0xa1: {  	s22 =	simm.s32 $0x1BFF;
	s21 =	sshll.u32 s6, $0x1;
	s3 =	sadd.s32 s19, s18  }
0xa2: {  	s7 =	simm.s32 $0x0;
	s20 =	sshll.u32 s5, $0x1;
	s5 =	sadd.s32 s21, s3  }
0xa3: {  	[timem:s7], [sflag:s22] =	dma.local [hbm:s5], s20  }
0xa4: {  	_ =	swait.ge [sflag:s22], s20  }
0xa5: {  	s4 =	ssub.s32 $0x0, s20;
	[sflag:s22] =	ssyncset.done $0x0  }
0xa6: {  	[sflag:s22] =	ssyncadd.s32 s4;
	_ =	sdelay $0x1  }
0xa7: {  	s23 =	simm.s32 $0x1B8B  }
0xa8: {  	_ =	swait.ge [sflag:s23], $0x1  }
0xa9: {  	[sflag:s23] =	ssyncset.done $0x0  }
0xaa: {  	s25 =	simm.s32 $0x1B8E;
	s24 =	sld [smem:$0x3FFE];
	[sflag:s23] =	ssyncadd.s32 $0xFFFFFFFF  }
0xab: {  	s26 =	simm.s32 $execute0_lowered;
	[smem:$0x3FD2] =	sst s25  }
0xac: {  	s5 =	sshll.u32 s26, $0x1;
	_ =	strace $0x80000049;
	[dreg:$0x1] =	wrdreg $0xFFFFFFFF  }
0xad: {  	s28 =	simm.s32 $_size_execute0_lowered;
	s3 =	sadd.s32 s3, s5;
	[dreg:$0x0] =	wrdreg $0x0  }
0xae: {  	s5 =	sshll.u32 s28, $0x1;
	[dreg:$0x2] =	wrdreg s3  }
0xaf: {  	[dreg:$0x3] =	wrdreg s5  }
0xb0: {  	[dreg:$0x4] =	wrdreg $0xC0  }
0xb1: {  	_ =	task [dreg:s7], $0x5FFFF  }
0xb2: {  	[dreg:$0x1] =	wrdreg $0xFFFFFFFF  }
0xb3: {  	[dreg:$0x0] =	wrdreg $0x60  }
0xb4: {  	[dreg:$0x2] =	wrdreg s24  }
0xb5: {  	[dreg:$0x3] =	wrdreg s16  }
0xb6: {  	[dreg:$0x4] =	wrdreg $0x120800  }
0xb7: {  	[dreg:$0x5] =	wrdreg $0x9  }
0xb8: {  	_ =	task.clear_ibuf [dreg:s7], $0x6FFFF;
	_ =	strace $0x90000049  }
0xb9: {  	s29 =	simm.s32 $0x9;
	_ =	strace $0x8000004B  }
0xba: {  	_ =	swait.ge [sflag:s29], $0x1  }
0xbb: {  	[sflag:s29] =	ssyncadd.s32 $0xFFFFFFFF  }
0xbc: {  	_ =	strace $0x9000004B  }
0xbd: {  	_ =	sfence  }
0xbe: {  	s30 =	sld [smem:$0x0];
	_ =	sdelay $0x2  }
0xbf: {  	s31 =	sshll.u32 s1, $0xD;
	s1 =	sshrl.u32 s1, $0x2  }
0xc0: {  	s3 =	sand.u32 $0x4000, s31;
	s1 =	sadd.s32 s1, s30  }
0xc1: {  	s0 =	sor.u32 s3, s0;
	s1 =	sshll.u32 s1, $0x11  }
0xc2: {  	s0 =	sor.u32 s1, s0  }
0xc3: {  	s0 =	sadd.s32 $0x8F2B, s0  }
0xc4: {  	[sflag:s0] =	ssyncadd.remote.s32 $0x1  }
0xc5: {  	_ =	sfence.sel $0xFFFF  }
0xc6: {  	[dreg:$0x0] =	wrdreg $0xFFFFFFFF;
	(pc) =	sbr.abs _section_cstart, $3  }
0xc7: {  	[dreg:$0x1] =	wrdreg $0xFFFFFFFF  }
0xc8: {  	_ =	task.clear_ibuf [dreg:s7], $0x2FFFF;
	_ =	strace $0x9FFFFFFF  }
0xc9: {  	(tm) =	ssettm $0x7FFFFFFF  }
tec
execute0_lowered:
.L_overlay_start_1:
0x0: {  	(tag) =	ssettag $0x1  }
0x1: {  	s5 =	rddreg [dreg:$0x0]  }
0x2: {  	s10 =	rddreg [dreg:$0x1]  }
0x3: {  	s2 =	rddreg [dreg:$0x2]  }
0x4: {  	s0 =	rddreg [dreg:$0x3];
	s1 =	stileid.u32  }
0x5: {  	s3 =	simm.s32 $0x0;
	s4 =	srdreg.scid;
	s15 =	simm.s32 $0x80  }
0x6: {  	s16 =	simm.s32 $0x1;
	s18 =	simm.s32 $0x3;
	s6 =	smul.u32 $0xA00, s1  }
0x7: {  	s19 =	simm.s32 $0x0;
	[smem:$0x7FF] =	sst s3;
	s7 =	smul.u32 $0x29000, s1  }
0x8: {  	s11 =	sand.u32 $0x1, s4;
	s4 =	sadd.s32 $0x67000, s5;
	s12 =	smul.u32 $0xA400, s1  }
0x9: {  	_ =	strace $0x8000004A;
	s8 =	smul.u32 $0xA4000, s11;
	s9 =	ssub.s32 $0x2, s11  }
0xa: {  	s17 =	smul.u32 $0x13C0, s11;
	s7 =	sshrl.u32 s7, $0x2;
	s30 =	sshrl.u32 s9, $0x1  }
0xb: {  	s13 =	sadd.s32 s6, s5;
	s5 =	sadd.s32 s7, s2;
	s14 =	ssub.s32 s9, s30  }
0xc: {  	s31 =	sadd.s32 s12, s8;
	s8 =	sadd.s32 $0xEC00, s13;
	s9 =	sadd.s32 $0x4C00, s13  }
0xd: {  	s13 =	simm.s32 $0x2;
	v0 =	vmov s17;
	s17 =	simm.s32 $0xA000;
	s6 =	sadd.s32 $0x4000, s5  }
0xe: {  	s7 =	sadd.s32 $0x8000, s5;
	s12 =	sshrl.u32 s31, $0x3;
	s11 =	smax.u32 s14, $0x1  }
0xf: {  	v1 =	vimm.f32 $0.0e+00;
	s14 =	simm.s32 $0x5000;
	s10 =	sadd.s32 s10, s12;
	s12 =	simm.s32 $0xA080  }
.LBB2_1:
0x10: {  	s20 =	simm.s32 $0x0;
	s21 =	simm.s32 $0x200  }
.LBB2_2:
0x11: {  	p0 =	sne.s32 s21, $0xFE00;
	[tilespmem:s20+$0xA0F0] =	vst v1  }
0x12: {  	[tilespmem:s20+$0xA080] =	vst v1  }
0x13: {  	[tilespmem:s20+$0xA090] =	vst v1  }
.Ltmp0:
0x14: {  	[tilespmem:s20+$0xA0A0] =	vst v1;
	(pc) =	sbr.rel @p0 .LBB2_2-.Ltmp0, $4  }
0x15: {  	[tilespmem:s20+$0xA0B0] =	vst v1  }
0x16: {  	[tilespmem:s20+$0xA0C0] =	vst v1  }
0x17: {  	[tilespmem:s20+$0xA0D0] =	vst v1  }
0x18: {  	[tilespmem:s20+$0xA0E0] =	vst v1;
	s20 =	sshra.s32 s21, $0x2;
	s21 =	sadd.s32 $0x200, s21  }
0x19: {  	[tilespmem:s20+$0xA0F0] =	vst v1  }
0x1a: {  	[tilespmem:s20+$0xA080] =	vst v1  }
0x1b: {  	[tilespmem:s20+$0xA090] =	vst v1  }
0x1c: {  	[tilespmem:s20+$0xA0A0] =	vst v1  }
0x1d: {  	[tilespmem:s20+$0xA0B0] =	vst v1  }
0x1e: {  	[tilespmem:s20+$0xA0C0] =	vst v1  }
0x1f: {  	[tilespmem:s20+$0xA0D0] =	vst v1  }
0x20: {  	[tilespmem:s20+$0xA0E0] =	vst v1  }
0x21: {  	[spmem:s5] =	stream.linear.scatter [tilespmem:s12], [sflag:$0x2], $0x4000, $0x38;
	[tilespmem:$0x1C480] =	vst v63  }
0x22: {  	_ =	swait.ge [sflag:s13], $0x4000  }
0x23: {  	[sflag:s13] =	ssyncset.done $0x0  }
0x24: {  	[sflag:s13] =	ssyncadd.s32 $0xFFFFC000  }
0x25: {  	[spmem:s6] =	stream.linear.scatter [tilespmem:s12], [sflag:$0x2], $0x4000, $0x38;
	[tilespmem:$0x1C480] =	vst v63  }
0x26: {  	_ =	swait.ge [sflag:s13], $0x4000  }
0x27: {  	[sflag:s13] =	ssyncset.done $0x0  }
0x28: {  	[sflag:s13] =	ssyncadd.s32 $0xFFFFC000  }
0x29: {  	[spmem:s7] =	stream.linear.scatter [tilespmem:s12], [sflag:$0x2], $0x2400, $0x38;
	[tilespmem:$0x1C480] =	vst v63  }
0x2a: {  	_ =	swait.ge [sflag:s13], $0x2400  }
0x2b: {  	[sflag:s13] =	ssyncset.done $0x0  }
0x2c: {  	[sflag:s13] =	ssyncadd.s32 $0xFFFFDC00  }
0x2d: {  	[tilespmem:s3], [sflag:$0x2] =	stream.linear.gather [hbm4b:s8+s3], $0x4E80, $0x38;
	[tilespmem:$0x1C480] =	vst v63  }
0x2e: {  	_ =	swait.ge [sflag:s13], $0x4E80  }
0x2f: {  	[sflag:s13] =	ssyncset.done $0x0  }
0x30: {  	[sflag:s13] =	ssyncadd.s32 $0xFFFFB180  }
0x31: {  	[tilespmem:s14], [sflag:$0x2] =	stream.linear.gather [hbm4b:s9+s3], $0x4E80, $0x38;
	[tilespmem:$0x1C480] =	vst v63  }
0x32: {  	_ =	swait.ge [sflag:s13], $0x4E80  }
0x33: {  	[sflag:s13] =	ssyncset.done $0x0  }
0x34: {  	[sflag:s13] =	ssyncadd.s32 $0xFFFFB180  }
0x35: {  	p0 =	por $0x0, $0x0;
	[bflag:$0x0] =	sbarrier.arrive $0xFFFF  }
0x36: {  	[tilespmem:s12], [sflag:$0x1] =	stream.indirect.gather [hbm4b:s4+s15], $0x80, s3, s15, $0xb8;
	[tilespmem:$0x1C480] =	vst v63  }
0x37: {  	s22 =	simm.s32 @!p0 $0x80;
	s20 =	simm.s32 @!p0 $0x80;
	s21 =	simm.s32 @!p0 $0xE080  }
0x38: {  	[tilespmem:s21], [sflag:$0x1] =	stream.indirect.gather @!p0 [hbm4b:s4+s20], $0x80, s22, s20, $0xb8;
	[tilespmem:$0x1C480] =	vst v63  }
0x39: {  	_ =	swait.ge [sflag:s16], $0x4000  }
0x3a: {  	[sflag:s16] =	ssyncset.done $0x0  }
0x3b: {  	s22 =	simm.s32 $0x5080;
	[sflag:s16] =	ssyncadd.s32 $0xFFFFC000  }
0x3c: {  	v2 =	vld [tilespmem:s22+$0xFFFFFF80];
	_ =	sdelay $0x4  }
0x3d: {  	v2 =	vsub.s32 v2, v0  }
0x3e: {  	v2 =	vmin.u32 v2, $0x13C0  }
0x3f: {  	[tilespmem:$0xA000] =	vst v2  }
0x40: {  	v2 =	vld [tilespmem:s22+$0xFFFFFF90];
	_ =	sdelay $0x4  }
0x41: {  	v2 =	vsub.s32 v2, v0  }
0x42: {  	v2 =	vmin.u32 v2, $0x13C0  }
0x43: {  	[tilespmem:$0xA010] =	vst v2  }
0x44: {  	v2 =	vld [tilespmem:s22+$0xFFFFFFA0];
	_ =	sdelay $0x4  }
0x45: {  	v2 =	vsub.s32 v2, v0  }
0x46: {  	v2 =	vmin.u32 v2, $0x13C0  }
0x47: {  	[tilespmem:$0xA020] =	vst v2  }
0x48: {  	v2 =	vld [tilespmem:s22+$0xFFFFFFB0];
	_ =	sdelay $0x4  }
0x49: {  	v2 =	vsub.s32 v2, v0  }
0x4a: {  	v2 =	vmin.u32 v2, $0x13C0  }
0x4b: {  	[tilespmem:$0xA030] =	vst v2  }
0x4c: {  	v2 =	vld [tilespmem:s22+$0xFFFFFFC0];
	_ =	sdelay $0x4  }
0x4d: {  	v2 =	vsub.s32 v2, v0  }
0x4e: {  	v2 =	vmin.u32 v2, $0x13C0  }
0x4f: {  	[tilespmem:$0xA040] =	vst v2  }
0x50: {  	v2 =	vld [tilespmem:s22+$0xFFFFFFD0];
	_ =	sdelay $0x4  }
0x51: {  	v2 =	vsub.s32 v2, v0  }
0x52: {  	v2 =	vmin.u32 v2, $0x13C0  }
0x53: {  	[tilespmem:$0xA050] =	vst v2  }
0x54: {  	v2 =	vld [tilespmem:s22+$0xFFFFFFE0];
	_ =	sdelay $0x4  }
0x55: {  	v2 =	vsub.s32 v2, v0  }
0x56: {  	v2 =	vmin.u32 v2, $0x13C0  }
0x57: {  	[tilespmem:$0xA060] =	vst v2  }
0x58: {  	v2 =	vld [tilespmem:s22+$0xFFFFFFF0];
	_ =	sdelay $0x4  }
0x59: {  	v2 =	vsub.s32 v2, v0  }
0x5a: {  	v2 =	vmin.u32 v2, $0x13C0  }
0x5b: {  	[tilespmem:$0xA070] =	vst v2  }
0x5c: {  	[spmem:s2] =	stream.indirect.scatter.add.f32 [tilespmem:s12], [sflag:$0x3], $0x80, s17, s15, $0xb8;
	[tilespmem:$0x1C480] =	vst v63  }
0x5d: {  	_ =	swait.ge [sflag:s18], $0x4000  }
0x5e: {  	s23 =	simm.s32 $0x100;
	p0 =	por p0, p0;
	[sflag:s18] =	ssyncset.done $0x0  }
0x5f: {  	s24 =	simm.s32 @!p0 $0xA080;
	s25 =	simm.s32 @!p0 $0x1;
	[sflag:s18] =	ssyncadd.s32 $0xFFFFC000  }
0x60: {  	[tilespmem:s24], [sflag:$0x1] =	stream.indirect.gather @!p0 [hbm4b:s4+s20], $0x80, s23, s20, $0xb8;
	[tilespmem:$0x1C480] =	vst v63  }
0x61: {  	_ =	swait.ge @!p0 [sflag:s25], $0x4000  }
0x62: {  	[sflag:s25] =	ssyncset.done @!p0 $0x0  }
0x63: {  	[sflag:s25] =	ssyncadd.s32 @!p0 $0xFFFFC000  }
0x64: {  	v2 =	vld @!p0 [tilespmem:s22+$0x0];
	_ =	sdelay $0x4  }
0x65: {  	v2 =	vsub.s32 @!p0 v2, v0  }
0x66: {  	v2 =	vmin.u32 @!p0 v2, $0x13C0  }
0x67: {  	[tilespmem:$0xA000] =	vst @!p0 v2  }
0x68: {  	v2 =	vld @!p0 [tilespmem:s22+$0x10];
	_ =	sdelay $0x4  }
0x69: {  	v2 =	vsub.s32 @!p0 v2, v0  }
0x6a: {  	v2 =	vmin.u32 @!p0 v2, $0x13C0  }
0x6b: {  	[tilespmem:$0xA010] =	vst @!p0 v2  }
0x6c: {  	v2 =	vld @!p0 [tilespmem:s22+$0x20];
	_ =	sdelay $0x4  }
0x6d: {  	v2 =	vsub.s32 @!p0 v2, v0  }
0x6e: {  	v2 =	vmin.u32 @!p0 v2, $0x13C0  }
0x6f: {  	[tilespmem:$0xA020] =	vst @!p0 v2  }
0x70: {  	v2 =	vld @!p0 [tilespmem:s22+$0x30];
	_ =	sdelay $0x4  }
0x71: {  	v2 =	vsub.s32 @!p0 v2, v0  }
0x72: {  	v2 =	vmin.u32 @!p0 v2, $0x13C0  }
0x73: {  	[tilespmem:$0xA030] =	vst @!p0 v2  }
0x74: {  	v2 =	vld @!p0 [tilespmem:s22+$0x40];
	_ =	sdelay $0x4  }
0x75: {  	v2 =	vsub.s32 @!p0 v2, v0  }
0x76: {  	v2 =	vmin.u32 @!p0 v2, $0x13C0  }
0x77: {  	[tilespmem:$0xA040] =	vst @!p0 v2  }
0x78: {  	v2 =	vld @!p0 [tilespmem:s22+$0x50];
	_ =	sdelay $0x4  }
0x79: {  	v2 =	vsub.s32 @!p0 v2, v0  }
0x7a: {  	v2 =	vmin.u32 @!p0 v2, $0x13C0  }
0x7b: {  	[tilespmem:$0xA050] =	vst @!p0 v2  }
0x7c: {  	v2 =	vld @!p0 [tilespmem:s22+$0x60];
	_ =	sdelay $0x4  }
0x7d: {  	v2 =	vsub.s32 @!p0 v2, v0  }
0x7e: {  	v2 =	vmin.u32 @!p0 v2, $0x13C0  }
0x7f: {  	[tilespmem:$0xA060] =	vst @!p0 v2  }
0x80: {  	v2 =	vld @!p0 [tilespmem:s22+$0x70];
	_ =	sdelay $0x4  }
0x81: {  	v2 =	vsub.s32 @!p0 v2, v0  }
0x82: {  	v2 =	vmin.u32 @!p0 v2, $0x13C0  }
0x83: {  	s22 =	simm.s32 @!p0 $0xA000;
	[tilespmem:$0xA070] =	vst @!p0 v2  }
0x84: {  	[spmem:s2] =	stream.indirect.scatter.add.f32 @!p0 [tilespmem:s21], [sflag:$0x2], $0x80, s22, s20, $0xb8;
	[tilespmem:$0x1C480] =	vst v63  }
0x85: {  	p2 =	por $0x0, $0x0;
	s26 =	simm.s32 @!p0 $0x2;
	s22 =	simm.s32 $0x5  }
0x86: {  	s20 =	simm.s32 $0x5180;
	s21 =	simm.s32 $0x200;
	_ =	swait.ge @!p0 [sflag:s26], $0x4000  }
.LBB2_4:
0x87: {  	s28 =	sadd.s32 @!p2 $0xFFFFFF80, s21  }
0x88: {  	s24 =	simm.s32 @!p2 $0x80;
	[sflag:s26] =	ssyncset.done @!p0 $0x0;
	s23 =	smov.u32 s22  }
0x89: {  	s22 =	sadd.s32 $0x2, s22;
	s25 =	simm.s32 @!p2 $0xE080;
	[sflag:s26] =	ssyncadd.s32 @!p0 $0xFFFFC000  }
0x8a: {  	[tilespmem:s25], [sflag:$0x1] =	stream.indirect.gather @!p2 [hbm4b:s4+s24], $0x80, s28, s24, $0xb8;
	[tilespmem:$0x1C480] =	vst v63  }
0x8b: {  	p1 =	sne.s32 s22, $0x9F;
	p0 =	por p2, p2;
	_ =	swait.ge [sflag:s16], $0x4000  }
0x8c: {  	[sflag:s16] =	ssyncset.done $0x0  }
0x8d: {  	[sflag:s16] =	ssyncadd.s32 $0xFFFFC000  }
0x8e: {  	v2 =	vld [tilespmem:s20+$0xFFFFFF80];
	_ =	sdelay $0x4  }
0x8f: {  	v2 =	vsub.s32 v2, v0  }
0x90: {  	v2 =	vmin.u32 v2, $0x13C0  }
0x91: {  	[tilespmem:$0xA000] =	vst v2  }
0x92: {  	v2 =	vld [tilespmem:s20+$0xFFFFFF90];
	_ =	sdelay $0x4  }
0x93: {  	v2 =	vsub.s32 v2, v0  }
0x94: {  	v2 =	vmin.u32 v2, $0x13C0  }
0x95: {  	[tilespmem:$0xA010] =	vst v2  }
0x96: {  	v2 =	vld [tilespmem:s20+$0xFFFFFFA0];
	_ =	sdelay $0x4  }
0x97: {  	v2 =	vsub.s32 v2, v0  }
0x98: {  	v2 =	vmin.u32 v2, $0x13C0  }
0x99: {  	[tilespmem:$0xA020] =	vst v2  }
0x9a: {  	v2 =	vld [tilespmem:s20+$0xFFFFFFB0];
	_ =	sdelay $0x4  }
0x9b: {  	v2 =	vsub.s32 v2, v0  }
0x9c: {  	v2 =	vmin.u32 v2, $0x13C0  }
0x9d: {  	[tilespmem:$0xA030] =	vst v2  }
0x9e: {  	v2 =	vld [tilespmem:s20+$0xFFFFFFC0];
	_ =	sdelay $0x4  }
0x9f: {  	v2 =	vsub.s32 v2, v0  }
0xa0: {  	v2 =	vmin.u32 v2, $0x13C0  }
0xa1: {  	[tilespmem:$0xA040] =	vst v2  }
0xa2: {  	v2 =	vld [tilespmem:s20+$0xFFFFFFD0];
	_ =	sdelay $0x4  }
0xa3: {  	v2 =	vsub.s32 v2, v0  }
0xa4: {  	v2 =	vmin.u32 v2, $0x13C0  }
0xa5: {  	[tilespmem:$0xA050] =	vst v2  }
0xa6: {  	v2 =	vld [tilespmem:s20+$0xFFFFFFE0];
	_ =	sdelay $0x4  }
0xa7: {  	v2 =	vsub.s32 v2, v0  }
0xa8: {  	v2 =	vmin.u32 v2, $0x13C0  }
0xa9: {  	[tilespmem:$0xA060] =	vst v2  }
0xaa: {  	v2 =	vld [tilespmem:s20+$0xFFFFFFF0];
	_ =	sdelay $0x4  }
0xab: {  	v2 =	vsub.s32 v2, v0  }
0xac: {  	v2 =	vmin.u32 v2, $0x13C0  }
0xad: {  	[tilespmem:$0xA070] =	vst v2  }
0xae: {  	[spmem:s2] =	stream.indirect.scatter.add.f32 [tilespmem:s12], [sflag:$0x3], $0x80, s17, s15, $0xb8;
	[tilespmem:$0x1C480] =	vst v63  }
0xaf: {  	_ =	swait.ge [sflag:s18], $0x4000  }
0xb0: {  	[sflag:s18] =	ssyncset.done $0x0  }
0xb1: {  	s26 =	simm.s32 @!p0 $0xA080;
	s28 =	simm.s32 @!p0 $0x1;
	[sflag:s18] =	ssyncadd.s32 $0xFFFFC000  }
0xb2: {  	[tilespmem:s26], [sflag:$0x1] =	stream.indirect.gather @!p0 [hbm4b:s4+s24], $0x80, s21, s24, $0xb8;
	[tilespmem:$0x1C480] =	vst v63  }
0xb3: {  	_ =	swait.ge @!p0 [sflag:s28], $0x4000  }
0xb4: {  	[sflag:s28] =	ssyncset.done @!p0 $0x0  }
0xb5: {  	[sflag:s28] =	ssyncadd.s32 @!p0 $0xFFFFC000  }
0xb6: {  	v2 =	vld @!p0 [tilespmem:s20+$0x0];
	_ =	sdelay $0x4  }
0xb7: {  	v2 =	vsub.s32 @!p0 v2, v0  }
0xb8: {  	v2 =	vmin.u32 @!p0 v2, $0x13C0  }
0xb9: {  	[tilespmem:$0xA000] =	vst @!p0 v2  }
0xba: {  	v2 =	vld @!p0 [tilespmem:s20+$0x10];
	_ =	sdelay $0x4  }
0xbb: {  	v2 =	vsub.s32 @!p0 v2, v0  }
0xbc: {  	v2 =	vmin.u32 @!p0 v2, $0x13C0  }
0xbd: {  	[tilespmem:$0xA010] =	vst @!p0 v2  }
0xbe: {  	v2 =	vld @!p0 [tilespmem:s20+$0x20];
	_ =	sdelay $0x4  }
0xbf: {  	v2 =	vsub.s32 @!p0 v2, v0  }
0xc0: {  	v2 =	vmin.u32 @!p0 v2, $0x13C0  }
0xc1: {  	[tilespmem:$0xA020] =	vst @!p0 v2  }
0xc2: {  	v2 =	vld @!p0 [tilespmem:s20+$0x30];
	_ =	sdelay $0x4  }
0xc3: {  	v2 =	vsub.s32 @!p0 v2, v0  }
0xc4: {  	v2 =	vmin.u32 @!p0 v2, $0x13C0  }
0xc5: {  	[tilespmem:$0xA030] =	vst @!p0 v2  }
0xc6: {  	v2 =	vld @!p0 [tilespmem:s20+$0x40];
	_ =	sdelay $0x4  }
0xc7: {  	v2 =	vsub.s32 @!p0 v2, v0  }
0xc8: {  	v2 =	vmin.u32 @!p0 v2, $0x13C0  }
0xc9: {  	[tilespmem:$0xA040] =	vst @!p0 v2  }
0xca: {  	v2 =	vld @!p0 [tilespmem:s20+$0x50];
	_ =	sdelay $0x4  }
0xcb: {  	v2 =	vsub.s32 @!p0 v2, v0  }
0xcc: {  	v2 =	vmin.u32 @!p0 v2, $0x13C0  }
0xcd: {  	[tilespmem:$0xA050] =	vst @!p0 v2  }
0xce: {  	v2 =	vld @!p0 [tilespmem:s20+$0x60];
	_ =	sdelay $0x4  }
0xcf: {  	v2 =	vsub.s32 @!p0 v2, v0  }
0xd0: {  	v2 =	vmin.u32 @!p0 v2, $0x13C0  }
0xd1: {  	[tilespmem:$0xA060] =	vst @!p0 v2  }
0xd2: {  	v2 =	vld @!p0 [tilespmem:s20+$0x70];
	_ =	sdelay $0x4  }
.Ltmp1:
0xd3: {  	v2 =	vsub.s32 @!p0 v2, v0;
	(pc) =	sbr.rel @p1 .LBB2_4-.Ltmp1, $4  }
0xd4: {  	v2 =	vmin.u32 @!p0 v2, $0x13C0  }
0xd5: {  	s26 =	simm.s32 @!p0 $0x2;
	s28 =	simm.s32 @!p0 $0xA000;
	s20 =	sadd.s32 $0x100, s20;
	[tilespmem:$0xA070] =	vst @!p0 v2  }
0xd6: {  	[spmem:s2] =	stream.indirect.scatter.add.f32 @!p0 [tilespmem:s25], [sflag:$0x2], $0x80, s28, s24, $0xb8;
	[tilespmem:$0x1C480] =	vst v63  }
0xd7: {  	p2 =	sgt.u32 s23, $0x9C;
	s21 =	sadd.s32 $0x100, s21;
	_ =	swait.ge @!p0 [sflag:s26], $0x4000  }
0xd8: {  	s24 =	sadd.s32 @!p2 $0xFFFFFF80, s21;
	[sflag:s26] =	ssyncset.done @!p0 $0x0  }
0xd9: {  	s22 =	simm.s32 @!p2 $0x80;
	s23 =	simm.s32 @!p2 $0xE080;
	[sflag:s26] =	ssyncadd.s32 @!p0 $0xFFFFC000  }
0xda: {  	[tilespmem:s23], [sflag:$0x1] =	stream.indirect.gather @!p2 [hbm4b:s4+s22], $0x80, s24, s22, $0xb8;
	[tilespmem:$0x1C480] =	vst v63  }
0xdb: {  	_ =	swait.ge [sflag:s16], $0x4000  }
0xdc: {  	[sflag:s16] =	ssyncset.done $0x0  }
0xdd: {  	[sflag:s16] =	ssyncadd.s32 $0xFFFFC000  }
0xde: {  	v2 =	vld [tilespmem:s20+$0xFFFFFF80];
	_ =	sdelay $0x4  }
0xdf: {  	v2 =	vsub.s32 v2, v0  }
0xe0: {  	v2 =	vmin.u32 v2, $0x13C0  }
0xe1: {  	[tilespmem:$0xA000] =	vst v2  }
0xe2: {  	v2 =	vld [tilespmem:s20+$0xFFFFFF90];
	_ =	sdelay $0x4  }
0xe3: {  	v2 =	vsub.s32 v2, v0  }
0xe4: {  	v2 =	vmin.u32 v2, $0x13C0  }
0xe5: {  	[tilespmem:$0xA010] =	vst v2  }
0xe6: {  	v2 =	vld [tilespmem:s20+$0xFFFFFFA0];
	_ =	sdelay $0x4  }
0xe7: {  	v2 =	vsub.s32 v2, v0  }
0xe8: {  	v2 =	vmin.u32 v2, $0x13C0  }
0xe9: {  	[tilespmem:$0xA020] =	vst v2  }
0xea: {  	v2 =	vld [tilespmem:s20+$0xFFFFFFB0];
	_ =	sdelay $0x4  }
0xeb: {  	v2 =	vsub.s32 v2, v0  }
0xec: {  	v2 =	vmin.u32 v2, $0x13C0  }
0xed: {  	[tilespmem:$0xA030] =	vst v2  }
0xee: {  	v2 =	vld [tilespmem:s20+$0xFFFFFFC0];
	_ =	sdelay $0x4  }
0xef: {  	v2 =	vsub.s32 v2, v0  }
0xf0: {  	v2 =	vmin.u32 v2, $0x13C0  }
0xf1: {  	[tilespmem:$0xA040] =	vst v2  }
0xf2: {  	v2 =	vld [tilespmem:s20+$0xFFFFFFD0];
	_ =	sdelay $0x4  }
0xf3: {  	v2 =	vsub.s32 v2, v0  }
0xf4: {  	v2 =	vmin.u32 v2, $0x13C0  }
0xf5: {  	[tilespmem:$0xA050] =	vst v2  }
0xf6: {  	v2 =	vld [tilespmem:s20+$0xFFFFFFE0];
	_ =	sdelay $0x4  }
0xf7: {  	v2 =	vsub.s32 v2, v0  }
0xf8: {  	v2 =	vmin.u32 v2, $0x13C0  }
0xf9: {  	[tilespmem:$0xA060] =	vst v2  }
0xfa: {  	v2 =	vld [tilespmem:s20+$0xFFFFFFF0];
	_ =	sdelay $0x4  }
0xfb: {  	v2 =	vsub.s32 v2, v0  }
0xfc: {  	v2 =	vmin.u32 v2, $0x13C0  }
0xfd: {  	[tilespmem:$0xA070] =	vst v2  }
0xfe: {  	[spmem:s2] =	stream.indirect.scatter.add.f32 [tilespmem:s12], [sflag:$0x3], $0x80, s17, s15, $0xb8;
	[tilespmem:$0x1C480] =	vst v63  }
0xff: {  	_ =	swait.ge [sflag:s18], $0x4000  }
0x100: {  	p0 =	por p2, p2;
	[sflag:s18] =	ssyncset.done $0x0  }
0x101: {  	s24 =	simm.s32 @!p0 $0xA080;
	s25 =	simm.s32 @!p0 $0x1;
	[sflag:s18] =	ssyncadd.s32 $0xFFFFC000  }
0x102: {  	[tilespmem:s24], [sflag:$0x1] =	stream.indirect.gather @!p0 [hbm4b:s4+s22], $0x80, s21, s22, $0xb8;
	[tilespmem:$0x1C480] =	vst v63  }
0x103: {  	_ =	swait.ge @!p0 [sflag:s25], $0x4000  }
0x104: {  	[sflag:s25] =	ssyncset.done @!p0 $0x0  }
0x105: {  	[sflag:s25] =	ssyncadd.s32 @!p0 $0xFFFFC000  }
0x106: {  	v2 =	vld @!p0 [tilespmem:s20+$0x0];
	_ =	sdelay $0x4  }
0x107: {  	v2 =	vsub.s32 @!p0 v2, v0  }
0x108: {  	v2 =	vmin.u32 @!p0 v2, $0x13C0  }
0x109: {  	[tilespmem:$0xA000] =	vst @!p0 v2  }
0x10a: {  	v2 =	vld @!p0 [tilespmem:s20+$0x10];
	_ =	sdelay $0x4  }
0x10b: {  	v2 =	vsub.s32 @!p0 v2, v0  }
0x10c: {  	v2 =	vmin.u32 @!p0 v2, $0x13C0  }
0x10d: {  	[tilespmem:$0xA010] =	vst @!p0 v2  }
0x10e: {  	v2 =	vld @!p0 [tilespmem:s20+$0x20];
	_ =	sdelay $0x4  }
0x10f: {  	v2 =	vsub.s32 @!p0 v2, v0  }
0x110: {  	v2 =	vmin.u32 @!p0 v2, $0x13C0  }
0x111: {  	[tilespmem:$0xA020] =	vst @!p0 v2  }
0x112: {  	v2 =	vld @!p0 [tilespmem:s20+$0x30];
	_ =	sdelay $0x4  }
0x113: {  	v2 =	vsub.s32 @!p0 v2, v0  }
0x114: {  	v2 =	vmin.u32 @!p0 v2, $0x13C0  }
0x115: {  	[tilespmem:$0xA030] =	vst @!p0 v2  }
0x116: {  	v2 =	vld @!p0 [tilespmem:s20+$0x40];
	_ =	sdelay $0x4  }
0x117: {  	v2 =	vsub.s32 @!p0 v2, v0  }
0x118: {  	v2 =	vmin.u32 @!p0 v2, $0x13C0  }
0x119: {  	[tilespmem:$0xA040] =	vst @!p0 v2  }
0x11a: {  	v2 =	vld @!p0 [tilespmem:s20+$0x50];
	_ =	sdelay $0x4  }
0x11b: {  	v2 =	vsub.s32 @!p0 v2, v0  }
0x11c: {  	v2 =	vmin.u32 @!p0 v2, $0x13C0  }
0x11d: {  	[tilespmem:$0xA050] =	vst @!p0 v2  }
0x11e: {  	v2 =	vld @!p0 [tilespmem:s20+$0x60];
	_ =	sdelay $0x4  }
0x11f: {  	v2 =	vsub.s32 @!p0 v2, v0  }
0x120: {  	v2 =	vmin.u32 @!p0 v2, $0x13C0  }
0x121: {  	[tilespmem:$0xA060] =	vst @!p0 v2  }
0x122: {  	v2 =	vld @!p0 [tilespmem:s20+$0x70];
	_ =	sdelay $0x4  }
0x123: {  	v2 =	vsub.s32 @!p0 v2, v0  }
0x124: {  	v2 =	vmin.u32 @!p0 v2, $0x13C0  }
0x125: {  	s21 =	simm.s32 @!p0 $0x2;
	s20 =	simm.s32 @!p0 $0xA000;
	[tilespmem:$0xA070] =	vst @!p0 v2  }
0x126: {  	[spmem:s2] =	stream.indirect.scatter.add.f32 @!p0 [tilespmem:s23], [sflag:$0x2], $0x80, s20, s22, $0xb8;
	[tilespmem:$0x1C480] =	vst v63  }
0x127: {  	_ =	swait.ge @!p0 [sflag:s21], $0x4000  }
0x128: {  	s30 =	sshll.u32 s1, $0x6;
	s19 =	sadd.s32 $0x1, s19;
	[sflag:s21] =	ssyncset.done @!p0 $0x0  }
0x129: {  	s31 =	sshrl.u32 s5, $0x3;
	[sflag:s21] =	ssyncadd.s32 @!p0 $0xFFFFC000;
	p0 =	sne.s32 s19, s11  }
.Ltmp2:
0x12a: {  	s20 =	sor.u32 $0x1C02, s30;
	[bflag:$0x0] =	sbarrier.arrive $0xFFFF;
	(pc) =	sbr.rel @p0 .LBB2_1-.Ltmp2, $4  }
0x12b: {  	[hbm:s10], [sflag:s20] =	dma.local [spmem:s31], $0x1480  }
0x12c: {  	_ =	swait.ge [sflag:s13], $0x1480  }
0x12d: {  	[sflag:s13] =	ssyncset.done $0x0  }
0x12e: {  	[sflag:s13] =	ssyncadd.s32 $0xFFFFEB80  }
0x12f: {  	_ =	sfence.sel $0x180000  }
0x130: {  	[bflag:$0x0] =	sbarrier.arrive $0xFFFF  }
0x131: {  	p0 =	sne.s32 s1, $0x0;
	_ =	strace $0x9000004A  }
0x132: {  	s0 =	sadd.s32 @!p0 $0x100000, s0;
	[bflag:$0x2] =	sbarrier.arrive $0xFFFF  }
0x133: {  	[sflag:s0] =	ssyncadd.tile.s32 @!p0 $0x1;
	_ =	shalt  }
.Lfunc_end2:
_tile_overlayer_lowered:
.L_overlay_start_2:
0x134: {  	(tag) =	ssettag $0x2  }
0x135: {  	s0 =	rddreg [dreg:$0x0];
	s2 =	stileid.u32  }
0x136: {  	s1 =	rddreg [dreg:$0x1];
	p0 =	sne.s32 s2, $0x0  }
0x137: {  	s3 =	rddreg [dreg:$0x2];
	[bflag:$0x3] =	sbarrier.arrive $0xFFFF;
	s2 =	simm.s32 @!p0 $0x1C02  }
0x138: {  	[timem:s3], [sflag:s2] =	dma.local @!p0 [hbm:s0], s1  }
0x139: {  	s0 =	simm.s32 @!p0 $0x2  }
0x13a: {  	_ =	swait.ge @!p0 [sflag:s0], s1  }
0x13b: {  	s1 =	ssub.s32 @!p0 $0x0, s1;
	[sflag:s0] =	ssyncset.done @!p0 $0x0  }
0x13c: {  	[sflag:s0] =	ssyncadd.s32 @!p0 s1  }
0x13d: {  	[bflag:$0x3] =	sbarrier.arrive $0xFFFF  }
0x13e: {  	_ =	shalt  }

// kernel: kernel.18.cloned.1.call-start
scs
__scs_entry_jumppad:
0x0: {  	(pc) =	sbr.rel $0x88, $3  }
0x1: {  	(tag) =	ssettag $0x0;
	lr =	simm.s32 $0x1  }
0x2: {  	[smem:$0x3F98] =	sst lr;
	_ =	strace $0xD0000000  }
0x3: {  	_ = 	snop  }
0x4: {  	_ = 	snop  }
0x5: {  	_ = 	snop  }
0x6: {  	_ = 	snop  }
0x7: {  	_ = 	snop  }
__scs_overlays_trampoline_lowered:
0x8: {  	[smem:$0x3FA7] =	sst s0  }
0x9: {  	[smem:$0x3FA8] =	sst s1  }
0xa: {  	[smem:$0x3FA9] =	sst s2  }
0xb: {  	[smem:$0x3FAA] =	sst s3  }
0xc: {  	[smem:$0x3FAB] =	sst s4  }
0xd: {  	[smem:$0x3FAC] =	sst s5  }
0xe: {  	[smem:$0x3FAD] =	sst s6  }
0xf: {  	[smem:$0x3FAE] =	sst s7  }
0x10: {  	[smem:$0x3FAF] =	sst s8  }
0x11: {  	[smem:$0x3FB0] =	sst s9;
	s0 =	simm.s32 @!p0 $0x0  }
0x12: {  	s1 =	sld [smem:$0x3F96];
	s0 =	simm.s32 @p0 $0x1  }
0x13: {  	[smem:$0x3FB1] =	sst s0;
	s0 =	simm.s32 @!p1 $0x0  }
0x14: {  	s2 =	sld [smem:$0x3F95];
	s0 =	simm.s32 @p1 $0x1  }
0x15: {  	[smem:$0x3FB2] =	sst s0;
	s0 =	simm.s32 @!p2 $0x0  }
0x16: {  	s3 =	sld [smem:$0x3FDB];
	s0 =	simm.s32 @p2 $0x1  }
0x17: {  	s4 =	simm.s32 $0x1BF5;
	[smem:$0x3FB4] =	sst s0  }
0x18: {  	s0 =	sld [smem:$0x3F97];
	_ =	swait.ge [sflag:s4], $0x0  }
0x19: {  	s7 =	sld [smem:$0x3F98]  }
0x1a: {  	s8 =	sadd.s32 $0xFFFFE003, lr  }
0x1b: {  	s9 =	sadd.s32 $0xFFFFFEF7, lr;
	s5 =	simm.s32 $0xFFFFFFFF;
	p2 =	slt.u32 s8, $0xFFFFF086  }
0x1c: {  	p1 =	slt.u32 s9, $0xF7A;
	s5 =	simm.s32 @!p2 $0x0  }
0x1d: {  	s5 =	simm.s32 @p1 $0x1;
	p0 =	seq.s32 s7, s2  }
0x1e: {  	s7 =	smul.u32 @!p0 $0xF7A, s2;
	p2 =	seq.s32 @!p0 s5, $0x0  }
0x1f: {  	s9 =	smul.u32 $0xF7A, s1;
	s8 =	simm.s32 @!p0 $0x1BF5;
	p2 =	por !p2, p0  }
0x20: {  	[sflag:s8] =	ssyncset.s32 @!p0 $0xFFFFF086;
	s6 =	sadd.s32 @!p0 s3, s7;
	s7 =	simm.s32 @!p0 $0x108  }
0x21: {  	s3 =	sadd.s32 s3, s9;
	s6 =	sadd.s32 @!p0 $0x88, s6;
	s7 =	simm.s32 @p2 $0x1082  }
0x22: {  	[simem:s7], [sflag:s8] =	dma.local @!p0 [hbm:s6], $0xF7A  }
0x23: {  	s9 =	sor.u32 $0xD0000000, s2;
	s6 =	simm.s32 $0x108;
	_ =	swait.ge @!p0 [sflag:s8], $0x0  }
0x24: {  	s3 =	sadd.s32 $0x88, s3;
	s6 =	simm.s32 @!p1 $0x1082;
	[sflag:s4] =	ssyncset.s32 $0xFFFFF086  }
0x25: {  	[simem:s6], [sflag:s4] =	dma.local [hbm:s3], $0xF7A  }
0x26: {  	[smem:$0x3F98] =	sst s1;
	(tag) =	ssettag s2;
	_ =	strace s9  }
0x27: {  	s1 =	sld [smem:$0x3FA8]  }
0x28: {  	s2 =	sld [smem:$0x3FA9]  }
0x29: {  	s4 =	sld [smem:$0x3FAB]  }
0x2a: {  	p0 =	seq.s32 s5, $0x0;
	s5 =	sld [smem:$0x3FAC]  }
0x2b: {  	s6 =	sld [smem:$0x3FAD]  }
0x2c: {  	s7 =	sld [smem:$0x3FAE]  }
0x2d: {  	s3 =	simm.s32 $0x108;
	s8 =	sld [smem:$0x3FAF]  }
0x2e: {  	s3 =	simm.s32 @!p0 $0x1082;
	s9 =	sld [smem:$0x3FB0]  }
0x2f: {  	lr =	sadd.s32 s0, s3;
	s0 =	sld [smem:$0x3FA7]  }
0x30: {  	s3 =	sld [smem:$0x3FAA]  }
0x31: {  	[smem:$0x3FB3] =	sst s10  }
0x32: {  	s10 =	sld [smem:$0x3FB1];
	_ =	sdelay $0x3  }
0x33: {  	p0 =	seq.s32 s10, $0x1;
	s10 =	sld [smem:$0x3FB3];
	_ =	sdelay $0x3  }
0x34: {  	[smem:$0x3FB3] =	sst s10  }
0x35: {  	s10 =	sld [smem:$0x3FB2];
	_ =	sdelay $0x3  }
0x36: {  	p1 =	seq.s32 s10, $0x1;
	s10 =	sld [smem:$0x3FB3];
	_ =	sdelay $0x3  }
0x37: {  	[smem:$0x3FB3] =	sst s10  }
0x38: {  	s10 =	sld [smem:$0x3FB4]  }
0x39: {  	_ = 	snop;
	(pc) =	sbr.ind lr, $3  }
0x3a: {  	_ = 	snop  }
0x3b: {  	_ = 	snop  }
0x3c: {  	p2 =	seq.s32 s10, $0x1;
	s10 =	sld [smem:$0x3FB3]  }
0x3d: {  	_ =	shalt  }
0x3e: {  	_ =	shalt  }
0x3f: {  	_ =	shalt  }
0x40: {  	_ =	shalt  }
0x41: {  	_ =	shalt  }
0x42: {  	_ =	shalt  }
0x43: {  	_ =	shalt  }
0x44: {  	_ =	shalt  }
0x45: {  	_ =	shalt  }
0x46: {  	_ =	shalt  }
0x47: {  	_ =	shalt  }
0x48: {  	_ =	shalt  }
0x49: {  	_ =	shalt  }
0x4a: {  	_ =	shalt  }
0x4b: {  	_ =	shalt  }
0x4c: {  	_ =	shalt  }
0x4d: {  	_ =	shalt  }
0x4e: {  	_ =	shalt  }
0x4f: {  	_ =	shalt  }
0x50: {  	_ =	shalt  }
0x51: {  	_ =	shalt  }
0x52: {  	_ =	shalt  }
0x53: {  	_ =	shalt  }
0x54: {  	_ =	shalt  }
0x55: {  	_ =	shalt  }
0x56: {  	_ =	shalt  }
0x57: {  	_ =	shalt  }
0x58: {  	_ =	shalt  }
0x59: {  	_ =	shalt  }
0x5a: {  	_ =	shalt  }
0x5b: {  	_ =	shalt  }
0x5c: {  	_ =	shalt  }
0x5d: {  	_ =	shalt  }
0x5e: {  	_ =	shalt  }
0x5f: {  	_ =	shalt  }
0x60: {  	_ =	shalt  }
0x61: {  	_ =	shalt  }
0x62: {  	_ =	shalt  }
0x63: {  	_ =	shalt  }
0x64: {  	_ =	shalt  }
0x65: {  	_ =	shalt  }
0x66: {  	_ =	shalt  }
0x67: {  	_ =	shalt  }
0x68: {  	_ =	shalt  }
0x69: {  	_ =	shalt  }
0x6a: {  	_ =	shalt  }
0x6b: {  	_ =	shalt  }
0x6c: {  	_ =	shalt  }
0x6d: {  	_ =	shalt  }
0x6e: {  	_ =	shalt  }
0x6f: {  	_ =	shalt  }
0x70: {  	_ =	shalt  }
0x71: {  	_ =	shalt  }
0x72: {  	_ =	shalt  }
0x73: {  	_ =	shalt  }
0x74: {  	_ =	shalt  }
0x75: {  	_ =	shalt  }
0x76: {  	_ =	shalt  }
0x77: {  	_ =	shalt  }
0x78: {  	_ =	shalt  }
0x79: {  	_ =	shalt  }
0x7a: {  	_ =	shalt  }
0x7b: {  	_ =	shalt  }
0x7c: {  	_ =	shalt  }
0x7d: {  	_ =	shalt  }
0x7e: {  	_ =	shalt  }
0x7f: {  	_ =	shalt  }
0x80: {  	_ =	shalt  }
0x81: {  	_ =	shalt  }
0x82: {  	_ =	shalt  }
0x83: {  	_ =	shalt  }
0x84: {  	_ =	shalt  }
0x85: {  	_ =	shalt  }
0x86: {  	_ =	shalt  }
0x87: {  	_ =	shalt  }
.Lfunc_end0:
.L_simem_size_0:
called_computation.2_lowered:
.L_overlay_start_0:
0x88: {  	s2 =	sld [smem:$0x3FD9]  }
0x89: {  	s3 =	sld [smem:$0x3FFE];
	_ =	sdelay $0x1  }
0x8a: {  	s1 =	srdreg.scid  }
0x8b: {  	s0 =	sand.u32 $0x1, s1  }
0x8c: {  	s14 =	sshll.u32 s0, $0xA;
	s2 =	sadd.s32 s3, s2  }
0x8d: {  	s2 =	sadd.s32 s2, s14  }
0x8e: {  	[smem:$0x3FBF] =	sst s2  }
0x8f: {  	_ = 	snop  }
0x90: {  	s2 =	sld [smem:$0x3FD0];
	_ =	sdelay $0x2  }
0x91: {  	s15 =	simm.s32 $0xA;
	s4 =	simm.s32 $0x10  }
0x92: {  	[smem:s4], [sflag:s15] =	dma.local [hbm:s2], $0x1  }
0x93: {  	_ =	swait.eq [sflag:s15], $0x1  }
0x94: {  	[sflag:s15] =	ssyncset.done $0x0  }
0x95: {  	[sflag:s15] =	ssyncadd.s32 $0xFFFFFFFF  }
0x96: {  	s16 =	sld [smem:$0x11];
	(tm) =	ssettm $0x1  }
0x97: {  	s17 =	sld [smem:$0x3FFB];
	_ =	sdelay $0x3  }
0x98: {  	_ =	strace s17  }
0x99: {  	s3 =	sld [smem:$0x3FFC];
	_ =	sdelay $0x3  }
0x9a: {  	_ =	strace s3  }
0x9b: {  	s3 =	sld [smem:$0x3FFD];
	_ =	sdelay $0x3  }
0x9c: {  	_ =	strace s3  }
0x9d: {  	_ =	strace $0x8FFFFFFF  }
0x9e: {  	s18 =	sld [smem:$0x3FDB];
	_ =	sdelay $0x1  }
0x9f: {  	s19 =	simm.s32 $_scs_section_size  }
0xa0: {  	s5 =	simm.s32 $_size__tile_overlayer_lowered;
	s6 =	simm.s32 $_tile_overlayer_lowered  }
0xa1: {  	s22 =	simm.s32 $0x1BFF;
	s21 =	sshll.u32 s6, $0x1;
	s3 =	sadd.s32 s19, s18  }
0xa2: {  	s7 =	simm.s32 $0x0;
	s20 =	sshll.u32 s5, $0x1;
	s5 =	sadd.s32 s21, s3  }
0xa3: {  	[timem:s7], [sflag:s22] =	dma.local [hbm:s5], s20  }
0xa4: {  	_ =	swait.ge [sflag:s22], s20  }
0xa5: {  	s4 =	ssub.s32 $0x0, s20;
	[sflag:s22] =	ssyncset.done $0x0  }
0xa6: {  	[sflag:s22] =	ssyncadd.s32 s4;
	_ =	sdelay $0x1  }
0xa7: {  	s23 =	simm.s32 $0x1B8B  }
0xa8: {  	_ =	swait.ge [sflag:s23], $0x1  }
0xa9: {  	[sflag:s23] =	ssyncset.done $0x0  }
0xaa: {  	s25 =	simm.s32 $0x1B8E;
	s24 =	sld [smem:$0x3FFE];
	[sflag:s23] =	ssyncadd.s32 $0xFFFFFFFF  }
0xab: {  	s26 =	simm.s32 $execute0_lowered;
	[smem:$0x3FD2] =	sst s25  }
0xac: {  	s5 =	sshll.u32 s26, $0x1;
	_ =	strace $0x8000004C;
	[dreg:$0x1] =	wrdreg $0xFFFFFFFF  }
0xad: {  	s28 =	simm.s32 $_size_execute0_lowered;
	s3 =	sadd.s32 s3, s5;
	[dreg:$0x0] =	wrdreg $0x0  }
0xae: {  	s5 =	sshll.u32 s28, $0x1;
	[dreg:$0x2] =	wrdreg s3  }
0xaf: {  	[dreg:$0x3] =	wrdreg s5  }
0xb0: {  	[dreg:$0x4] =	wrdreg $0xC0  }
0xb1: {  	_ =	task [dreg:s7], $0x5FFFF  }
0xb2: {  	[dreg:$0x1] =	wrdreg $0xFFFFFFFF  }
0xb3: {  	[dreg:$0x0] =	wrdreg $0x60  }
0xb4: {  	[dreg:$0x2] =	wrdreg s24  }
0xb5: {  	[dreg:$0x3] =	wrdreg s16  }
0xb6: {  	[dreg:$0x4] =	wrdreg $0x120800  }
0xb7: {  	[dreg:$0x5] =	wrdreg $0x9  }
0xb8: {  	_ =	task.clear_ibuf [dreg:s7], $0x6FFFF;
	_ =	strace $0x9000004C  }
0xb9: {  	s29 =	simm.s32 $0x9;
	_ =	strace $0x8000004E  }
0xba: {  	_ =	swait.ge [sflag:s29], $0x1  }
0xbb: {  	[sflag:s29] =	ssyncadd.s32 $0xFFFFFFFF  }
0xbc: {  	_ =	strace $0x9000004E  }
0xbd: {  	_ =	sfence  }
0xbe: {  	s30 =	sld [smem:$0x0];
	_ =	sdelay $0x2  }
0xbf: {  	s31 =	sshll.u32 s1, $0xD;
	s1 =	sshrl.u32 s1, $0x2  }
0xc0: {  	s3 =	sand.u32 $0x4000, s31;
	s1 =	sadd.s32 s1, s30  }
0xc1: {  	s0 =	sor.u32 s3, s0;
	s1 =	sshll.u32 s1, $0x11  }
0xc2: {  	s0 =	sor.u32 s1, s0  }
0xc3: {  	s0 =	sadd.s32 $0x8F2B, s0  }
0xc4: {  	[sflag:s0] =	ssyncadd.remote.s32 $0x1  }
0xc5: {  	_ =	sfence.sel $0xFFFF  }
0xc6: {  	[dreg:$0x0] =	wrdreg $0xFFFFFFFF;
	(pc) =	sbr.abs _section_cstart, $3  }
0xc7: {  	[dreg:$0x1] =	wrdreg $0xFFFFFFFF  }
0xc8: {  	_ =	task.clear_ibuf [dreg:s7], $0x2FFFF;
	_ =	strace $0x9FFFFFFF  }
0xc9: {  	(tm) =	ssettm $0x7FFFFFFF  }
tec
execute0_lowered:
.L_overlay_start_1:
0x0: {  	(tag) =	ssettag $0x1  }
0x1: {  	s5 =	rddreg [dreg:$0x0]  }
0x2: {  	s10 =	rddreg [dreg:$0x1]  }
0x3: {  	s2 =	rddreg [dreg:$0x2]  }
0x4: {  	s0 =	rddreg [dreg:$0x3];
	s1 =	stileid.u32  }
0x5: {  	s3 =	simm.s32 $0x0;
	s4 =	srdreg.scid;
	s15 =	simm.s32 $0x80  }
0x6: {  	s16 =	simm.s32 $0x1;
	s18 =	simm.s32 $0x3;
	s6 =	smul.u32 $0xA00, s1  }
0x7: {  	s19 =	simm.s32 $0x0;
	[smem:$0x7FF] =	sst s3;
	s7 =	smul.u32 $0x29000, s1  }
0x8: {  	s11 =	sand.u32 $0x1, s4;
	s4 =	sadd.s32 $0x67000, s5;
	s12 =	smul.u32 $0xA400, s1  }
0x9: {  	_ =	strace $0x8000004D;
	s8 =	smul.u32 $0xA4000, s11;
	s9 =	ssub.s32 $0x2, s11  }
0xa: {  	s17 =	smul.u32 $0x13C0, s11;
	s7 =	sshrl.u32 s7, $0x2;
	s30 =	sshrl.u32 s9, $0x1  }
0xb: {  	s13 =	sadd.s32 s6, s5;
	s5 =	sadd.s32 s7, s2;
	s14 =	ssub.s32 s9, s30  }
0xc: {  	s31 =	sadd.s32 s12, s8;
	s8 =	sadd.s32 $0xEC00, s13;
	s9 =	sadd.s32 $0x4C00, s13  }
0xd: {  	s13 =	simm.s32 $0x2;
	v0 =	vmov s17;
	s17 =	simm.s32 $0xA000;
	s6 =	sadd.s32 $0x4000, s5  }
0xe: {  	s7 =	sadd.s32 $0x8000, s5;
	s12 =	sshrl.u32 s31, $0x3;
	s11 =	smax.u32 s14, $0x1  }
0xf: {  	v1 =	vimm.f32 $0.0e+00;
	s14 =	simm.s32 $0x5000;
	s10 =	sadd.s32 s10, s12;
	s12 =	simm.s32 $0xA080  }
.LBB2_1:
0x10: {  	s20 =	simm.s32 $0x0;
	s21 =	simm.s32 $0x200  }
.LBB2_2:
0x11: {  	p0 =	sne.s32 s21, $0xFE00;
	[tilespmem:s20+$0xA0F0] =	vst v1  }
0x12: {  	[tilespmem:s20+$0xA080] =	vst v1  }
0x13: {  	[tilespmem:s20+$0xA090] =	vst v1  }
.Ltmp0:
0x14: {  	[tilespmem:s20+$0xA0A0] =	vst v1;
	(pc) =	sbr.rel @p0 .LBB2_2-.Ltmp0, $4  }
0x15: {  	[tilespmem:s20+$0xA0B0] =	vst v1  }
0x16: {  	[tilespmem:s20+$0xA0C0] =	vst v1  }
0x17: {  	[tilespmem:s20+$0xA0D0] =	vst v1  }
0x18: {  	[tilespmem:s20+$0xA0E0] =	vst v1;
	s20 =	sshra.s32 s21, $0x2;
	s21 =	sadd.s32 $0x200, s21  }
0x19: {  	[tilespmem:s20+$0xA0F0] =	vst v1  }
0x1a: {  	[tilespmem:s20+$0xA080] =	vst v1  }
0x1b: {  	[tilespmem:s20+$0xA090] =	vst v1  }
0x1c: {  	[tilespmem:s20+$0xA0A0] =	vst v1  }
0x1d: {  	[tilespmem:s20+$0xA0B0] =	vst v1  }
0x1e: {  	[tilespmem:s20+$0xA0C0] =	vst v1  }
0x1f: {  	[tilespmem:s20+$0xA0D0] =	vst v1  }
0x20: {  	[tilespmem:s20+$0xA0E0] =	vst v1  }
0x21: {  	[spmem:s5] =	stream.linear.scatter [tilespmem:s12], [sflag:$0x2], $0x4000, $0x38;
	[tilespmem:$0x1C480] =	vst v63  }
0x22: {  	_ =	swait.ge [sflag:s13], $0x4000  }
0x23: {  	[sflag:s13] =	ssyncset.done $0x0  }
0x24: {  	[sflag:s13] =	ssyncadd.s32 $0xFFFFC000  }
0x25: {  	[spmem:s6] =	stream.linear.scatter [tilespmem:s12], [sflag:$0x2], $0x4000, $0x38;
	[tilespmem:$0x1C480] =	vst v63  }
0x26: {  	_ =	swait.ge [sflag:s13], $0x4000  }
0x27: {  	[sflag:s13] =	ssyncset.done $0x0  }
0x28: {  	[sflag:s13] =	ssyncadd.s32 $0xFFFFC000  }
0x29: {  	[spmem:s7] =	stream.linear.scatter [tilespmem:s12], [sflag:$0x2], $0x2400, $0x38;
	[tilespmem:$0x1C480] =	vst v63  }
0x2a: {  	_ =	swait.ge [sflag:s13], $0x2400  }
0x2b: {  	[sflag:s13] =	ssyncset.done $0x0  }
0x2c: {  	[sflag:s13] =	ssyncadd.s32 $0xFFFFDC00  }
0x2d: {  	[tilespmem:s3], [sflag:$0x2] =	stream.linear.gather [hbm4b:s8+s3], $0x4E80, $0x38;
	[tilespmem:$0x1C480] =	vst v63  }
0x2e: {  	_ =	swait.ge [sflag:s13], $0x4E80  }
0x2f: {  	[sflag:s13] =	ssyncset.done $0x0  }
0x30: {  	[sflag:s13] =	ssyncadd.s32 $0xFFFFB180  }
0x31: {  	[tilespmem:s14], [sflag:$0x2] =	stream.linear.gather [hbm4b:s9+s3], $0x4E80, $0x38;
	[tilespmem:$0x1C480] =	vst v63  }
0x32: {  	_ =	swait.ge [sflag:s13], $0x4E80  }
0x33: {  	[sflag:s13] =	ssyncset.done $0x0  }
0x34: {  	[sflag:s13] =	ssyncadd.s32 $0xFFFFB180  }
0x35: {  	p0 =	por $0x0, $0x0;
	[bflag:$0x0] =	sbarrier.arrive $0xFFFF  }
0x36: {  	[tilespmem:s12], [sflag:$0x1] =	stream.indirect.gather [hbm4b:s4+s15], $0x80, s3, s15, $0xb8;
	[tilespmem:$0x1C480] =	vst v63  }
0x37: {  	s22 =	simm.s32 @!p0 $0x80;
	s20 =	simm.s32 @!p0 $0x80;
	s21 =	simm.s32 @!p0 $0xE080  }
0x38: {  	[tilespmem:s21], [sflag:$0x1] =	stream.indirect.gather @!p0 [hbm4b:s4+s20], $0x80, s22, s20, $0xb8;
	[tilespmem:$0x1C480] =	vst v63  }
0x39: {  	_ =	swait.ge [sflag:s16], $0x4000  }
0x3a: {  	[sflag:s16] =	ssyncset.done $0x0  }
0x3b: {  	s22 =	simm.s32 $0x5080;
	[sflag:s16] =	ssyncadd.s32 $0xFFFFC000  }
0x3c: {  	v2 =	vld [tilespmem:s22+$0xFFFFFF80];
	_ =	sdelay $0x4  }
0x3d: {  	v2 =	vsub.s32 v2, v0  }
0x3e: {  	v2 =	vmin.u32 v2, $0x13C0  }
0x3f: {  	[tilespmem:$0xA000] =	vst v2  }
0x40: {  	v2 =	vld [tilespmem:s22+$0xFFFFFF90];
	_ =	sdelay $0x4  }
0x41: {  	v2 =	vsub.s32 v2, v0  }
0x42: {  	v2 =	vmin.u32 v2, $0x13C0  }
0x43: {  	[tilespmem:$0xA010] =	vst v2  }
0x44: {  	v2 =	vld [tilespmem:s22+$0xFFFFFFA0];
	_ =	sdelay $0x4  }
0x45: {  	v2 =	vsub.s32 v2, v0  }
0x46: {  	v2 =	vmin.u32 v2, $0x13C0  }
0x47: {  	[tilespmem:$0xA020] =	vst v2  }
0x48: {  	v2 =	vld [tilespmem:s22+$0xFFFFFFB0];
	_ =	sdelay $0x4  }
0x49: {  	v2 =	vsub.s32 v2, v0  }
0x4a: {  	v2 =	vmin.u32 v2, $0x13C0  }
0x4b: {  	[tilespmem:$0xA030] =	vst v2  }
0x4c: {  	v2 =	vld [tilespmem:s22+$0xFFFFFFC0];
	_ =	sdelay $0x4  }
0x4d: {  	v2 =	vsub.s32 v2, v0  }
0x4e: {  	v2 =	vmin.u32 v2, $0x13C0  }
0x4f: {  	[tilespmem:$0xA040] =	vst v2  }
0x50: {  	v2 =	vld [tilespmem:s22+$0xFFFFFFD0];
	_ =	sdelay $0x4  }
0x51: {  	v2 =	vsub.s32 v2, v0  }
0x52: {  	v2 =	vmin.u32 v2, $0x13C0  }
0x53: {  	[tilespmem:$0xA050] =	vst v2  }
0x54: {  	v2 =	vld [tilespmem:s22+$0xFFFFFFE0];
	_ =	sdelay $0x4  }
0x55: {  	v2 =	vsub.s32 v2, v0  }
0x56: {  	v2 =	vmin.u32 v2, $0x13C0  }
0x57: {  	[tilespmem:$0xA060] =	vst v2  }
0x58: {  	v2 =	vld [tilespmem:s22+$0xFFFFFFF0];
	_ =	sdelay $0x4  }
0x59: {  	v2 =	vsub.s32 v2, v0  }
0x5a: {  	v2 =	vmin.u32 v2, $0x13C0  }
0x5b: {  	[tilespmem:$0xA070] =	vst v2  }
0x5c: {  	[spmem:s2] =	stream.indirect.scatter.add.f32 [tilespmem:s12], [sflag:$0x3], $0x80, s17, s15, $0xb8;
	[tilespmem:$0x1C480] =	vst v63  }
0x5d: {  	_ =	swait.ge [sflag:s18], $0x4000  }
0x5e: {  	s23 =	simm.s32 $0x100;
	p0 =	por p0, p0;
	[sflag:s18] =	ssyncset.done $0x0  }
0x5f: {  	s24 =	simm.s32 @!p0 $0xA080;
	s25 =	simm.s32 @!p0 $0x1;
	[sflag:s18] =	ssyncadd.s32 $0xFFFFC000  }
0x60: {  	[tilespmem:s24], [sflag:$0x1] =	stream.indirect.gather @!p0 [hbm4b:s4+s20], $0x80, s23, s20, $0xb8;
	[tilespmem:$0x1C480] =	vst v63  }
0x61: {  	_ =	swait.ge @!p0 [sflag:s25], $0x4000  }
0x62: {  	[sflag:s25] =	ssyncset.done @!p0 $0x0  }
0x63: {  	[sflag:s25] =	ssyncadd.s32 @!p0 $0xFFFFC000  }
0x64: {  	v2 =	vld @!p0 [tilespmem:s22+$0x0];
	_ =	sdelay $0x4  }
0x65: {  	v2 =	vsub.s32 @!p0 v2, v0  }
0x66: {  	v2 =	vmin.u32 @!p0 v2, $0x13C0  }
0x67: {  	[tilespmem:$0xA000] =	vst @!p0 v2  }
0x68: {  	v2 =	vld @!p0 [tilespmem:s22+$0x10];
	_ =	sdelay $0x4  }
0x69: {  	v2 =	vsub.s32 @!p0 v2, v0  }
0x6a: {  	v2 =	vmin.u32 @!p0 v2, $0x13C0  }
0x6b: {  	[tilespmem:$0xA010] =	vst @!p0 v2  }
0x6c: {  	v2 =	vld @!p0 [tilespmem:s22+$0x20];
	_ =	sdelay $0x4  }
0x6d: {  	v2 =	vsub.s32 @!p0 v2, v0  }
0x6e: {  	v2 =	vmin.u32 @!p0 v2, $0x13C0  }
0x6f: {  	[tilespmem:$0xA020] =	vst @!p0 v2  }
0x70: {  	v2 =	vld @!p0 [tilespmem:s22+$0x30];
	_ =	sdelay $0x4  }
0x71: {  	v2 =	vsub.s32 @!p0 v2, v0  }
0x72: {  	v2 =	vmin.u32 @!p0 v2, $0x13C0  }
0x73: {  	[tilespmem:$0xA030] =	vst @!p0 v2  }
0x74: {  	v2 =	vld @!p0 [tilespmem:s22+$0x40];
	_ =	sdelay $0x4  }
0x75: {  	v2 =	vsub.s32 @!p0 v2, v0  }
0x76: {  	v2 =	vmin.u32 @!p0 v2, $0x13C0  }
0x77: {  	[tilespmem:$0xA040] =	vst @!p0 v2  }
0x78: {  	v2 =	vld @!p0 [tilespmem:s22+$0x50];
	_ =	sdelay $0x4  }
0x79: {  	v2 =	vsub.s32 @!p0 v2, v0  }
0x7a: {  	v2 =	vmin.u32 @!p0 v2, $0x13C0  }
0x7b: {  	[tilespmem:$0xA050] =	vst @!p0 v2  }
0x7c: {  	v2 =	vld @!p0 [tilespmem:s22+$0x60];
	_ =	sdelay $0x4  }
0x7d: {  	v2 =	vsub.s32 @!p0 v2, v0  }
0x7e: {  	v2 =	vmin.u32 @!p0 v2, $0x13C0  }
0x7f: {  	[tilespmem:$0xA060] =	vst @!p0 v2  }
0x80: {  	v2 =	vld @!p0 [tilespmem:s22+$0x70];
	_ =	sdelay $0x4  }
0x81: {  	v2 =	vsub.s32 @!p0 v2, v0  }
0x82: {  	v2 =	vmin.u32 @!p0 v2, $0x13C0  }
0x83: {  	s22 =	simm.s32 @!p0 $0xA000;
	[tilespmem:$0xA070] =	vst @!p0 v2  }
0x84: {  	[spmem:s2] =	stream.indirect.scatter.add.f32 @!p0 [tilespmem:s21], [sflag:$0x2], $0x80, s22, s20, $0xb8;
	[tilespmem:$0x1C480] =	vst v63  }
0x85: {  	p2 =	por $0x0, $0x0;
	s26 =	simm.s32 @!p0 $0x2;
	s22 =	simm.s32 $0x5  }
0x86: {  	s20 =	simm.s32 $0x5180;
	s21 =	simm.s32 $0x200;
	_ =	swait.ge @!p0 [sflag:s26], $0x4000  }
.LBB2_4:
0x87: {  	s28 =	sadd.s32 @!p2 $0xFFFFFF80, s21  }
0x88: {  	s24 =	simm.s32 @!p2 $0x80;
	[sflag:s26] =	ssyncset.done @!p0 $0x0;
	s23 =	smov.u32 s22  }
0x89: {  	s22 =	sadd.s32 $0x2, s22;
	s25 =	simm.s32 @!p2 $0xE080;
	[sflag:s26] =	ssyncadd.s32 @!p0 $0xFFFFC000  }
0x8a: {  	[tilespmem:s25], [sflag:$0x1] =	stream.indirect.gather @!p2 [hbm4b:s4+s24], $0x80, s28, s24, $0xb8;
	[tilespmem:$0x1C480] =	vst v63  }
0x8b: {  	p1 =	sne.s32 s22, $0x9F;
	p0 =	por p2, p2;
	_ =	swait.ge [sflag:s16], $0x4000  }
0x8c: {  	[sflag:s16] =	ssyncset.done $0x0  }
0x8d: {  	[sflag:s16] =	ssyncadd.s32 $0xFFFFC000  }
0x8e: {  	v2 =	vld [tilespmem:s20+$0xFFFFFF80];
	_ =	sdelay $0x4  }
0x8f: {  	v2 =	vsub.s32 v2, v0  }
0x90: {  	v2 =	vmin.u32 v2, $0x13C0  }
0x91: {  	[tilespmem:$0xA000] =	vst v2  }
0x92: {  	v2 =	vld [tilespmem:s20+$0xFFFFFF90];
	_ =	sdelay $0x4  }
0x93: {  	v2 =	vsub.s32 v2, v0  }
0x94: {  	v2 =	vmin.u32 v2, $0x13C0  }
0x95: {  	[tilespmem:$0xA010] =	vst v2  }
0x96: {  	v2 =	vld [tilespmem:s20+$0xFFFFFFA0];
	_ =	sdelay $0x4  }
0x97: {  	v2 =	vsub.s32 v2, v0  }
0x98: {  	v2 =	vmin.u32 v2, $0x13C0  }
0x99: {  	[tilespmem:$0xA020] =	vst v2  }
0x9a: {  	v2 =	vld [tilespmem:s20+$0xFFFFFFB0];
	_ =	sdelay $0x4  }
0x9b: {  	v2 =	vsub.s32 v2, v0  }
0x9c: {  	v2 =	vmin.u32 v2, $0x13C0  }
0x9d: {  	[tilespmem:$0xA030] =	vst v2  }
0x9e: {  	v2 =	vld [tilespmem:s20+$0xFFFFFFC0];
	_ =	sdelay $0x4  }
0x9f: {  	v2 =	vsub.s32 v2, v0  }
0xa0: {  	v2 =	vmin.u32 v2, $0x13C0  }
0xa1: {  	[tilespmem:$0xA040] =	vst v2  }
0xa2: {  	v2 =	vld [tilespmem:s20+$0xFFFFFFD0];
	_ =	sdelay $0x4  }
0xa3: {  	v2 =	vsub.s32 v2, v0  }
0xa4: {  	v2 =	vmin.u32 v2, $0x13C0  }
0xa5: {  	[tilespmem:$0xA050] =	vst v2  }
0xa6: {  	v2 =	vld [tilespmem:s20+$0xFFFFFFE0];
	_ =	sdelay $0x4  }
0xa7: {  	v2 =	vsub.s32 v2, v0  }
0xa8: {  	v2 =	vmin.u32 v2, $0x13C0  }
0xa9: {  	[tilespmem:$0xA060] =	vst v2  }
0xaa: {  	v2 =	vld [tilespmem:s20+$0xFFFFFFF0];
	_ =	sdelay $0x4  }
0xab: {  	v2 =	vsub.s32 v2, v0  }
0xac: {  	v2 =	vmin.u32 v2, $0x13C0  }
0xad: {  	[tilespmem:$0xA070] =	vst v2  }
0xae: {  	[spmem:s2] =	stream.indirect.scatter.add.f32 [tilespmem:s12], [sflag:$0x3], $0x80, s17, s15, $0xb8;
	[tilespmem:$0x1C480] =	vst v63  }
0xaf: {  	_ =	swait.ge [sflag:s18], $0x4000  }
0xb0: {  	[sflag:s18] =	ssyncset.done $0x0  }
0xb1: {  	s26 =	simm.s32 @!p0 $0xA080;
	s28 =	simm.s32 @!p0 $0x1;
	[sflag:s18] =	ssyncadd.s32 $0xFFFFC000  }
0xb2: {  	[tilespmem:s26], [sflag:$0x1] =	stream.indirect.gather @!p0 [hbm4b:s4+s24], $0x80, s21, s24, $0xb8;
	[tilespmem:$0x1C480] =	vst v63  }
0xb3: {  	_ =	swait.ge @!p0 [sflag:s28], $0x4000  }
0xb4: {  	[sflag:s28] =	ssyncset.done @!p0 $0x0  }
0xb5: {  	[sflag:s28] =	ssyncadd.s32 @!p0 $0xFFFFC000  }
0xb6: {  	v2 =	vld @!p0 [tilespmem:s20+$0x0];
	_ =	sdelay $0x4  }
0xb7: {  	v2 =	vsub.s32 @!p0 v2, v0  }
0xb8: {  	v2 =	vmin.u32 @!p0 v2, $0x13C0  }
0xb9: {  	[tilespmem:$0xA000] =	vst @!p0 v2  }
0xba: {  	v2 =	vld @!p0 [tilespmem:s20+$0x10];
	_ =	sdelay $0x4  }
0xbb: {  	v2 =	vsub.s32 @!p0 v2, v0  }
0xbc: {  	v2 =	vmin.u32 @!p0 v2, $0x13C0  }
0xbd: {  	[tilespmem:$0xA010] =	vst @!p0 v2  }
0xbe: {  	v2 =	vld @!p0 [tilespmem:s20+$0x20];
	_ =	sdelay $0x4  }
0xbf: {  	v2 =	vsub.s32 @!p0 v2, v0  }
0xc0: {  	v2 =	vmin.u32 @!p0 v2, $0x13C0  }
0xc1: {  	[tilespmem:$0xA020] =	vst @!p0 v2  }
0xc2: {  	v2 =	vld @!p0 [tilespmem:s20+$0x30];
	_ =	sdelay $0x4  }
0xc3: {  	v2 =	vsub.s32 @!p0 v2, v0  }
0xc4: {  	v2 =	vmin.u32 @!p0 v2, $0x13C0  }
0xc5: {  	[tilespmem:$0xA030] =	vst @!p0 v2  }
0xc6: {  	v2 =	vld @!p0 [tilespmem:s20+$0x40];
	_ =	sdelay $0x4  }
0xc7: {  	v2 =	vsub.s32 @!p0 v2, v0  }
0xc8: {  	v2 =	vmin.u32 @!p0 v2, $0x13C0  }
0xc9: {  	[tilespmem:$0xA040] =	vst @!p0 v2  }
0xca: {  	v2 =	vld @!p0 [tilespmem:s20+$0x50];
	_ =	sdelay $0x4  }
0xcb: {  	v2 =	vsub.s32 @!p0 v2, v0  }
0xcc: {  	v2 =	vmin.u32 @!p0 v2, $0x13C0  }
0xcd: {  	[tilespmem:$0xA050] =	vst @!p0 v2  }
0xce: {  	v2 =	vld @!p0 [tilespmem:s20+$0x60];
	_ =	sdelay $0x4  }
0xcf: {  	v2 =	vsub.s32 @!p0 v2, v0  }
0xd0: {  	v2 =	vmin.u32 @!p0 v2, $0x13C0  }
0xd1: {  	[tilespmem:$0xA060] =	vst @!p0 v2  }
0xd2: {  	v2 =	vld @!p0 [tilespmem:s20+$0x70];
	_ =	sdelay $0x4  }
.Ltmp1:
0xd3: {  	v2 =	vsub.s32 @!p0 v2, v0;
	(pc) =	sbr.rel @p1 .LBB2_4-.Ltmp1, $4  }
0xd4: {  	v2 =	vmin.u32 @!p0 v2, $0x13C0  }
0xd5: {  	s26 =	simm.s32 @!p0 $0x2;
	s28 =	simm.s32 @!p0 $0xA000;
	s20 =	sadd.s32 $0x100, s20;
	[tilespmem:$0xA070] =	vst @!p0 v2  }
0xd6: {  	[spmem:s2] =	stream.indirect.scatter.add.f32 @!p0 [tilespmem:s25], [sflag:$0x2], $0x80, s28, s24, $0xb8;
	[tilespmem:$0x1C480] =	vst v63  }
0xd7: {  	p2 =	sgt.u32 s23, $0x9C;
	s21 =	sadd.s32 $0x100, s21;
	_ =	swait.ge @!p0 [sflag:s26], $0x4000  }
0xd8: {  	s24 =	sadd.s32 @!p2 $0xFFFFFF80, s21;
	[sflag:s26] =	ssyncset.done @!p0 $0x0  }
0xd9: {  	s22 =	simm.s32 @!p2 $0x80;
	s23 =	simm.s32 @!p2 $0xE080;
	[sflag:s26] =	ssyncadd.s32 @!p0 $0xFFFFC000  }
0xda: {  	[tilespmem:s23], [sflag:$0x1] =	stream.indirect.gather @!p2 [hbm4b:s4+s22], $0x80, s24, s22, $0xb8;
	[tilespmem:$0x1C480] =	vst v63  }
0xdb: {  	_ =	swait.ge [sflag:s16], $0x4000  }
0xdc: {  	[sflag:s16] =	ssyncset.done $0x0  }
0xdd: {  	[sflag:s16] =	ssyncadd.s32 $0xFFFFC000  }
0xde: {  	v2 =	vld [tilespmem:s20+$0xFFFFFF80];
	_ =	sdelay $0x4  }
0xdf: {  	v2 =	vsub.s32 v2, v0  }
0xe0: {  	v2 =	vmin.u32 v2, $0x13C0  }
0xe1: {  	[tilespmem:$0xA000] =	vst v2  }
0xe2: {  	v2 =	vld [tilespmem:s20+$0xFFFFFF90];
	_ =	sdelay $0x4  }
0xe3: {  	v2 =	vsub.s32 v2, v0  }
0xe4: {  	v2 =	vmin.u32 v2, $0x13C0  }
0xe5: {  	[tilespmem:$0xA010] =	vst v2  }
0xe6: {  	v2 =	vld [tilespmem:s20+$0xFFFFFFA0];
	_ =	sdelay $0x4  }
0xe7: {  	v2 =	vsub.s32 v2, v0  }
0xe8: {  	v2 =	vmin.u32 v2, $0x13C0  }
0xe9: {  	[tilespmem:$0xA020] =	vst v2  }
0xea: {  	v2 =	vld [tilespmem:s20+$0xFFFFFFB0];
	_ =	sdelay $0x4  }
0xeb: {  	v2 =	vsub.s32 v2, v0  }
0xec: {  	v2 =	vmin.u32 v2, $0x13C0  }
0xed: {  	[tilespmem:$0xA030] =	vst v2  }
0xee: {  	v2 =	vld [tilespmem:s20+$0xFFFFFFC0];
	_ =	sdelay $0x4  }
0xef: {  	v2 =	vsub.s32 v2, v0  }
0xf0: {  	v2 =	vmin.u32 v2, $0x13C0  }
0xf1: {  	[tilespmem:$0xA040] =	vst v2  }
0xf2: {  	v2 =	vld [tilespmem:s20+$0xFFFFFFD0];
	_ =	sdelay $0x4  }
0xf3: {  	v2 =	vsub.s32 v2, v0  }
0xf4: {  	v2 =	vmin.u32 v2, $0x13C0  }
0xf5: {  	[tilespmem:$0xA050] =	vst v2  }
0xf6: {  	v2 =	vld [tilespmem:s20+$0xFFFFFFE0];
	_ =	sdelay $0x4  }
0xf7: {  	v2 =	vsub.s32 v2, v0  }
0xf8: {  	v2 =	vmin.u32 v2, $0x13C0  }
0xf9: {  	[tilespmem:$0xA060] =	vst v2  }
0xfa: {  	v2 =	vld [tilespmem:s20+$0xFFFFFFF0];
	_ =	sdelay $0x4  }
0xfb: {  	v2 =	vsub.s32 v2, v0  }
0xfc: {  	v2 =	vmin.u32 v2, $0x13C0  }
0xfd: {  	[tilespmem:$0xA070] =	vst v2  }
0xfe: {  	[spmem:s2] =	stream.indirect.scatter.add.f32 [tilespmem:s12], [sflag:$0x3], $0x80, s17, s15, $0xb8;
	[tilespmem:$0x1C480] =	vst v63  }
0xff: {  	_ =	swait.ge [sflag:s18], $0x4000  }
0x100: {  	p0 =	por p2, p2;
	[sflag:s18] =	ssyncset.done $0x0  }
0x101: {  	s24 =	simm.s32 @!p0 $0xA080;
	s25 =	simm.s32 @!p0 $0x1;
	[sflag:s18] =	ssyncadd.s32 $0xFFFFC000  }
0x102: {  	[tilespmem:s24], [sflag:$0x1] =	stream.indirect.gather @!p0 [hbm4b:s4+s22], $0x80, s21, s22, $0xb8;
	[tilespmem:$0x1C480] =	vst v63  }
0x103: {  	_ =	swait.ge @!p0 [sflag:s25], $0x4000  }
0x104: {  	[sflag:s25] =	ssyncset.done @!p0 $0x0  }
0x105: {  	[sflag:s25] =	ssyncadd.s32 @!p0 $0xFFFFC000  }
0x106: {  	v2 =	vld @!p0 [tilespmem:s20+$0x0];
	_ =	sdelay $0x4  }
0x107: {  	v2 =	vsub.s32 @!p0 v2, v0  }
0x108: {  	v2 =	vmin.u32 @!p0 v2, $0x13C0  }
0x109: {  	[tilespmem:$0xA000] =	vst @!p0 v2  }
0x10a: {  	v2 =	vld @!p0 [tilespmem:s20+$0x10];
	_ =	sdelay $0x4  }
0x10b: {  	v2 =	vsub.s32 @!p0 v2, v0  }
0x10c: {  	v2 =	vmin.u32 @!p0 v2, $0x13C0  }
0x10d: {  	[tilespmem:$0xA010] =	vst @!p0 v2  }
0x10e: {  	v2 =	vld @!p0 [tilespmem:s20+$0x20];
	_ =	sdelay $0x4  }
0x10f: {  	v2 =	vsub.s32 @!p0 v2, v0  }
0x110: {  	v2 =	vmin.u32 @!p0 v2, $0x13C0  }
0x111: {  	[tilespmem:$0xA020] =	vst @!p0 v2  }
0x112: {  	v2 =	vld @!p0 [tilespmem:s20+$0x30];
	_ =	sdelay $0x4  }
0x113: {  	v2 =	vsub.s32 @!p0 v2, v0  }
0x114: {  	v2 =	vmin.u32 @!p0 v2, $0x13C0  }
0x115: {  	[tilespmem:$0xA030] =	vst @!p0 v2  }
0x116: {  	v2 =	vld @!p0 [tilespmem:s20+$0x40];
	_ =	sdelay $0x4  }
0x117: {  	v2 =	vsub.s32 @!p0 v2, v0  }
0x118: {  	v2 =	vmin.u32 @!p0 v2, $0x13C0  }
0x119: {  	[tilespmem:$0xA040] =	vst @!p0 v2  }
0x11a: {  	v2 =	vld @!p0 [tilespmem:s20+$0x50];
	_ =	sdelay $0x4  }
0x11b: {  	v2 =	vsub.s32 @!p0 v2, v0  }
0x11c: {  	v2 =	vmin.u32 @!p0 v2, $0x13C0  }
0x11d: {  	[tilespmem:$0xA050] =	vst @!p0 v2  }
0x11e: {  	v2 =	vld @!p0 [tilespmem:s20+$0x60];
	_ =	sdelay $0x4  }
0x11f: {  	v2 =	vsub.s32 @!p0 v2, v0  }
0x120: {  	v2 =	vmin.u32 @!p0 v2, $0x13C0  }
0x121: {  	[tilespmem:$0xA060] =	vst @!p0 v2  }
0x122: {  	v2 =	vld @!p0 [tilespmem:s20+$0x70];
	_ =	sdelay $0x4  }
0x123: {  	v2 =	vsub.s32 @!p0 v2, v0  }
0x124: {  	v2 =	vmin.u32 @!p0 v2, $0x13C0  }
0x125: {  	s21 =	simm.s32 @!p0 $0x2;
	s20 =	simm.s32 @!p0 $0xA000;
	[tilespmem:$0xA070] =	vst @!p0 v2  }
0x126: {  	[spmem:s2] =	stream.indirect.scatter.add.f32 @!p0 [tilespmem:s23], [sflag:$0x2], $0x80, s20, s22, $0xb8;
	[tilespmem:$0x1C480] =	vst v63  }
0x127: {  	_ =	swait.ge @!p0 [sflag:s21], $0x4000  }
0x128: {  	s30 =	sshll.u32 s1, $0x6;
	s19 =	sadd.s32 $0x1, s19;
	[sflag:s21] =	ssyncset.done @!p0 $0x0  }
0x129: {  	s31 =	sshrl.u32 s5, $0x3;
	[sflag:s21] =	ssyncadd.s32 @!p0 $0xFFFFC000;
	p0 =	sne.s32 s19, s11  }
.Ltmp2:
0x12a: {  	s20 =	sor.u32 $0x1C02, s30;
	[bflag:$0x0] =	sbarrier.arrive $0xFFFF;
	(pc) =	sbr.rel @p0 .LBB2_1-.Ltmp2, $4  }
0x12b: {  	[hbm:s10], [sflag:s20] =	dma.local [spmem:s31], $0x1480  }
0x12c: {  	_ =	swait.ge [sflag:s13], $0x1480  }
0x12d: {  	[sflag:s13] =	ssyncset.done $0x0  }
0x12e: {  	[sflag:s13] =	ssyncadd.s32 $0xFFFFEB80  }
0x12f: {  	_ =	sfence.sel $0x180000  }
0x130: {  	[bflag:$0x0] =	sbarrier.arrive $0xFFFF  }
0x131: {  	p0 =	sne.s32 s1, $0x0;
	_ =	strace $0x9000004D  }
0x132: {  	s0 =	sadd.s32 @!p0 $0x100000, s0;
	[bflag:$0x2] =	sbarrier.arrive $0xFFFF  }
0x133: {  	[sflag:s0] =	ssyncadd.tile.s32 @!p0 $0x1;
	_ =	shalt  }
.Lfunc_end2:
_tile_overlayer_lowered:
.L_overlay_start_2:
0x134: {  	(tag) =	ssettag $0x2  }
0x135: {  	s0 =	rddreg [dreg:$0x0];
	s2 =	stileid.u32  }
0x136: {  	s1 =	rddreg [dreg:$0x1];
	p0 =	sne.s32 s2, $0x0  }
0x137: {  	s3 =	rddreg [dreg:$0x2];
	[bflag:$0x3] =	sbarrier.arrive $0xFFFF;
	s2 =	simm.s32 @!p0 $0x1C02  }
0x138: {  	[timem:s3], [sflag:s2] =	dma.local @!p0 [hbm:s0], s1  }
0x139: {  	s0 =	simm.s32 @!p0 $0x2  }
0x13a: {  	_ =	swait.ge @!p0 [sflag:s0], s1  }
0x13b: {  	s1 =	ssub.s32 @!p0 $0x0, s1;
	[sflag:s0] =	ssyncset.done @!p0 $0x0  }
0x13c: {  	[sflag:s0] =	ssyncadd.s32 @!p0 s1  }
0x13d: {  	[bflag:$0x3] =	sbarrier.arrive $0xFFFF  }
0x13e: {  	_ =	shalt  }

// kernel: kernel.21.cloned.1.call-start
scs
__scs_entry_jumppad:
0x0: {  	(pc) =	sbr.rel $0x88, $3  }
0x1: {  	(tag) =	ssettag $0x0;
	lr =	simm.s32 $0x1  }
0x2: {  	[smem:$0x3F98] =	sst lr;
	_ =	strace $0xD0000000  }
0x3: {  	_ = 	snop  }
0x4: {  	_ = 	snop  }
0x5: {  	_ = 	snop  }
0x6: {  	_ = 	snop  }
0x7: {  	_ = 	snop  }
__scs_overlays_trampoline_lowered:
0x8: {  	[smem:$0x3FA7] =	sst s0  }
0x9: {  	[smem:$0x3FA8] =	sst s1  }
0xa: {  	[smem:$0x3FA9] =	sst s2  }
0xb: {  	[smem:$0x3FAA] =	sst s3  }
0xc: {  	[smem:$0x3FAB] =	sst s4  }
0xd: {  	[smem:$0x3FAC] =	sst s5  }
0xe: {  	[smem:$0x3FAD] =	sst s6  }
0xf: {  	[smem:$0x3FAE] =	sst s7  }
0x10: {  	[smem:$0x3FAF] =	sst s8  }
0x11: {  	[smem:$0x3FB0] =	sst s9;
	s0 =	simm.s32 @!p0 $0x0  }
0x12: {  	s1 =	sld [smem:$0x3F96];
	s0 =	simm.s32 @p0 $0x1  }
0x13: {  	[smem:$0x3FB1] =	sst s0;
	s0 =	simm.s32 @!p1 $0x0  }
0x14: {  	s2 =	sld [smem:$0x3F95];
	s0 =	simm.s32 @p1 $0x1  }
0x15: {  	[smem:$0x3FB2] =	sst s0;
	s0 =	simm.s32 @!p2 $0x0  }
0x16: {  	s3 =	sld [smem:$0x3FDB];
	s0 =	simm.s32 @p2 $0x1  }
0x17: {  	s4 =	simm.s32 $0x1BF5;
	[smem:$0x3FB4] =	sst s0  }
0x18: {  	s0 =	sld [smem:$0x3F97];
	_ =	swait.ge [sflag:s4], $0x0  }
0x19: {  	s7 =	sld [smem:$0x3F98]  }
0x1a: {  	s8 =	sadd.s32 $0xFFFFE003, lr  }
0x1b: {  	s9 =	sadd.s32 $0xFFFFFEF7, lr;
	s5 =	simm.s32 $0xFFFFFFFF;
	p2 =	slt.u32 s8, $0xFFFFF086  }
0x1c: {  	p1 =	slt.u32 s9, $0xF7A;
	s5 =	simm.s32 @!p2 $0x0  }
0x1d: {  	s5 =	simm.s32 @p1 $0x1;
	p0 =	seq.s32 s7, s2  }
0x1e: {  	s7 =	smul.u32 @!p0 $0xF7A, s2;
	p2 =	seq.s32 @!p0 s5, $0x0  }
0x1f: {  	s9 =	smul.u32 $0xF7A, s1;
	s8 =	simm.s32 @!p0 $0x1BF5;
	p2 =	por !p2, p0  }
0x20: {  	[sflag:s8] =	ssyncset.s32 @!p0 $0xFFFFF086;
	s6 =	sadd.s32 @!p0 s3, s7;
	s7 =	simm.s32 @!p0 $0x108  }
0x21: {  	s3 =	sadd.s32 s3, s9;
	s6 =	sadd.s32 @!p0 $0x88, s6;
	s7 =	simm.s32 @p2 $0x1082  }
0x22: {  	[simem:s7], [sflag:s8] =	dma.local @!p0 [hbm:s6], $0xF7A  }
0x23: {  	s9 =	sor.u32 $0xD0000000, s2;
	s6 =	simm.s32 $0x108;
	_ =	swait.ge @!p0 [sflag:s8], $0x0  }
0x24: {  	s3 =	sadd.s32 $0x88, s3;
	s6 =	simm.s32 @!p1 $0x1082;
	[sflag:s4] =	ssyncset.s32 $0xFFFFF086  }
0x25: {  	[simem:s6], [sflag:s4] =	dma.local [hbm:s3], $0xF7A  }
0x26: {  	[smem:$0x3F98] =	sst s1;
	(tag) =	ssettag s2;
	_ =	strace s9  }
0x27: {  	s1 =	sld [smem:$0x3FA8]  }
0x28: {  	s2 =	sld [smem:$0x3FA9]  }
0x29: {  	s4 =	sld [smem:$0x3FAB]  }
0x2a: {  	p0 =	seq.s32 s5, $0x0;
	s5 =	sld [smem:$0x3FAC]  }
0x2b: {  	s6 =	sld [smem:$0x3FAD]  }
0x2c: {  	s7 =	sld [smem:$0x3FAE]  }
0x2d: {  	s3 =	simm.s32 $0x108;
	s8 =	sld [smem:$0x3FAF]  }
0x2e: {  	s3 =	simm.s32 @!p0 $0x1082;
	s9 =	sld [smem:$0x3FB0]  }
0x2f: {  	lr =	sadd.s32 s0, s3;
	s0 =	sld [smem:$0x3FA7]  }
0x30: {  	s3 =	sld [smem:$0x3FAA]  }
0x31: {  	[smem:$0x3FB3] =	sst s10  }
0x32: {  	s10 =	sld [smem:$0x3FB1];
	_ =	sdelay $0x3  }
0x33: {  	p0 =	seq.s32 s10, $0x1;
	s10 =	sld [smem:$0x3FB3];
	_ =	sdelay $0x3  }
0x34: {  	[smem:$0x3FB3] =	sst s10  }
0x35: {  	s10 =	sld [smem:$0x3FB2];
	_ =	sdelay $0x3  }
0x36: {  	p1 =	seq.s32 s10, $0x1;
	s10 =	sld [smem:$0x3FB3];
	_ =	sdelay $0x3  }
0x37: {  	[smem:$0x3FB3] =	sst s10  }
0x38: {  	s10 =	sld [smem:$0x3FB4]  }
0x39: {  	_ = 	snop;
	(pc) =	sbr.ind lr, $3  }
0x3a: {  	_ = 	snop  }
0x3b: {  	_ = 	snop  }
0x3c: {  	p2 =	seq.s32 s10, $0x1;
	s10 =	sld [smem:$0x3FB3]  }
0x3d: {  	_ =	shalt  }
0x3e: {  	_ =	shalt  }
0x3f: {  	_ =	shalt  }
0x40: {  	_ =	shalt  }
0x41: {  	_ =	shalt  }
0x42: {  	_ =	shalt  }
0x43: {  	_ =	shalt  }
0x44: {  	_ =	shalt  }
0x45: {  	_ =	shalt  }
0x46: {  	_ =	shalt  }
0x47: {  	_ =	shalt  }
0x48: {  	_ =	shalt  }
0x49: {  	_ =	shalt  }
0x4a: {  	_ =	shalt  }
0x4b: {  	_ =	shalt  }
0x4c: {  	_ =	shalt  }
0x4d: {  	_ =	shalt  }
0x4e: {  	_ =	shalt  }
0x4f: {  	_ =	shalt  }
0x50: {  	_ =	shalt  }
0x51: {  	_ =	shalt  }
0x52: {  	_ =	shalt  }
0x53: {  	_ =	shalt  }
0x54: {  	_ =	shalt  }
0x55: {  	_ =	shalt  }
0x56: {  	_ =	shalt  }
0x57: {  	_ =	shalt  }
0x58: {  	_ =	shalt  }
0x59: {  	_ =	shalt  }
0x5a: {  	_ =	shalt  }
0x5b: {  	_ =	shalt  }
0x5c: {  	_ =	shalt  }
0x5d: {  	_ =	shalt  }
0x5e: {  	_ =	shalt  }
0x5f: {  	_ =	shalt  }
0x60: {  	_ =	shalt  }
0x61: {  	_ =	shalt  }
0x62: {  	_ =	shalt  }
0x63: {  	_ =	shalt  }
0x64: {  	_ =	shalt  }
0x65: {  	_ =	shalt  }
0x66: {  	_ =	shalt  }
0x67: {  	_ =	shalt  }
0x68: {  	_ =	shalt  }
0x69: {  	_ =	shalt  }
0x6a: {  	_ =	shalt  }
0x6b: {  	_ =	shalt  }
0x6c: {  	_ =	shalt  }
0x6d: {  	_ =	shalt  }
0x6e: {  	_ =	shalt  }
0x6f: {  	_ =	shalt  }
0x70: {  	_ =	shalt  }
0x71: {  	_ =	shalt  }
0x72: {  	_ =	shalt  }
0x73: {  	_ =	shalt  }
0x74: {  	_ =	shalt  }
0x75: {  	_ =	shalt  }
0x76: {  	_ =	shalt  }
0x77: {  	_ =	shalt  }
0x78: {  	_ =	shalt  }
0x79: {  	_ =	shalt  }
0x7a: {  	_ =	shalt  }
0x7b: {  	_ =	shalt  }
0x7c: {  	_ =	shalt  }
0x7d: {  	_ =	shalt  }
0x7e: {  	_ =	shalt  }
0x7f: {  	_ =	shalt  }
0x80: {  	_ =	shalt  }
0x81: {  	_ =	shalt  }
0x82: {  	_ =	shalt  }
0x83: {  	_ =	shalt  }
0x84: {  	_ =	shalt  }
0x85: {  	_ =	shalt  }
0x86: {  	_ =	shalt  }
0x87: {  	_ =	shalt  }
.Lfunc_end0:
.L_simem_size_0:
called_computation.3_lowered:
.L_overlay_start_0:
0x88: {  	s2 =	sld [smem:$0x3FD9]  }
0x89: {  	s3 =	sld [smem:$0x3FFE];
	_ =	sdelay $0x1  }
0x8a: {  	s1 =	srdreg.scid  }
0x8b: {  	s0 =	sand.u32 $0x1, s1  }
0x8c: {  	s16 =	sshll.u32 s0, $0xA;
	s2 =	sadd.s32 s3, s2  }
0x8d: {  	s2 =	sadd.s32 s2, s16  }
0x8e: {  	[smem:$0x3FBF] =	sst s2  }
0x8f: {  	_ = 	snop  }
0x90: {  	(tm) =	ssettm $0x1  }
0x91: {  	s17 =	sld [smem:$0x3FFB];
	_ =	sdelay $0x3  }
0x92: {  	_ =	strace s17  }
0x93: {  	s2 =	sld [smem:$0x3FFC];
	_ =	sdelay $0x3  }
0x94: {  	_ =	strace s2  }
0x95: {  	s2 =	sld [smem:$0x3FFD];
	_ =	sdelay $0x3  }
0x96: {  	_ =	strace s2  }
0x97: {  	_ =	strace $0x8FFFFFFF  }
0x98: {  	s18 =	sld [smem:$0x3FDB];
	_ =	sdelay $0x1  }
0x99: {  	s19 =	simm.s32 $_scs_section_size  }
0x9a: {  	s4 =	simm.s32 $_size__tile_overlayer_lowered;
	s5 =	simm.s32 $_tile_overlayer_lowered  }
0x9b: {  	s22 =	simm.s32 $0x1BFF;
	s21 =	sshll.u32 s5, $0x1;
	s2 =	sadd.s32 s19, s18  }
0x9c: {  	s6 =	simm.s32 $0x0;
	s20 =	sshll.u32 s4, $0x1;
	s4 =	sadd.s32 s21, s2  }
0x9d: {  	[timem:s6], [sflag:s22] =	dma.local [hbm:s4], s20  }
0x9e: {  	_ =	swait.ge [sflag:s22], s20  }
0x9f: {  	s3 =	ssub.s32 $0x0, s20;
	[sflag:s22] =	ssyncset.done $0x0  }
0xa0: {  	[sflag:s22] =	ssyncadd.s32 s3;
	_ =	sdelay $0x1  }
0xa1: {  	s23 =	simm.s32 $0x1B8B  }
0xa2: {  	_ =	swait.ge [sflag:s23], $0x1  }
0xa3: {  	[sflag:s23] =	ssyncset.done $0x0  }
0xa4: {  	s25 =	simm.s32 $0x1B8E;
	s24 =	sld [smem:$0x3FFE];
	[sflag:s23] =	ssyncadd.s32 $0xFFFFFFFF  }
0xa5: {  	s26 =	simm.s32 $execute0_lowered;
	[smem:$0x3FD2] =	sst s25  }
0xa6: {  	s4 =	sshll.u32 s26, $0x1;
	_ =	strace $0x8000004F;
	[dreg:$0x1] =	wrdreg $0xFFFFFFFF  }
0xa7: {  	s28 =	simm.s32 $_size_execute0_lowered;
	s2 =	sadd.s32 s2, s4;
	[dreg:$0x0] =	wrdreg $0x0  }
0xa8: {  	s4 =	sshll.u32 s28, $0x1;
	[dreg:$0x2] =	wrdreg s2  }
0xa9: {  	[dreg:$0x3] =	wrdreg s4  }
0xaa: {  	[dreg:$0x4] =	wrdreg $0xC0  }
0xab: {  	_ =	task [dreg:s6], $0x5FFFF  }
0xac: {  	[dreg:$0x1] =	wrdreg $0xFFFFFFFF  }
0xad: {  	[dreg:$0x0] =	wrdreg $0x60  }
0xae: {  	[dreg:$0x2] =	wrdreg s24  }
0xaf: {  	[dreg:$0x3] =	wrdreg $0x9  }
0xb0: {  	_ =	task.clear_ibuf [dreg:s6], $0x4FFFF;
	_ =	strace $0x9000004F  }
0xb1: {  	s29 =	simm.s32 $0x9;
	_ =	strace $0x80000051  }
0xb2: {  	_ =	swait.ge [sflag:s29], $0x1  }
0xb3: {  	[sflag:s29] =	ssyncadd.s32 $0xFFFFFFFF  }
0xb4: {  	_ =	strace $0x90000051  }
0xb5: {  	_ =	sfence  }
0xb6: {  	s30 =	sld [smem:$0x0];
	_ =	sdelay $0x2  }
0xb7: {  	s31 =	sshll.u32 s1, $0xD;
	s1 =	sshrl.u32 s1, $0x2  }
0xb8: {  	s3 =	sand.u32 $0x4000, s31;
	s1 =	sadd.s32 s1, s30  }
0xb9: {  	s0 =	sor.u32 s3, s0;
	s1 =	sshll.u32 s1, $0x11  }
0xba: {  	s0 =	sor.u32 s1, s0  }
0xbb: {  	s0 =	sadd.s32 $0x8F2B, s0  }
0xbc: {  	[sflag:s0] =	ssyncadd.remote.s32 $0x1  }
0xbd: {  	_ =	sfence.sel $0xFFFF  }
0xbe: {  	[dreg:$0x0] =	wrdreg $0xFFFFFFFF;
	(pc) =	sbr.abs _section_cstart, $3  }
0xbf: {  	[dreg:$0x1] =	wrdreg $0xFFFFFFFF  }
0xc0: {  	_ =	task.clear_ibuf [dreg:s6], $0x2FFFF;
	_ =	strace $0x9FFFFFFF  }
0xc1: {  	(tm) =	ssettm $0x7FFFFFFF  }
tec
execute0_lowered:
.L_overlay_start_1:
0x0: {  	(tag) =	ssettag $0x1  }
0x1: {  	s3 =	rddreg [dreg:$0x0]  }
0x2: {  	s0 =	rddreg [dreg:$0x1];
	s1 =	simm.s32 $0x0;
	s2 =	srdreg.scid  }
0x3: {  	[smem:$0x7FF] =	sst s1;
	s4 =	sand.u32 $0x1, s2  }
0x4: {  	s2 =	stileid.u32;
	s3 =	sadd.s32 $0x7A200, s3;
	_ =	strace $0x80000050  }
0x5: {  	s5 =	ssub.s32 $0x2, s4;
	s7 =	sshll.u32 s4, $0x4;
	s8 =	smul.u32 $0xC35000, s4  }
0x6: {  	s31 =	smul.u32 $0xC3500, s2;
	s6 =	sshrl.u32 s5, $0x1;
	s30 =	sor.u32 s2, s7  }
0x7: {  	v0 =	vlaneseq.u32;
	s7 =	simm.s32 $0x1;
	s5 =	ssub.s32 s5, s6;
	s4 =	smul.u32 $0x50, s30  }
0x8: {  	v0 =	vadd.s32 $0x1, v0;
	s6 =	sadd.s32 s31, s8;
	s8 =	simm.s32 $0x0;
	s5 =	smax.u32 s5, $0x1  }
.LBB2_1:
0x9: {  	s9 =	smov.u32 s6;
	s10 =	simm.s32 $0x0  }
.LBB2_2:
0xa: {  	v1 =	vadd.s32 s9, v0  }
0xb: {  	v2 =	vshrl.u32 v1, $0x13;
	v3 =	vshll.u32 v1, $0xD  }
0xc: {  	v2 =	vor.u32 v2, v3  }
0xd: {  	v2 =	vxor.u32 v1, v2  }
0xe: {  	v3 =	vshrl.u32 v2, $0x11;
	v4 =	vshll.u32 v2, $0xF  }
0xf: {  	v1 =	vadd.s32 v1, v2;
	v2 =	vor.u32 v3, v4  }
0x10: {  	v2 =	vxor.u32 v1, v2  }
0x11: {  	v3 =	vshrl.u32 v2, $0x6;
	v4 =	vshll.u32 v2, $0x1A  }
0x12: {  	v1 =	vadd.s32 v1, v2;
	v2 =	vor.u32 v3, v4  }
0x13: {  	v2 =	vxor.u32 v1, v2  }
0x14: {  	v3 =	vshrl.u32 v2, $0x1A;
	v4 =	vshll.u32 v2, $0x6  }
0x15: {  	v1 =	vadd.s32 v1, v2;
	v2 =	vor.u32 v3, v4  }
0x16: {  	v2 =	vxor.u32 v1, v2  }
0x17: {  	v2 =	vadd.s32 $0x1BD11BDC, v2  }
0x18: {  	v1 =	vadd.s32 v2, v1;
	v3 =	vshrl.u32 v2, $0xF;
	v2 =	vshll.u32 v2, $0x11  }
0x19: {  	v1 =	vadd.s32 $0x1, v1;
	v2 =	vor.u32 v3, v2  }
0x1a: {  	v2 =	vxor.u32 v1, v2  }
0x1b: {  	v3 =	vshrl.u32 v2, $0x3;
	v4 =	vshll.u32 v2, $0x1D  }
0x1c: {  	v1 =	vadd.s32 v1, v2;
	v2 =	vor.u32 v3, v4  }
0x1d: {  	v2 =	vxor.u32 v1, v2  }
0x1e: {  	v3 =	vshrl.u32 v2, $0x10;
	v4 =	vshll.u32 v2, $0x10  }
0x1f: {  	v1 =	vadd.s32 v1, v2;
	v2 =	vor.u32 v3, v4  }
0x20: {  	v2 =	vxor.u32 v1, v2  }
0x21: {  	v3 =	vshrl.u32 v2, $0x8;
	v4 =	vshll.u32 v2, $0x18  }
0x22: {  	s14 =	sadd.s32 $0x10, s9;
	v1 =	vadd.s32 v1, v2;
	v2 =	vor.u32 v3, v4  }
0x23: {  	v3 =	vadd.s32 s14, v0;
	v2 =	vxor.u32 v1, v2  }
0x24: {  	v4 =	vshrl.u32 v3, $0x13;
	v5 =	vshll.u32 v3, $0xD;
	v2 =	vadd.s32 $0x2, v2  }
0x25: {  	v1 =	vadd.s32 v2, v1;
	v6 =	vshrl.u32 v2, $0x13;
	v2 =	vshll.u32 v2, $0xD  }
0x26: {  	v4 =	vor.u32 v4, v5;
	v1 =	vadd.s32 $0x1BD11BDB, v1;
	v2 =	vor.u32 v6, v2  }
0x27: {  	v4 =	vxor.u32 v3, v4;
	v2 =	vxor.u32 v1, v2  }
0x28: {  	v5 =	vshrl.u32 v4, $0x11;
	v6 =	vshrl.u32 v2, $0x11;
	v7 =	vshll.u32 v2, $0xF  }
0x29: {  	v8 =	vshll.u32 v4, $0xF;
	v1 =	vadd.s32 v1, v2;
	v2 =	vor.u32 v6, v7  }
0x2a: {  	v3 =	vadd.s32 v3, v4;
	v4 =	vor.u32 v5, v8;
	v5 =	vxor.u32 v1, v2  }
0x2b: {  	v4 =	vxor.u32 v3, v4;
	v6 =	vshrl.u32 v5, $0x6;
	v7 =	vshll.u32 v5, $0x1A  }
0x2c: {  	v2 =	vadd.s32 v3, v4;
	v1 =	vadd.s32 v1, v5;
	v3 =	vor.u32 v6, v7  }
0x2d: {  	v5 =	vshrl.u32 v4, $0x6;
	v4 =	vshll.u32 v4, $0x1A;
	v3 =	vxor.u32 v1, v3  }
0x2e: {  	s11 =	sshll.u32 s10, $0x3;
	s13 =	simm.s32 $0x0;
	v4 =	vor.u32 v5, v4;
	v5 =	vshrl.u32 v3, $0x1A;
	v6 =	vshll.u32 v3, $0x6  }
0x2f: {  	s12 =	simm.s32 $0x1;
	s15 =	simm.s32 $0x2;
	s11 =	sadd.s32 s4, s11;
	v4 =	vxor.u32 v2, v4;
	v1 =	vadd.s32 v1, v3;
	v3 =	vor.u32 v5, v6  }
.LBB2_3:
0x30: {  	p0 =	sne.s32 s15, $0x1387;
	v2 =	vadd.s32 v2, v4;
	v3 =	vxor.u32 v1, v3  }
0x31: {  	v5 =	vshrl.u32 v4, $0x1A;
	v4 =	vshll.u32 v4, $0x6;
	v3 =	vadd.s32 $0x4, v3  }
0x32: {  	v4 =	vor.u32 v5, v4;
	v5 =	vshrl.u32 v3, $0xF;
	v6 =	vshll.u32 v3, $0x11  }
0x33: {  	s14 =	sadd.s32 $0x10, s14;
	v4 =	vxor.u32 v2, v4;
	v3 =	vadd.s32 v1, v3;
	v5 =	vor.u32 v5, v6  }
0x34: {  	v1 =	vadd.s32 s14, v0;
	v4 =	vadd.s32 $0x1BD11BDC, v4;
	v5 =	vxor.u32 v3, v5  }
0x35: {  	v2 =	vadd.s32 v4, v2;
	v6 =	vshrl.u32 v5, $0x3;
	v7 =	vshll.u32 v5, $0x1D  }
0x36: {  	v8 =	vshrl.u32 v4, $0xF;
	v3 =	vadd.s32 v3, v5;
	v5 =	vor.u32 v6, v7  }
0x37: {  	v4 =	vshll.u32 v4, $0x11;
	v2 =	vadd.s32 $0x1, v2;
	v5 =	vxor.u32 v3, v5  }
0x38: {  	v4 =	vor.u32 v8, v4;
	v6 =	vshrl.u32 v5, $0x10;
	v7 =	vshll.u32 v5, $0x10  }
0x39: {  	v4 =	vxor.u32 v2, v4;
	v3 =	vadd.s32 v3, v5;
	v5 =	vor.u32 v6, v7  }
0x3a: {  	v2 =	vadd.s32 v2, v4;
	v6 =	vshrl.u32 v4, $0x3;
	v5 =	vxor.u32 v3, v5  }
0x3b: {  	v4 =	vshll.u32 v4, $0x1D;
	v7 =	vshrl.u32 v5, $0x8;
	v8 =	vshll.u32 v5, $0x18  }
0x3c: {  	s16 =	smul.u32 $0xA36F, s13;
	v4 =	vor.u32 v6, v4;
	v3 =	vadd.s32 v3, v5;
	v5 =	vor.u32 v7, v8  }
0x3d: {  	v6 =	vshrl.u32 v1, $0x13;
	v4 =	vxor.u32 v2, v4;
	v5 =	vxor.u32 v3, v5  }
0x3e: {  	s16 =	sshrl.u32 s16, $0x10;
	v7 =	vshll.u32 v1, $0xD;
	v8 =	vshrl.u32 v4, $0x10;
	v5 =	vadd.s32 $0x1BD11BDF, v5  }
0x3f: {  	s17 =	ssub.s32 s13, s16;
	v3 =	vadd.s32 v5, v3;
	v9 =	vshrl.u32 v5, $0x13;
	v5 =	vshll.u32 v5, $0xD  }
0x40: {  	s17 =	sand.u32 $0xFFFE, s17;
	v10 =	vshll.u32 v4, $0x10;
	v3 =	vadd.s32 $0x1, v3;
	v5 =	vor.u32 v9, v5  }
0x41: {  	s17 =	sshrl.u32 s17, $0x1;
	v2 =	vadd.s32 v2, v4;
	v4 =	vor.u32 v8, v10;
	v5 =	vxor.u32 v3, v5  }
0x42: {  	s16 =	sadd.s32 s16, s17;
	v4 =	vxor.u32 v2, v4;
	v8 =	vshrl.u32 v5, $0x11;
	v9 =	vshll.u32 v5, $0xF  }
0x43: {  	s17 =	sand.u32 $0xFE00, s16;
	v2 =	vadd.s32 v2, v4;
	v3 =	vadd.s32 v3, v5;
	v5 =	vor.u32 v8, v9  }
0x44: {  	s18 =	sshrl.u32 s17, $0x9;
	v8 =	vshrl.u32 v4, $0x8;
	v4 =	vshll.u32 v4, $0x18;
	v5 =	vxor.u32 v3, v5  }
0x45: {  	s18 =	smul.u32 $0x271, s18;
	v4 =	vor.u32 v8, v4;
	v8 =	vshrl.u32 v5, $0x6;
	v9 =	vshll.u32 v5, $0x1A  }
0x46: {  	s17 =	sshrl.u32 s17, $0xC;
	v4 =	vxor.u32 v2, v4;
	v3 =	vadd.s32 v3, v5;
	v5 =	vor.u32 v8, v9  }
0x47: {  	s17 =	smul.u32 $0x4F000, s17;
	s18 =	ssub.s32 s13, s18;
	s13 =	smov.u32 s12;
	v6 =	vor.u32 v6, v7;
	v4 =	vadd.s32 $0x2, v4;
	v5 =	vxor.u32 v3, v5  }
0x48: {  	s12 =	smov.u32 s15;
	s19 =	sshll.u32 s18, $0x7;
	v2 =	vadd.s32 v4, v2;
	v7 =	vshrl.u32 v5, $0x1A;
	v8 =	vshll.u32 v5, $0x6  }
0x49: {  	s16 =	sshrl.u32 s16, $0x2;
	s17 =	sshrl.u32 s17, $0x2;
	s19 =	sand.u32 $0x1FC00, s19;
	v9 =	vshrl.u32 v4, $0x13;
	v3 =	vadd.s32 v3, v5;
	v5 =	vor.u32 v7, v8  }
0x4a: {  	s16 =	sand.u32 $0x380, s16;
	s18 =	sshll.u32 s18, $0x4;
	s17 =	sadd.s32 s19, s17;
	v4 =	vshll.u32 v4, $0xD;
	v2 =	vadd.s32 $0x1BD11BDB, v2;
	v5 =	vxor.u32 v3, v5  }
0x4b: {  	s18 =	sand.u32 $0x70, s18;
	s16 =	sor.u32 s16, s17;
	v4 =	vor.u32 v9, v4;
	v3 =	vadd.s32 $0x1BD11BDB, v3;
	v5 =	vadd.s32 $0x5, v5  }
0x4c: {  	v6 =	vxor.u32 v1, v6;
	s16 =	sor.u32 s18, s16;
	v4 =	vxor.u32 v2, v4;
	v3 =	vxor.u32 v3, v5  }
0x4d: {  	v7 =	vshrl.u32 v4, $0x11;
	v8 =	vshll.u32 v4, $0xF;
	v5 =	vshrl.u32 v6, $0x11;
	[tilespmem:s16+$0x0] =	vst v3  }
0x4e: {  	v4 =	vadd.s32 v2, v4;
	v2 =	vor.u32 v7, v8;
	v3 =	vshll.u32 v6, $0xF  }
0x4f: {  	v1 =	vadd.s32 v1, v6;
	v3 =	vor.u32 v5, v3;
	v5 =	vxor.u32 v4, v2  }
.Ltmp0:
0x50: {  	v3 =	vxor.u32 v1, v3;
	v6 =	vshrl.u32 v5, $0x6;
	v7 =	vshll.u32 v5, $0x1A;
	(pc) =	sbr.rel @p0 .LBB2_3-.Ltmp0, $4  }
0x51: {  	v2 =	vadd.s32 v1, v3;
	v1 =	vadd.s32 v4, v5;
	v4 =	vor.u32 v6, v7  }
0x52: {  	v5 =	vshrl.u32 v3, $0x6;
	v3 =	vshll.u32 v3, $0x1A;
	v6 =	vxor.u32 v1, v4  }
0x53: {  	v3 =	vor.u32 v5, v3;
	v5 =	vshrl.u32 v6, $0x1A;
	v7 =	vshll.u32 v6, $0x6  }
0x54: {  	s15 =	sadd.s32 $0x1, s15;
	v4 =	vxor.u32 v2, v3;
	v1 =	vadd.s32 v1, v6;
	v3 =	vor.u32 v5, v7  }
0x55: {  	v5 =	vshrl.u32 v4, $0x1A;
	v6 =	vshll.u32 v4, $0x6  }
0x56: {  	v2 =	vadd.s32 v2, v4;
	v12 =	vor.u32 v5, v6  }
0x57: {  	v4 =	vxor.u32 v2, v12  }
0x58: {  	v4 =	vadd.s32 $0x1BD11BDC, v4  }
0x59: {  	v2 =	vadd.s32 v4, v2;
	v13 =	vshrl.u32 v4, $0xF;
	v4 =	vshll.u32 v4, $0x11  }
0x5a: {  	v2 =	vadd.s32 $0x1, v2;
	v4 =	vor.u32 v13, v4  }
0x5b: {  	v4 =	vxor.u32 v2, v4  }
0x5c: {  	v14 =	vshrl.u32 v4, $0x3;
	v15 =	vshll.u32 v4, $0x1D  }
0x5d: {  	v2 =	vadd.s32 v2, v4;
	v16 =	vor.u32 v14, v15  }
0x5e: {  	v4 =	vxor.u32 v2, v16  }
0x5f: {  	v17 =	vshrl.u32 v4, $0x10;
	v18 =	vshll.u32 v4, $0x10  }
0x60: {  	v2 =	vadd.s32 v2, v4;
	v19 =	vor.u32 v17, v18  }
0x61: {  	v4 =	vxor.u32 v2, v19  }
0x62: {  	v20 =	vshrl.u32 v4, $0x8;
	v21 =	vshll.u32 v4, $0x18  }
0x63: {  	v2 =	vadd.s32 v2, v4;
	v22 =	vor.u32 v20, v21  }
0x64: {  	v4 =	vxor.u32 v2, v22  }
0x65: {  	v4 =	vadd.s32 $0x2, v4  }
0x66: {  	v2 =	vadd.s32 v4, v2;
	v23 =	vshrl.u32 v4, $0x13;
	v4 =	vshll.u32 v4, $0xD  }
0x67: {  	v3 =	vxor.u32 v1, v3;
	v2 =	vadd.s32 $0x1BD11BDB, v2;
	v4 =	vor.u32 v23, v4  }
0x68: {  	v3 =	vadd.s32 $0x4, v3;
	v4 =	vxor.u32 v2, v4  }
0x69: {  	v24 =	vshrl.u32 v3, $0xF;
	v25 =	vshrl.u32 v4, $0x11;
	v7 =	vshll.u32 v4, $0xF  }
0x6a: {  	v26 =	vshll.u32 v3, $0x11;
	v2 =	vadd.s32 v2, v4;
	v6 =	vor.u32 v25, v7  }
0x6b: {  	v1 =	vadd.s32 v1, v3;
	v3 =	vor.u32 v24, v26;
	v27 =	vxor.u32 v2, v6  }
0x6c: {  	v3 =	vxor.u32 v1, v3;
	v28 =	vshrl.u32 v27, $0x6;
	v6 =	vshll.u32 v27, $0x1A  }
0x6d: {  	v29 =	vshrl.u32 v3, $0x3;
	v2 =	vadd.s32 v2, v27;
	v30 =	vor.u32 v28, v6  }
0x6e: {  	v31 =	vshll.u32 v3, $0x1D;
	v1 =	vadd.s32 v1, v3;
	v3 =	vxor.u32 v2, v30  }
0x6f: {  	v32 =	vor.u32 v29, v31;
	v33 =	vshrl.u32 v3, $0x1A;
	v34 =	vshll.u32 v3, $0x6  }
0x70: {  	v4 =	vxor.u32 v1, v32;
	v2 =	vadd.s32 v2, v3;
	v3 =	vor.u32 v33, v34  }
0x71: {  	v35 =	vshrl.u32 v4, $0x10;
	v36 =	vshll.u32 v4, $0x10;
	v3 =	vxor.u32 v2, v3  }
0x72: {  	v1 =	vadd.s32 v1, v4;
	v37 =	vor.u32 v35, v36;
	v3 =	vadd.s32 $0x4, v3  }
0x73: {  	v4 =	vxor.u32 v1, v37;
	v38 =	vshrl.u32 v3, $0xF;
	v39 =	vshll.u32 v3, $0x11  }
0x74: {  	v40 =	vshrl.u32 v4, $0x8;
	v2 =	vadd.s32 v2, v3;
	v3 =	vor.u32 v38, v39  }
0x75: {  	v41 =	vshll.u32 v4, $0x18;
	v1 =	vadd.s32 v1, v4;
	v3 =	vxor.u32 v2, v3  }
0x76: {  	v42 =	vor.u32 v40, v41;
	v43 =	vshrl.u32 v3, $0x3;
	v44 =	vshll.u32 v3, $0x1D  }
0x77: {  	v4 =	vxor.u32 v1, v42;
	v2 =	vadd.s32 v2, v3;
	v3 =	vor.u32 v43, v44  }
0x78: {  	v4 =	vadd.s32 $0x1BD11BDF, v4;
	v3 =	vxor.u32 v2, v3  }
0x79: {  	v1 =	vadd.s32 v4, v1;
	v45 =	vshrl.u32 v3, $0x10;
	v46 =	vshll.u32 v3, $0x10  }
0x7a: {  	s14 =	smul.u32 $0xA36F, s13;
	v47 =	vshrl.u32 v4, $0x13;
	v2 =	vadd.s32 v2, v3;
	v3 =	vor.u32 v45, v46  }
0x7b: {  	s16 =	smul.u32 $0xA36F, s12;
	v4 =	vshll.u32 v4, $0xD;
	v1 =	vadd.s32 $0x1, v1;
	v3 =	vxor.u32 v2, v3  }
0x7c: {  	v4 =	vor.u32 v47, v4;
	v48 =	vshrl.u32 v3, $0x8;
	v49 =	vshll.u32 v3, $0x18  }
0x7d: {  	s14 =	sshrl.u32 s14, $0x10;
	s24 =	sshrl.u32 s16, $0x10;
	v4 =	vxor.u32 v1, v4;
	v2 =	vadd.s32 v2, v3;
	v3 =	vor.u32 v48, v49  }
0x7e: {  	s15 =	ssub.s32 s13, s14;
	s17 =	ssub.s32 s12, s24;
	v50 =	vshrl.u32 v4, $0x11;
	v3 =	vxor.u32 v2, v3  }
0x7f: {  	s15 =	sand.u32 $0xFFFE, s15;
	s17 =	sand.u32 $0xFFFE, s17;
	v51 =	vshll.u32 v4, $0xF;
	v1 =	vadd.s32 v1, v4;
	v3 =	vadd.s32 $0x1BD11BDF, v3  }
0x80: {  	s15 =	sshrl.u32 s15, $0x1;
	s17 =	sshrl.u32 s17, $0x1;
	v2 =	vadd.s32 v3, v2;
	v52 =	vshrl.u32 v3, $0x13;
	v3 =	vshll.u32 v3, $0xD  }
0x81: {  	s11 =	sshrl.u32 s11, $0x3;
	s14 =	sadd.s32 s14, s15;
	s15 =	sadd.s32 s24, s17;
	v5 =	vor.u32 v50, v51;
	v2 =	vadd.s32 $0x1, v2;
	v3 =	vor.u32 v52, v3  }
0x82: {  	s10 =	sadd.s32 $0x1, s10;
	s25 =	sand.u32 $0xFE00, s14;
	s17 =	sand.u32 $0xFE00, s15;
	v53 =	vxor.u32 v1, v5;
	v3 =	vxor.u32 v2, v3  }
0x83: {  	s14 =	sshrl.u32 s14, $0x2;
	s15 =	sshrl.u32 s15, $0x2;
	s18 =	sshrl.u32 s25, $0x9;
	v5 =	vshrl.u32 v53, $0x6;
	v54 =	vshrl.u32 v3, $0x11;
	v55 =	vshll.u32 v3, $0xF  }
0x84: {  	s16 =	sshrl.u32 s25, $0xC;
	s19 =	sshrl.u32 s17, $0x9;
	s18 =	smul.u32 $0x271, s18;
	v2 =	vadd.s32 v2, v3;
	v3 =	vshll.u32 v53, $0x1A;
	v6 =	vor.u32 v54, v55  }
0x85: {  	s14 =	sand.u32 $0x380, s14;
	s17 =	sshrl.u32 s17, $0xC;
	s16 =	smul.u32 $0x4F000, s16;
	v1 =	vadd.s32 v1, v53;
	v3 =	vor.u32 v5, v3;
	v56 =	vxor.u32 v2, v6  }
0x86: {  	s15 =	sand.u32 $0x380, s15;
	s19 =	smul.u32 $0x271, s19;
	s26 =	ssub.s32 s13, s18;
	v3 =	vxor.u32 v1, v3;
	v57 =	vshrl.u32 v56, $0x6;
	v6 =	vshll.u32 v56, $0x1A  }
0x87: {  	s29 =	smul.u32 $0x4F000, s17;
	s16 =	sshrl.u32 s16, $0x2;
	s18 =	sshll.u32 s26, $0x7;
	v58 =	vshrl.u32 v3, $0x1A;
	v2 =	vadd.s32 v2, v56;
	v59 =	vor.u32 v57, v6  }
0x88: {  	s28 =	ssub.s32 s12, s19;
	s13 =	sshll.u32 s26, $0x4;
	s18 =	sand.u32 $0x1FC00, s18;
	v60 =	vshll.u32 v3, $0x6;
	v1 =	vadd.s32 v1, v3;
	v3 =	vxor.u32 v2, v59  }
0x89: {  	s30 =	sshll.u32 s28, $0x7;
	s13 =	sand.u32 $0x70, s13;
	s16 =	sadd.s32 s18, s16;
	v61 =	vor.u32 v58, v60;
	v62 =	vshrl.u32 v3, $0x1A;
	v63 =	vshll.u32 v3, $0x6  }
0x8a: {  	s31 =	sand.u32 $0x1FC00, s30;
	s14 =	sor.u32 s14, s16;
	s16 =	sshrl.u32 s29, $0x2;
	v4 =	vxor.u32 v1, v61;
	v2 =	vadd.s32 v2, v3;
	v3 =	vor.u32 v62, v63  }
0x8b: {  	s12 =	sshll.u32 s28, $0x4;
	s13 =	sor.u32 s13, s14;
	s14 =	sadd.s32 s31, s16;
	v1 =	vadd.s32 $0x1BD11BDB, v1;
	v4 =	vadd.s32 $0x5, v4;
	v3 =	vxor.u32 v2, v3  }
0x8c: {  	s11 =	smul.u32 $0x2780, s11;
	s12 =	sand.u32 $0x70, s12;
	s14 =	sor.u32 s15, s14;
	v1 =	vxor.u32 v1, v4;
	v2 =	vadd.s32 $0x1BD11BDB, v2;
	v3 =	vadd.s32 $0x5, v3  }
0x8d: {  	p0 =	sne.s32 s10, $0xA;
	s12 =	sor.u32 s12, s14;
	[tilespmem:s13+$0x0] =	vst v1;
	v1 =	vxor.u32 v2, v3  }
.Ltmp1:
0x8e: {  	s11 =	sadd.s32 s3, s11;
	[tilespmem:s12+$0x0] =	vst v1;
	(pc) =	sbr.rel @p0 .LBB2_2-.Ltmp1, $4  }
0x8f: {  	[hbm4b:s11+s1] =	stream.linear.scatter [tilespmem:s1], [sflag:$0x1], $0x13C00, $0x38;
	[tilespmem:$0x13C00] =	vst v63  }
0x90: {  	_ =	swait.ge [sflag:s7], $0x13C00  }
0x91: {  	[sflag:s7] =	ssyncset.done $0x0  }
0x92: {  	s9 =	sadd.s32 $0x13880, s9;
	[sflag:s7] =	ssyncadd.s32 $0xFFFEC400  }
0x93: {  	s8 =	sadd.s32 $0x1, s8  }
0x94: {  	p0 =	sne.s32 s8, s5  }
.Ltmp2:
0x95: {  	_ = 	snop;
	(pc) =	sbr.rel @p0 .LBB2_1-.Ltmp2, $1  }
0x96: {  	_ =	sdelay $0x3  }
0x97: {  	_ =	sfence.sel $0x180000  }
0x98: {  	[bflag:$0x0] =	sbarrier.arrive $0xFFFF  }
0x99: {  	p0 =	sne.s32 s2, $0x0;
	_ =	strace $0x90000050  }
0x9a: {  	s0 =	sadd.s32 @!p0 $0x100000, s0;
	[bflag:$0x2] =	sbarrier.arrive $0xFFFF  }
0x9b: {  	[sflag:s0] =	ssyncadd.tile.s32 @!p0 $0x1;
	_ =	shalt  }
.Lfunc_end2:
_tile_overlayer_lowered:
.L_overlay_start_2:
0x9c: {  	(tag) =	ssettag $0x2  }
0x9d: {  	s0 =	rddreg [dreg:$0x0];
	s2 =	stileid.u32  }
0x9e: {  	s1 =	rddreg [dreg:$0x1];
	p0 =	sne.s32 s2, $0x0  }
0x9f: {  	s3 =	rddreg [dreg:$0x2];
	[bflag:$0x3] =	sbarrier.arrive $0xFFFF;
	s2 =	simm.s32 @!p0 $0x1C01  }
0xa0: {  	[timem:s3], [sflag:s2] =	dma.local @!p0 [hbm:s0], s1  }
0xa1: {  	s0 =	simm.s32 @!p0 $0x1  }
0xa2: {  	_ =	swait.ge @!p0 [sflag:s0], s1  }
0xa3: {  	s1 =	ssub.s32 @!p0 $0x0, s1;
	[sflag:s0] =	ssyncset.done @!p0 $0x0  }
0xa4: {  	[sflag:s0] =	ssyncadd.s32 @!p0 s1  }
0xa5: {  	[bflag:$0x3] =	sbarrier.arrive $0xFFFF  }
0xa6: {  	_ =	shalt  }

</sc_bundles>
